<compile_context>
chip_gen: v7x
topology: tpu7x:2x2x1
jax: 0.10.2.dev20260603
libtpu: 0.0.44.dev20260713+nightly
codegen_flags: <defaults>
</compile_context>

<pallas_src>
import functools

import jax
import jax.numpy as jnp
import numpy as np
from jax import lax
from jax.experimental import pallas as pl
from jax.experimental.pallas import tpu as pltpu
from jax.experimental.pallas import tpu_sc as plsc

_NBITS = 2

_ROWS, _COLS = 8192, 2048
_NC, _NS, _L = 2, 16, 16
_NW = _NC * _NS
_ROWS_W = _ROWS // _NW
_CR = 2
_NCHUNK = _ROWS_W // _CR
_NBUF = 8


def _enc_matrix():
    bitvecs = np.unpackbits(
        np.arange(2 ** _NBITS, dtype=np.uint8).reshape(-1, 1), axis=1
    )[:, -_NBITS:]
    return jnp.asarray(bitvecs.astype(np.float32) * 2.0 - 1.0)


def _sc_body(p_hbm, x_hbm, o_hbm, p_v, in_v, out_v, *sems):
    isems = sems[:_NBUF]
    osems = sems[_NBUF:]
    wid = lax.axis_index("s") * _NC + lax.axis_index("c")
    base = wid * _ROWS_W

    pltpu.sync_copy(p_hbm, p_v)
    lo_mag = p_v[2]
    hi_mag = p_v[3]
    t_hi = p_v[6]
    sign_mask = jnp.full((_L,), jnp.int32(-2147483648))

    def in_copy(c, slot, sem):
        return pltpu.async_copy(
            x_hbm.at[pl.ds(base + c * _CR, _CR), :], in_v.at[slot], sem)

    def out_copy(c, slot, sem):
        return pltpu.async_copy(
            out_v.at[slot], o_hbm.at[pl.ds(base + c * _CR, _CR), :], sem)

    for k in range(_NBUF - 1):
        in_copy(k, k, isems[k])

    def group_body(g, carry):
        for b in range(_NBUF):
            c = g * _NBUF + b
            pltpu.make_async_copy(
                x_hbm.at[pl.ds(0, _CR), :], in_v.at[b], isems[b]).wait()
            @pl.when(c + _NBUF - 1 < _NCHUNK)
            def _():
                in_copy(c + _NBUF - 1, (b + _NBUF - 1) % _NBUF,
                        isems[(b + _NBUF - 1) % _NBUF])
            @pl.when(c >= _NBUF)
            def _():
                pltpu.make_async_copy(
                    out_v.at[b], o_hbm.at[pl.ds(0, _CR), :], osems[b]).wait()

            for r in range(_CR):
                @plsc.parallel_loop(0, _COLS // _L, unroll=16)
                def _(j):
                    v = in_v[b, r, pl.ds(j * _L, _L)]
                    mag = jnp.where(jnp.abs(v) > t_hi, hi_mag, lo_mag)
                    sbit = lax.bitcast_convert_type(v, jnp.int32) & sign_mask
                    res = lax.bitcast_convert_type(mag, jnp.int32) | sbit
                    out_v[b, r, pl.ds(j * _L, _L)] = (
                        lax.bitcast_convert_type(res, jnp.float32))

            out_copy(c, b, osems[b])
        return carry

    lax.fori_loop(0, _NCHUNK // _NBUF, group_body, 0)

    for b in range(_NBUF):
        pltpu.make_async_copy(
            out_v.at[b], o_hbm.at[pl.ds(0, _CR), :], osems[b]).wait()


def kernel(x, basis):
    qlevels = jnp.sort(_enc_matrix() @ basis)
    thres = (qlevels[:-1] + qlevels[1:]) * 0.5
    params = jnp.broadcast_to(
        jnp.concatenate([qlevels, thres])[:, None], (7, _L))
    xf = x.reshape(_ROWS, _COLS)
    mesh = plsc.VectorSubcoreMesh(core_axis_name="c", subcore_axis_name="s")

    run = pl.kernel(
        _sc_body,
        mesh=mesh,
        out_type=jax.ShapeDtypeStruct((_ROWS, _COLS), jnp.float32),
        compiler_params=pltpu.CompilerParams(use_tc_tiling_on_sc=True),
        scratch_types=[
            pltpu.VMEM((7, _L), jnp.float32),
            pltpu.VMEM((_NBUF, _CR, _COLS), jnp.float32),
            pltpu.VMEM((_NBUF, _CR, _COLS), jnp.float32),
        ] + [pltpu.SemaphoreType.DMA] * (2 * _NBUF),
    )
    out = run(params, xf)
    return out.reshape(x.shape)

# --- scband reference (transcript-rebuilt; emitter-appended) ---
"""Pipeline reference for scband-lqactiv-72928544686741 (READ-ONLY COPY).

The authoritative reference and input builder live on the scoring server;
editing this copy changes nothing except your own understanding.
"""

import jax, jax.numpy as jnp
import numpy as np

NORM_PPF_0_75 = 0.6745
NBITS = 2
Q_T = 1
Q_ALPHA = 0.9


def _encodings(nbits):
    bitvecs = np.unpackbits(np.arange(2 ** nbits, dtype=np.uint8).reshape(-1, 1), axis=1)[:, -nbits:]
    return jnp.asarray(bitvecs.astype(np.float32) * 2.0 - 1.0)


def _quantize(w, basis, enc):
    qlevels = enc @ basis
    order = jnp.argsort(qlevels)
    qlevels = qlevels[order]
    enc_s = enc[order]
    thres = (qlevels[:-1] + qlevels[1:]) * 0.5
    flat = w.reshape(-1)
    idx = jnp.searchsorted(thres, flat, side='left')
    wq = qlevels[idx].reshape(w.shape)
    wb = enc_s[idx]
    return wq, wb, qlevels


def setup_inputs(seed: int = 0):
    key = jax.random.key(seed)
    x = jax.random.normal(key, (2, 4096, 2048), dtype=jnp.float32)
    basis = jnp.array([NORM_PPF_0_75 * 2.0 / (2 ** NBITS - 1) * 2.0 ** i for i in range(NBITS)], dtype=jnp.float32)
    return {"x": x, "basis": basis}


def reference(x, basis):
    # Faithful translation of LQActiv.forward in training mode (nn.Module default).
    enc = _encodings(NBITS)
    v = basis
    wq = None
    qlevels = None
    for _ in range(Q_T):
        wq, wb, qlevels = _quantize(x, v, enc)
        A = wb.T @ wb
        b = wb.T @ x.reshape(-1)
        v = jnp.linalg.solve(A, b)
    new_basis = Q_ALPHA * basis + (1.0 - Q_ALPHA) * v  # buffer update (non-differentiable, not returned)
    return wq

if __name__ == "__main__":
    import jax
    _d = setup_inputs()
    print(jax.jit(kernel)(*tuple(_d.values())))

</pallas_src>

<mosaic_0001>
#map = affine_map<(d0, d1) -> (0, 0)>
module attributes {stable_mosaic.version = 14 : i64} {
  func.func @_sc_body(%arg0: i32, %arg1: i32, %arg2: memref<7x16xf32, #tpu.memory_space<hbm>>, %arg3: memref<8192x2048xf32, #tpu.memory_space<hbm>>, %arg4: memref<8192x2048xf32, #tpu.memory_space<hbm>>, %arg5: memref<7x16xf32, #tpu.memory_space<vmem>>, %arg6: memref<8x2x2048xf32, #tpu.memory_space<vmem>>, %arg7: memref<8x2x2048xf32, #tpu.memory_space<vmem>>, %arg8: memref<!tpu.dma_semaphore, #tpu.memory_space<semaphore_mem>>, %arg9: memref<!tpu.dma_semaphore, #tpu.memory_space<semaphore_mem>>, %arg10: memref<!tpu.dma_semaphore, #tpu.memory_space<semaphore_mem>>, %arg11: memref<!tpu.dma_semaphore, #tpu.memory_space<semaphore_mem>>, %arg12: memref<!tpu.dma_semaphore, #tpu.memory_space<semaphore_mem>>, %arg13: memref<!tpu.dma_semaphore, #tpu.memory_space<semaphore_mem>>, %arg14: memref<!tpu.dma_semaphore, #tpu.memory_space<semaphore_mem>>, %arg15: memref<!tpu.dma_semaphore, #tpu.memory_space<semaphore_mem>>, %arg16: memref<!tpu.dma_semaphore, #tpu.memory_space<semaphore_mem>>, %arg17: memref<!tpu.dma_semaphore, #tpu.memory_space<semaphore_mem>>, %arg18: memref<!tpu.dma_semaphore, #tpu.memory_space<semaphore_mem>>, %arg19: memref<!tpu.dma_semaphore, #tpu.memory_space<semaphore_mem>>, %arg20: memref<!tpu.dma_semaphore, #tpu.memory_space<semaphore_mem>>, %arg21: memref<!tpu.dma_semaphore, #tpu.memory_space<semaphore_mem>>, %arg22: memref<!tpu.dma_semaphore, #tpu.memory_space<semaphore_mem>>, %arg23: memref<!tpu.dma_semaphore, #tpu.memory_space<semaphore_mem>>) attributes {dimension_semantics = [#tpu.dimension_semantics<core_parallel>, #tpu.dimension_semantics<subcore_parallel>], iteration_bounds = array<i64: 2, 16>, scalar_prefetch = 0 : i64, scratch_operands = 19 : i64, tpu.core_type = #tpu.core_type<sc_vector_subcore>, window_params = [{transform_indices = #map}, {transform_indices = #map}, {transform_indices = #map}]} {
    %mul3A = arith.constant 2 : i32
    %mul3A_0 = arith.muli %arg1, %mul3A : i32
    %add3A = arith.addi %mul3A_0, %arg0 : i32
    %mul3A_1 = arith.constant 256 : i32
    %mul3A_2 = arith.muli %add3A, %mul3A_1 : i32
    "tpu.region"() ({
      %run_scoped3A = tpu.sem_alloc : memref<!tpu.dma_semaphore, #tpu.memory_space<semaphore_mem>>
      tpu.enqueue_dma source(%arg2 : memref<7x16xf32, #tpu.memory_space<hbm>>) target(%arg5 : memref<7x16xf32, #tpu.memory_space<vmem>>) target_semaphore(%run_scoped3A : memref<!tpu.dma_semaphore, #tpu.memory_space<semaphore_mem>>)
      tpu.wait_dma2 semaphore(%run_scoped3A : memref<!tpu.dma_semaphore, #tpu.memory_space<semaphore_mem>>) src(%arg2 : memref<7x16xf32, #tpu.memory_space<hbm>>) dst(%arg5 : memref<7x16xf32, #tpu.memory_space<vmem>>)
      tpu.yield
    }) : () -> ()
    %get3A = arith.constant 2 : i32
    %get3A_3 = arith.index_cast %get3A : i32 to index
    %get3A_4 = arith.constant 0 : index
    %get3A_5 = tpu.vector_load %arg5[%get3A_3, %get3A_4] {strides = array<i32>} : memref<7x16xf32, #tpu.memory_space<vmem>>, vector<1x16xf32>,
    %get3A_6 = vector.shape_cast %get3A_5 : vector<1x16xf32> to vector<16xf32>
    %get3A_7 = arith.constant 3 : i32
    %get3A_8 = arith.index_cast %get3A_7 : i32 to index
    %get3A_9 = arith.constant 0 : index
    %get3A_10 = tpu.vector_load %arg5[%get3A_8, %get3A_9] {strides = array<i32>} : memref<7x16xf32, #tpu.memory_space<vmem>>, vector<1x16xf32>,
    %get3A_11 = vector.shape_cast %get3A_10 : vector<1x16xf32> to vector<16xf32>
    %get3A_12 = arith.constant 6 : i32
    %get3A_13 = arith.index_cast %get3A_12 : i32 to index
    %get3A_14 = arith.constant 0 : index
    %get3A_15 = tpu.vector_load %arg5[%get3A_13, %get3A_14] {strides = array<i32>} : memref<7x16xf32, #tpu.memory_space<vmem>>, vector<1x16xf32>,
    %get3A_16 = vector.shape_cast %get3A_15 : vector<1x16xf32> to vector<16xf32>
    %broadcast_in_dim3A = arith.constant -2147483648 : i32
    %broadcast_in_dim3A_17 = vector.broadcast %broadcast_in_dim3A : i32 to vector<16xi32>
    %add3A_18 = arith.constant 0 : i32
    %add3A_19 = arith.addi %mul3A_2, %add3A_18 : i32
    %dma_start3A = arith.constant 0 : i32
    %dma_start3A_20 = arith.constant 0 : i32
    %dma_start3A_21 = arith.constant 0 : i32
    %dma_start3A_22 = tpu.memref_slice %arg6[%dma_start3A, %dma_start3A_20, %dma_start3A_21] : memref<8x2x2048xf32, #tpu.memory_space<vmem>> -> memref<1x2x2048xf32, #tpu.memory_space<vmem>>
    %dma_start3A_23 = tpu.memref_squeeze %dma_start3A_22 : memref<1x2x2048xf32, #tpu.memory_space<vmem>> -> memref<2x2048xf32, #tpu.memory_space<vmem>>
    %dma_start3A_24 = arith.constant 0 : i32
    %dma_start3A_25 = tpu.memref_slice %arg3[%add3A_19, %dma_start3A_24] : memref<8192x2048xf32, #tpu.memory_space<hbm>> -> memref<2x2048xf32, #tpu.memory_space<hbm>>
    %dma_start3A_26 = arith.constant 0 : i32
    %dma_start3A_27 = arith.constant 0 : i32
    %dma_start3A_28 = tpu.memref_slice %arg6[%dma_start3A, %dma_start3A_26, %dma_start3A_27] : memref<8x2x2048xf32, #tpu.memory_space<vmem>> -> memref<1x2x2048xf32, #tpu.memory_space<vmem>>
    %dma_start3A_29 = tpu.memref_squeeze %dma_start3A_28 : memref<1x2x2048xf32, #tpu.memory_space<vmem>> -> memref<2x2048xf32, #tpu.memory_space<vmem>>
    %dma_start3A_30 = arith.constant 0 : i32
    %dma_start3A_31 = tpu.memref_slice %arg3[%add3A_19, %dma_start3A_30] : memref<8192x2048xf32, #tpu.memory_space<hbm>> -> memref<2x2048xf32, #tpu.memory_space<hbm>>
    tpu.enqueue_dma source(%dma_start3A_31 : memref<2x2048xf32, #tpu.memory_space<hbm>>) target(%dma_start3A_29 : memref<2x2048xf32, #tpu.memory_space<vmem>>) target_semaphore(%arg8 : memref<!tpu.dma_semaphore, #tpu.memory_space<semaphore_mem>>)
    %add3A_32 = arith.constant 2 : i32
    %add3A_33 = arith.addi %mul3A_2, %add3A_32 : i32
    %dma_start3A_34 = arith.constant 1 : i32
    %dma_start3A_35 = arith.constant 0 : i32
    %dma_start3A_36 = arith.constant 0 : i32
    %dma_start3A_37 = tpu.memref_slice %arg6[%dma_start3A_34, %dma_start3A_35, %dma_start3A_36] : memref<8x2x2048xf32, #tpu.memory_space<vmem>> -> memref<1x2x2048xf32, #tpu.memory_space<vmem>>
    %dma_start3A_38 = tpu.memref_squeeze %dma_start3A_37 : memref<1x2x2048xf32, #tpu.memory_space<vmem>> -> memref<2x2048xf32, #tpu.memory_space<vmem>>
    %dma_start3A_39 = arith.constant 0 : i32
    %dma_start3A_40 = tpu.memref_slice %arg3[%add3A_33, %dma_start3A_39] : memref<8192x2048xf32, #tpu.memory_space<hbm>> -> memref<2x2048xf32, #tpu.memory_space<hbm>>
    %dma_start3A_41 = arith.constant 0 : i32
    %dma_start3A_42 = arith.constant 0 : i32
    %dma_start3A_43 = tpu.memref_slice %arg6[%dma_start3A_34, %dma_start3A_41, %dma_start3A_42] : memref<8x2x2048xf32, #tpu.memory_space<vmem>> -> memref<1x2x2048xf32, #tpu.memory_space<vmem>>
    %dma_start3A_44 = tpu.memref_squeeze %dma_start3A_43 : memref<1x2x2048xf32, #tpu.memory_space<vmem>> -> memref<2x2048xf32, #tpu.memory_space<vmem>>
    %dma_start3A_45 = arith.constant 0 : i32
    %dma_start3A_46 = tpu.memref_slice %arg3[%add3A_33, %dma_start3A_45] : memref<8192x2048xf32, #tpu.memory_space<hbm>> -> memref<2x2048xf32, #tpu.memory_space<hbm>>
    tpu.enqueue_dma source(%dma_start3A_46 : memref<2x2048xf32, #tpu.memory_space<hbm>>) target(%dma_start3A_44 : memref<2x2048xf32, #tpu.memory_space<vmem>>) target_semaphore(%arg9 : memref<!tpu.dma_semaphore, #tpu.memory_space<semaphore_mem>>)
    %add3A_47 = arith.constant 4 : i32
    %add3A_48 = arith.addi %mul3A_2, %add3A_47 : i32
    %dma_start3A_49 = arith.constant 2 : i32
    %dma_start3A_50 = arith.constant 0 : i32
    %dma_start3A_51 = arith.constant 0 : i32
    %dma_start3A_52 = tpu.memref_slice %arg6[%dma_start3A_49, %dma_start3A_50, %dma_start3A_51] : memref<8x2x2048xf32, #tpu.memory_space<vmem>> -> memref<1x2x2048xf32, #tpu.memory_space<vmem>>
    %dma_start3A_53 = tpu.memref_squeeze %dma_start3A_52 : memref<1x2x2048xf32, #tpu.memory_space<vmem>> -> memref<2x2048xf32, #tpu.memory_space<vmem>>
    %dma_start3A_54 = arith.constant 0 : i32
    %dma_start3A_55 = tpu.memref_slice %arg3[%add3A_48, %dma_start3A_54] : memref<8192x2048xf32, #tpu.memory_space<hbm>> -> memref<2x2048xf32, #tpu.memory_space<hbm>>
    %dma_start3A_56 = arith.constant 0 : i32
    %dma_start3A_57 = arith.constant 0 : i32
    %dma_start3A_58 = tpu.memref_slice %arg6[%dma_start3A_49, %dma_start3A_56, %dma_start3A_57] : memref<8x2x2048xf32, #tpu.memory_space<vmem>> -> memref<1x2x2048xf32, #tpu.memory_space<vmem>>
    %dma_start3A_59 = tpu.memref_squeeze %dma_start3A_58 : memref<1x2x2048xf32, #tpu.memory_space<vmem>> -> memref<2x2048xf32, #tpu.memory_space<vmem>>
    %dma_start3A_60 = arith.constant 0 : i32
    %dma_start3A_61 = tpu.memref_slice %arg3[%add3A_48, %dma_start3A_60] : memref<8192x2048xf32, #tpu.memory_space<hbm>> -> memref<2x2048xf32, #tpu.memory_space<hbm>>
    tpu.enqueue_dma source(%dma_start3A_61 : memref<2x2048xf32, #tpu.memory_space<hbm>>) target(%dma_start3A_59 : memref<2x2048xf32, #tpu.memory_space<vmem>>) target_semaphore(%arg10 : memref<!tpu.dma_semaphore, #tpu.memory_space<semaphore_mem>>)
    %add3A_62 = arith.constant 6 : i32
    %add3A_63 = arith.addi %mul3A_2, %add3A_62 : i32
    %dma_start3A_64 = arith.constant 3 : i32
    %dma_start3A_65 = arith.constant 0 : i32
    %dma_start3A_66 = arith.constant 0 : i32
    %dma_start3A_67 = tpu.memref_slice %arg6[%dma_start3A_64, %dma_start3A_65, %dma_start3A_66] : memref<8x2x2048xf32, #tpu.memory_space<vmem>> -> memref<1x2x2048xf32, #tpu.memory_space<vmem>>
    %dma_start3A_68 = tpu.memref_squeeze %dma_start3A_67 : memref<1x2x2048xf32, #tpu.memory_space<vmem>> -> memref<2x2048xf32, #tpu.memory_space<vmem>>
    %dma_start3A_69 = arith.constant 0 : i32
    %dma_start3A_70 = tpu.memref_slice %arg3[%add3A_63, %dma_start3A_69] : memref<8192x2048xf32, #tpu.memory_space<hbm>> -> memref<2x2048xf32, #tpu.memory_space<hbm>>
    %dma_start3A_71 = arith.constant 0 : i32
    %dma_start3A_72 = arith.constant 0 : i32
    %dma_start3A_73 = tpu.memref_slice %arg6[%dma_start3A_64, %dma_start3A_71, %dma_start3A_72] : memref<8x2x2048xf32, #tpu.memory_space<vmem>> -> memref<1x2x2048xf32, #tpu.memory_space<vmem>>
    %dma_start3A_74 = tpu.memref_squeeze %dma_start3A_73 : memref<1x2x2048xf32, #tpu.memory_space<vmem>> -> memref<2x2048xf32, #tpu.memory_space<vmem>>
    %dma_start3A_75 = arith.constant 0 : i32
    %dma_start3A_76 = tpu.memref_slice %arg3[%add3A_63, %dma_start3A_75] : memref<8192x2048xf32, #tpu.memory_space<hbm>> -> memref<2x2048xf32, #tpu.memory_space<hbm>>
    tpu.enqueue_dma source(%dma_start3A_76 : memref<2x2048xf32, #tpu.memory_space<hbm>>) target(%dma_start3A_74 : memref<2x2048xf32, #tpu.memory_space<vmem>>) target_semaphore(%arg11 : memref<!tpu.dma_semaphore, #tpu.memory_space<semaphore_mem>>)
    %add3A_77 = arith.constant 8 : i32
    %add3A_78 = arith.addi %mul3A_2, %add3A_77 : i32
    %dma_start3A_79 = arith.constant 4 : i32
    %dma_start3A_80 = arith.constant 0 : i32
    %dma_start3A_81 = arith.constant 0 : i32
    %dma_start3A_82 = tpu.memref_slice %arg6[%dma_start3A_79, %dma_start3A_80, %dma_start3A_81] : memref<8x2x2048xf32, #tpu.memory_space<vmem>> -> memref<1x2x2048xf32, #tpu.memory_space<vmem>>
    %dma_start3A_83 = tpu.memref_squeeze %dma_start3A_82 : memref<1x2x2048xf32, #tpu.memory_space<vmem>> -> memref<2x2048xf32, #tpu.memory_space<vmem>>
    %dma_start3A_84 = arith.constant 0 : i32
    %dma_start3A_85 = tpu.memref_slice %arg3[%add3A_78, %dma_start3A_84] : memref<8192x2048xf32, #tpu.memory_space<hbm>> -> memref<2x2048xf32, #tpu.memory_space<hbm>>
    %dma_start3A_86 = arith.constant 0 : i32
    %dma_start3A_87 = arith.constant 0 : i32
    %dma_start3A_88 = tpu.memref_slice %arg6[%dma_start3A_79, %dma_start3A_86, %dma_start3A_87] : memref<8x2x2048xf32, #tpu.memory_space<vmem>> -> memref<1x2x2048xf32, #tpu.memory_space<vmem>>
    %dma_start3A_89 = tpu.memref_squeeze %dma_start3A_88 : memref<1x2x2048xf32, #tpu.memory_space<vmem>> -> memref<2x2048xf32, #tpu.memory_space<vmem>>
    %dma_start3A_90 = arith.constant 0 : i32
    %dma_start3A_91 = tpu.memref_slice %arg3[%add3A_78, %dma_start3A_90] : memref<8192x2048xf32, #tpu.memory_space<hbm>> -> memref<2x2048xf32, #tpu.memory_space<hbm>>
    tpu.enqueue_dma source(%dma_start3A_91 : memref<2x2048xf32, #tpu.memory_space<hbm>>) target(%dma_start3A_89 : memref<2x2048xf32, #tpu.memory_space<vmem>>) target_semaphore(%arg12 : memref<!tpu.dma_semaphore, #tpu.memory_space<semaphore_mem>>)
    %add3A_92 = arith.constant 10 : i32
    %add3A_93 = arith.addi %mul3A_2, %add3A_92 : i32
    %dma_start3A_94 = arith.constant 5 : i32
    %dma_start3A_95 = arith.constant 0 : i32
    %dma_start3A_96 = arith.constant 0 : i32
    %dma_start3A_97 = tpu.memref_slice %arg6[%dma_start3A_94, %dma_start3A_95, %dma_start3A_96] : memref<8x2x2048xf32, #tpu.memory_space<vmem>> -> memref<1x2x2048xf32, #tpu.memory_space<vmem>>
    %dma_start3A_98 = tpu.memref_squeeze %dma_start3A_97 : memref<1x2x2048xf32, #tpu.memory_space<vmem>> -> memref<2x2048xf32, #tpu.memory_space<vmem>>
    %dma_start3A_99 = arith.constant 0 : i32
    %dma_start3A_100 = tpu.memref_slice %arg3[%add3A_93, %dma_start3A_99] : memref<8192x2048xf32, #tpu.memory_space<hbm>> -> memref<2x2048xf32, #tpu.memory_space<hbm>>
    %dma_start3A_101 = arith.constant 0 : i32
    %dma_start3A_102 = arith.constant 0 : i32
    %dma_start3A_103 = tpu.memref_slice %arg6[%dma_start3A_94, %dma_start3A_101, %dma_start3A_102] : memref<8x2x2048xf32, #tpu.memory_space<vmem>> -> memref<1x2x2048xf32, #tpu.memory_space<vmem>>
    %dma_start3A_104 = tpu.memref_squeeze %dma_start3A_103 : memref<1x2x2048xf32, #tpu.memory_space<vmem>> -> memref<2x2048xf32, #tpu.memory_space<vmem>>
    %dma_start3A_105 = arith.constant 0 : i32
    %dma_start3A_106 = tpu.memref_slice %arg3[%add3A_93, %dma_start3A_105] : memref<8192x2048xf32, #tpu.memory_space<hbm>> -> memref<2x2048xf32, #tpu.memory_space<hbm>>
    tpu.enqueue_dma source(%dma_start3A_106 : memref<2x2048xf32, #tpu.memory_space<hbm>>) target(%dma_start3A_104 : memref<2x2048xf32, #tpu.memory_space<vmem>>) target_semaphore(%arg13 : memref<!tpu.dma_semaphore, #tpu.memory_space<semaphore_mem>>)
    %add3A_107 = arith.constant 12 : i32
    %add3A_108 = arith.addi %mul3A_2, %add3A_107 : i32
    %dma_start3A_109 = arith.constant 6 : i32
    %dma_start3A_110 = arith.constant 0 : i32
    %dma_start3A_111 = arith.constant 0 : i32
    %dma_start3A_112 = tpu.memref_slice %arg6[%dma_start3A_109, %dma_start3A_110, %dma_start3A_111] : memref<8x2x2048xf32, #tpu.memory_space<vmem>> -> memref<1x2x2048xf32, #tpu.memory_space<vmem>>
    %dma_start3A_113 = tpu.memref_squeeze %dma_start3A_112 : memref<1x2x2048xf32, #tpu.memory_space<vmem>> -> memref<2x2048xf32, #tpu.memory_space<vmem>>
    %dma_start3A_114 = arith.constant 0 : i32
    %dma_start3A_115 = tpu.memref_slice %arg3[%add3A_108, %dma_start3A_114] : memref<8192x2048xf32, #tpu.memory_space<hbm>> -> memref<2x2048xf32, #tpu.memory_space<hbm>>
    %dma_start3A_116 = arith.constant 0 : i32
    %dma_start3A_117 = arith.constant 0 : i32
    %dma_start3A_118 = tpu.memref_slice %arg6[%dma_start3A_109, %dma_start3A_116, %dma_start3A_117] : memref<8x2x2048xf32, #tpu.memory_space<vmem>> -> memref<1x2x2048xf32, #tpu.memory_space<vmem>>
    %dma_start3A_119 = tpu.memref_squeeze %dma_start3A_118 : memref<1x2x2048xf32, #tpu.memory_space<vmem>> -> memref<2x2048xf32, #tpu.memory_space<vmem>>
    %dma_start3A_120 = arith.constant 0 : i32
    %dma_start3A_121 = tpu.memref_slice %arg3[%add3A_108, %dma_start3A_120] : memref<8192x2048xf32, #tpu.memory_space<hbm>> -> memref<2x2048xf32, #tpu.memory_space<hbm>>
    tpu.enqueue_dma source(%dma_start3A_121 : memref<2x2048xf32, #tpu.memory_space<hbm>>) target(%dma_start3A_119 : memref<2x2048xf32, #tpu.memory_space<vmem>>) target_semaphore(%arg14 : memref<!tpu.dma_semaphore, #tpu.memory_space<semaphore_mem>>)
    %scan3A = arith.constant 0 : i32
    %scan3A_122 = arith.constant 0 : i32
    %scan3A_123 = arith.constant 16 : i32
    %scan3A_124 = arith.addi %scan3A_122, %scan3A_123 : i32
    %scan3A_125 = arith.constant 1 : i32
    scf.for %scan3A_246 = %scan3A_122 to %scan3A_124 step %scan3A_125  : i32 {
      %mul3A_247 = arith.constant 8 : i32
      %mul3A_248 = arith.muli %scan3A_246, %mul3A_247 : i32
      %add3A_249 = arith.constant 0 : i32
      %add3A_250 = arith.addi %mul3A_248, %add3A_249 : i32
      %dma_wait3A_251 = arith.constant 0 : i32
      %dma_wait3A_252 = arith.constant 0 : i32
      %dma_wait3A_253 = arith.constant 0 : i32
      %dma_wait3A_254 = tpu.memref_slice %arg6[%dma_wait3A_251, %dma_wait3A_252, %dma_wait3A_253] : memref<8x2x2048xf32, #tpu.memory_space<vmem>> -> memref<1x2x2048xf32, #tpu.memory_space<vmem>>
      %dma_wait3A_255 = tpu.memref_squeeze %dma_wait3A_254 : memref<1x2x2048xf32, #tpu.memory_space<vmem>> -> memref<2x2048xf32, #tpu.memory_space<vmem>>
      %dma_wait3A_256 = arith.constant 0 : i32
      %dma_wait3A_257 = arith.constant 0 : i32
      %dma_wait3A_258 = tpu.memref_slice %arg3[%dma_wait3A_256, %dma_wait3A_257] : memref<8192x2048xf32, #tpu.memory_space<hbm>> -> memref<2x2048xf32, #tpu.memory_space<hbm>>
      %dma_wait3A_259 = arith.constant 0 : i32
      %dma_wait3A_260 = arith.constant 0 : i32
      %dma_wait3A_261 = tpu.memref_slice %arg6[%dma_wait3A_251, %dma_wait3A_259, %dma_wait3A_260] : memref<8x2x2048xf32, #tpu.memory_space<vmem>> -> memref<1x2x2048xf32, #tpu.memory_space<vmem>>
      %dma_wait3A_262 = tpu.memref_squeeze %dma_wait3A_261 : memref<1x2x2048xf32, #tpu.memory_space<vmem>> -> memref<2x2048xf32, #tpu.memory_space<vmem>>
      %dma_wait3A_263 = arith.constant 0 : i32
      %dma_wait3A_264 = arith.constant 0 : i32
      %dma_wait3A_265 = tpu.memref_slice %arg3[%dma_wait3A_263, %dma_wait3A_264] : memref<8192x2048xf32, #tpu.memory_space<hbm>> -> memref<2x2048xf32, #tpu.memory_space<hbm>>
      tpu.wait_dma2 semaphore(%arg8 : memref<!tpu.dma_semaphore, #tpu.memory_space<semaphore_mem>>) src(%dma_wait3A_265 : memref<2x2048xf32, #tpu.memory_space<hbm>>) dst(%dma_wait3A_262 : memref<2x2048xf32, #tpu.memory_space<vmem>>)
      %add3A_266 = arith.constant 8 : i32
      %add3A_267 = arith.addi %add3A_250, %add3A_266 : i32
      %sub3A = arith.constant 1 : i32
      %sub3A_268 = arith.subi %add3A_267, %sub3A : i32
      %lt3A = arith.constant 128 : i32
      %lt3A_269 = arith.cmpi slt, %sub3A_268, %lt3A : i32
      %convert_element_type3A = arith.extui %lt3A_269 : i1 to i32
      %cond3A = arith.constant 0 : i32
      %cond3A_270 = arith.cmpi ne, %convert_element_type3A, %cond3A : i32
      scf.if %cond3A_270 {
        %add3A_681 = arith.constant 8 : i32
        %add3A_682 = arith.addi %add3A_250, %add3A_681 : i32
        %sub3A_683 = arith.constant 1 : i32
        %sub3A_684 = arith.subi %add3A_682, %sub3A_683 : i32
        %mul3A_685 = arith.constant 2 : i32
        %mul3A_686 = arith.muli %sub3A_684, %mul3A_685 : i32
        %add3A_687 = arith.addi %mul3A_2, %mul3A_686 : i32
        %dma_start3A_688 = arith.constant 7 : i32
        %dma_start3A_689 = arith.constant 0 : i32
        %dma_start3A_690 = arith.constant 0 : i32
        %dma_start3A_691 = tpu.memref_slice %arg6[%dma_start3A_688, %dma_start3A_689, %dma_start3A_690] : memref<8x2x2048xf32, #tpu.memory_space<vmem>> -> memref<1x2x2048xf32, #tpu.memory_space<vmem>>
        %dma_start3A_692 = tpu.memref_squeeze %dma_start3A_691 : memref<1x2x2048xf32, #tpu.memory_space<vmem>> -> memref<2x2048xf32, #tpu.memory_space<vmem>>
        %dma_start3A_693 = arith.constant 0 : i32
        %dma_start3A_694 = tpu.memref_slice %arg3[%add3A_687, %dma_start3A_693] : memref<8192x2048xf32, #tpu.memory_space<hbm>> -> memref<2x2048xf32, #tpu.memory_space<hbm>>
        %dma_start3A_695 = arith.constant 0 : i32
        %dma_start3A_696 = arith.constant 0 : i32
        %dma_start3A_697 = tpu.memref_slice %arg6[%dma_start3A_688, %dma_start3A_695, %dma_start3A_696] : memref<8x2x2048xf32, #tpu.memory_space<vmem>> -> memref<1x2x2048xf32, #tpu.memory_space<vmem>>
        %dma_start3A_698 = tpu.memref_squeeze %dma_start3A_697 : memref<1x2x2048xf32, #tpu.memory_space<vmem>> -> memref<2x2048xf32, #tpu.memory_space<vmem>>
        %dma_start3A_699 = arith.constant 0 : i32
        %dma_start3A_700 = tpu.memref_slice %arg3[%add3A_687, %dma_start3A_699] : memref<8192x2048xf32, #tpu.memory_space<hbm>> -> memref<2x2048xf32, #tpu.memory_space<hbm>>
        tpu.enqueue_dma source(%dma_start3A_700 : memref<2x2048xf32, #tpu.memory_space<hbm>>) target(%dma_start3A_698 : memref<2x2048xf32, #tpu.memory_space<vmem>>) target_semaphore(%arg15 : memref<!tpu.dma_semaphore, #tpu.memory_space<semaphore_mem>>)
      } else {
      }
      %ge3A = arith.constant 8 : i32
      %ge3A_271 = arith.cmpi sge, %add3A_250, %ge3A : i32
      %convert_element_type3A_272 = arith.extui %ge3A_271 : i1 to i32
      %cond3A_273 = arith.constant 0 : i32
      %cond3A_274 = arith.cmpi ne, %convert_element_type3A_272, %cond3A_273 : i32
      scf.if %cond3A_274 {
        %dma_wait3A_681 = arith.constant 0 : i32
        %dma_wait3A_682 = arith.constant 0 : i32
        %dma_wait3A_683 = arith.constant 0 : i32
        %dma_wait3A_684 = tpu.memref_slice %arg7[%dma_wait3A_681, %dma_wait3A_682, %dma_wait3A_683] : memref<8x2x2048xf32, #tpu.memory_space<vmem>> -> memref<1x2x2048xf32, #tpu.memory_space<vmem>>
        %dma_wait3A_685 = tpu.memref_squeeze %dma_wait3A_684 : memref<1x2x2048xf32, #tpu.memory_space<vmem>> -> memref<2x2048xf32, #tpu.memory_space<vmem>>
        %dma_wait3A_686 = arith.constant 0 : i32
        %dma_wait3A_687 = arith.constant 0 : i32
        %dma_wait3A_688 = tpu.memref_slice %arg4[%dma_wait3A_686, %dma_wait3A_687] : memref<8192x2048xf32, #tpu.memory_space<hbm>> -> memref<2x2048xf32, #tpu.memory_space<hbm>>
        %dma_wait3A_689 = arith.constant 0 : i32
        %dma_wait3A_690 = arith.constant 0 : i32
        %dma_wait3A_691 = tpu.memref_slice %arg4[%dma_wait3A_689, %dma_wait3A_690] : memref<8192x2048xf32, #tpu.memory_space<hbm>> -> memref<2x2048xf32, #tpu.memory_space<hbm>>
        %dma_wait3A_692 = arith.constant 0 : i32
        %dma_wait3A_693 = arith.constant 0 : i32
        %dma_wait3A_694 = tpu.memref_slice %arg7[%dma_wait3A_681, %dma_wait3A_692, %dma_wait3A_693] : memref<8x2x2048xf32, #tpu.memory_space<vmem>> -> memref<1x2x2048xf32, #tpu.memory_space<vmem>>
        %dma_wait3A_695 = tpu.memref_squeeze %dma_wait3A_694 : memref<1x2x2048xf32, #tpu.memory_space<vmem>> -> memref<2x2048xf32, #tpu.memory_space<vmem>>
        tpu.wait_dma2 semaphore(%arg16 : memref<!tpu.dma_semaphore, #tpu.memory_space<semaphore_mem>>) src(%dma_wait3A_695 : memref<2x2048xf32, #tpu.memory_space<vmem>>) dst(%dma_wait3A_691 : memref<2x2048xf32, #tpu.memory_space<hbm>>)
      } else {
      }
      %parallel_loop3A = arith.constant 0 : i32
      %parallel_loop3A_275 = arith.constant 128 : i32
      %parallel_loop3A_276 = arith.constant 1 : i32
      scf.for %parallel_loop3A_681 = %parallel_loop3A to %parallel_loop3A_275 step %parallel_loop3A_276  : i32 {
        %parallel_loop3A_682 = arith.constant 16 : i32
        %parallel_loop3A_683 = arith.muli %parallel_loop3A_681, %parallel_loop3A_682 : i32
        %parallel_loop3A_684 = arith.constant 0 : i32
        %parallel_loop3A_685 = arith.constant 0 : i32
        %parallel_loop3A_686 = arith.index_cast %parallel_loop3A_684 : i32 to index
        %parallel_loop3A_687 = arith.index_cast %parallel_loop3A_685 : i32 to index
        %parallel_loop3A_688 = arith.index_cast %parallel_loop3A_683 : i32 to index
        %parallel_loop3A_689 = tpu.vector_load %arg6[%parallel_loop3A_686, %parallel_loop3A_687, %parallel_loop3A_688] {strides = array<i32>} : memref<8x2x2048xf32, #tpu.memory_space<vmem>>, vector<1x1x16xf32>,
        %parallel_loop3A_690 = vector.shape_cast %parallel_loop3A_689 : vector<1x1x16xf32> to vector<16xf32>
        %parallel_loop3A_691 = math.absf %parallel_loop3A_690 : vector<16xf32>
        %parallel_loop3A_692 = arith.cmpf ogt, %parallel_loop3A_691, %get3A_16 : vector<16xf32>
        %parallel_loop3A_693 = arith.select %parallel_loop3A_692, %get3A_11, %get3A_6 : vector<16xi1>, vector<16xf32>
        %parallel_loop3A_694 = tpu.bitcast %parallel_loop3A_690 : vector<16xf32> -> vector<16xi32>
        %parallel_loop3A_695 = arith.andi %parallel_loop3A_694, %broadcast_in_dim3A_17 : vector<16xi32>
        %parallel_loop3A_696 = tpu.bitcast %parallel_loop3A_693 : vector<16xf32> -> vector<16xi32>
        %parallel_loop3A_697 = arith.ori %parallel_loop3A_696, %parallel_loop3A_695 : vector<16xi32>
        %parallel_loop3A_698 = tpu.bitcast %parallel_loop3A_697 : vector<16xi32> -> vector<16xf32>
        %parallel_loop3A_699 = arith.constant 16 : i32
        %parallel_loop3A_700 = arith.muli %parallel_loop3A_681, %parallel_loop3A_699 : i32
        %parallel_loop3A_701 = arith.constant 0 : i32
        %parallel_loop3A_702 = arith.constant 0 : i32
        %parallel_loop3A_703 = arith.index_cast %parallel_loop3A_701 : i32 to index
        %parallel_loop3A_704 = arith.index_cast %parallel_loop3A_702 : i32 to index
        %parallel_loop3A_705 = arith.index_cast %parallel_loop3A_700 : i32 to index
        %parallel_loop3A_706 = tpu.vector_load %arg7[%parallel_loop3A_703, %parallel_loop3A_704, %parallel_loop3A_705] {strides = array<i32>} : memref<8x2x2048xf32, #tpu.memory_space<vmem>>, vector<1x1x16xf32>,
        %parallel_loop3A_707 = vector.shape_cast %parallel_loop3A_706 : vector<1x1x16xf32> to vector<16xf32>
        %parallel_loop3A_708 = vector.shape_cast %parallel_loop3A_698 : vector<16xf32> to vector<1x1x16xf32>
        tpu.vector_store %arg7[%parallel_loop3A_703, %parallel_loop3A_704, %parallel_loop3A_705], %parallel_loop3A_708 {strides = array<i32>} : memref<8x2x2048xf32, #tpu.memory_space<vmem>>, vector<1x1x16xf32>,
      } {sc.loop_unroll_factor = 16 : i64, sc.parallel_access}
      %parallel_loop3A_277 = arith.constant 0 : i32
      %parallel_loop3A_278 = arith.constant 128 : i32
      %parallel_loop3A_279 = arith.constant 1 : i32
      scf.for %parallel_loop3A_681 = %parallel_loop3A_277 to %parallel_loop3A_278 step %parallel_loop3A_279  : i32 {
        %parallel_loop3A_682 = arith.constant 16 : i32
        %parallel_loop3A_683 = arith.muli %parallel_loop3A_681, %parallel_loop3A_682 : i32
        %parallel_loop3A_684 = arith.constant 0 : i32
        %parallel_loop3A_685 = arith.constant 1 : i32
        %parallel_loop3A_686 = arith.index_cast %parallel_loop3A_684 : i32 to index
        %parallel_loop3A_687 = arith.index_cast %parallel_loop3A_685 : i32 to index
        %parallel_loop3A_688 = arith.index_cast %parallel_loop3A_683 : i32 to index
        %parallel_loop3A_689 = tpu.vector_load %arg6[%parallel_loop3A_686, %parallel_loop3A_687, %parallel_loop3A_688] {strides = array<i32>} : memref<8x2x2048xf32, #tpu.memory_space<vmem>>, vector<1x1x16xf32>,
        %parallel_loop3A_690 = vector.shape_cast %parallel_loop3A_689 : vector<1x1x16xf32> to vector<16xf32>
        %parallel_loop3A_691 = math.absf %parallel_loop3A_690 : vector<16xf32>
        %parallel_loop3A_692 = arith.cmpf ogt, %parallel_loop3A_691, %get3A_16 : vector<16xf32>
        %parallel_loop3A_693 = arith.select %parallel_loop3A_692, %get3A_11, %get3A_6 : vector<16xi1>, vector<16xf32>
        %parallel_loop3A_694 = tpu.bitcast %parallel_loop3A_690 : vector<16xf32> -> vector<16xi32>
        %parallel_loop3A_695 = arith.andi %parallel_loop3A_694, %broadcast_in_dim3A_17 : vector<16xi32>
        %parallel_loop3A_696 = tpu.bitcast %parallel_loop3A_693 : vector<16xf32> -> vector<16xi32>
        %parallel_loop3A_697 = arith.ori %parallel_loop3A_696, %parallel_loop3A_695 : vector<16xi32>
        %parallel_loop3A_698 = tpu.bitcast %parallel_loop3A_697 : vector<16xi32> -> vector<16xf32>
        %parallel_loop3A_699 = arith.constant 16 : i32
        %parallel_loop3A_700 = arith.muli %parallel_loop3A_681, %parallel_loop3A_699 : i32
        %parallel_loop3A_701 = arith.constant 0 : i32
        %parallel_loop3A_702 = arith.constant 1 : i32
        %parallel_loop3A_703 = arith.index_cast %parallel_loop3A_701 : i32 to index
        %parallel_loop3A_704 = arith.index_cast %parallel_loop3A_702 : i32 to index
        %parallel_loop3A_705 = arith.index_cast %parallel_loop3A_700 : i32 to index
        %parallel_loop3A_706 = tpu.vector_load %arg7[%parallel_loop3A_703, %parallel_loop3A_704, %parallel_loop3A_705] {strides = array<i32>} : memref<8x2x2048xf32, #tpu.memory_space<vmem>>, vector<1x1x16xf32>,
        %parallel_loop3A_707 = vector.shape_cast %parallel_loop3A_706 : vector<1x1x16xf32> to vector<16xf32>
        %parallel_loop3A_708 = vector.shape_cast %parallel_loop3A_698 : vector<16xf32> to vector<1x1x16xf32>
        tpu.vector_store %arg7[%parallel_loop3A_703, %parallel_loop3A_704, %parallel_loop3A_705], %parallel_loop3A_708 {strides = array<i32>} : memref<8x2x2048xf32, #tpu.memory_space<vmem>>, vector<1x1x16xf32>,
      } {sc.loop_unroll_factor = 16 : i64, sc.parallel_access}
      %mul3A_280 = arith.constant 2 : i32
      %mul3A_281 = arith.muli %add3A_250, %mul3A_280 : i32
      %add3A_282 = arith.addi %mul3A_2, %mul3A_281 : i32
      %dma_start3A_283 = arith.constant 0 : i32
      %dma_start3A_284 = arith.constant 0 : i32
      %dma_start3A_285 = arith.constant 0 : i32
      %dma_start3A_286 = tpu.memref_slice %arg7[%dma_start3A_283, %dma_start3A_284, %dma_start3A_285] : memref<8x2x2048xf32, #tpu.memory_space<vmem>> -> memref<1x2x2048xf32, #tpu.memory_space<vmem>>
      %dma_start3A_287 = tpu.memref_squeeze %dma_start3A_286 : memref<1x2x2048xf32, #tpu.memory_space<vmem>> -> memref<2x2048xf32, #tpu.memory_space<vmem>>
      %dma_start3A_288 = arith.constant 0 : i32
      %dma_start3A_289 = tpu.memref_slice %arg4[%add3A_282, %dma_start3A_288] : memref<8192x2048xf32, #tpu.memory_space<hbm>> -> memref<2x2048xf32, #tpu.memory_space<hbm>>
      %dma_start3A_290 = arith.constant 0 : i32
      %dma_start3A_291 = tpu.memref_slice %arg4[%add3A_282, %dma_start3A_290] : memref<8192x2048xf32, #tpu.memory_space<hbm>> -> memref<2x2048xf32, #tpu.memory_space<hbm>>
      %dma_start3A_292 = arith.constant 0 : i32
      %dma_start3A_293 = arith.constant 0 : i32
      %dma_start3A_294 = tpu.memref_slice %arg7[%dma_start3A_283, %dma_start3A_292, %dma_start3A_293] : memref<8x2x2048xf32, #tpu.memory_space<vmem>> -> memref<1x2x2048xf32, #tpu.memory_space<vmem>>
      %dma_start3A_295 = tpu.memref_squeeze %dma_start3A_294 : memref<1x2x2048xf32, #tpu.memory_space<vmem>> -> memref<2x2048xf32, #tpu.memory_space<vmem>>
      tpu.enqueue_dma source(%dma_start3A_295 : memref<2x2048xf32, #tpu.memory_space<vmem>>) target(%dma_start3A_291 : memref<2x2048xf32, #tpu.memory_space<hbm>>) target_semaphore(%arg16 : memref<!tpu.dma_semaphore, #tpu.memory_space<semaphore_mem>>)
      %mul3A_296 = arith.constant 8 : i32
      %mul3A_297 = arith.muli %scan3A_246, %mul3A_296 : i32
      %add3A_298 = arith.constant 1 : i32
      %add3A_299 = arith.addi %mul3A_297, %add3A_298 : i32
      %dma_wait3A_300 = arith.constant 1 : i32
      %dma_wait3A_301 = arith.constant 0 : i32
      %dma_wait3A_302 = arith.constant 0 : i32
      %dma_wait3A_303 = tpu.memref_slice %arg6[%dma_wait3A_300, %dma_wait3A_301, %dma_wait3A_302] : memref<8x2x2048xf32, #tpu.memory_space<vmem>> -> memref<1x2x2048xf32, #tpu.memory_space<vmem>>
      %dma_wait3A_304 = tpu.memref_squeeze %dma_wait3A_303 : memref<1x2x2048xf32, #tpu.memory_space<vmem>> -> memref<2x2048xf32, #tpu.memory_space<vmem>>
      %dma_wait3A_305 = arith.constant 0 : i32
      %dma_wait3A_306 = arith.constant 0 : i32
      %dma_wait3A_307 = tpu.memref_slice %arg3[%dma_wait3A_305, %dma_wait3A_306] : memref<8192x2048xf32, #tpu.memory_space<hbm>> -> memref<2x2048xf32, #tpu.memory_space<hbm>>
      %dma_wait3A_308 = arith.constant 0 : i32
      %dma_wait3A_309 = arith.constant 0 : i32
      %dma_wait3A_310 = tpu.memref_slice %arg6[%dma_wait3A_300, %dma_wait3A_308, %dma_wait3A_309] : memref<8x2x2048xf32, #tpu.memory_space<vmem>> -> memref<1x2x2048xf32, #tpu.memory_space<vmem>>
      %dma_wait3A_311 = tpu.memref_squeeze %dma_wait3A_310 : memref<1x2x2048xf32, #tpu.memory_space<vmem>> -> memref<2x2048xf32, #tpu.memory_space<vmem>>
      %dma_wait3A_312 = arith.constant 0 : i32
      %dma_wait3A_313 = arith.constant 0 : i32
      %dma_wait3A_314 = tpu.memref_slice %arg3[%dma_wait3A_312, %dma_wait3A_313] : memref<8192x2048xf32, #tpu.memory_space<hbm>> -> memref<2x2048xf32, #tpu.memory_space<hbm>>
      tpu.wait_dma2 semaphore(%arg9 : memref<!tpu.dma_semaphore, #tpu.memory_space<semaphore_mem>>) src(%dma_wait3A_314 : memref<2x2048xf32, #tpu.memory_space<hbm>>) dst(%dma_wait3A_311 : memref<2x2048xf32, #tpu.memory_space<vmem>>)
      %add3A_315 = arith.constant 8 : i32
      %add3A_316 = arith.addi %add3A_299, %add3A_315 : i32
      %sub3A_317 = arith.constant 1 : i32
      %sub3A_318 = arith.subi %add3A_316, %sub3A_317 : i32
      %lt3A_319 = arith.constant 128 : i32
      %lt3A_320 = arith.cmpi slt, %sub3A_318, %lt3A_319 : i32
      %convert_element_type3A_321 = arith.extui %lt3A_320 : i1 to i32
      %cond3A_322 = arith.constant 0 : i32
      %cond3A_323 = arith.cmpi ne, %convert_element_type3A_321, %cond3A_322 : i32
      scf.if %cond3A_323 {
        %add3A_681 = arith.constant 8 : i32
        %add3A_682 = arith.addi %add3A_299, %add3A_681 : i32
        %sub3A_683 = arith.constant 1 : i32
        %sub3A_684 = arith.subi %add3A_682, %sub3A_683 : i32
        %mul3A_685 = arith.constant 2 : i32
        %mul3A_686 = arith.muli %sub3A_684, %mul3A_685 : i32
        %add3A_687 = arith.addi %mul3A_2, %mul3A_686 : i32
        %dma_start3A_688 = arith.constant 0 : i32
        %dma_start3A_689 = arith.constant 0 : i32
        %dma_start3A_690 = arith.constant 0 : i32
        %dma_start3A_691 = tpu.memref_slice %arg6[%dma_start3A_688, %dma_start3A_689, %dma_start3A_690] : memref<8x2x2048xf32, #tpu.memory_space<vmem>> -> memref<1x2x2048xf32, #tpu.memory_space<vmem>>
        %dma_start3A_692 = tpu.memref_squeeze %dma_start3A_691 : memref<1x2x2048xf32, #tpu.memory_space<vmem>> -> memref<2x2048xf32, #tpu.memory_space<vmem>>
        %dma_start3A_693 = arith.constant 0 : i32
        %dma_start3A_694 = tpu.memref_slice %arg3[%add3A_687, %dma_start3A_693] : memref<8192x2048xf32, #tpu.memory_space<hbm>> -> memref<2x2048xf32, #tpu.memory_space<hbm>>
        %dma_start3A_695 = arith.constant 0 : i32
        %dma_start3A_696 = arith.constant 0 : i32
        %dma_start3A_697 = tpu.memref_slice %arg6[%dma_start3A_688, %dma_start3A_695, %dma_start3A_696] : memref<8x2x2048xf32, #tpu.memory_space<vmem>> -> memref<1x2x2048xf32, #tpu.memory_space<vmem>>
        %dma_start3A_698 = tpu.memref_squeeze %dma_start3A_697 : memref<1x2x2048xf32, #tpu.memory_space<vmem>> -> memref<2x2048xf32, #tpu.memory_space<vmem>>
        %dma_start3A_699 = arith.constant 0 : i32
        %dma_start3A_700 = tpu.memref_slice %arg3[%add3A_687, %dma_start3A_699] : memref<8192x2048xf32, #tpu.memory_space<hbm>> -> memref<2x2048xf32, #tpu.memory_space<hbm>>
        tpu.enqueue_dma source(%dma_start3A_700 : memref<2x2048xf32, #tpu.memory_space<hbm>>) target(%dma_start3A_698 : memref<2x2048xf32, #tpu.memory_space<vmem>>) target_semaphore(%arg8 : memref<!tpu.dma_semaphore, #tpu.memory_space<semaphore_mem>>)
      } else {
      }
      %ge3A_324 = arith.constant 8 : i32
      %ge3A_325 = arith.cmpi sge, %add3A_299, %ge3A_324 : i32
      %convert_element_type3A_326 = arith.extui %ge3A_325 : i1 to i32
      %cond3A_327 = arith.constant 0 : i32
      %cond3A_328 = arith.cmpi ne, %convert_element_type3A_326, %cond3A_327 : i32
      scf.if %cond3A_328 {
        %dma_wait3A_681 = arith.constant 1 : i32
        %dma_wait3A_682 = arith.constant 0 : i32
        %dma_wait3A_683 = arith.constant 0 : i32
        %dma_wait3A_684 = tpu.memref_slice %arg7[%dma_wait3A_681, %dma_wait3A_682, %dma_wait3A_683] : memref<8x2x2048xf32, #tpu.memory_space<vmem>> -> memref<1x2x2048xf32, #tpu.memory_space<vmem>>
        %dma_wait3A_685 = tpu.memref_squeeze %dma_wait3A_684 : memref<1x2x2048xf32, #tpu.memory_space<vmem>> -> memref<2x2048xf32, #tpu.memory_space<vmem>>
        %dma_wait3A_686 = arith.constant 0 : i32
        %dma_wait3A_687 = arith.constant 0 : i32
        %dma_wait3A_688 = tpu.memref_slice %arg4[%dma_wait3A_686, %dma_wait3A_687] : memref<8192x2048xf32, #tpu.memory_space<hbm>> -> memref<2x2048xf32, #tpu.memory_space<hbm>>
        %dma_wait3A_689 = arith.constant 0 : i32
        %dma_wait3A_690 = arith.constant 0 : i32
        %dma_wait3A_691 = tpu.memref_slice %arg4[%dma_wait3A_689, %dma_wait3A_690] : memref<8192x2048xf32, #tpu.memory_space<hbm>> -> memref<2x2048xf32, #tpu.memory_space<hbm>>
        %dma_wait3A_692 = arith.constant 0 : i32
        %dma_wait3A_693 = arith.constant 0 : i32
        %dma_wait3A_694 = tpu.memref_slice %arg7[%dma_wait3A_681, %dma_wait3A_692, %dma_wait3A_693] : memref<8x2x2048xf32, #tpu.memory_space<vmem>> -> memref<1x2x2048xf32, #tpu.memory_space<vmem>>
        %dma_wait3A_695 = tpu.memref_squeeze %dma_wait3A_694 : memref<1x2x2048xf32, #tpu.memory_space<vmem>> -> memref<2x2048xf32, #tpu.memory_space<vmem>>
        tpu.wait_dma2 semaphore(%arg17 : memref<!tpu.dma_semaphore, #tpu.memory_space<semaphore_mem>>) src(%dma_wait3A_695 : memref<2x2048xf32, #tpu.memory_space<vmem>>) dst(%dma_wait3A_691 : memref<2x2048xf32, #tpu.memory_space<hbm>>)
      } else {
      }
      %parallel_loop3A_329 = arith.constant 0 : i32
      %parallel_loop3A_330 = arith.constant 128 : i32
      %parallel_loop3A_331 = arith.constant 1 : i32
      scf.for %parallel_loop3A_681 = %parallel_loop3A_329 to %parallel_loop3A_330 step %parallel_loop3A_331  : i32 {
        %parallel_loop3A_682 = arith.constant 16 : i32
        %parallel_loop3A_683 = arith.muli %parallel_loop3A_681, %parallel_loop3A_682 : i32
        %parallel_loop3A_684 = arith.constant 1 : i32
        %parallel_loop3A_685 = arith.constant 0 : i32
        %parallel_loop3A_686 = arith.index_cast %parallel_loop3A_684 : i32 to index
        %parallel_loop3A_687 = arith.index_cast %parallel_loop3A_685 : i32 to index
        %parallel_loop3A_688 = arith.index_cast %parallel_loop3A_683 : i32 to index
        %parallel_loop3A_689 = tpu.vector_load %arg6[%parallel_loop3A_686, %parallel_loop3A_687, %parallel_loop3A_688] {strides = array<i32>} : memref<8x2x2048xf32, #tpu.memory_space<vmem>>, vector<1x1x16xf32>,
        %parallel_loop3A_690 = vector.shape_cast %parallel_loop3A_689 : vector<1x1x16xf32> to vector<16xf32>
        %parallel_loop3A_691 = math.absf %parallel_loop3A_690 : vector<16xf32>
        %parallel_loop3A_692 = arith.cmpf ogt, %parallel_loop3A_691, %get3A_16 : vector<16xf32>
        %parallel_loop3A_693 = arith.select %parallel_loop3A_692, %get3A_11, %get3A_6 : vector<16xi1>, vector<16xf32>
        %parallel_loop3A_694 = tpu.bitcast %parallel_loop3A_690 : vector<16xf32> -> vector<16xi32>
        %parallel_loop3A_695 = arith.andi %parallel_loop3A_694, %broadcast_in_dim3A_17 : vector<16xi32>
        %parallel_loop3A_696 = tpu.bitcast %parallel_loop3A_693 : vector<16xf32> -> vector<16xi32>
        %parallel_loop3A_697 = arith.ori %parallel_loop3A_696, %parallel_loop3A_695 : vector<16xi32>
        %parallel_loop3A_698 = tpu.bitcast %parallel_loop3A_697 : vector<16xi32> -> vector<16xf32>
        %parallel_loop3A_699 = arith.constant 16 : i32
        %parallel_loop3A_700 = arith.muli %parallel_loop3A_681, %parallel_loop3A_699 : i32
        %parallel_loop3A_701 = arith.constant 1 : i32
        %parallel_loop3A_702 = arith.constant 0 : i32
        %parallel_loop3A_703 = arith.index_cast %parallel_loop3A_701 : i32 to index
        %parallel_loop3A_704 = arith.index_cast %parallel_loop3A_702 : i32 to index
        %parallel_loop3A_705 = arith.index_cast %parallel_loop3A_700 : i32 to index
        %parallel_loop3A_706 = tpu.vector_load %arg7[%parallel_loop3A_703, %parallel_loop3A_704, %parallel_loop3A_705] {strides = array<i32>} : memref<8x2x2048xf32, #tpu.memory_space<vmem>>, vector<1x1x16xf32>,
        %parallel_loop3A_707 = vector.shape_cast %parallel_loop3A_706 : vector<1x1x16xf32> to vector<16xf32>
        %parallel_loop3A_708 = vector.shape_cast %parallel_loop3A_698 : vector<16xf32> to vector<1x1x16xf32>
        tpu.vector_store %arg7[%parallel_loop3A_703, %parallel_loop3A_704, %parallel_loop3A_705], %parallel_loop3A_708 {strides = array<i32>} : memref<8x2x2048xf32, #tpu.memory_space<vmem>>, vector<1x1x16xf32>,
      } {sc.loop_unroll_factor = 16 : i64, sc.parallel_access}
      %parallel_loop3A_332 = arith.constant 0 : i32
      %parallel_loop3A_333 = arith.constant 128 : i32
      %parallel_loop3A_334 = arith.constant 1 : i32
      scf.for %parallel_loop3A_681 = %parallel_loop3A_332 to %parallel_loop3A_333 step %parallel_loop3A_334  : i32 {
        %parallel_loop3A_682 = arith.constant 16 : i32
        %parallel_loop3A_683 = arith.muli %parallel_loop3A_681, %parallel_loop3A_682 : i32
        %parallel_loop3A_684 = arith.constant 1 : i32
        %parallel_loop3A_685 = arith.constant 1 : i32
        %parallel_loop3A_686 = arith.index_cast %parallel_loop3A_684 : i32 to index
        %parallel_loop3A_687 = arith.index_cast %parallel_loop3A_685 : i32 to index
        %parallel_loop3A_688 = arith.index_cast %parallel_loop3A_683 : i32 to index
        %parallel_loop3A_689 = tpu.vector_load %arg6[%parallel_loop3A_686, %parallel_loop3A_687, %parallel_loop3A_688] {strides = array<i32>} : memref<8x2x2048xf32, #tpu.memory_space<vmem>>, vector<1x1x16xf32>,
        %parallel_loop3A_690 = vector.shape_cast %parallel_loop3A_689 : vector<1x1x16xf32> to vector<16xf32>
        %parallel_loop3A_691 = math.absf %parallel_loop3A_690 : vector<16xf32>
        %parallel_loop3A_692 = arith.cmpf ogt, %parallel_loop3A_691, %get3A_16 : vector<16xf32>
        %parallel_loop3A_693 = arith.select %parallel_loop3A_692, %get3A_11, %get3A_6 : vector<16xi1>, vector<16xf32>
        %parallel_loop3A_694 = tpu.bitcast %parallel_loop3A_690 : vector<16xf32> -> vector<16xi32>
        %parallel_loop3A_695 = arith.andi %parallel_loop3A_694, %broadcast_in_dim3A_17 : vector<16xi32>
        %parallel_loop3A_696 = tpu.bitcast %parallel_loop3A_693 : vector<16xf32> -> vector<16xi32>
        %parallel_loop3A_697 = arith.ori %parallel_loop3A_696, %parallel_loop3A_695 : vector<16xi32>
        %parallel_loop3A_698 = tpu.bitcast %parallel_loop3A_697 : vector<16xi32> -> vector<16xf32>
        %parallel_loop3A_699 = arith.constant 16 : i32
        %parallel_loop3A_700 = arith.muli %parallel_loop3A_681, %parallel_loop3A_699 : i32
        %parallel_loop3A_701 = arith.constant 1 : i32
        %parallel_loop3A_702 = arith.constant 1 : i32
        %parallel_loop3A_703 = arith.index_cast %parallel_loop3A_701 : i32 to index
        %parallel_loop3A_704 = arith.index_cast %parallel_loop3A_702 : i32 to index
        %parallel_loop3A_705 = arith.index_cast %parallel_loop3A_700 : i32 to index
        %parallel_loop3A_706 = tpu.vector_load %arg7[%parallel_loop3A_703, %parallel_loop3A_704, %parallel_loop3A_705] {strides = array<i32>} : memref<8x2x2048xf32, #tpu.memory_space<vmem>>, vector<1x1x16xf32>,
        %parallel_loop3A_707 = vector.shape_cast %parallel_loop3A_706 : vector<1x1x16xf32> to vector<16xf32>
        %parallel_loop3A_708 = vector.shape_cast %parallel_loop3A_698 : vector<16xf32> to vector<1x1x16xf32>
        tpu.vector_store %arg7[%parallel_loop3A_703, %parallel_loop3A_704, %parallel_loop3A_705], %parallel_loop3A_708 {strides = array<i32>} : memref<8x2x2048xf32, #tpu.memory_space<vmem>>, vector<1x1x16xf32>,
      } {sc.loop_unroll_factor = 16 : i64, sc.parallel_access}
      %mul3A_335 = arith.constant 2 : i32
      %mul3A_336 = arith.muli %add3A_299, %mul3A_335 : i32
      %add3A_337 = arith.addi %mul3A_2, %mul3A_336 : i32
      %dma_start3A_338 = arith.constant 1 : i32
      %dma_start3A_339 = arith.constant 0 : i32
      %dma_start3A_340 = arith.constant 0 : i32
      %dma_start3A_341 = tpu.memref_slice %arg7[%dma_start3A_338, %dma_start3A_339, %dma_start3A_340] : memref<8x2x2048xf32, #tpu.memory_space<vmem>> -> memref<1x2x2048xf32, #tpu.memory_space<vmem>>
      %dma_start3A_342 = tpu.memref_squeeze %dma_start3A_341 : memref<1x2x2048xf32, #tpu.memory_space<vmem>> -> memref<2x2048xf32, #tpu.memory_space<vmem>>
      %dma_start3A_343 = arith.constant 0 : i32
      %dma_start3A_344 = tpu.memref_slice %arg4[%add3A_337, %dma_start3A_343] : memref<8192x2048xf32, #tpu.memory_space<hbm>> -> memref<2x2048xf32, #tpu.memory_space<hbm>>
      %dma_start3A_345 = arith.constant 0 : i32
      %dma_start3A_346 = tpu.memref_slice %arg4[%add3A_337, %dma_start3A_345] : memref<8192x2048xf32, #tpu.memory_space<hbm>> -> memref<2x2048xf32, #tpu.memory_space<hbm>>
      %dma_start3A_347 = arith.constant 0 : i32
      %dma_start3A_348 = arith.constant 0 : i32
      %dma_start3A_349 = tpu.memref_slice %arg7[%dma_start3A_338, %dma_start3A_347, %dma_start3A_348] : memref<8x2x2048xf32, #tpu.memory_space<vmem>> -> memref<1x2x2048xf32, #tpu.memory_space<vmem>>
      %dma_start3A_350 = tpu.memref_squeeze %dma_start3A_349 : memref<1x2x2048xf32, #tpu.memory_space<vmem>> -> memref<2x2048xf32, #tpu.memory_space<vmem>>
      tpu.enqueue_dma source(%dma_start3A_350 : memref<2x2048xf32, #tpu.memory_space<vmem>>) target(%dma_start3A_346 : memref<2x2048xf32, #tpu.memory_space<hbm>>) target_semaphore(%arg17 : memref<!tpu.dma_semaphore, #tpu.memory_space<semaphore_mem>>)
      %mul3A_351 = arith.constant 8 : i32
      %mul3A_352 = arith.muli %scan3A_246, %mul3A_351 : i32
      %add3A_353 = arith.constant 2 : i32
      %add3A_354 = arith.addi %mul3A_352, %add3A_353 : i32
      %dma_wait3A_355 = arith.constant 2 : i32
      %dma_wait3A_356 = arith.constant 0 : i32
      %dma_wait3A_357 = arith.constant 0 : i32
      %dma_wait3A_358 = tpu.memref_slice %arg6[%dma_wait3A_355, %dma_wait3A_356, %dma_wait3A_357] : memref<8x2x2048xf32, #tpu.memory_space<vmem>> -> memref<1x2x2048xf32, #tpu.memory_space<vmem>>
      %dma_wait3A_359 = tpu.memref_squeeze %dma_wait3A_358 : memref<1x2x2048xf32, #tpu.memory_space<vmem>> -> memref<2x2048xf32, #tpu.memory_space<vmem>>
      %dma_wait3A_360 = arith.constant 0 : i32
      %dma_wait3A_361 = arith.constant 0 : i32
      %dma_wait3A_362 = tpu.memref_slice %arg3[%dma_wait3A_360, %dma_wait3A_361] : memref<8192x2048xf32, #tpu.memory_space<hbm>> -> memref<2x2048xf32, #tpu.memory_space<hbm>>
      %dma_wait3A_363 = arith.constant 0 : i32
      %dma_wait3A_364 = arith.constant 0 : i32
      %dma_wait3A_365 = tpu.memref_slice %arg6[%dma_wait3A_355, %dma_wait3A_363, %dma_wait3A_364] : memref<8x2x2048xf32, #tpu.memory_space<vmem>> -> memref<1x2x2048xf32, #tpu.memory_space<vmem>>
      %dma_wait3A_366 = tpu.memref_squeeze %dma_wait3A_365 : memref<1x2x2048xf32, #tpu.memory_space<vmem>> -> memref<2x2048xf32, #tpu.memory_space<vmem>>
      %dma_wait3A_367 = arith.constant 0 : i32
      %dma_wait3A_368 = arith.constant 0 : i32
      %dma_wait3A_369 = tpu.memref_slice %arg3[%dma_wait3A_367, %dma_wait3A_368] : memref<8192x2048xf32, #tpu.memory_space<hbm>> -> memref<2x2048xf32, #tpu.memory_space<hbm>>
      tpu.wait_dma2 semaphore(%arg10 : memref<!tpu.dma_semaphore, #tpu.memory_space<semaphore_mem>>) src(%dma_wait3A_369 : memref<2x2048xf32, #tpu.memory_space<hbm>>) dst(%dma_wait3A_366 : memref<2x2048xf32, #tpu.memory_space<vmem>>)
      %add3A_370 = arith.constant 8 : i32
      %add3A_371 = arith.addi %add3A_354, %add3A_370 : i32
      %sub3A_372 = arith.constant 1 : i32
      %sub3A_373 = arith.subi %add3A_371, %sub3A_372 : i32
      %lt3A_374 = arith.constant 128 : i32
      %lt3A_375 = arith.cmpi slt, %sub3A_373, %lt3A_374 : i32
      %convert_element_type3A_376 = arith.extui %lt3A_375 : i1 to i32
      %cond3A_377 = arith.constant 0 : i32
      %cond3A_378 = arith.cmpi ne, %convert_element_type3A_376, %cond3A_377 : i32
      scf.if %cond3A_378 {
        %add3A_681 = arith.constant 8 : i32
        %add3A_682 = arith.addi %add3A_354, %add3A_681 : i32
        %sub3A_683 = arith.constant 1 : i32
        %sub3A_684 = arith.subi %add3A_682, %sub3A_683 : i32
        %mul3A_685 = arith.constant 2 : i32
        %mul3A_686 = arith.muli %sub3A_684, %mul3A_685 : i32
        %add3A_687 = arith.addi %mul3A_2, %mul3A_686 : i32
        %dma_start3A_688 = arith.constant 1 : i32
        %dma_start3A_689 = arith.constant 0 : i32
        %dma_start3A_690 = arith.constant 0 : i32
        %dma_start3A_691 = tpu.memref_slice %arg6[%dma_start3A_688, %dma_start3A_689, %dma_start3A_690] : memref<8x2x2048xf32, #tpu.memory_space<vmem>> -> memref<1x2x2048xf32, #tpu.memory_space<vmem>>
        %dma_start3A_692 = tpu.memref_squeeze %dma_start3A_691 : memref<1x2x2048xf32, #tpu.memory_space<vmem>> -> memref<2x2048xf32, #tpu.memory_space<vmem>>
        %dma_start3A_693 = arith.constant 0 : i32
        %dma_start3A_694 = tpu.memref_slice %arg3[%add3A_687, %dma_start3A_693] : memref<8192x2048xf32, #tpu.memory_space<hbm>> -> memref<2x2048xf32, #tpu.memory_space<hbm>>
        %dma_start3A_695 = arith.constant 0 : i32
        %dma_start3A_696 = arith.constant 0 : i32
        %dma_start3A_697 = tpu.memref_slice %arg6[%dma_start3A_688, %dma_start3A_695, %dma_start3A_696] : memref<8x2x2048xf32, #tpu.memory_space<vmem>> -> memref<1x2x2048xf32, #tpu.memory_space<vmem>>
        %dma_start3A_698 = tpu.memref_squeeze %dma_start3A_697 : memref<1x2x2048xf32, #tpu.memory_space<vmem>> -> memref<2x2048xf32, #tpu.memory_space<vmem>>
        %dma_start3A_699 = arith.constant 0 : i32
        %dma_start3A_700 = tpu.memref_slice %arg3[%add3A_687, %dma_start3A_699] : memref<8192x2048xf32, #tpu.memory_space<hbm>> -> memref<2x2048xf32, #tpu.memory_space<hbm>>
        tpu.enqueue_dma source(%dma_start3A_700 : memref<2x2048xf32, #tpu.memory_space<hbm>>) target(%dma_start3A_698 : memref<2x2048xf32, #tpu.memory_space<vmem>>) target_semaphore(%arg9 : memref<!tpu.dma_semaphore, #tpu.memory_space<semaphore_mem>>)
      } else {
      }
      %ge3A_379 = arith.constant 8 : i32
      %ge3A_380 = arith.cmpi sge, %add3A_354, %ge3A_379 : i32
      %convert_element_type3A_381 = arith.extui %ge3A_380 : i1 to i32
      %cond3A_382 = arith.constant 0 : i32
      %cond3A_383 = arith.cmpi ne, %convert_element_type3A_381, %cond3A_382 : i32
      scf.if %cond3A_383 {
        %dma_wait3A_681 = arith.constant 2 : i32
        %dma_wait3A_682 = arith.constant 0 : i32
        %dma_wait3A_683 = arith.constant 0 : i32
        %dma_wait3A_684 = tpu.memref_slice %arg7[%dma_wait3A_681, %dma_wait3A_682, %dma_wait3A_683] : memref<8x2x2048xf32, #tpu.memory_space<vmem>> -> memref<1x2x2048xf32, #tpu.memory_space<vmem>>
        %dma_wait3A_685 = tpu.memref_squeeze %dma_wait3A_684 : memref<1x2x2048xf32, #tpu.memory_space<vmem>> -> memref<2x2048xf32, #tpu.memory_space<vmem>>
        %dma_wait3A_686 = arith.constant 0 : i32
        %dma_wait3A_687 = arith.constant 0 : i32
        %dma_wait3A_688 = tpu.memref_slice %arg4[%dma_wait3A_686, %dma_wait3A_687] : memref<8192x2048xf32, #tpu.memory_space<hbm>> -> memref<2x2048xf32, #tpu.memory_space<hbm>>
        %dma_wait3A_689 = arith.constant 0 : i32
        %dma_wait3A_690 = arith.constant 0 : i32
        %dma_wait3A_691 = tpu.memref_slice %arg4[%dma_wait3A_689, %dma_wait3A_690] : memref<8192x2048xf32, #tpu.memory_space<hbm>> -> memref<2x2048xf32, #tpu.memory_space<hbm>>
        %dma_wait3A_692 = arith.constant 0 : i32
        %dma_wait3A_693 = arith.constant 0 : i32
        %dma_wait3A_694 = tpu.memref_slice %arg7[%dma_wait3A_681, %dma_wait3A_692, %dma_wait3A_693] : memref<8x2x2048xf32, #tpu.memory_space<vmem>> -> memref<1x2x2048xf32, #tpu.memory_space<vmem>>
        %dma_wait3A_695 = tpu.memref_squeeze %dma_wait3A_694 : memref<1x2x2048xf32, #tpu.memory_space<vmem>> -> memref<2x2048xf32, #tpu.memory_space<vmem>>
        tpu.wait_dma2 semaphore(%arg18 : memref<!tpu.dma_semaphore, #tpu.memory_space<semaphore_mem>>) src(%dma_wait3A_695 : memref<2x2048xf32, #tpu.memory_space<vmem>>) dst(%dma_wait3A_691 : memref<2x2048xf32, #tpu.memory_space<hbm>>)
      } else {
      }
      %parallel_loop3A_384 = arith.constant 0 : i32
      %parallel_loop3A_385 = arith.constant 128 : i32
      %parallel_loop3A_386 = arith.constant 1 : i32
      scf.for %parallel_loop3A_681 = %parallel_loop3A_384 to %parallel_loop3A_385 step %parallel_loop3A_386  : i32 {
        %parallel_loop3A_682 = arith.constant 16 : i32
        %parallel_loop3A_683 = arith.muli %parallel_loop3A_681, %parallel_loop3A_682 : i32
        %parallel_loop3A_684 = arith.constant 2 : i32
        %parallel_loop3A_685 = arith.constant 0 : i32
        %parallel_loop3A_686 = arith.index_cast %parallel_loop3A_684 : i32 to index
        %parallel_loop3A_687 = arith.index_cast %parallel_loop3A_685 : i32 to index
        %parallel_loop3A_688 = arith.index_cast %parallel_loop3A_683 : i32 to index
        %parallel_loop3A_689 = tpu.vector_load %arg6[%parallel_loop3A_686, %parallel_loop3A_687, %parallel_loop3A_688] {strides = array<i32>} : memref<8x2x2048xf32, #tpu.memory_space<vmem>>, vector<1x1x16xf32>,
        %parallel_loop3A_690 = vector.shape_cast %parallel_loop3A_689 : vector<1x1x16xf32> to vector<16xf32>
        %parallel_loop3A_691 = math.absf %parallel_loop3A_690 : vector<16xf32>
        %parallel_loop3A_692 = arith.cmpf ogt, %parallel_loop3A_691, %get3A_16 : vector<16xf32>
        %parallel_loop3A_693 = arith.select %parallel_loop3A_692, %get3A_11, %get3A_6 : vector<16xi1>, vector<16xf32>
        %parallel_loop3A_694 = tpu.bitcast %parallel_loop3A_690 : vector<16xf32> -> vector<16xi32>
        %parallel_loop3A_695 = arith.andi %parallel_loop3A_694, %broadcast_in_dim3A_17 : vector<16xi32>
        %parallel_loop3A_696 = tpu.bitcast %parallel_loop3A_693 : vector<16xf32> -> vector<16xi32>
        %parallel_loop3A_697 = arith.ori %parallel_loop3A_696, %parallel_loop3A_695 : vector<16xi32>
        %parallel_loop3A_698 = tpu.bitcast %parallel_loop3A_697 : vector<16xi32> -> vector<16xf32>
        %parallel_loop3A_699 = arith.constant 16 : i32
        %parallel_loop3A_700 = arith.muli %parallel_loop3A_681, %parallel_loop3A_699 : i32
        %parallel_loop3A_701 = arith.constant 2 : i32
        %parallel_loop3A_702 = arith.constant 0 : i32
        %parallel_loop3A_703 = arith.index_cast %parallel_loop3A_701 : i32 to index
        %parallel_loop3A_704 = arith.index_cast %parallel_loop3A_702 : i32 to index
        %parallel_loop3A_705 = arith.index_cast %parallel_loop3A_700 : i32 to index
        %parallel_loop3A_706 = tpu.vector_load %arg7[%parallel_loop3A_703, %parallel_loop3A_704, %parallel_loop3A_705] {strides = array<i32>} : memref<8x2x2048xf32, #tpu.memory_space<vmem>>, vector<1x1x16xf32>,
        %parallel_loop3A_707 = vector.shape_cast %parallel_loop3A_706 : vector<1x1x16xf32> to vector<16xf32>
        %parallel_loop3A_708 = vector.shape_cast %parallel_loop3A_698 : vector<16xf32> to vector<1x1x16xf32>
        tpu.vector_store %arg7[%parallel_loop3A_703, %parallel_loop3A_704, %parallel_loop3A_705], %parallel_loop3A_708 {strides = array<i32>} : memref<8x2x2048xf32, #tpu.memory_space<vmem>>, vector<1x1x16xf32>,
      } {sc.loop_unroll_factor = 16 : i64, sc.parallel_access}
      %parallel_loop3A_387 = arith.constant 0 : i32
      %parallel_loop3A_388 = arith.constant 128 : i32
      %parallel_loop3A_389 = arith.constant 1 : i32
      scf.for %parallel_loop3A_681 = %parallel_loop3A_387 to %parallel_loop3A_388 step %parallel_loop3A_389  : i32 {
        %parallel_loop3A_682 = arith.constant 16 : i32
        %parallel_loop3A_683 = arith.muli %parallel_loop3A_681, %parallel_loop3A_682 : i32
        %parallel_loop3A_684 = arith.constant 2 : i32
        %parallel_loop3A_685 = arith.constant 1 : i32
        %parallel_loop3A_686 = arith.index_cast %parallel_loop3A_684 : i32 to index
        %parallel_loop3A_687 = arith.index_cast %parallel_loop3A_685 : i32 to index
        %parallel_loop3A_688 = arith.index_cast %parallel_loop3A_683 : i32 to index
        %parallel_loop3A_689 = tpu.vector_load %arg6[%parallel_loop3A_686, %parallel_loop3A_687, %parallel_loop3A_688] {strides = array<i32>} : memref<8x2x2048xf32, #tpu.memory_space<vmem>>, vector<1x1x16xf32>,
        %parallel_loop3A_690 = vector.shape_cast %parallel_loop3A_689 : vector<1x1x16xf32> to vector<16xf32>
        %parallel_loop3A_691 = math.absf %parallel_loop3A_690 : vector<16xf32>
        %parallel_loop3A_692 = arith.cmpf ogt, %parallel_loop3A_691, %get3A_16 : vector<16xf32>
        %parallel_loop3A_693 = arith.select %parallel_loop3A_692, %get3A_11, %get3A_6 : vector<16xi1>, vector<16xf32>
        %parallel_loop3A_694 = tpu.bitcast %parallel_loop3A_690 : vector<16xf32> -> vector<16xi32>
        %parallel_loop3A_695 = arith.andi %parallel_loop3A_694, %broadcast_in_dim3A_17 : vector<16xi32>
        %parallel_loop3A_696 = tpu.bitcast %parallel_loop3A_693 : vector<16xf32> -> vector<16xi32>
        %parallel_loop3A_697 = arith.ori %parallel_loop3A_696, %parallel_loop3A_695 : vector<16xi32>
        %parallel_loop3A_698 = tpu.bitcast %parallel_loop3A_697 : vector<16xi32> -> vector<16xf32>
        %parallel_loop3A_699 = arith.constant 16 : i32
        %parallel_loop3A_700 = arith.muli %parallel_loop3A_681, %parallel_loop3A_699 : i32
        %parallel_loop3A_701 = arith.constant 2 : i32
        %parallel_loop3A_702 = arith.constant 1 : i32
        %parallel_loop3A_703 = arith.index_cast %parallel_loop3A_701 : i32 to index
        %parallel_loop3A_704 = arith.index_cast %parallel_loop3A_702 : i32 to index
        %parallel_loop3A_705 = arith.index_cast %parallel_loop3A_700 : i32 to index
        %parallel_loop3A_706 = tpu.vector_load %arg7[%parallel_loop3A_703, %parallel_loop3A_704, %parallel_loop3A_705] {strides = array<i32>} : memref<8x2x2048xf32, #tpu.memory_space<vmem>>, vector<1x1x16xf32>,
        %parallel_loop3A_707 = vector.shape_cast %parallel_loop3A_706 : vector<1x1x16xf32> to vector<16xf32>
        %parallel_loop3A_708 = vector.shape_cast %parallel_loop3A_698 : vector<16xf32> to vector<1x1x16xf32>
        tpu.vector_store %arg7[%parallel_loop3A_703, %parallel_loop3A_704, %parallel_loop3A_705], %parallel_loop3A_708 {strides = array<i32>} : memref<8x2x2048xf32, #tpu.memory_space<vmem>>, vector<1x1x16xf32>,
      } {sc.loop_unroll_factor = 16 : i64, sc.parallel_access}
      %mul3A_390 = arith.constant 2 : i32
      %mul3A_391 = arith.muli %add3A_354, %mul3A_390 : i32
      %add3A_392 = arith.addi %mul3A_2, %mul3A_391 : i32
      %dma_start3A_393 = arith.constant 2 : i32
      %dma_start3A_394 = arith.constant 0 : i32
      %dma_start3A_395 = arith.constant 0 : i32
      %dma_start3A_396 = tpu.memref_slice %arg7[%dma_start3A_393, %dma_start3A_394, %dma_start3A_395] : memref<8x2x2048xf32, #tpu.memory_space<vmem>> -> memref<1x2x2048xf32, #tpu.memory_space<vmem>>
      %dma_start3A_397 = tpu.memref_squeeze %dma_start3A_396 : memref<1x2x2048xf32, #tpu.memory_space<vmem>> -> memref<2x2048xf32, #tpu.memory_space<vmem>>
      %dma_start3A_398 = arith.constant 0 : i32
      %dma_start3A_399 = tpu.memref_slice %arg4[%add3A_392, %dma_start3A_398] : memref<8192x2048xf32, #tpu.memory_space<hbm>> -> memref<2x2048xf32, #tpu.memory_space<hbm>>
      %dma_start3A_400 = arith.constant 0 : i32
      %dma_start3A_401 = tpu.memref_slice %arg4[%add3A_392, %dma_start3A_400] : memref<8192x2048xf32, #tpu.memory_space<hbm>> -> memref<2x2048xf32, #tpu.memory_space<hbm>>
      %dma_start3A_402 = arith.constant 0 : i32
      %dma_start3A_403 = arith.constant 0 : i32
      %dma_start3A_404 = tpu.memref_slice %arg7[%dma_start3A_393, %dma_start3A_402, %dma_start3A_403] : memref<8x2x2048xf32, #tpu.memory_space<vmem>> -> memref<1x2x2048xf32, #tpu.memory_space<vmem>>
      %dma_start3A_405 = tpu.memref_squeeze %dma_start3A_404 : memref<1x2x2048xf32, #tpu.memory_space<vmem>> -> memref<2x2048xf32, #tpu.memory_space<vmem>>
      tpu.enqueue_dma source(%dma_start3A_405 : memref<2x2048xf32, #tpu.memory_space<vmem>>) target(%dma_start3A_401 : memref<2x2048xf32, #tpu.memory_space<hbm>>) target_semaphore(%arg18 : memref<!tpu.dma_semaphore, #tpu.memory_space<semaphore_mem>>)
      %mul3A_406 = arith.constant 8 : i32
      %mul3A_407 = arith.muli %scan3A_246, %mul3A_406 : i32
      %add3A_408 = arith.constant 3 : i32
      %add3A_409 = arith.addi %mul3A_407, %add3A_408 : i32
      %dma_wait3A_410 = arith.constant 3 : i32
      %dma_wait3A_411 = arith.constant 0 : i32
      %dma_wait3A_412 = arith.constant 0 : i32
      %dma_wait3A_413 = tpu.memref_slice %arg6[%dma_wait3A_410, %dma_wait3A_411, %dma_wait3A_412] : memref<8x2x2048xf32, #tpu.memory_space<vmem>> -> memref<1x2x2048xf32, #tpu.memory_space<vmem>>
      %dma_wait3A_414 = tpu.memref_squeeze %dma_wait3A_413 : memref<1x2x2048xf32, #tpu.memory_space<vmem>> -> memref<2x2048xf32, #tpu.memory_space<vmem>>
      %dma_wait3A_415 = arith.constant 0 : i32
      %dma_wait3A_416 = arith.constant 0 : i32
      %dma_wait3A_417 = tpu.memref_slice %arg3[%dma_wait3A_415, %dma_wait3A_416] : memref<8192x2048xf32, #tpu.memory_space<hbm>> -> memref<2x2048xf32, #tpu.memory_space<hbm>>
      %dma_wait3A_418 = arith.constant 0 : i32
      %dma_wait3A_419 = arith.constant 0 : i32
      %dma_wait3A_420 = tpu.memref_slice %arg6[%dma_wait3A_410, %dma_wait3A_418, %dma_wait3A_419] : memref<8x2x2048xf32, #tpu.memory_space<vmem>> -> memref<1x2x2048xf32, #tpu.memory_space<vmem>>
      %dma_wait3A_421 = tpu.memref_squeeze %dma_wait3A_420 : memref<1x2x2048xf32, #tpu.memory_space<vmem>> -> memref<2x2048xf32, #tpu.memory_space<vmem>>
      %dma_wait3A_422 = arith.constant 0 : i32
      %dma_wait3A_423 = arith.constant 0 : i32
      %dma_wait3A_424 = tpu.memref_slice %arg3[%dma_wait3A_422, %dma_wait3A_423] : memref<8192x2048xf32, #tpu.memory_space<hbm>> -> memref<2x2048xf32, #tpu.memory_space<hbm>>
      tpu.wait_dma2 semaphore(%arg11 : memref<!tpu.dma_semaphore, #tpu.memory_space<semaphore_mem>>) src(%dma_wait3A_424 : memref<2x2048xf32, #tpu.memory_space<hbm>>) dst(%dma_wait3A_421 : memref<2x2048xf32, #tpu.memory_space<vmem>>)
      %add3A_425 = arith.constant 8 : i32
      %add3A_426 = arith.addi %add3A_409, %add3A_425 : i32
      %sub3A_427 = arith.constant 1 : i32
      %sub3A_428 = arith.subi %add3A_426, %sub3A_427 : i32
      %lt3A_429 = arith.constant 128 : i32
      %lt3A_430 = arith.cmpi slt, %sub3A_428, %lt3A_429 : i32
      %convert_element_type3A_431 = arith.extui %lt3A_430 : i1 to i32
      %cond3A_432 = arith.constant 0 : i32
      %cond3A_433 = arith.cmpi ne, %convert_element_type3A_431, %cond3A_432 : i32
      scf.if %cond3A_433 {
        %add3A_681 = arith.constant 8 : i32
        %add3A_682 = arith.addi %add3A_409, %add3A_681 : i32
        %sub3A_683 = arith.constant 1 : i32
        %sub3A_684 = arith.subi %add3A_682, %sub3A_683 : i32
        %mul3A_685 = arith.constant 2 : i32
        %mul3A_686 = arith.muli %sub3A_684, %mul3A_685 : i32
        %add3A_687 = arith.addi %mul3A_2, %mul3A_686 : i32
        %dma_start3A_688 = arith.constant 2 : i32
        %dma_start3A_689 = arith.constant 0 : i32
        %dma_start3A_690 = arith.constant 0 : i32
        %dma_start3A_691 = tpu.memref_slice %arg6[%dma_start3A_688, %dma_start3A_689, %dma_start3A_690] : memref<8x2x2048xf32, #tpu.memory_space<vmem>> -> memref<1x2x2048xf32, #tpu.memory_space<vmem>>
        %dma_start3A_692 = tpu.memref_squeeze %dma_start3A_691 : memref<1x2x2048xf32, #tpu.memory_space<vmem>> -> memref<2x2048xf32, #tpu.memory_space<vmem>>
        %dma_start3A_693 = arith.constant 0 : i32
        %dma_start3A_694 = tpu.memref_slice %arg3[%add3A_687, %dma_start3A_693] : memref<8192x2048xf32, #tpu.memory_space<hbm>> -> memref<2x2048xf32, #tpu.memory_space<hbm>>
        %dma_start3A_695 = arith.constant 0 : i32
        %dma_start3A_696 = arith.constant 0 : i32
        %dma_start3A_697 = tpu.memref_slice %arg6[%dma_start3A_688, %dma_start3A_695, %dma_start3A_696] : memref<8x2x2048xf32, #tpu.memory_space<vmem>> -> memref<1x2x2048xf32, #tpu.memory_space<vmem>>
        %dma_start3A_698 = tpu.memref_squeeze %dma_start3A_697 : memref<1x2x2048xf32, #tpu.memory_space<vmem>> -> memref<2x2048xf32, #tpu.memory_space<vmem>>
        %dma_start3A_699 = arith.constant 0 : i32
        %dma_start3A_700 = tpu.memref_slice %arg3[%add3A_687, %dma_start3A_699] : memref<8192x2048xf32, #tpu.memory_space<hbm>> -> memref<2x2048xf32, #tpu.memory_space<hbm>>
        tpu.enqueue_dma source(%dma_start3A_700 : memref<2x2048xf32, #tpu.memory_space<hbm>>) target(%dma_start3A_698 : memref<2x2048xf32, #tpu.memory_space<vmem>>) target_semaphore(%arg10 : memref<!tpu.dma_semaphore, #tpu.memory_space<semaphore_mem>>)
      } else {
      }
      %ge3A_434 = arith.constant 8 : i32
      %ge3A_435 = arith.cmpi sge, %add3A_409, %ge3A_434 : i32
      %convert_element_type3A_436 = arith.extui %ge3A_435 : i1 to i32
      %cond3A_437 = arith.constant 0 : i32
      %cond3A_438 = arith.cmpi ne, %convert_element_type3A_436, %cond3A_437 : i32
      scf.if %cond3A_438 {
        %dma_wait3A_681 = arith.constant 3 : i32
        %dma_wait3A_682 = arith.constant 0 : i32
        %dma_wait3A_683 = arith.constant 0 : i32
        %dma_wait3A_684 = tpu.memref_slice %arg7[%dma_wait3A_681, %dma_wait3A_682, %dma_wait3A_683] : memref<8x2x2048xf32, #tpu.memory_space<vmem>> -> memref<1x2x2048xf32, #tpu.memory_space<vmem>>
        %dma_wait3A_685 = tpu.memref_squeeze %dma_wait3A_684 : memref<1x2x2048xf32, #tpu.memory_space<vmem>> -> memref<2x2048xf32, #tpu.memory_space<vmem>>
        %dma_wait3A_686 = arith.constant 0 : i32
        %dma_wait3A_687 = arith.constant 0 : i32
        %dma_wait3A_688 = tpu.memref_slice %arg4[%dma_wait3A_686, %dma_wait3A_687] : memref<8192x2048xf32, #tpu.memory_space<hbm>> -> memref<2x2048xf32, #tpu.memory_space<hbm>>
        %dma_wait3A_689 = arith.constant 0 : i32
        %dma_wait3A_690 = arith.constant 0 : i32
        %dma_wait3A_691 = tpu.memref_slice %arg4[%dma_wait3A_689, %dma_wait3A_690] : memref<8192x2048xf32, #tpu.memory_space<hbm>> -> memref<2x2048xf32, #tpu.memory_space<hbm>>
        %dma_wait3A_692 = arith.constant 0 : i32
        %dma_wait3A_693 = arith.constant 0 : i32
        %dma_wait3A_694 = tpu.memref_slice %arg7[%dma_wait3A_681, %dma_wait3A_692, %dma_wait3A_693] : memref<8x2x2048xf32, #tpu.memory_space<vmem>> -> memref<1x2x2048xf32, #tpu.memory_space<vmem>>
        %dma_wait3A_695 = tpu.memref_squeeze %dma_wait3A_694 : memref<1x2x2048xf32, #tpu.memory_space<vmem>> -> memref<2x2048xf32, #tpu.memory_space<vmem>>
        tpu.wait_dma2 semaphore(%arg19 : memref<!tpu.dma_semaphore, #tpu.memory_space<semaphore_mem>>) src(%dma_wait3A_695 : memref<2x2048xf32, #tpu.memory_space<vmem>>) dst(%dma_wait3A_691 : memref<2x2048xf32, #tpu.memory_space<hbm>>)
      } else {
      }
      %parallel_loop3A_439 = arith.constant 0 : i32
      %parallel_loop3A_440 = arith.constant 128 : i32
      %parallel_loop3A_441 = arith.constant 1 : i32
      scf.for %parallel_loop3A_681 = %parallel_loop3A_439 to %parallel_loop3A_440 step %parallel_loop3A_441  : i32 {
        %parallel_loop3A_682 = arith.constant 16 : i32
        %parallel_loop3A_683 = arith.muli %parallel_loop3A_681, %parallel_loop3A_682 : i32
        %parallel_loop3A_684 = arith.constant 3 : i32
        %parallel_loop3A_685 = arith.constant 0 : i32
        %parallel_loop3A_686 = arith.index_cast %parallel_loop3A_684 : i32 to index
        %parallel_loop3A_687 = arith.index_cast %parallel_loop3A_685 : i32 to index
        %parallel_loop3A_688 = arith.index_cast %parallel_loop3A_683 : i32 to index
        %parallel_loop3A_689 = tpu.vector_load %arg6[%parallel_loop3A_686, %parallel_loop3A_687, %parallel_loop3A_688] {strides = array<i32>} : memref<8x2x2048xf32, #tpu.memory_space<vmem>>, vector<1x1x16xf32>,
        %parallel_loop3A_690 = vector.shape_cast %parallel_loop3A_689 : vector<1x1x16xf32> to vector<16xf32>
        %parallel_loop3A_691 = math.absf %parallel_loop3A_690 : vector<16xf32>
        %parallel_loop3A_692 = arith.cmpf ogt, %parallel_loop3A_691, %get3A_16 : vector<16xf32>
        %parallel_loop3A_693 = arith.select %parallel_loop3A_692, %get3A_11, %get3A_6 : vector<16xi1>, vector<16xf32>
        %parallel_loop3A_694 = tpu.bitcast %parallel_loop3A_690 : vector<16xf32> -> vector<16xi32>
        %parallel_loop3A_695 = arith.andi %parallel_loop3A_694, %broadcast_in_dim3A_17 : vector<16xi32>
        %parallel_loop3A_696 = tpu.bitcast %parallel_loop3A_693 : vector<16xf32> -> vector<16xi32>
        %parallel_loop3A_697 = arith.ori %parallel_loop3A_696, %parallel_loop3A_695 : vector<16xi32>
        %parallel_loop3A_698 = tpu.bitcast %parallel_loop3A_697 : vector<16xi32> -> vector<16xf32>
        %parallel_loop3A_699 = arith.constant 16 : i32
        %parallel_loop3A_700 = arith.muli %parallel_loop3A_681, %parallel_loop3A_699 : i32
        %parallel_loop3A_701 = arith.constant 3 : i32
        %parallel_loop3A_702 = arith.constant 0 : i32
        %parallel_loop3A_703 = arith.index_cast %parallel_loop3A_701 : i32 to index
        %parallel_loop3A_704 = arith.index_cast %parallel_loop3A_702 : i32 to index
        %parallel_loop3A_705 = arith.index_cast %parallel_loop3A_700 : i32 to index
        %parallel_loop3A_706 = tpu.vector_load %arg7[%parallel_loop3A_703, %parallel_loop3A_704, %parallel_loop3A_705] {strides = array<i32>} : memref<8x2x2048xf32, #tpu.memory_space<vmem>>, vector<1x1x16xf32>,
        %parallel_loop3A_707 = vector.shape_cast %parallel_loop3A_706 : vector<1x1x16xf32> to vector<16xf32>
        %parallel_loop3A_708 = vector.shape_cast %parallel_loop3A_698 : vector<16xf32> to vector<1x1x16xf32>
        tpu.vector_store %arg7[%parallel_loop3A_703, %parallel_loop3A_704, %parallel_loop3A_705], %parallel_loop3A_708 {strides = array<i32>} : memref<8x2x2048xf32, #tpu.memory_space<vmem>>, vector<1x1x16xf32>,
      } {sc.loop_unroll_factor = 16 : i64, sc.parallel_access}
      %parallel_loop3A_442 = arith.constant 0 : i32
      %parallel_loop3A_443 = arith.constant 128 : i32
      %parallel_loop3A_444 = arith.constant 1 : i32
      scf.for %parallel_loop3A_681 = %parallel_loop3A_442 to %parallel_loop3A_443 step %parallel_loop3A_444  : i32 {
        %parallel_loop3A_682 = arith.constant 16 : i32
        %parallel_loop3A_683 = arith.muli %parallel_loop3A_681, %parallel_loop3A_682 : i32
        %parallel_loop3A_684 = arith.constant 3 : i32
        %parallel_loop3A_685 = arith.constant 1 : i32
        %parallel_loop3A_686 = arith.index_cast %parallel_loop3A_684 : i32 to index
        %parallel_loop3A_687 = arith.index_cast %parallel_loop3A_685 : i32 to index
        %parallel_loop3A_688 = arith.index_cast %parallel_loop3A_683 : i32 to index
        %parallel_loop3A_689 = tpu.vector_load %arg6[%parallel_loop3A_686, %parallel_loop3A_687, %parallel_loop3A_688] {strides = array<i32>} : memref<8x2x2048xf32, #tpu.memory_space<vmem>>, vector<1x1x16xf32>,
        %parallel_loop3A_690 = vector.shape_cast %parallel_loop3A_689 : vector<1x1x16xf32> to vector<16xf32>
        %parallel_loop3A_691 = math.absf %parallel_loop3A_690 : vector<16xf32>
        %parallel_loop3A_692 = arith.cmpf ogt, %parallel_loop3A_691, %get3A_16 : vector<16xf32>
        %parallel_loop3A_693 = arith.select %parallel_loop3A_692, %get3A_11, %get3A_6 : vector<16xi1>, vector<16xf32>
        %parallel_loop3A_694 = tpu.bitcast %parallel_loop3A_690 : vector<16xf32> -> vector<16xi32>
        %parallel_loop3A_695 = arith.andi %parallel_loop3A_694, %broadcast_in_dim3A_17 : vector<16xi32>
        %parallel_loop3A_696 = tpu.bitcast %parallel_loop3A_693 : vector<16xf32> -> vector<16xi32>
        %parallel_loop3A_697 = arith.ori %parallel_loop3A_696, %parallel_loop3A_695 : vector<16xi32>
        %parallel_loop3A_698 = tpu.bitcast %parallel_loop3A_697 : vector<16xi32> -> vector<16xf32>
        %parallel_loop3A_699 = arith.constant 16 : i32
        %parallel_loop3A_700 = arith.muli %parallel_loop3A_681, %parallel_loop3A_699 : i32
        %parallel_loop3A_701 = arith.constant 3 : i32
        %parallel_loop3A_702 = arith.constant 1 : i32
        %parallel_loop3A_703 = arith.index_cast %parallel_loop3A_701 : i32 to index
        %parallel_loop3A_704 = arith.index_cast %parallel_loop3A_702 : i32 to index
        %parallel_loop3A_705 = arith.index_cast %parallel_loop3A_700 : i32 to index
        %parallel_loop3A_706 = tpu.vector_load %arg7[%parallel_loop3A_703, %parallel_loop3A_704, %parallel_loop3A_705] {strides = array<i32>} : memref<8x2x2048xf32, #tpu.memory_space<vmem>>, vector<1x1x16xf32>,
        %parallel_loop3A_707 = vector.shape_cast %parallel_loop3A_706 : vector<1x1x16xf32> to vector<16xf32>
        %parallel_loop3A_708 = vector.shape_cast %parallel_loop3A_698 : vector<16xf32> to vector<1x1x16xf32>
        tpu.vector_store %arg7[%parallel_loop3A_703, %parallel_loop3A_704, %parallel_loop3A_705], %parallel_loop3A_708 {strides = array<i32>} : memref<8x2x2048xf32, #tpu.memory_space<vmem>>, vector<1x1x16xf32>,
      } {sc.loop_unroll_factor = 16 : i64, sc.parallel_access}
      %mul3A_445 = arith.constant 2 : i32
      %mul3A_446 = arith.muli %add3A_409, %mul3A_445 : i32
      %add3A_447 = arith.addi %mul3A_2, %mul3A_446 : i32
      %dma_start3A_448 = arith.constant 3 : i32
      %dma_start3A_449 = arith.constant 0 : i32
      %dma_start3A_450 = arith.constant 0 : i32
      %dma_start3A_451 = tpu.memref_slice %arg7[%dma_start3A_448, %dma_start3A_449, %dma_start3A_450] : memref<8x2x2048xf32, #tpu.memory_space<vmem>> -> memref<1x2x2048xf32, #tpu.memory_space<vmem>>
      %dma_start3A_452 = tpu.memref_squeeze %dma_start3A_451 : memref<1x2x2048xf32, #tpu.memory_space<vmem>> -> memref<2x2048xf32, #tpu.memory_space<vmem>>
      %dma_start3A_453 = arith.constant 0 : i32
      %dma_start3A_454 = tpu.memref_slice %arg4[%add3A_447, %dma_start3A_453] : memref<8192x2048xf32, #tpu.memory_space<hbm>> -> memref<2x2048xf32, #tpu.memory_space<hbm>>
      %dma_start3A_455 = arith.constant 0 : i32
      %dma_start3A_456 = tpu.memref_slice %arg4[%add3A_447, %dma_start3A_455] : memref<8192x2048xf32, #tpu.memory_space<hbm>> -> memref<2x2048xf32, #tpu.memory_space<hbm>>
      %dma_start3A_457 = arith.constant 0 : i32
      %dma_start3A_458 = arith.constant 0 : i32
      %dma_start3A_459 = tpu.memref_slice %arg7[%dma_start3A_448, %dma_start3A_457, %dma_start3A_458] : memref<8x2x2048xf32, #tpu.memory_space<vmem>> -> memref<1x2x2048xf32, #tpu.memory_space<vmem>>
      %dma_start3A_460 = tpu.memref_squeeze %dma_start3A_459 : memref<1x2x2048xf32, #tpu.memory_space<vmem>> -> memref<2x2048xf32, #tpu.memory_space<vmem>>
      tpu.enqueue_dma source(%dma_start3A_460 : memref<2x2048xf32, #tpu.memory_space<vmem>>) target(%dma_start3A_456 : memref<2x2048xf32, #tpu.memory_space<hbm>>) target_semaphore(%arg19 : memref<!tpu.dma_semaphore, #tpu.memory_space<semaphore_mem>>)
      %mul3A_461 = arith.constant 8 : i32
      %mul3A_462 = arith.muli %scan3A_246, %mul3A_461 : i32
      %add3A_463 = arith.constant 4 : i32
      %add3A_464 = arith.addi %mul3A_462, %add3A_463 : i32
      %dma_wait3A_465 = arith.constant 4 : i32
      %dma_wait3A_466 = arith.constant 0 : i32
      %dma_wait3A_467 = arith.constant 0 : i32
      %dma_wait3A_468 = tpu.memref_slice %arg6[%dma_wait3A_465, %dma_wait3A_466, %dma_wait3A_467] : memref<8x2x2048xf32, #tpu.memory_space<vmem>> -> memref<1x2x2048xf32, #tpu.memory_space<vmem>>
      %dma_wait3A_469 = tpu.memref_squeeze %dma_wait3A_468 : memref<1x2x2048xf32, #tpu.memory_space<vmem>> -> memref<2x2048xf32, #tpu.memory_space<vmem>>
      %dma_wait3A_470 = arith.constant 0 : i32
      %dma_wait3A_471 = arith.constant 0 : i32
      %dma_wait3A_472 = tpu.memref_slice %arg3[%dma_wait3A_470, %dma_wait3A_471] : memref<8192x2048xf32, #tpu.memory_space<hbm>> -> memref<2x2048xf32, #tpu.memory_space<hbm>>
      %dma_wait3A_473 = arith.constant 0 : i32
      %dma_wait3A_474 = arith.constant 0 : i32
      %dma_wait3A_475 = tpu.memref_slice %arg6[%dma_wait3A_465, %dma_wait3A_473, %dma_wait3A_474] : memref<8x2x2048xf32, #tpu.memory_space<vmem>> -> memref<1x2x2048xf32, #tpu.memory_space<vmem>>
      %dma_wait3A_476 = tpu.memref_squeeze %dma_wait3A_475 : memref<1x2x2048xf32, #tpu.memory_space<vmem>> -> memref<2x2048xf32, #tpu.memory_space<vmem>>
      %dma_wait3A_477 = arith.constant 0 : i32
      %dma_wait3A_478 = arith.constant 0 : i32
      %dma_wait3A_479 = tpu.memref_slice %arg3[%dma_wait3A_477, %dma_wait3A_478] : memref<8192x2048xf32, #tpu.memory_space<hbm>> -> memref<2x2048xf32, #tpu.memory_space<hbm>>
      tpu.wait_dma2 semaphore(%arg12 : memref<!tpu.dma_semaphore, #tpu.memory_space<semaphore_mem>>) src(%dma_wait3A_479 : memref<2x2048xf32, #tpu.memory_space<hbm>>) dst(%dma_wait3A_476 : memref<2x2048xf32, #tpu.memory_space<vmem>>)
      %add3A_480 = arith.constant 8 : i32
      %add3A_481 = arith.addi %add3A_464, %add3A_480 : i32
      %sub3A_482 = arith.constant 1 : i32
      %sub3A_483 = arith.subi %add3A_481, %sub3A_482 : i32
      %lt3A_484 = arith.constant 128 : i32
      %lt3A_485 = arith.cmpi slt, %sub3A_483, %lt3A_484 : i32
      %convert_element_type3A_486 = arith.extui %lt3A_485 : i1 to i32
      %cond3A_487 = arith.constant 0 : i32
      %cond3A_488 = arith.cmpi ne, %convert_element_type3A_486, %cond3A_487 : i32
      scf.if %cond3A_488 {
        %add3A_681 = arith.constant 8 : i32
        %add3A_682 = arith.addi %add3A_464, %add3A_681 : i32
        %sub3A_683 = arith.constant 1 : i32
        %sub3A_684 = arith.subi %add3A_682, %sub3A_683 : i32
        %mul3A_685 = arith.constant 2 : i32
        %mul3A_686 = arith.muli %sub3A_684, %mul3A_685 : i32
        %add3A_687 = arith.addi %mul3A_2, %mul3A_686 : i32
        %dma_start3A_688 = arith.constant 3 : i32
        %dma_start3A_689 = arith.constant 0 : i32
        %dma_start3A_690 = arith.constant 0 : i32
        %dma_start3A_691 = tpu.memref_slice %arg6[%dma_start3A_688, %dma_start3A_689, %dma_start3A_690] : memref<8x2x2048xf32, #tpu.memory_space<vmem>> -> memref<1x2x2048xf32, #tpu.memory_space<vmem>>
        %dma_start3A_692 = tpu.memref_squeeze %dma_start3A_691 : memref<1x2x2048xf32, #tpu.memory_space<vmem>> -> memref<2x2048xf32, #tpu.memory_space<vmem>>
        %dma_start3A_693 = arith.constant 0 : i32
        %dma_start3A_694 = tpu.memref_slice %arg3[%add3A_687, %dma_start3A_693] : memref<8192x2048xf32, #tpu.memory_space<hbm>> -> memref<2x2048xf32, #tpu.memory_space<hbm>>
        %dma_start3A_695 = arith.constant 0 : i32
        %dma_start3A_696 = arith.constant 0 : i32
        %dma_start3A_697 = tpu.memref_slice %arg6[%dma_start3A_688, %dma_start3A_695, %dma_start3A_696] : memref<8x2x2048xf32, #tpu.memory_space<vmem>> -> memref<1x2x2048xf32, #tpu.memory_space<vmem>>
        %dma_start3A_698 = tpu.memref_squeeze %dma_start3A_697 : memref<1x2x2048xf32, #tpu.memory_space<vmem>> -> memref<2x2048xf32, #tpu.memory_space<vmem>>
        %dma_start3A_699 = arith.constant 0 : i32
        %dma_start3A_700 = tpu.memref_slice %arg3[%add3A_687, %dma_start3A_699] : memref<8192x2048xf32, #tpu.memory_space<hbm>> -> memref<2x2048xf32, #tpu.memory_space<hbm>>
        tpu.enqueue_dma source(%dma_start3A_700 : memref<2x2048xf32, #tpu.memory_space<hbm>>) target(%dma_start3A_698 : memref<2x2048xf32, #tpu.memory_space<vmem>>) target_semaphore(%arg11 : memref<!tpu.dma_semaphore, #tpu.memory_space<semaphore_mem>>)
      } else {
      }
      %ge3A_489 = arith.constant 8 : i32
      %ge3A_490 = arith.cmpi sge, %add3A_464, %ge3A_489 : i32
      %convert_element_type3A_491 = arith.extui %ge3A_490 : i1 to i32
      %cond3A_492 = arith.constant 0 : i32
      %cond3A_493 = arith.cmpi ne, %convert_element_type3A_491, %cond3A_492 : i32
      scf.if %cond3A_493 {
        %dma_wait3A_681 = arith.constant 4 : i32
        %dma_wait3A_682 = arith.constant 0 : i32
        %dma_wait3A_683 = arith.constant 0 : i32
        %dma_wait3A_684 = tpu.memref_slice %arg7[%dma_wait3A_681, %dma_wait3A_682, %dma_wait3A_683] : memref<8x2x2048xf32, #tpu.memory_space<vmem>> -> memref<1x2x2048xf32, #tpu.memory_space<vmem>>
        %dma_wait3A_685 = tpu.memref_squeeze %dma_wait3A_684 : memref<1x2x2048xf32, #tpu.memory_space<vmem>> -> memref<2x2048xf32, #tpu.memory_space<vmem>>
        %dma_wait3A_686 = arith.constant 0 : i32
        %dma_wait3A_687 = arith.constant 0 : i32
        %dma_wait3A_688 = tpu.memref_slice %arg4[%dma_wait3A_686, %dma_wait3A_687] : memref<8192x2048xf32, #tpu.memory_space<hbm>> -> memref<2x2048xf32, #tpu.memory_space<hbm>>
        %dma_wait3A_689 = arith.constant 0 : i32
        %dma_wait3A_690 = arith.constant 0 : i32
        %dma_wait3A_691 = tpu.memref_slice %arg4[%dma_wait3A_689, %dma_wait3A_690] : memref<8192x2048xf32, #tpu.memory_space<hbm>> -> memref<2x2048xf32, #tpu.memory_space<hbm>>
        %dma_wait3A_692 = arith.constant 0 : i32
        %dma_wait3A_693 = arith.constant 0 : i32
        %dma_wait3A_694 = tpu.memref_slice %arg7[%dma_wait3A_681, %dma_wait3A_692, %dma_wait3A_693] : memref<8x2x2048xf32, #tpu.memory_space<vmem>> -> memref<1x2x2048xf32, #tpu.memory_space<vmem>>
        %dma_wait3A_695 = tpu.memref_squeeze %dma_wait3A_694 : memref<1x2x2048xf32, #tpu.memory_space<vmem>> -> memref<2x2048xf32, #tpu.memory_space<vmem>>
        tpu.wait_dma2 semaphore(%arg20 : memref<!tpu.dma_semaphore, #tpu.memory_space<semaphore_mem>>) src(%dma_wait3A_695 : memref<2x2048xf32, #tpu.memory_space<vmem>>) dst(%dma_wait3A_691 : memref<2x2048xf32, #tpu.memory_space<hbm>>)
      } else {
      }
      %parallel_loop3A_494 = arith.constant 0 : i32
      %parallel_loop3A_495 = arith.constant 128 : i32
      %parallel_loop3A_496 = arith.constant 1 : i32
      scf.for %parallel_loop3A_681 = %parallel_loop3A_494 to %parallel_loop3A_495 step %parallel_loop3A_496  : i32 {
        %parallel_loop3A_682 = arith.constant 16 : i32
        %parallel_loop3A_683 = arith.muli %parallel_loop3A_681, %parallel_loop3A_682 : i32
        %parallel_loop3A_684 = arith.constant 4 : i32
        %parallel_loop3A_685 = arith.constant 0 : i32
        %parallel_loop3A_686 = arith.index_cast %parallel_loop3A_684 : i32 to index
        %parallel_loop3A_687 = arith.index_cast %parallel_loop3A_685 : i32 to index
        %parallel_loop3A_688 = arith.index_cast %parallel_loop3A_683 : i32 to index
        %parallel_loop3A_689 = tpu.vector_load %arg6[%parallel_loop3A_686, %parallel_loop3A_687, %parallel_loop3A_688] {strides = array<i32>} : memref<8x2x2048xf32, #tpu.memory_space<vmem>>, vector<1x1x16xf32>,
        %parallel_loop3A_690 = vector.shape_cast %parallel_loop3A_689 : vector<1x1x16xf32> to vector<16xf32>
        %parallel_loop3A_691 = math.absf %parallel_loop3A_690 : vector<16xf32>
        %parallel_loop3A_692 = arith.cmpf ogt, %parallel_loop3A_691, %get3A_16 : vector<16xf32>
        %parallel_loop3A_693 = arith.select %parallel_loop3A_692, %get3A_11, %get3A_6 : vector<16xi1>, vector<16xf32>
        %parallel_loop3A_694 = tpu.bitcast %parallel_loop3A_690 : vector<16xf32> -> vector<16xi32>
        %parallel_loop3A_695 = arith.andi %parallel_loop3A_694, %broadcast_in_dim3A_17 : vector<16xi32>
        %parallel_loop3A_696 = tpu.bitcast %parallel_loop3A_693 : vector<16xf32> -> vector<16xi32>
        %parallel_loop3A_697 = arith.ori %parallel_loop3A_696, %parallel_loop3A_695 : vector<16xi32>
        %parallel_loop3A_698 = tpu.bitcast %parallel_loop3A_697 : vector<16xi32> -> vector<16xf32>
        %parallel_loop3A_699 = arith.constant 16 : i32
        %parallel_loop3A_700 = arith.muli %parallel_loop3A_681, %parallel_loop3A_699 : i32
        %parallel_loop3A_701 = arith.constant 4 : i32
        %parallel_loop3A_702 = arith.constant 0 : i32
        %parallel_loop3A_703 = arith.index_cast %parallel_loop3A_701 : i32 to index
        %parallel_loop3A_704 = arith.index_cast %parallel_loop3A_702 : i32 to index
        %parallel_loop3A_705 = arith.index_cast %parallel_loop3A_700 : i32 to index
        %parallel_loop3A_706 = tpu.vector_load %arg7[%parallel_loop3A_703, %parallel_loop3A_704, %parallel_loop3A_705] {strides = array<i32>} : memref<8x2x2048xf32, #tpu.memory_space<vmem>>, vector<1x1x16xf32>,
        %parallel_loop3A_707 = vector.shape_cast %parallel_loop3A_706 : vector<1x1x16xf32> to vector<16xf32>
        %parallel_loop3A_708 = vector.shape_cast %parallel_loop3A_698 : vector<16xf32> to vector<1x1x16xf32>
        tpu.vector_store %arg7[%parallel_loop3A_703, %parallel_loop3A_704, %parallel_loop3A_705], %parallel_loop3A_708 {strides = array<i32>} : memref<8x2x2048xf32, #tpu.memory_space<vmem>>, vector<1x1x16xf32>,
      } {sc.loop_unroll_factor = 16 : i64, sc.parallel_access}
      %parallel_loop3A_497 = arith.constant 0 : i32
      %parallel_loop3A_498 = arith.constant 128 : i32
      %parallel_loop3A_499 = arith.constant 1 : i32
      scf.for %parallel_loop3A_681 = %parallel_loop3A_497 to %parallel_loop3A_498 step %parallel_loop3A_499  : i32 {
        %parallel_loop3A_682 = arith.constant 16 : i32
        %parallel_loop3A_683 = arith.muli %parallel_loop3A_681, %parallel_loop3A_682 : i32
        %parallel_loop3A_684 = arith.constant 4 : i32
        %parallel_loop3A_685 = arith.constant 1 : i32
        %parallel_loop3A_686 = arith.index_cast %parallel_loop3A_684 : i32 to index
        %parallel_loop3A_687 = arith.index_cast %parallel_loop3A_685 : i32 to index
        %parallel_loop3A_688 = arith.index_cast %parallel_loop3A_683 : i32 to index
        %parallel_loop3A_689 = tpu.vector_load %arg6[%parallel_loop3A_686, %parallel_loop3A_687, %parallel_loop3A_688] {strides = array<i32>} : memref<8x2x2048xf32, #tpu.memory_space<vmem>>, vector<1x1x16xf32>,
        %parallel_loop3A_690 = vector.shape_cast %parallel_loop3A_689 : vector<1x1x16xf32> to vector<16xf32>
        %parallel_loop3A_691 = math.absf %parallel_loop3A_690 : vector<16xf32>
        %parallel_loop3A_692 = arith.cmpf ogt, %parallel_loop3A_691, %get3A_16 : vector<16xf32>
        %parallel_loop3A_693 = arith.select %parallel_loop3A_692, %get3A_11, %get3A_6 : vector<16xi1>, vector<16xf32>
        %parallel_loop3A_694 = tpu.bitcast %parallel_loop3A_690 : vector<16xf32> -> vector<16xi32>
        %parallel_loop3A_695 = arith.andi %parallel_loop3A_694, %broadcast_in_dim3A_17 : vector<16xi32>
        %parallel_loop3A_696 = tpu.bitcast %parallel_loop3A_693 : vector<16xf32> -> vector<16xi32>
        %parallel_loop3A_697 = arith.ori %parallel_loop3A_696, %parallel_loop3A_695 : vector<16xi32>
        %parallel_loop3A_698 = tpu.bitcast %parallel_loop3A_697 : vector<16xi32> -> vector<16xf32>
        %parallel_loop3A_699 = arith.constant 16 : i32
        %parallel_loop3A_700 = arith.muli %parallel_loop3A_681, %parallel_loop3A_699 : i32
        %parallel_loop3A_701 = arith.constant 4 : i32
        %parallel_loop3A_702 = arith.constant 1 : i32
        %parallel_loop3A_703 = arith.index_cast %parallel_loop3A_701 : i32 to index
        %parallel_loop3A_704 = arith.index_cast %parallel_loop3A_702 : i32 to index
        %parallel_loop3A_705 = arith.index_cast %parallel_loop3A_700 : i32 to index
        %parallel_loop3A_706 = tpu.vector_load %arg7[%parallel_loop3A_703, %parallel_loop3A_704, %parallel_loop3A_705] {strides = array<i32>} : memref<8x2x2048xf32, #tpu.memory_space<vmem>>, vector<1x1x16xf32>,
        %parallel_loop3A_707 = vector.shape_cast %parallel_loop3A_706 : vector<1x1x16xf32> to vector<16xf32>
        %parallel_loop3A_708 = vector.shape_cast %parallel_loop3A_698 : vector<16xf32> to vector<1x1x16xf32>
        tpu.vector_store %arg7[%parallel_loop3A_703, %parallel_loop3A_704, %parallel_loop3A_705], %parallel_loop3A_708 {strides = array<i32>} : memref<8x2x2048xf32, #tpu.memory_space<vmem>>, vector<1x1x16xf32>,
      } {sc.loop_unroll_factor = 16 : i64, sc.parallel_access}
      %mul3A_500 = arith.constant 2 : i32
      %mul3A_501 = arith.muli %add3A_464, %mul3A_500 : i32
      %add3A_502 = arith.addi %mul3A_2, %mul3A_501 : i32
      %dma_start3A_503 = arith.constant 4 : i32
      %dma_start3A_504 = arith.constant 0 : i32
      %dma_start3A_505 = arith.constant 0 : i32
      %dma_start3A_506 = tpu.memref_slice %arg7[%dma_start3A_503, %dma_start3A_504, %dma_start3A_505] : memref<8x2x2048xf32, #tpu.memory_space<vmem>> -> memref<1x2x2048xf32, #tpu.memory_space<vmem>>
      %dma_start3A_507 = tpu.memref_squeeze %dma_start3A_506 : memref<1x2x2048xf32, #tpu.memory_space<vmem>> -> memref<2x2048xf32, #tpu.memory_space<vmem>>
      %dma_start3A_508 = arith.constant 0 : i32
      %dma_start3A_509 = tpu.memref_slice %arg4[%add3A_502, %dma_start3A_508] : memref<8192x2048xf32, #tpu.memory_space<hbm>> -> memref<2x2048xf32, #tpu.memory_space<hbm>>
      %dma_start3A_510 = arith.constant 0 : i32
      %dma_start3A_511 = tpu.memref_slice %arg4[%add3A_502, %dma_start3A_510] : memref<8192x2048xf32, #tpu.memory_space<hbm>> -> memref<2x2048xf32, #tpu.memory_space<hbm>>
      %dma_start3A_512 = arith.constant 0 : i32
      %dma_start3A_513 = arith.constant 0 : i32
      %dma_start3A_514 = tpu.memref_slice %arg7[%dma_start3A_503, %dma_start3A_512, %dma_start3A_513] : memref<8x2x2048xf32, #tpu.memory_space<vmem>> -> memref<1x2x2048xf32, #tpu.memory_space<vmem>>
      %dma_start3A_515 = tpu.memref_squeeze %dma_start3A_514 : memref<1x2x2048xf32, #tpu.memory_space<vmem>> -> memref<2x2048xf32, #tpu.memory_space<vmem>>
      tpu.enqueue_dma source(%dma_start3A_515 : memref<2x2048xf32, #tpu.memory_space<vmem>>) target(%dma_start3A_511 : memref<2x2048xf32, #tpu.memory_space<hbm>>) target_semaphore(%arg20 : memref<!tpu.dma_semaphore, #tpu.memory_space<semaphore_mem>>)
      %mul3A_516 = arith.constant 8 : i32
      %mul3A_517 = arith.muli %scan3A_246, %mul3A_516 : i32
      %add3A_518 = arith.constant 5 : i32
      %add3A_519 = arith.addi %mul3A_517, %add3A_518 : i32
      %dma_wait3A_520 = arith.constant 5 : i32
      %dma_wait3A_521 = arith.constant 0 : i32
      %dma_wait3A_522 = arith.constant 0 : i32
      %dma_wait3A_523 = tpu.memref_slice %arg6[%dma_wait3A_520, %dma_wait3A_521, %dma_wait3A_522] : memref<8x2x2048xf32, #tpu.memory_space<vmem>> -> memref<1x2x2048xf32, #tpu.memory_space<vmem>>
      %dma_wait3A_524 = tpu.memref_squeeze %dma_wait3A_523 : memref<1x2x2048xf32, #tpu.memory_space<vmem>> -> memref<2x2048xf32, #tpu.memory_space<vmem>>
      %dma_wait3A_525 = arith.constant 0 : i32
      %dma_wait3A_526 = arith.constant 0 : i32
      %dma_wait3A_527 = tpu.memref_slice %arg3[%dma_wait3A_525, %dma_wait3A_526] : memref<8192x2048xf32, #tpu.memory_space<hbm>> -> memref<2x2048xf32, #tpu.memory_space<hbm>>
      %dma_wait3A_528 = arith.constant 0 : i32
      %dma_wait3A_529 = arith.constant 0 : i32
      %dma_wait3A_530 = tpu.memref_slice %arg6[%dma_wait3A_520, %dma_wait3A_528, %dma_wait3A_529] : memref<8x2x2048xf32, #tpu.memory_space<vmem>> -> memref<1x2x2048xf32, #tpu.memory_space<vmem>>
      %dma_wait3A_531 = tpu.memref_squeeze %dma_wait3A_530 : memref<1x2x2048xf32, #tpu.memory_space<vmem>> -> memref<2x2048xf32, #tpu.memory_space<vmem>>
      %dma_wait3A_532 = arith.constant 0 : i32
      %dma_wait3A_533 = arith.constant 0 : i32
      %dma_wait3A_534 = tpu.memref_slice %arg3[%dma_wait3A_532, %dma_wait3A_533] : memref<8192x2048xf32, #tpu.memory_space<hbm>> -> memref<2x2048xf32, #tpu.memory_space<hbm>>
      tpu.wait_dma2 semaphore(%arg13 : memref<!tpu.dma_semaphore, #tpu.memory_space<semaphore_mem>>) src(%dma_wait3A_534 : memref<2x2048xf32, #tpu.memory_space<hbm>>) dst(%dma_wait3A_531 : memref<2x2048xf32, #tpu.memory_space<vmem>>)
      %add3A_535 = arith.constant 8 : i32
      %add3A_536 = arith.addi %add3A_519, %add3A_535 : i32
      %sub3A_537 = arith.constant 1 : i32
      %sub3A_538 = arith.subi %add3A_536, %sub3A_537 : i32
      %lt3A_539 = arith.constant 128 : i32
      %lt3A_540 = arith.cmpi slt, %sub3A_538, %lt3A_539 : i32
      %convert_element_type3A_541 = arith.extui %lt3A_540 : i1 to i32
      %cond3A_542 = arith.constant 0 : i32
      %cond3A_543 = arith.cmpi ne, %convert_element_type3A_541, %cond3A_542 : i32
      scf.if %cond3A_543 {
        %add3A_681 = arith.constant 8 : i32
        %add3A_682 = arith.addi %add3A_519, %add3A_681 : i32
        %sub3A_683 = arith.constant 1 : i32
        %sub3A_684 = arith.subi %add3A_682, %sub3A_683 : i32
        %mul3A_685 = arith.constant 2 : i32
        %mul3A_686 = arith.muli %sub3A_684, %mul3A_685 : i32
        %add3A_687 = arith.addi %mul3A_2, %mul3A_686 : i32
        %dma_start3A_688 = arith.constant 4 : i32
        %dma_start3A_689 = arith.constant 0 : i32
        %dma_start3A_690 = arith.constant 0 : i32
        %dma_start3A_691 = tpu.memref_slice %arg6[%dma_start3A_688, %dma_start3A_689, %dma_start3A_690] : memref<8x2x2048xf32, #tpu.memory_space<vmem>> -> memref<1x2x2048xf32, #tpu.memory_space<vmem>>
        %dma_start3A_692 = tpu.memref_squeeze %dma_start3A_691 : memref<1x2x2048xf32, #tpu.memory_space<vmem>> -> memref<2x2048xf32, #tpu.memory_space<vmem>>
        %dma_start3A_693 = arith.constant 0 : i32
        %dma_start3A_694 = tpu.memref_slice %arg3[%add3A_687, %dma_start3A_693] : memref<8192x2048xf32, #tpu.memory_space<hbm>> -> memref<2x2048xf32, #tpu.memory_space<hbm>>
        %dma_start3A_695 = arith.constant 0 : i32
        %dma_start3A_696 = arith.constant 0 : i32
        %dma_start3A_697 = tpu.memref_slice %arg6[%dma_start3A_688, %dma_start3A_695, %dma_start3A_696] : memref<8x2x2048xf32, #tpu.memory_space<vmem>> -> memref<1x2x2048xf32, #tpu.memory_space<vmem>>
        %dma_start3A_698 = tpu.memref_squeeze %dma_start3A_697 : memref<1x2x2048xf32, #tpu.memory_space<vmem>> -> memref<2x2048xf32, #tpu.memory_space<vmem>>
        %dma_start3A_699 = arith.constant 0 : i32
        %dma_start3A_700 = tpu.memref_slice %arg3[%add3A_687, %dma_start3A_699] : memref<8192x2048xf32, #tpu.memory_space<hbm>> -> memref<2x2048xf32, #tpu.memory_space<hbm>>
        tpu.enqueue_dma source(%dma_start3A_700 : memref<2x2048xf32, #tpu.memory_space<hbm>>) target(%dma_start3A_698 : memref<2x2048xf32, #tpu.memory_space<vmem>>) target_semaphore(%arg12 : memref<!tpu.dma_semaphore, #tpu.memory_space<semaphore_mem>>)
      } else {
      }
      %ge3A_544 = arith.constant 8 : i32
      %ge3A_545 = arith.cmpi sge, %add3A_519, %ge3A_544 : i32
      %convert_element_type3A_546 = arith.extui %ge3A_545 : i1 to i32
      %cond3A_547 = arith.constant 0 : i32
      %cond3A_548 = arith.cmpi ne, %convert_element_type3A_546, %cond3A_547 : i32
      scf.if %cond3A_548 {
        %dma_wait3A_681 = arith.constant 5 : i32
        %dma_wait3A_682 = arith.constant 0 : i32
        %dma_wait3A_683 = arith.constant 0 : i32
        %dma_wait3A_684 = tpu.memref_slice %arg7[%dma_wait3A_681, %dma_wait3A_682, %dma_wait3A_683] : memref<8x2x2048xf32, #tpu.memory_space<vmem>> -> memref<1x2x2048xf32, #tpu.memory_space<vmem>>
        %dma_wait3A_685 = tpu.memref_squeeze %dma_wait3A_684 : memref<1x2x2048xf32, #tpu.memory_space<vmem>> -> memref<2x2048xf32, #tpu.memory_space<vmem>>
        %dma_wait3A_686 = arith.constant 0 : i32
        %dma_wait3A_687 = arith.constant 0 : i32
        %dma_wait3A_688 = tpu.memref_slice %arg4[%dma_wait3A_686, %dma_wait3A_687] : memref<8192x2048xf32, #tpu.memory_space<hbm>> -> memref<2x2048xf32, #tpu.memory_space<hbm>>
        %dma_wait3A_689 = arith.constant 0 : i32
        %dma_wait3A_690 = arith.constant 0 : i32
        %dma_wait3A_691 = tpu.memref_slice %arg4[%dma_wait3A_689, %dma_wait3A_690] : memref<8192x2048xf32, #tpu.memory_space<hbm>> -> memref<2x2048xf32, #tpu.memory_space<hbm>>
        %dma_wait3A_692 = arith.constant 0 : i32
        %dma_wait3A_693 = arith.constant 0 : i32
        %dma_wait3A_694 = tpu.memref_slice %arg7[%dma_wait3A_681, %dma_wait3A_692, %dma_wait3A_693] : memref<8x2x2048xf32, #tpu.memory_space<vmem>> -> memref<1x2x2048xf32, #tpu.memory_space<vmem>>
        %dma_wait3A_695 = tpu.memref_squeeze %dma_wait3A_694 : memref<1x2x2048xf32, #tpu.memory_space<vmem>> -> memref<2x2048xf32, #tpu.memory_space<vmem>>
        tpu.wait_dma2 semaphore(%arg21 : memref<!tpu.dma_semaphore, #tpu.memory_space<semaphore_mem>>) src(%dma_wait3A_695 : memref<2x2048xf32, #tpu.memory_space<vmem>>) dst(%dma_wait3A_691 : memref<2x2048xf32, #tpu.memory_space<hbm>>)
      } else {
      }
      %parallel_loop3A_549 = arith.constant 0 : i32
      %parallel_loop3A_550 = arith.constant 128 : i32
      %parallel_loop3A_551 = arith.constant 1 : i32
      scf.for %parallel_loop3A_681 = %parallel_loop3A_549 to %parallel_loop3A_550 step %parallel_loop3A_551  : i32 {
        %parallel_loop3A_682 = arith.constant 16 : i32
        %parallel_loop3A_683 = arith.muli %parallel_loop3A_681, %parallel_loop3A_682 : i32
        %parallel_loop3A_684 = arith.constant 5 : i32
        %parallel_loop3A_685 = arith.constant 0 : i32
        %parallel_loop3A_686 = arith.index_cast %parallel_loop3A_684 : i32 to index
        %parallel_loop3A_687 = arith.index_cast %parallel_loop3A_685 : i32 to index
        %parallel_loop3A_688 = arith.index_cast %parallel_loop3A_683 : i32 to index
        %parallel_loop3A_689 = tpu.vector_load %arg6[%parallel_loop3A_686, %parallel_loop3A_687, %parallel_loop3A_688] {strides = array<i32>} : memref<8x2x2048xf32, #tpu.memory_space<vmem>>, vector<1x1x16xf32>,
        %parallel_loop3A_690 = vector.shape_cast %parallel_loop3A_689 : vector<1x1x16xf32> to vector<16xf32>
        %parallel_loop3A_691 = math.absf %parallel_loop3A_690 : vector<16xf32>
        %parallel_loop3A_692 = arith.cmpf ogt, %parallel_loop3A_691, %get3A_16 : vector<16xf32>
        %parallel_loop3A_693 = arith.select %parallel_loop3A_692, %get3A_11, %get3A_6 : vector<16xi1>, vector<16xf32>
        %parallel_loop3A_694 = tpu.bitcast %parallel_loop3A_690 : vector<16xf32> -> vector<16xi32>
        %parallel_loop3A_695 = arith.andi %parallel_loop3A_694, %broadcast_in_dim3A_17 : vector<16xi32>
        %parallel_loop3A_696 = tpu.bitcast %parallel_loop3A_693 : vector<16xf32> -> vector<16xi32>
        %parallel_loop3A_697 = arith.ori %parallel_loop3A_696, %parallel_loop3A_695 : vector<16xi32>
        %parallel_loop3A_698 = tpu.bitcast %parallel_loop3A_697 : vector<16xi32> -> vector<16xf32>
        %parallel_loop3A_699 = arith.constant 16 : i32
        %parallel_loop3A_700 = arith.muli %parallel_loop3A_681, %parallel_loop3A_699 : i32
        %parallel_loop3A_701 = arith.constant 5 : i32
        %parallel_loop3A_702 = arith.constant 0 : i32
        %parallel_loop3A_703 = arith.index_cast %parallel_loop3A_701 : i32 to index
        %parallel_loop3A_704 = arith.index_cast %parallel_loop3A_702 : i32 to index
        %parallel_loop3A_705 = arith.index_cast %parallel_loop3A_700 : i32 to index
        %parallel_loop3A_706 = tpu.vector_load %arg7[%parallel_loop3A_703, %parallel_loop3A_704, %parallel_loop3A_705] {strides = array<i32>} : memref<8x2x2048xf32, #tpu.memory_space<vmem>>, vector<1x1x16xf32>,
        %parallel_loop3A_707 = vector.shape_cast %parallel_loop3A_706 : vector<1x1x16xf32> to vector<16xf32>
        %parallel_loop3A_708 = vector.shape_cast %parallel_loop3A_698 : vector<16xf32> to vector<1x1x16xf32>
        tpu.vector_store %arg7[%parallel_loop3A_703, %parallel_loop3A_704, %parallel_loop3A_705], %parallel_loop3A_708 {strides = array<i32>} : memref<8x2x2048xf32, #tpu.memory_space<vmem>>, vector<1x1x16xf32>,
      } {sc.loop_unroll_factor = 16 : i64, sc.parallel_access}
      %parallel_loop3A_552 = arith.constant 0 : i32
      %parallel_loop3A_553 = arith.constant 128 : i32
      %parallel_loop3A_554 = arith.constant 1 : i32
      scf.for %parallel_loop3A_681 = %parallel_loop3A_552 to %parallel_loop3A_553 step %parallel_loop3A_554  : i32 {
        %parallel_loop3A_682 = arith.constant 16 : i32
        %parallel_loop3A_683 = arith.muli %parallel_loop3A_681, %parallel_loop3A_682 : i32
        %parallel_loop3A_684 = arith.constant 5 : i32
        %parallel_loop3A_685 = arith.constant 1 : i32
        %parallel_loop3A_686 = arith.index_cast %parallel_loop3A_684 : i32 to index
        %parallel_loop3A_687 = arith.index_cast %parallel_loop3A_685 : i32 to index
        %parallel_loop3A_688 = arith.index_cast %parallel_loop3A_683 : i32 to index
        %parallel_loop3A_689 = tpu.vector_load %arg6[%parallel_loop3A_686, %parallel_loop3A_687, %parallel_loop3A_688] {strides = array<i32>} : memref<8x2x2048xf32, #tpu.memory_space<vmem>>, vector<1x1x16xf32>,
        %parallel_loop3A_690 = vector.shape_cast %parallel_loop3A_689 : vector<1x1x16xf32> to vector<16xf32>
        %parallel_loop3A_691 = math.absf %parallel_loop3A_690 : vector<16xf32>
        %parallel_loop3A_692 = arith.cmpf ogt, %parallel_loop3A_691, %get3A_16 : vector<16xf32>
        %parallel_loop3A_693 = arith.select %parallel_loop3A_692, %get3A_11, %get3A_6 : vector<16xi1>, vector<16xf32>
        %parallel_loop3A_694 = tpu.bitcast %parallel_loop3A_690 : vector<16xf32> -> vector<16xi32>
        %parallel_loop3A_695 = arith.andi %parallel_loop3A_694, %broadcast_in_dim3A_17 : vector<16xi32>
        %parallel_loop3A_696 = tpu.bitcast %parallel_loop3A_693 : vector<16xf32> -> vector<16xi32>
        %parallel_loop3A_697 = arith.ori %parallel_loop3A_696, %parallel_loop3A_695 : vector<16xi32>
        %parallel_loop3A_698 = tpu.bitcast %parallel_loop3A_697 : vector<16xi32> -> vector<16xf32>
        %parallel_loop3A_699 = arith.constant 16 : i32
        %parallel_loop3A_700 = arith.muli %parallel_loop3A_681, %parallel_loop3A_699 : i32
        %parallel_loop3A_701 = arith.constant 5 : i32
        %parallel_loop3A_702 = arith.constant 1 : i32
        %parallel_loop3A_703 = arith.index_cast %parallel_loop3A_701 : i32 to index
        %parallel_loop3A_704 = arith.index_cast %parallel_loop3A_702 : i32 to index
        %parallel_loop3A_705 = arith.index_cast %parallel_loop3A_700 : i32 to index
        %parallel_loop3A_706 = tpu.vector_load %arg7[%parallel_loop3A_703, %parallel_loop3A_704, %parallel_loop3A_705] {strides = array<i32>} : memref<8x2x2048xf32, #tpu.memory_space<vmem>>, vector<1x1x16xf32>,
        %parallel_loop3A_707 = vector.shape_cast %parallel_loop3A_706 : vector<1x1x16xf32> to vector<16xf32>
        %parallel_loop3A_708 = vector.shape_cast %parallel_loop3A_698 : vector<16xf32> to vector<1x1x16xf32>
        tpu.vector_store %arg7[%parallel_loop3A_703, %parallel_loop3A_704, %parallel_loop3A_705], %parallel_loop3A_708 {strides = array<i32>} : memref<8x2x2048xf32, #tpu.memory_space<vmem>>, vector<1x1x16xf32>,
      } {sc.loop_unroll_factor = 16 : i64, sc.parallel_access}
      %mul3A_555 = arith.constant 2 : i32
      %mul3A_556 = arith.muli %add3A_519, %mul3A_555 : i32
      %add3A_557 = arith.addi %mul3A_2, %mul3A_556 : i32
      %dma_start3A_558 = arith.constant 5 : i32
      %dma_start3A_559 = arith.constant 0 : i32
      %dma_start3A_560 = arith.constant 0 : i32
      %dma_start3A_561 = tpu.memref_slice %arg7[%dma_start3A_558, %dma_start3A_559, %dma_start3A_560] : memref<8x2x2048xf32, #tpu.memory_space<vmem>> -> memref<1x2x2048xf32, #tpu.memory_space<vmem>>
      %dma_start3A_562 = tpu.memref_squeeze %dma_start3A_561 : memref<1x2x2048xf32, #tpu.memory_space<vmem>> -> memref<2x2048xf32, #tpu.memory_space<vmem>>
      %dma_start3A_563 = arith.constant 0 : i32
      %dma_start3A_564 = tpu.memref_slice %arg4[%add3A_557, %dma_start3A_563] : memref<8192x2048xf32, #tpu.memory_space<hbm>> -> memref<2x2048xf32, #tpu.memory_space<hbm>>
      %dma_start3A_565 = arith.constant 0 : i32
      %dma_start3A_566 = tpu.memref_slice %arg4[%add3A_557, %dma_start3A_565] : memref<8192x2048xf32, #tpu.memory_space<hbm>> -> memref<2x2048xf32, #tpu.memory_space<hbm>>
      %dma_start3A_567 = arith.constant 0 : i32
      %dma_start3A_568 = arith.constant 0 : i32
      %dma_start3A_569 = tpu.memref_slice %arg7[%dma_start3A_558, %dma_start3A_567, %dma_start3A_568] : memref<8x2x2048xf32, #tpu.memory_space<vmem>> -> memref<1x2x2048xf32, #tpu.memory_space<vmem>>
      %dma_start3A_570 = tpu.memref_squeeze %dma_start3A_569 : memref<1x2x2048xf32, #tpu.memory_space<vmem>> -> memref<2x2048xf32, #tpu.memory_space<vmem>>
      tpu.enqueue_dma source(%dma_start3A_570 : memref<2x2048xf32, #tpu.memory_space<vmem>>) target(%dma_start3A_566 : memref<2x2048xf32, #tpu.memory_space<hbm>>) target_semaphore(%arg21 : memref<!tpu.dma_semaphore, #tpu.memory_space<semaphore_mem>>)
      %mul3A_571 = arith.constant 8 : i32
      %mul3A_572 = arith.muli %scan3A_246, %mul3A_571 : i32
      %add3A_573 = arith.constant 6 : i32
      %add3A_574 = arith.addi %mul3A_572, %add3A_573 : i32
      %dma_wait3A_575 = arith.constant 6 : i32
      %dma_wait3A_576 = arith.constant 0 : i32
      %dma_wait3A_577 = arith.constant 0 : i32
      %dma_wait3A_578 = tpu.memref_slice %arg6[%dma_wait3A_575, %dma_wait3A_576, %dma_wait3A_577] : memref<8x2x2048xf32, #tpu.memory_space<vmem>> -> memref<1x2x2048xf32, #tpu.memory_space<vmem>>
      %dma_wait3A_579 = tpu.memref_squeeze %dma_wait3A_578 : memref<1x2x2048xf32, #tpu.memory_space<vmem>> -> memref<2x2048xf32, #tpu.memory_space<vmem>>
      %dma_wait3A_580 = arith.constant 0 : i32
      %dma_wait3A_581 = arith.constant 0 : i32
      %dma_wait3A_582 = tpu.memref_slice %arg3[%dma_wait3A_580, %dma_wait3A_581] : memref<8192x2048xf32, #tpu.memory_space<hbm>> -> memref<2x2048xf32, #tpu.memory_space<hbm>>
      %dma_wait3A_583 = arith.constant 0 : i32
      %dma_wait3A_584 = arith.constant 0 : i32
      %dma_wait3A_585 = tpu.memref_slice %arg6[%dma_wait3A_575, %dma_wait3A_583, %dma_wait3A_584] : memref<8x2x2048xf32, #tpu.memory_space<vmem>> -> memref<1x2x2048xf32, #tpu.memory_space<vmem>>
      %dma_wait3A_586 = tpu.memref_squeeze %dma_wait3A_585 : memref<1x2x2048xf32, #tpu.memory_space<vmem>> -> memref<2x2048xf32, #tpu.memory_space<vmem>>
      %dma_wait3A_587 = arith.constant 0 : i32
      %dma_wait3A_588 = arith.constant 0 : i32
      %dma_wait3A_589 = tpu.memref_slice %arg3[%dma_wait3A_587, %dma_wait3A_588] : memref<8192x2048xf32, #tpu.memory_space<hbm>> -> memref<2x2048xf32, #tpu.memory_space<hbm>>
      tpu.wait_dma2 semaphore(%arg14 : memref<!tpu.dma_semaphore, #tpu.memory_space<semaphore_mem>>) src(%dma_wait3A_589 : memref<2x2048xf32, #tpu.memory_space<hbm>>) dst(%dma_wait3A_586 : memref<2x2048xf32, #tpu.memory_space<vmem>>)
      %add3A_590 = arith.constant 8 : i32
      %add3A_591 = arith.addi %add3A_574, %add3A_590 : i32
      %sub3A_592 = arith.constant 1 : i32
      %sub3A_593 = arith.subi %add3A_591, %sub3A_592 : i32
      %lt3A_594 = arith.constant 128 : i32
      %lt3A_595 = arith.cmpi slt, %sub3A_593, %lt3A_594 : i32
      %convert_element_type3A_596 = arith.extui %lt3A_595 : i1 to i32
      %cond3A_597 = arith.constant 0 : i32
      %cond3A_598 = arith.cmpi ne, %convert_element_type3A_596, %cond3A_597 : i32
      scf.if %cond3A_598 {
        %add3A_681 = arith.constant 8 : i32
        %add3A_682 = arith.addi %add3A_574, %add3A_681 : i32
        %sub3A_683 = arith.constant 1 : i32
        %sub3A_684 = arith.subi %add3A_682, %sub3A_683 : i32
        %mul3A_685 = arith.constant 2 : i32
        %mul3A_686 = arith.muli %sub3A_684, %mul3A_685 : i32
        %add3A_687 = arith.addi %mul3A_2, %mul3A_686 : i32
        %dma_start3A_688 = arith.constant 5 : i32
        %dma_start3A_689 = arith.constant 0 : i32
        %dma_start3A_690 = arith.constant 0 : i32
        %dma_start3A_691 = tpu.memref_slice %arg6[%dma_start3A_688, %dma_start3A_689, %dma_start3A_690] : memref<8x2x2048xf32, #tpu.memory_space<vmem>> -> memref<1x2x2048xf32, #tpu.memory_space<vmem>>
        %dma_start3A_692 = tpu.memref_squeeze %dma_start3A_691 : memref<1x2x2048xf32, #tpu.memory_space<vmem>> -> memref<2x2048xf32, #tpu.memory_space<vmem>>
        %dma_start3A_693 = arith.constant 0 : i32
        %dma_start3A_694 = tpu.memref_slice %arg3[%add3A_687, %dma_start3A_693] : memref<8192x2048xf32, #tpu.memory_space<hbm>> -> memref<2x2048xf32, #tpu.memory_space<hbm>>
        %dma_start3A_695 = arith.constant 0 : i32
        %dma_start3A_696 = arith.constant 0 : i32
        %dma_start3A_697 = tpu.memref_slice %arg6[%dma_start3A_688, %dma_start3A_695, %dma_start3A_696] : memref<8x2x2048xf32, #tpu.memory_space<vmem>> -> memref<1x2x2048xf32, #tpu.memory_space<vmem>>
        %dma_start3A_698 = tpu.memref_squeeze %dma_start3A_697 : memref<1x2x2048xf32, #tpu.memory_space<vmem>> -> memref<2x2048xf32, #tpu.memory_space<vmem>>
        %dma_start3A_699 = arith.constant 0 : i32
        %dma_start3A_700 = tpu.memref_slice %arg3[%add3A_687, %dma_start3A_699] : memref<8192x2048xf32, #tpu.memory_space<hbm>> -> memref<2x2048xf32, #tpu.memory_space<hbm>>
        tpu.enqueue_dma source(%dma_start3A_700 : memref<2x2048xf32, #tpu.memory_space<hbm>>) target(%dma_start3A_698 : memref<2x2048xf32, #tpu.memory_space<vmem>>) target_semaphore(%arg13 : memref<!tpu.dma_semaphore, #tpu.memory_space<semaphore_mem>>)
      } else {
      }
      %ge3A_599 = arith.constant 8 : i32
      %ge3A_600 = arith.cmpi sge, %add3A_574, %ge3A_599 : i32
      %convert_element_type3A_601 = arith.extui %ge3A_600 : i1 to i32
      %cond3A_602 = arith.constant 0 : i32
      %cond3A_603 = arith.cmpi ne, %convert_element_type3A_601, %cond3A_602 : i32
      scf.if %cond3A_603 {
        %dma_wait3A_681 = arith.constant 6 : i32
        %dma_wait3A_682 = arith.constant 0 : i32
        %dma_wait3A_683 = arith.constant 0 : i32
        %dma_wait3A_684 = tpu.memref_slice %arg7[%dma_wait3A_681, %dma_wait3A_682, %dma_wait3A_683] : memref<8x2x2048xf32, #tpu.memory_space<vmem>> -> memref<1x2x2048xf32, #tpu.memory_space<vmem>>
        %dma_wait3A_685 = tpu.memref_squeeze %dma_wait3A_684 : memref<1x2x2048xf32, #tpu.memory_space<vmem>> -> memref<2x2048xf32, #tpu.memory_space<vmem>>
        %dma_wait3A_686 = arith.constant 0 : i32
        %dma_wait3A_687 = arith.constant 0 : i32
        %dma_wait3A_688 = tpu.memref_slice %arg4[%dma_wait3A_686, %dma_wait3A_687] : memref<8192x2048xf32, #tpu.memory_space<hbm>> -> memref<2x2048xf32, #tpu.memory_space<hbm>>
        %dma_wait3A_689 = arith.constant 0 : i32
        %dma_wait3A_690 = arith.constant 0 : i32
        %dma_wait3A_691 = tpu.memref_slice %arg4[%dma_wait3A_689, %dma_wait3A_690] : memref<8192x2048xf32, #tpu.memory_space<hbm>> -> memref<2x2048xf32, #tpu.memory_space<hbm>>
        %dma_wait3A_692 = arith.constant 0 : i32
        %dma_wait3A_693 = arith.constant 0 : i32
        %dma_wait3A_694 = tpu.memref_slice %arg7[%dma_wait3A_681, %dma_wait3A_692, %dma_wait3A_693] : memref<8x2x2048xf32, #tpu.memory_space<vmem>> -> memref<1x2x2048xf32, #tpu.memory_space<vmem>>
        %dma_wait3A_695 = tpu.memref_squeeze %dma_wait3A_694 : memref<1x2x2048xf32, #tpu.memory_space<vmem>> -> memref<2x2048xf32, #tpu.memory_space<vmem>>
        tpu.wait_dma2 semaphore(%arg22 : memref<!tpu.dma_semaphore, #tpu.memory_space<semaphore_mem>>) src(%dma_wait3A_695 : memref<2x2048xf32, #tpu.memory_space<vmem>>) dst(%dma_wait3A_691 : memref<2x2048xf32, #tpu.memory_space<hbm>>)
      } else {
      }
      %parallel_loop3A_604 = arith.constant 0 : i32
      %parallel_loop3A_605 = arith.constant 128 : i32
      %parallel_loop3A_606 = arith.constant 1 : i32
      scf.for %parallel_loop3A_681 = %parallel_loop3A_604 to %parallel_loop3A_605 step %parallel_loop3A_606  : i32 {
        %parallel_loop3A_682 = arith.constant 16 : i32
        %parallel_loop3A_683 = arith.muli %parallel_loop3A_681, %parallel_loop3A_682 : i32
        %parallel_loop3A_684 = arith.constant 6 : i32
        %parallel_loop3A_685 = arith.constant 0 : i32
        %parallel_loop3A_686 = arith.index_cast %parallel_loop3A_684 : i32 to index
        %parallel_loop3A_687 = arith.index_cast %parallel_loop3A_685 : i32 to index
        %parallel_loop3A_688 = arith.index_cast %parallel_loop3A_683 : i32 to index
        %parallel_loop3A_689 = tpu.vector_load %arg6[%parallel_loop3A_686, %parallel_loop3A_687, %parallel_loop3A_688] {strides = array<i32>} : memref<8x2x2048xf32, #tpu.memory_space<vmem>>, vector<1x1x16xf32>,
        %parallel_loop3A_690 = vector.shape_cast %parallel_loop3A_689 : vector<1x1x16xf32> to vector<16xf32>
        %parallel_loop3A_691 = math.absf %parallel_loop3A_690 : vector<16xf32>
        %parallel_loop3A_692 = arith.cmpf ogt, %parallel_loop3A_691, %get3A_16 : vector<16xf32>
        %parallel_loop3A_693 = arith.select %parallel_loop3A_692, %get3A_11, %get3A_6 : vector<16xi1>, vector<16xf32>
        %parallel_loop3A_694 = tpu.bitcast %parallel_loop3A_690 : vector<16xf32> -> vector<16xi32>
        %parallel_loop3A_695 = arith.andi %parallel_loop3A_694, %broadcast_in_dim3A_17 : vector<16xi32>
        %parallel_loop3A_696 = tpu.bitcast %parallel_loop3A_693 : vector<16xf32> -> vector<16xi32>
        %parallel_loop3A_697 = arith.ori %parallel_loop3A_696, %parallel_loop3A_695 : vector<16xi32>
        %parallel_loop3A_698 = tpu.bitcast %parallel_loop3A_697 : vector<16xi32> -> vector<16xf32>
        %parallel_loop3A_699 = arith.constant 16 : i32
        %parallel_loop3A_700 = arith.muli %parallel_loop3A_681, %parallel_loop3A_699 : i32
        %parallel_loop3A_701 = arith.constant 6 : i32
        %parallel_loop3A_702 = arith.constant 0 : i32
        %parallel_loop3A_703 = arith.index_cast %parallel_loop3A_701 : i32 to index
        %parallel_loop3A_704 = arith.index_cast %parallel_loop3A_702 : i32 to index
        %parallel_loop3A_705 = arith.index_cast %parallel_loop3A_700 : i32 to index
        %parallel_loop3A_706 = tpu.vector_load %arg7[%parallel_loop3A_703, %parallel_loop3A_704, %parallel_loop3A_705] {strides = array<i32>} : memref<8x2x2048xf32, #tpu.memory_space<vmem>>, vector<1x1x16xf32>,
        %parallel_loop3A_707 = vector.shape_cast %parallel_loop3A_706 : vector<1x1x16xf32> to vector<16xf32>
        %parallel_loop3A_708 = vector.shape_cast %parallel_loop3A_698 : vector<16xf32> to vector<1x1x16xf32>
        tpu.vector_store %arg7[%parallel_loop3A_703, %parallel_loop3A_704, %parallel_loop3A_705], %parallel_loop3A_708 {strides = array<i32>} : memref<8x2x2048xf32, #tpu.memory_space<vmem>>, vector<1x1x16xf32>,
      } {sc.loop_unroll_factor = 16 : i64, sc.parallel_access}
      %parallel_loop3A_607 = arith.constant 0 : i32
      %parallel_loop3A_608 = arith.constant 128 : i32
      %parallel_loop3A_609 = arith.constant 1 : i32
      scf.for %parallel_loop3A_681 = %parallel_loop3A_607 to %parallel_loop3A_608 step %parallel_loop3A_609  : i32 {
        %parallel_loop3A_682 = arith.constant 16 : i32
        %parallel_loop3A_683 = arith.muli %parallel_loop3A_681, %parallel_loop3A_682 : i32
        %parallel_loop3A_684 = arith.constant 6 : i32
        %parallel_loop3A_685 = arith.constant 1 : i32
        %parallel_loop3A_686 = arith.index_cast %parallel_loop3A_684 : i32 to index
        %parallel_loop3A_687 = arith.index_cast %parallel_loop3A_685 : i32 to index
        %parallel_loop3A_688 = arith.index_cast %parallel_loop3A_683 : i32 to index
        %parallel_loop3A_689 = tpu.vector_load %arg6[%parallel_loop3A_686, %parallel_loop3A_687, %parallel_loop3A_688] {strides = array<i32>} : memref<8x2x2048xf32, #tpu.memory_space<vmem>>, vector<1x1x16xf32>,
        %parallel_loop3A_690 = vector.shape_cast %parallel_loop3A_689 : vector<1x1x16xf32> to vector<16xf32>
        %parallel_loop3A_691 = math.absf %parallel_loop3A_690 : vector<16xf32>
        %parallel_loop3A_692 = arith.cmpf ogt, %parallel_loop3A_691, %get3A_16 : vector<16xf32>
        %parallel_loop3A_693 = arith.select %parallel_loop3A_692, %get3A_11, %get3A_6 : vector<16xi1>, vector<16xf32>
        %parallel_loop3A_694 = tpu.bitcast %parallel_loop3A_690 : vector<16xf32> -> vector<16xi32>
        %parallel_loop3A_695 = arith.andi %parallel_loop3A_694, %broadcast_in_dim3A_17 : vector<16xi32>
        %parallel_loop3A_696 = tpu.bitcast %parallel_loop3A_693 : vector<16xf32> -> vector<16xi32>
        %parallel_loop3A_697 = arith.ori %parallel_loop3A_696, %parallel_loop3A_695 : vector<16xi32>
        %parallel_loop3A_698 = tpu.bitcast %parallel_loop3A_697 : vector<16xi32> -> vector<16xf32>
        %parallel_loop3A_699 = arith.constant 16 : i32
        %parallel_loop3A_700 = arith.muli %parallel_loop3A_681, %parallel_loop3A_699 : i32
        %parallel_loop3A_701 = arith.constant 6 : i32
        %parallel_loop3A_702 = arith.constant 1 : i32
        %parallel_loop3A_703 = arith.index_cast %parallel_loop3A_701 : i32 to index
        %parallel_loop3A_704 = arith.index_cast %parallel_loop3A_702 : i32 to index
        %parallel_loop3A_705 = arith.index_cast %parallel_loop3A_700 : i32 to index
        %parallel_loop3A_706 = tpu.vector_load %arg7[%parallel_loop3A_703, %parallel_loop3A_704, %parallel_loop3A_705] {strides = array<i32>} : memref<8x2x2048xf32, #tpu.memory_space<vmem>>, vector<1x1x16xf32>,
        %parallel_loop3A_707 = vector.shape_cast %parallel_loop3A_706 : vector<1x1x16xf32> to vector<16xf32>
        %parallel_loop3A_708 = vector.shape_cast %parallel_loop3A_698 : vector<16xf32> to vector<1x1x16xf32>
        tpu.vector_store %arg7[%parallel_loop3A_703, %parallel_loop3A_704, %parallel_loop3A_705], %parallel_loop3A_708 {strides = array<i32>} : memref<8x2x2048xf32, #tpu.memory_space<vmem>>, vector<1x1x16xf32>,
      } {sc.loop_unroll_factor = 16 : i64, sc.parallel_access}
      %mul3A_610 = arith.constant 2 : i32
      %mul3A_611 = arith.muli %add3A_574, %mul3A_610 : i32
      %add3A_612 = arith.addi %mul3A_2, %mul3A_611 : i32
      %dma_start3A_613 = arith.constant 6 : i32
      %dma_start3A_614 = arith.constant 0 : i32
      %dma_start3A_615 = arith.constant 0 : i32
      %dma_start3A_616 = tpu.memref_slice %arg7[%dma_start3A_613, %dma_start3A_614, %dma_start3A_615] : memref<8x2x2048xf32, #tpu.memory_space<vmem>> -> memref<1x2x2048xf32, #tpu.memory_space<vmem>>
      %dma_start3A_617 = tpu.memref_squeeze %dma_start3A_616 : memref<1x2x2048xf32, #tpu.memory_space<vmem>> -> memref<2x2048xf32, #tpu.memory_space<vmem>>
      %dma_start3A_618 = arith.constant 0 : i32
      %dma_start3A_619 = tpu.memref_slice %arg4[%add3A_612, %dma_start3A_618] : memref<8192x2048xf32, #tpu.memory_space<hbm>> -> memref<2x2048xf32, #tpu.memory_space<hbm>>
      %dma_start3A_620 = arith.constant 0 : i32
      %dma_start3A_621 = tpu.memref_slice %arg4[%add3A_612, %dma_start3A_620] : memref<8192x2048xf32, #tpu.memory_space<hbm>> -> memref<2x2048xf32, #tpu.memory_space<hbm>>
      %dma_start3A_622 = arith.constant 0 : i32
      %dma_start3A_623 = arith.constant 0 : i32
      %dma_start3A_624 = tpu.memref_slice %arg7[%dma_start3A_613, %dma_start3A_622, %dma_start3A_623] : memref<8x2x2048xf32, #tpu.memory_space<vmem>> -> memref<1x2x2048xf32, #tpu.memory_space<vmem>>
      %dma_start3A_625 = tpu.memref_squeeze %dma_start3A_624 : memref<1x2x2048xf32, #tpu.memory_space<vmem>> -> memref<2x2048xf32, #tpu.memory_space<vmem>>
      tpu.enqueue_dma source(%dma_start3A_625 : memref<2x2048xf32, #tpu.memory_space<vmem>>) target(%dma_start3A_621 : memref<2x2048xf32, #tpu.memory_space<hbm>>) target_semaphore(%arg22 : memref<!tpu.dma_semaphore, #tpu.memory_space<semaphore_mem>>)
      %mul3A_626 = arith.constant 8 : i32
      %mul3A_627 = arith.muli %scan3A_246, %mul3A_626 : i32
      %add3A_628 = arith.constant 7 : i32
      %add3A_629 = arith.addi %mul3A_627, %add3A_628 : i32
      %dma_wait3A_630 = arith.constant 7 : i32
      %dma_wait3A_631 = arith.constant 0 : i32
      %dma_wait3A_632 = arith.constant 0 : i32
      %dma_wait3A_633 = tpu.memref_slice %arg6[%dma_wait3A_630, %dma_wait3A_631, %dma_wait3A_632] : memref<8x2x2048xf32, #tpu.memory_space<vmem>> -> memref<1x2x2048xf32, #tpu.memory_space<vmem>>
      %dma_wait3A_634 = tpu.memref_squeeze %dma_wait3A_633 : memref<1x2x2048xf32, #tpu.memory_space<vmem>> -> memref<2x2048xf32, #tpu.memory_space<vmem>>
      %dma_wait3A_635 = arith.constant 0 : i32
      %dma_wait3A_636 = arith.constant 0 : i32
      %dma_wait3A_637 = tpu.memref_slice %arg3[%dma_wait3A_635, %dma_wait3A_636] : memref<8192x2048xf32, #tpu.memory_space<hbm>> -> memref<2x2048xf32, #tpu.memory_space<hbm>>
      %dma_wait3A_638 = arith.constant 0 : i32
      %dma_wait3A_639 = arith.constant 0 : i32
      %dma_wait3A_640 = tpu.memref_slice %arg6[%dma_wait3A_630, %dma_wait3A_638, %dma_wait3A_639] : memref<8x2x2048xf32, #tpu.memory_space<vmem>> -> memref<1x2x2048xf32, #tpu.memory_space<vmem>>
      %dma_wait3A_641 = tpu.memref_squeeze %dma_wait3A_640 : memref<1x2x2048xf32, #tpu.memory_space<vmem>> -> memref<2x2048xf32, #tpu.memory_space<vmem>>
      %dma_wait3A_642 = arith.constant 0 : i32
      %dma_wait3A_643 = arith.constant 0 : i32
      %dma_wait3A_644 = tpu.memref_slice %arg3[%dma_wait3A_642, %dma_wait3A_643] : memref<8192x2048xf32, #tpu.memory_space<hbm>> -> memref<2x2048xf32, #tpu.memory_space<hbm>>
      tpu.wait_dma2 semaphore(%arg15 : memref<!tpu.dma_semaphore, #tpu.memory_space<semaphore_mem>>) src(%dma_wait3A_644 : memref<2x2048xf32, #tpu.memory_space<hbm>>) dst(%dma_wait3A_641 : memref<2x2048xf32, #tpu.memory_space<vmem>>)
      %add3A_645 = arith.constant 8 : i32
      %add3A_646 = arith.addi %add3A_629, %add3A_645 : i32
      %sub3A_647 = arith.constant 1 : i32
      %sub3A_648 = arith.subi %add3A_646, %sub3A_647 : i32
      %lt3A_649 = arith.constant 128 : i32
      %lt3A_650 = arith.cmpi slt, %sub3A_648, %lt3A_649 : i32
      %convert_element_type3A_651 = arith.extui %lt3A_650 : i1 to i32
      %cond3A_652 = arith.constant 0 : i32
      %cond3A_653 = arith.cmpi ne, %convert_element_type3A_651, %cond3A_652 : i32
      scf.if %cond3A_653 {
        %add3A_681 = arith.constant 8 : i32
        %add3A_682 = arith.addi %add3A_629, %add3A_681 : i32
        %sub3A_683 = arith.constant 1 : i32
        %sub3A_684 = arith.subi %add3A_682, %sub3A_683 : i32
        %mul3A_685 = arith.constant 2 : i32
        %mul3A_686 = arith.muli %sub3A_684, %mul3A_685 : i32
        %add3A_687 = arith.addi %mul3A_2, %mul3A_686 : i32
        %dma_start3A_688 = arith.constant 6 : i32
        %dma_start3A_689 = arith.constant 0 : i32
        %dma_start3A_690 = arith.constant 0 : i32
        %dma_start3A_691 = tpu.memref_slice %arg6[%dma_start3A_688, %dma_start3A_689, %dma_start3A_690] : memref<8x2x2048xf32, #tpu.memory_space<vmem>> -> memref<1x2x2048xf32, #tpu.memory_space<vmem>>
        %dma_start3A_692 = tpu.memref_squeeze %dma_start3A_691 : memref<1x2x2048xf32, #tpu.memory_space<vmem>> -> memref<2x2048xf32, #tpu.memory_space<vmem>>
        %dma_start3A_693 = arith.constant 0 : i32
        %dma_start3A_694 = tpu.memref_slice %arg3[%add3A_687, %dma_start3A_693] : memref<8192x2048xf32, #tpu.memory_space<hbm>> -> memref<2x2048xf32, #tpu.memory_space<hbm>>
        %dma_start3A_695 = arith.constant 0 : i32
        %dma_start3A_696 = arith.constant 0 : i32
        %dma_start3A_697 = tpu.memref_slice %arg6[%dma_start3A_688, %dma_start3A_695, %dma_start3A_696] : memref<8x2x2048xf32, #tpu.memory_space<vmem>> -> memref<1x2x2048xf32, #tpu.memory_space<vmem>>
        %dma_start3A_698 = tpu.memref_squeeze %dma_start3A_697 : memref<1x2x2048xf32, #tpu.memory_space<vmem>> -> memref<2x2048xf32, #tpu.memory_space<vmem>>
        %dma_start3A_699 = arith.constant 0 : i32
        %dma_start3A_700 = tpu.memref_slice %arg3[%add3A_687, %dma_start3A_699] : memref<8192x2048xf32, #tpu.memory_space<hbm>> -> memref<2x2048xf32, #tpu.memory_space<hbm>>
        tpu.enqueue_dma source(%dma_start3A_700 : memref<2x2048xf32, #tpu.memory_space<hbm>>) target(%dma_start3A_698 : memref<2x2048xf32, #tpu.memory_space<vmem>>) target_semaphore(%arg14 : memref<!tpu.dma_semaphore, #tpu.memory_space<semaphore_mem>>)
      } else {
      }
      %ge3A_654 = arith.constant 8 : i32
      %ge3A_655 = arith.cmpi sge, %add3A_629, %ge3A_654 : i32
      %convert_element_type3A_656 = arith.extui %ge3A_655 : i1 to i32
      %cond3A_657 = arith.constant 0 : i32
      %cond3A_658 = arith.cmpi ne, %convert_element_type3A_656, %cond3A_657 : i32
      scf.if %cond3A_658 {
        %dma_wait3A_681 = arith.constant 7 : i32
        %dma_wait3A_682 = arith.constant 0 : i32
        %dma_wait3A_683 = arith.constant 0 : i32
        %dma_wait3A_684 = tpu.memref_slice %arg7[%dma_wait3A_681, %dma_wait3A_682, %dma_wait3A_683] : memref<8x2x2048xf32, #tpu.memory_space<vmem>> -> memref<1x2x2048xf32, #tpu.memory_space<vmem>>
        %dma_wait3A_685 = tpu.memref_squeeze %dma_wait3A_684 : memref<1x2x2048xf32, #tpu.memory_space<vmem>> -> memref<2x2048xf32, #tpu.memory_space<vmem>>
        %dma_wait3A_686 = arith.constant 0 : i32
        %dma_wait3A_687 = arith.constant 0 : i32
        %dma_wait3A_688 = tpu.memref_slice %arg4[%dma_wait3A_686, %dma_wait3A_687] : memref<8192x2048xf32, #tpu.memory_space<hbm>> -> memref<2x2048xf32, #tpu.memory_space<hbm>>
        %dma_wait3A_689 = arith.constant 0 : i32
        %dma_wait3A_690 = arith.constant 0 : i32
        %dma_wait3A_691 = tpu.memref_slice %arg4[%dma_wait3A_689, %dma_wait3A_690] : memref<8192x2048xf32, #tpu.memory_space<hbm>> -> memref<2x2048xf32, #tpu.memory_space<hbm>>
        %dma_wait3A_692 = arith.constant 0 : i32
        %dma_wait3A_693 = arith.constant 0 : i32
        %dma_wait3A_694 = tpu.memref_slice %arg7[%dma_wait3A_681, %dma_wait3A_692, %dma_wait3A_693] : memref<8x2x2048xf32, #tpu.memory_space<vmem>> -> memref<1x2x2048xf32, #tpu.memory_space<vmem>>
        %dma_wait3A_695 = tpu.memref_squeeze %dma_wait3A_694 : memref<1x2x2048xf32, #tpu.memory_space<vmem>> -> memref<2x2048xf32, #tpu.memory_space<vmem>>
        tpu.wait_dma2 semaphore(%arg23 : memref<!tpu.dma_semaphore, #tpu.memory_space<semaphore_mem>>) src(%dma_wait3A_695 : memref<2x2048xf32, #tpu.memory_space<vmem>>) dst(%dma_wait3A_691 : memref<2x2048xf32, #tpu.memory_space<hbm>>)
      } else {
      }
      %parallel_loop3A_659 = arith.constant 0 : i32
      %parallel_loop3A_660 = arith.constant 128 : i32
      %parallel_loop3A_661 = arith.constant 1 : i32
      scf.for %parallel_loop3A_681 = %parallel_loop3A_659 to %parallel_loop3A_660 step %parallel_loop3A_661  : i32 {
        %parallel_loop3A_682 = arith.constant 16 : i32
        %parallel_loop3A_683 = arith.muli %parallel_loop3A_681, %parallel_loop3A_682 : i32
        %parallel_loop3A_684 = arith.constant 7 : i32
        %parallel_loop3A_685 = arith.constant 0 : i32
        %parallel_loop3A_686 = arith.index_cast %parallel_loop3A_684 : i32 to index
        %parallel_loop3A_687 = arith.index_cast %parallel_loop3A_685 : i32 to index
        %parallel_loop3A_688 = arith.index_cast %parallel_loop3A_683 : i32 to index
        %parallel_loop3A_689 = tpu.vector_load %arg6[%parallel_loop3A_686, %parallel_loop3A_687, %parallel_loop3A_688] {strides = array<i32>} : memref<8x2x2048xf32, #tpu.memory_space<vmem>>, vector<1x1x16xf32>,
        %parallel_loop3A_690 = vector.shape_cast %parallel_loop3A_689 : vector<1x1x16xf32> to vector<16xf32>
        %parallel_loop3A_691 = math.absf %parallel_loop3A_690 : vector<16xf32>
        %parallel_loop3A_692 = arith.cmpf ogt, %parallel_loop3A_691, %get3A_16 : vector<16xf32>
        %parallel_loop3A_693 = arith.select %parallel_loop3A_692, %get3A_11, %get3A_6 : vector<16xi1>, vector<16xf32>
        %parallel_loop3A_694 = tpu.bitcast %parallel_loop3A_690 : vector<16xf32> -> vector<16xi32>
        %parallel_loop3A_695 = arith.andi %parallel_loop3A_694, %broadcast_in_dim3A_17 : vector<16xi32>
        %parallel_loop3A_696 = tpu.bitcast %parallel_loop3A_693 : vector<16xf32> -> vector<16xi32>
        %parallel_loop3A_697 = arith.ori %parallel_loop3A_696, %parallel_loop3A_695 : vector<16xi32>
        %parallel_loop3A_698 = tpu.bitcast %parallel_loop3A_697 : vector<16xi32> -> vector<16xf32>
        %parallel_loop3A_699 = arith.constant 16 : i32
        %parallel_loop3A_700 = arith.muli %parallel_loop3A_681, %parallel_loop3A_699 : i32
        %parallel_loop3A_701 = arith.constant 7 : i32
        %parallel_loop3A_702 = arith.constant 0 : i32
        %parallel_loop3A_703 = arith.index_cast %parallel_loop3A_701 : i32 to index
        %parallel_loop3A_704 = arith.index_cast %parallel_loop3A_702 : i32 to index
        %parallel_loop3A_705 = arith.index_cast %parallel_loop3A_700 : i32 to index
        %parallel_loop3A_706 = tpu.vector_load %arg7[%parallel_loop3A_703, %parallel_loop3A_704, %parallel_loop3A_705] {strides = array<i32>} : memref<8x2x2048xf32, #tpu.memory_space<vmem>>, vector<1x1x16xf32>,
        %parallel_loop3A_707 = vector.shape_cast %parallel_loop3A_706 : vector<1x1x16xf32> to vector<16xf32>
        %parallel_loop3A_708 = vector.shape_cast %parallel_loop3A_698 : vector<16xf32> to vector<1x1x16xf32>
        tpu.vector_store %arg7[%parallel_loop3A_703, %parallel_loop3A_704, %parallel_loop3A_705], %parallel_loop3A_708 {strides = array<i32>} : memref<8x2x2048xf32, #tpu.memory_space<vmem>>, vector<1x1x16xf32>,
      } {sc.loop_unroll_factor = 16 : i64, sc.parallel_access}
      %parallel_loop3A_662 = arith.constant 0 : i32
      %parallel_loop3A_663 = arith.constant 128 : i32
      %parallel_loop3A_664 = arith.constant 1 : i32
      scf.for %parallel_loop3A_681 = %parallel_loop3A_662 to %parallel_loop3A_663 step %parallel_loop3A_664  : i32 {
        %parallel_loop3A_682 = arith.constant 16 : i32
        %parallel_loop3A_683 = arith.muli %parallel_loop3A_681, %parallel_loop3A_682 : i32
        %parallel_loop3A_684 = arith.constant 7 : i32
        %parallel_loop3A_685 = arith.constant 1 : i32
        %parallel_loop3A_686 = arith.index_cast %parallel_loop3A_684 : i32 to index
        %parallel_loop3A_687 = arith.index_cast %parallel_loop3A_685 : i32 to index
        %parallel_loop3A_688 = arith.index_cast %parallel_loop3A_683 : i32 to index
        %parallel_loop3A_689 = tpu.vector_load %arg6[%parallel_loop3A_686, %parallel_loop3A_687, %parallel_loop3A_688] {strides = array<i32>} : memref<8x2x2048xf32, #tpu.memory_space<vmem>>, vector<1x1x16xf32>,
        %parallel_loop3A_690 = vector.shape_cast %parallel_loop3A_689 : vector<1x1x16xf32> to vector<16xf32>
        %parallel_loop3A_691 = math.absf %parallel_loop3A_690 : vector<16xf32>
        %parallel_loop3A_692 = arith.cmpf ogt, %parallel_loop3A_691, %get3A_16 : vector<16xf32>
        %parallel_loop3A_693 = arith.select %parallel_loop3A_692, %get3A_11, %get3A_6 : vector<16xi1>, vector<16xf32>
        %parallel_loop3A_694 = tpu.bitcast %parallel_loop3A_690 : vector<16xf32> -> vector<16xi32>
        %parallel_loop3A_695 = arith.andi %parallel_loop3A_694, %broadcast_in_dim3A_17 : vector<16xi32>
        %parallel_loop3A_696 = tpu.bitcast %parallel_loop3A_693 : vector<16xf32> -> vector<16xi32>
        %parallel_loop3A_697 = arith.ori %parallel_loop3A_696, %parallel_loop3A_695 : vector<16xi32>
        %parallel_loop3A_698 = tpu.bitcast %parallel_loop3A_697 : vector<16xi32> -> vector<16xf32>
        %parallel_loop3A_699 = arith.constant 16 : i32
        %parallel_loop3A_700 = arith.muli %parallel_loop3A_681, %parallel_loop3A_699 : i32
        %parallel_loop3A_701 = arith.constant 7 : i32
        %parallel_loop3A_702 = arith.constant 1 : i32
        %parallel_loop3A_703 = arith.index_cast %parallel_loop3A_701 : i32 to index
        %parallel_loop3A_704 = arith.index_cast %parallel_loop3A_702 : i32 to index
        %parallel_loop3A_705 = arith.index_cast %parallel_loop3A_700 : i32 to index
        %parallel_loop3A_706 = tpu.vector_load %arg7[%parallel_loop3A_703, %parallel_loop3A_704, %parallel_loop3A_705] {strides = array<i32>} : memref<8x2x2048xf32, #tpu.memory_space<vmem>>, vector<1x1x16xf32>,
        %parallel_loop3A_707 = vector.shape_cast %parallel_loop3A_706 : vector<1x1x16xf32> to vector<16xf32>
        %parallel_loop3A_708 = vector.shape_cast %parallel_loop3A_698 : vector<16xf32> to vector<1x1x16xf32>
        tpu.vector_store %arg7[%parallel_loop3A_703, %parallel_loop3A_704, %parallel_loop3A_705], %parallel_loop3A_708 {strides = array<i32>} : memref<8x2x2048xf32, #tpu.memory_space<vmem>>, vector<1x1x16xf32>,
      } {sc.loop_unroll_factor = 16 : i64, sc.parallel_access}
      %mul3A_665 = arith.constant 2 : i32
      %mul3A_666 = arith.muli %add3A_629, %mul3A_665 : i32
      %add3A_667 = arith.addi %mul3A_2, %mul3A_666 : i32
      %dma_start3A_668 = arith.constant 7 : i32
      %dma_start3A_669 = arith.constant 0 : i32
      %dma_start3A_670 = arith.constant 0 : i32
      %dma_start3A_671 = tpu.memref_slice %arg7[%dma_start3A_668, %dma_start3A_669, %dma_start3A_670] : memref<8x2x2048xf32, #tpu.memory_space<vmem>> -> memref<1x2x2048xf32, #tpu.memory_space<vmem>>
      %dma_start3A_672 = tpu.memref_squeeze %dma_start3A_671 : memref<1x2x2048xf32, #tpu.memory_space<vmem>> -> memref<2x2048xf32, #tpu.memory_space<vmem>>
      %dma_start3A_673 = arith.constant 0 : i32
      %dma_start3A_674 = tpu.memref_slice %arg4[%add3A_667, %dma_start3A_673] : memref<8192x2048xf32, #tpu.memory_space<hbm>> -> memref<2x2048xf32, #tpu.memory_space<hbm>>
      %dma_start3A_675 = arith.constant 0 : i32
      %dma_start3A_676 = tpu.memref_slice %arg4[%add3A_667, %dma_start3A_675] : memref<8192x2048xf32, #tpu.memory_space<hbm>> -> memref<2x2048xf32, #tpu.memory_space<hbm>>
      %dma_start3A_677 = arith.constant 0 : i32
      %dma_start3A_678 = arith.constant 0 : i32
      %dma_start3A_679 = tpu.memref_slice %arg7[%dma_start3A_668, %dma_start3A_677, %dma_start3A_678] : memref<8x2x2048xf32, #tpu.memory_space<vmem>> -> memref<1x2x2048xf32, #tpu.memory_space<vmem>>
      %dma_start3A_680 = tpu.memref_squeeze %dma_start3A_679 : memref<1x2x2048xf32, #tpu.memory_space<vmem>> -> memref<2x2048xf32, #tpu.memory_space<vmem>>
      tpu.enqueue_dma source(%dma_start3A_680 : memref<2x2048xf32, #tpu.memory_space<vmem>>) target(%dma_start3A_676 : memref<2x2048xf32, #tpu.memory_space<hbm>>) target_semaphore(%arg23 : memref<!tpu.dma_semaphore, #tpu.memory_space<semaphore_mem>>)
    }
    %scan3A_126 = arith.constant 16 : i32
    %dma_wait3A = arith.constant 0 : i32
    %dma_wait3A_127 = arith.constant 0 : i32
    %dma_wait3A_128 = arith.constant 0 : i32
    %dma_wait3A_129 = tpu.memref_slice %arg7[%dma_wait3A, %dma_wait3A_127, %dma_wait3A_128] : memref<8x2x2048xf32, #tpu.memory_space<vmem>> -> memref<1x2x2048xf32, #tpu.memory_space<vmem>>
    %dma_wait3A_130 = tpu.memref_squeeze %dma_wait3A_129 : memref<1x2x2048xf32, #tpu.memory_space<vmem>> -> memref<2x2048xf32, #tpu.memory_space<vmem>>
    %dma_wait3A_131 = arith.constant 0 : i32
    %dma_wait3A_132 = arith.constant 0 : i32
    %dma_wait3A_133 = tpu.memref_slice %arg4[%dma_wait3A_131, %dma_wait3A_132] : memref<8192x2048xf32, #tpu.memory_space<hbm>> -> memref<2x2048xf32, #tpu.memory_space<hbm>>
    %dma_wait3A_134 = arith.constant 0 : i32
    %dma_wait3A_135 = arith.constant 0 : i32
    %dma_wait3A_136 = tpu.memref_slice %arg4[%dma_wait3A_134, %dma_wait3A_135] : memref<8192x2048xf32, #tpu.memory_space<hbm>> -> memref<2x2048xf32, #tpu.memory_space<hbm>>
    %dma_wait3A_137 = arith.constant 0 : i32
    %dma_wait3A_138 = arith.constant 0 : i32
    %dma_wait3A_139 = tpu.memref_slice %arg7[%dma_wait3A, %dma_wait3A_137, %dma_wait3A_138] : memref<8x2x2048xf32, #tpu.memory_space<vmem>> -> memref<1x2x2048xf32, #tpu.memory_space<vmem>>
    %dma_wait3A_140 = tpu.memref_squeeze %dma_wait3A_139 : memref<1x2x2048xf32, #tpu.memory_space<vmem>> -> memref<2x2048xf32, #tpu.memory_space<vmem>>
    tpu.wait_dma2 semaphore(%arg16 : memref<!tpu.dma_semaphore, #tpu.memory_space<semaphore_mem>>) src(%dma_wait3A_140 : memref<2x2048xf32, #tpu.memory_space<vmem>>) dst(%dma_wait3A_136 : memref<2x2048xf32, #tpu.memory_space<hbm>>)
    %dma_wait3A_141 = arith.constant 1 : i32
    %dma_wait3A_142 = arith.constant 0 : i32
    %dma_wait3A_143 = arith.constant 0 : i32
    %dma_wait3A_144 = tpu.memref_slice %arg7[%dma_wait3A_141, %dma_wait3A_142, %dma_wait3A_143] : memref<8x2x2048xf32, #tpu.memory_space<vmem>> -> memref<1x2x2048xf32, #tpu.memory_space<vmem>>
    %dma_wait3A_145 = tpu.memref_squeeze %dma_wait3A_144 : memref<1x2x2048xf32, #tpu.memory_space<vmem>> -> memref<2x2048xf32, #tpu.memory_space<vmem>>
    %dma_wait3A_146 = arith.constant 0 : i32
    %dma_wait3A_147 = arith.constant 0 : i32
    %dma_wait3A_148 = tpu.memref_slice %arg4[%dma_wait3A_146, %dma_wait3A_147] : memref<8192x2048xf32, #tpu.memory_space<hbm>> -> memref<2x2048xf32, #tpu.memory_space<hbm>>
    %dma_wait3A_149 = arith.constant 0 : i32
    %dma_wait3A_150 = arith.constant 0 : i32
    %dma_wait3A_151 = tpu.memref_slice %arg4[%dma_wait3A_149, %dma_wait3A_150] : memref<8192x2048xf32, #tpu.memory_space<hbm>> -> memref<2x2048xf32, #tpu.memory_space<hbm>>
    %dma_wait3A_152 = arith.constant 0 : i32
    %dma_wait3A_153 = arith.constant 0 : i32
    %dma_wait3A_154 = tpu.memref_slice %arg7[%dma_wait3A_141, %dma_wait3A_152, %dma_wait3A_153] : memref<8x2x2048xf32, #tpu.memory_space<vmem>> -> memref<1x2x2048xf32, #tpu.memory_space<vmem>>
    %dma_wait3A_155 = tpu.memref_squeeze %dma_wait3A_154 : memref<1x2x2048xf32, #tpu.memory_space<vmem>> -> memref<2x2048xf32, #tpu.memory_space<vmem>>
    tpu.wait_dma2 semaphore(%arg17 : memref<!tpu.dma_semaphore, #tpu.memory_space<semaphore_mem>>) src(%dma_wait3A_155 : memref<2x2048xf32, #tpu.memory_space<vmem>>) dst(%dma_wait3A_151 : memref<2x2048xf32, #tpu.memory_space<hbm>>)
    %dma_wait3A_156 = arith.constant 2 : i32
    %dma_wait3A_157 = arith.constant 0 : i32
    %dma_wait3A_158 = arith.constant 0 : i32
    %dma_wait3A_159 = tpu.memref_slice %arg7[%dma_wait3A_156, %dma_wait3A_157, %dma_wait3A_158] : memref<8x2x2048xf32, #tpu.memory_space<vmem>> -> memref<1x2x2048xf32, #tpu.memory_space<vmem>>
    %dma_wait3A_160 = tpu.memref_squeeze %dma_wait3A_159 : memref<1x2x2048xf32, #tpu.memory_space<vmem>> -> memref<2x2048xf32, #tpu.memory_space<vmem>>
    %dma_wait3A_161 = arith.constant 0 : i32
    %dma_wait3A_162 = arith.constant 0 : i32
    %dma_wait3A_163 = tpu.memref_slice %arg4[%dma_wait3A_161, %dma_wait3A_162] : memref<8192x2048xf32, #tpu.memory_space<hbm>> -> memref<2x2048xf32, #tpu.memory_space<hbm>>
    %dma_wait3A_164 = arith.constant 0 : i32
    %dma_wait3A_165 = arith.constant 0 : i32
    %dma_wait3A_166 = tpu.memref_slice %arg4[%dma_wait3A_164, %dma_wait3A_165] : memref<8192x2048xf32, #tpu.memory_space<hbm>> -> memref<2x2048xf32, #tpu.memory_space<hbm>>
    %dma_wait3A_167 = arith.constant 0 : i32
    %dma_wait3A_168 = arith.constant 0 : i32
    %dma_wait3A_169 = tpu.memref_slice %arg7[%dma_wait3A_156, %dma_wait3A_167, %dma_wait3A_168] : memref<8x2x2048xf32, #tpu.memory_space<vmem>> -> memref<1x2x2048xf32, #tpu.memory_space<vmem>>
    %dma_wait3A_170 = tpu.memref_squeeze %dma_wait3A_169 : memref<1x2x2048xf32, #tpu.memory_space<vmem>> -> memref<2x2048xf32, #tpu.memory_space<vmem>>
    tpu.wait_dma2 semaphore(%arg18 : memref<!tpu.dma_semaphore, #tpu.memory_space<semaphore_mem>>) src(%dma_wait3A_170 : memref<2x2048xf32, #tpu.memory_space<vmem>>) dst(%dma_wait3A_166 : memref<2x2048xf32, #tpu.memory_space<hbm>>)
    %dma_wait3A_171 = arith.constant 3 : i32
    %dma_wait3A_172 = arith.constant 0 : i32
    %dma_wait3A_173 = arith.constant 0 : i32
    %dma_wait3A_174 = tpu.memref_slice %arg7[%dma_wait3A_171, %dma_wait3A_172, %dma_wait3A_173] : memref<8x2x2048xf32, #tpu.memory_space<vmem>> -> memref<1x2x2048xf32, #tpu.memory_space<vmem>>
    %dma_wait3A_175 = tpu.memref_squeeze %dma_wait3A_174 : memref<1x2x2048xf32, #tpu.memory_space<vmem>> -> memref<2x2048xf32, #tpu.memory_space<vmem>>
    %dma_wait3A_176 = arith.constant 0 : i32
    %dma_wait3A_177 = arith.constant 0 : i32
    %dma_wait3A_178 = tpu.memref_slice %arg4[%dma_wait3A_176, %dma_wait3A_177] : memref<8192x2048xf32, #tpu.memory_space<hbm>> -> memref<2x2048xf32, #tpu.memory_space<hbm>>
    %dma_wait3A_179 = arith.constant 0 : i32
    %dma_wait3A_180 = arith.constant 0 : i32
    %dma_wait3A_181 = tpu.memref_slice %arg4[%dma_wait3A_179, %dma_wait3A_180] : memref<8192x2048xf32, #tpu.memory_space<hbm>> -> memref<2x2048xf32, #tpu.memory_space<hbm>>
    %dma_wait3A_182 = arith.constant 0 : i32
    %dma_wait3A_183 = arith.constant 0 : i32
    %dma_wait3A_184 = tpu.memref_slice %arg7[%dma_wait3A_171, %dma_wait3A_182, %dma_wait3A_183] : memref<8x2x2048xf32, #tpu.memory_space<vmem>> -> memref<1x2x2048xf32, #tpu.memory_space<vmem>>
    %dma_wait3A_185 = tpu.memref_squeeze %dma_wait3A_184 : memref<1x2x2048xf32, #tpu.memory_space<vmem>> -> memref<2x2048xf32, #tpu.memory_space<vmem>>
    tpu.wait_dma2 semaphore(%arg19 : memref<!tpu.dma_semaphore, #tpu.memory_space<semaphore_mem>>) src(%dma_wait3A_185 : memref<2x2048xf32, #tpu.memory_space<vmem>>) dst(%dma_wait3A_181 : memref<2x2048xf32, #tpu.memory_space<hbm>>)
    %dma_wait3A_186 = arith.constant 4 : i32
    %dma_wait3A_187 = arith.constant 0 : i32
    %dma_wait3A_188 = arith.constant 0 : i32
    %dma_wait3A_189 = tpu.memref_slice %arg7[%dma_wait3A_186, %dma_wait3A_187, %dma_wait3A_188] : memref<8x2x2048xf32, #tpu.memory_space<vmem>> -> memref<1x2x2048xf32, #tpu.memory_space<vmem>>
    %dma_wait3A_190 = tpu.memref_squeeze %dma_wait3A_189 : memref<1x2x2048xf32, #tpu.memory_space<vmem>> -> memref<2x2048xf32, #tpu.memory_space<vmem>>
    %dma_wait3A_191 = arith.constant 0 : i32
    %dma_wait3A_192 = arith.constant 0 : i32
    %dma_wait3A_193 = tpu.memref_slice %arg4[%dma_wait3A_191, %dma_wait3A_192] : memref<8192x2048xf32, #tpu.memory_space<hbm>> -> memref<2x2048xf32, #tpu.memory_space<hbm>>
    %dma_wait3A_194 = arith.constant 0 : i32
    %dma_wait3A_195 = arith.constant 0 : i32
    %dma_wait3A_196 = tpu.memref_slice %arg4[%dma_wait3A_194, %dma_wait3A_195] : memref<8192x2048xf32, #tpu.memory_space<hbm>> -> memref<2x2048xf32, #tpu.memory_space<hbm>>
    %dma_wait3A_197 = arith.constant 0 : i32
    %dma_wait3A_198 = arith.constant 0 : i32
    %dma_wait3A_199 = tpu.memref_slice %arg7[%dma_wait3A_186, %dma_wait3A_197, %dma_wait3A_198] : memref<8x2x2048xf32, #tpu.memory_space<vmem>> -> memref<1x2x2048xf32, #tpu.memory_space<vmem>>
    %dma_wait3A_200 = tpu.memref_squeeze %dma_wait3A_199 : memref<1x2x2048xf32, #tpu.memory_space<vmem>> -> memref<2x2048xf32, #tpu.memory_space<vmem>>
    tpu.wait_dma2 semaphore(%arg20 : memref<!tpu.dma_semaphore, #tpu.memory_space<semaphore_mem>>) src(%dma_wait3A_200 : memref<2x2048xf32, #tpu.memory_space<vmem>>) dst(%dma_wait3A_196 : memref<2x2048xf32, #tpu.memory_space<hbm>>)
    %dma_wait3A_201 = arith.constant 5 : i32
    %dma_wait3A_202 = arith.constant 0 : i32
    %dma_wait3A_203 = arith.constant 0 : i32
    %dma_wait3A_204 = tpu.memref_slice %arg7[%dma_wait3A_201, %dma_wait3A_202, %dma_wait3A_203] : memref<8x2x2048xf32, #tpu.memory_space<vmem>> -> memref<1x2x2048xf32, #tpu.memory_space<vmem>>
    %dma_wait3A_205 = tpu.memref_squeeze %dma_wait3A_204 : memref<1x2x2048xf32, #tpu.memory_space<vmem>> -> memref<2x2048xf32, #tpu.memory_space<vmem>>
    %dma_wait3A_206 = arith.constant 0 : i32
    %dma_wait3A_207 = arith.constant 0 : i32
    %dma_wait3A_208 = tpu.memref_slice %arg4[%dma_wait3A_206, %dma_wait3A_207] : memref<8192x2048xf32, #tpu.memory_space<hbm>> -> memref<2x2048xf32, #tpu.memory_space<hbm>>
    %dma_wait3A_209 = arith.constant 0 : i32
    %dma_wait3A_210 = arith.constant 0 : i32
    %dma_wait3A_211 = tpu.memref_slice %arg4[%dma_wait3A_209, %dma_wait3A_210] : memref<8192x2048xf32, #tpu.memory_space<hbm>> -> memref<2x2048xf32, #tpu.memory_space<hbm>>
    %dma_wait3A_212 = arith.constant 0 : i32
    %dma_wait3A_213 = arith.constant 0 : i32
    %dma_wait3A_214 = tpu.memref_slice %arg7[%dma_wait3A_201, %dma_wait3A_212, %dma_wait3A_213] : memref<8x2x2048xf32, #tpu.memory_space<vmem>> -> memref<1x2x2048xf32, #tpu.memory_space<vmem>>
    %dma_wait3A_215 = tpu.memref_squeeze %dma_wait3A_214 : memref<1x2x2048xf32, #tpu.memory_space<vmem>> -> memref<2x2048xf32, #tpu.memory_space<vmem>>
    tpu.wait_dma2 semaphore(%arg21 : memref<!tpu.dma_semaphore, #tpu.memory_space<semaphore_mem>>) src(%dma_wait3A_215 : memref<2x2048xf32, #tpu.memory_space<vmem>>) dst(%dma_wait3A_211 : memref<2x2048xf32, #tpu.memory_space<hbm>>)
    %dma_wait3A_216 = arith.constant 6 : i32
    %dma_wait3A_217 = arith.constant 0 : i32
    %dma_wait3A_218 = arith.constant 0 : i32
    %dma_wait3A_219 = tpu.memref_slice %arg7[%dma_wait3A_216, %dma_wait3A_217, %dma_wait3A_218] : memref<8x2x2048xf32, #tpu.memory_space<vmem>> -> memref<1x2x2048xf32, #tpu.memory_space<vmem>>
    %dma_wait3A_220 = tpu.memref_squeeze %dma_wait3A_219 : memref<1x2x2048xf32, #tpu.memory_space<vmem>> -> memref<2x2048xf32, #tpu.memory_space<vmem>>
    %dma_wait3A_221 = arith.constant 0 : i32
    %dma_wait3A_222 = arith.constant 0 : i32
    %dma_wait3A_223 = tpu.memref_slice %arg4[%dma_wait3A_221, %dma_wait3A_222] : memref<8192x2048xf32, #tpu.memory_space<hbm>> -> memref<2x2048xf32, #tpu.memory_space<hbm>>
    %dma_wait3A_224 = arith.constant 0 : i32
    %dma_wait3A_225 = arith.constant 0 : i32
    %dma_wait3A_226 = tpu.memref_slice %arg4[%dma_wait3A_224, %dma_wait3A_225] : memref<8192x2048xf32, #tpu.memory_space<hbm>> -> memref<2x2048xf32, #tpu.memory_space<hbm>>
    %dma_wait3A_227 = arith.constant 0 : i32
    %dma_wait3A_228 = arith.constant 0 : i32
    %dma_wait3A_229 = tpu.memref_slice %arg7[%dma_wait3A_216, %dma_wait3A_227, %dma_wait3A_228] : memref<8x2x2048xf32, #tpu.memory_space<vmem>> -> memref<1x2x2048xf32, #tpu.memory_space<vmem>>
    %dma_wait3A_230 = tpu.memref_squeeze %dma_wait3A_229 : memref<1x2x2048xf32, #tpu.memory_space<vmem>> -> memref<2x2048xf32, #tpu.memory_space<vmem>>
    tpu.wait_dma2 semaphore(%arg22 : memref<!tpu.dma_semaphore, #tpu.memory_space<semaphore_mem>>) src(%dma_wait3A_230 : memref<2x2048xf32, #tpu.memory_space<vmem>>) dst(%dma_wait3A_226 : memref<2x2048xf32, #tpu.memory_space<hbm>>)
    %dma_wait3A_231 = arith.constant 7 : i32
    %dma_wait3A_232 = arith.constant 0 : i32
    %dma_wait3A_233 = arith.constant 0 : i32
    %dma_wait3A_234 = tpu.memref_slice %arg7[%dma_wait3A_231, %dma_wait3A_232, %dma_wait3A_233] : memref<8x2x2048xf32, #tpu.memory_space<vmem>> -> memref<1x2x2048xf32, #tpu.memory_space<vmem>>
    %dma_wait3A_235 = tpu.memref_squeeze %dma_wait3A_234 : memref<1x2x2048xf32, #tpu.memory_space<vmem>> -> memref<2x2048xf32, #tpu.memory_space<vmem>>
    %dma_wait3A_236 = arith.constant 0 : i32
    %dma_wait3A_237 = arith.constant 0 : i32
    %dma_wait3A_238 = tpu.memref_slice %arg4[%dma_wait3A_236, %dma_wait3A_237] : memref<8192x2048xf32, #tpu.memory_space<hbm>> -> memref<2x2048xf32, #tpu.memory_space<hbm>>
    %dma_wait3A_239 = arith.constant 0 : i32
    %dma_wait3A_240 = arith.constant 0 : i32
    %dma_wait3A_241 = tpu.memref_slice %arg4[%dma_wait3A_239, %dma_wait3A_240] : memref<8192x2048xf32, #tpu.memory_space<hbm>> -> memref<2x2048xf32, #tpu.memory_space<hbm>>
    %dma_wait3A_242 = arith.constant 0 : i32
    %dma_wait3A_243 = arith.constant 0 : i32
    %dma_wait3A_244 = tpu.memref_slice %arg7[%dma_wait3A_231, %dma_wait3A_242, %dma_wait3A_243] : memref<8x2x2048xf32, #tpu.memory_space<vmem>> -> memref<1x2x2048xf32, #tpu.memory_space<vmem>>
    %dma_wait3A_245 = tpu.memref_squeeze %dma_wait3A_244 : memref<1x2x2048xf32, #tpu.memory_space<vmem>> -> memref<2x2048xf32, #tpu.memory_space<vmem>>
    tpu.wait_dma2 semaphore(%arg23 : memref<!tpu.dma_semaphore, #tpu.memory_space<semaphore_mem>>) src(%dma_wait3A_245 : memref<2x2048xf32, #tpu.memory_space<vmem>>) dst(%dma_wait3A_241 : memref<2x2048xf32, #tpu.memory_space<hbm>>)
    return
  }
}

</mosaic_0001>

<sc_bundles>
// kernel: kernel.3.cloned.1.call-start
scs
__scs_entry_jumppad:
0x0: {  	(pc) =	sbr.rel $0x88, $3  }
0x1: {  	(tag) =	ssettag $0x0;
	lr =	simm.s32 $0x1  }
0x2: {  	[smem:$0x3F9F] =	sst lr;
	_ =	strace $0xD0000000  }
0x3: {  	_ = 	snop  }
0x4: {  	_ = 	snop  }
0x5: {  	_ = 	snop  }
0x6: {  	_ = 	snop  }
0x7: {  	_ = 	snop  }
__scs_overlays_trampoline_lowered:
0x8: {  	[smem:$0x3FAE] =	sst s0  }
0x9: {  	[smem:$0x3FAF] =	sst s1  }
0xa: {  	[smem:$0x3FB0] =	sst s2  }
0xb: {  	[smem:$0x3FB1] =	sst s3  }
0xc: {  	[smem:$0x3FB2] =	sst s4  }
0xd: {  	[smem:$0x3FB3] =	sst s5  }
0xe: {  	[smem:$0x3FB4] =	sst s6  }
0xf: {  	[smem:$0x3FB5] =	sst s7  }
0x10: {  	[smem:$0x3FB6] =	sst s8  }
0x11: {  	[smem:$0x3FB7] =	sst s9;
	s0 =	simm.s32 @!p0 $0x0  }
0x12: {  	s1 =	sld [smem:$0x3F9D];
	s0 =	simm.s32 @p0 $0x1  }
0x13: {  	[smem:$0x3FB8] =	sst s0;
	s0 =	simm.s32 @!p1 $0x0  }
0x14: {  	s2 =	sld [smem:$0x3F9C];
	s0 =	simm.s32 @p1 $0x1  }
0x15: {  	[smem:$0x3FB9] =	sst s0;
	s0 =	simm.s32 @!p2 $0x0  }
0x16: {  	s3 =	sld [smem:$0x3FDB];
	s0 =	simm.s32 @p2 $0x1  }
0x17: {  	s4 =	simm.s32 $0x1BF5;
	[smem:$0x3FBB] =	sst s0  }
0x18: {  	s0 =	sld [smem:$0x3F9E];
	_ =	swait.ge [sflag:s4], $0x0  }
0x19: {  	s7 =	sld [smem:$0x3F9F]  }
0x1a: {  	s8 =	sadd.s32 $0xFFFFE003, lr  }
0x1b: {  	s9 =	sadd.s32 $0xFFFFFEF7, lr;
	s5 =	simm.s32 $0xFFFFFFFF;
	p2 =	slt.u32 s8, $0xFFFFF086  }
0x1c: {  	p1 =	slt.u32 s9, $0xF7A;
	s5 =	simm.s32 @!p2 $0x0  }
0x1d: {  	s5 =	simm.s32 @p1 $0x1;
	p0 =	seq.s32 s7, s2  }
0x1e: {  	s7 =	smul.u32 @!p0 $0xF7A, s2;
	p2 =	seq.s32 @!p0 s5, $0x0  }
0x1f: {  	s9 =	smul.u32 $0xF7A, s1;
	s8 =	simm.s32 @!p0 $0x1BF5;
	p2 =	por !p2, p0  }
0x20: {  	[sflag:s8] =	ssyncset.s32 @!p0 $0xFFFFF086;
	s6 =	sadd.s32 @!p0 s3, s7;
	s7 =	simm.s32 @!p0 $0x108  }
0x21: {  	s3 =	sadd.s32 s3, s9;
	s6 =	sadd.s32 @!p0 $0x88, s6;
	s7 =	simm.s32 @p2 $0x1082  }
0x22: {  	[simem:s7], [sflag:s8] =	dma.local @!p0 [hbm:s6], $0xF7A  }
0x23: {  	s9 =	sor.u32 $0xD0000000, s2;
	s6 =	simm.s32 $0x108;
	_ =	swait.ge @!p0 [sflag:s8], $0x0  }
0x24: {  	s3 =	sadd.s32 $0x88, s3;
	s6 =	simm.s32 @!p1 $0x1082;
	[sflag:s4] =	ssyncset.s32 $0xFFFFF086  }
0x25: {  	[simem:s6], [sflag:s4] =	dma.local [hbm:s3], $0xF7A  }
0x26: {  	[smem:$0x3F9F] =	sst s1;
	(tag) =	ssettag s2;
	_ =	strace s9  }
0x27: {  	s1 =	sld [smem:$0x3FAF]  }
0x28: {  	s2 =	sld [smem:$0x3FB0]  }
0x29: {  	s4 =	sld [smem:$0x3FB2]  }
0x2a: {  	p0 =	seq.s32 s5, $0x0;
	s5 =	sld [smem:$0x3FB3]  }
0x2b: {  	s6 =	sld [smem:$0x3FB4]  }
0x2c: {  	s7 =	sld [smem:$0x3FB5]  }
0x2d: {  	s3 =	simm.s32 $0x108;
	s8 =	sld [smem:$0x3FB6]  }
0x2e: {  	s3 =	simm.s32 @!p0 $0x1082;
	s9 =	sld [smem:$0x3FB7]  }
0x2f: {  	lr =	sadd.s32 s0, s3;
	s0 =	sld [smem:$0x3FAE]  }
0x30: {  	s3 =	sld [smem:$0x3FB1]  }
0x31: {  	[smem:$0x3FBA] =	sst s10  }
0x32: {  	s10 =	sld [smem:$0x3FB8];
	_ =	sdelay $0x3  }
0x33: {  	p0 =	seq.s32 s10, $0x1;
	s10 =	sld [smem:$0x3FBA];
	_ =	sdelay $0x3  }
0x34: {  	[smem:$0x3FBA] =	sst s10  }
0x35: {  	s10 =	sld [smem:$0x3FB9];
	_ =	sdelay $0x3  }
0x36: {  	p1 =	seq.s32 s10, $0x1;
	s10 =	sld [smem:$0x3FBA];
	_ =	sdelay $0x3  }
0x37: {  	[smem:$0x3FBA] =	sst s10  }
0x38: {  	s10 =	sld [smem:$0x3FBB]  }
0x39: {  	_ = 	snop;
	(pc) =	sbr.ind lr, $3  }
0x3a: {  	_ = 	snop  }
0x3b: {  	_ = 	snop  }
0x3c: {  	p2 =	seq.s32 s10, $0x1;
	s10 =	sld [smem:$0x3FBA]  }
0x3d: {  	_ =	shalt  }
0x3e: {  	_ =	shalt  }
0x3f: {  	_ =	shalt  }
0x40: {  	_ =	shalt  }
0x41: {  	_ =	shalt  }
0x42: {  	_ =	shalt  }
0x43: {  	_ =	shalt  }
0x44: {  	_ =	shalt  }
0x45: {  	_ =	shalt  }
0x46: {  	_ =	shalt  }
0x47: {  	_ =	shalt  }
0x48: {  	_ =	shalt  }
0x49: {  	_ =	shalt  }
0x4a: {  	_ =	shalt  }
0x4b: {  	_ =	shalt  }
0x4c: {  	_ =	shalt  }
0x4d: {  	_ =	shalt  }
0x4e: {  	_ =	shalt  }
0x4f: {  	_ =	shalt  }
0x50: {  	_ =	shalt  }
0x51: {  	_ =	shalt  }
0x52: {  	_ =	shalt  }
0x53: {  	_ =	shalt  }
0x54: {  	_ =	shalt  }
0x55: {  	_ =	shalt  }
0x56: {  	_ =	shalt  }
0x57: {  	_ =	shalt  }
0x58: {  	_ =	shalt  }
0x59: {  	_ =	shalt  }
0x5a: {  	_ =	shalt  }
0x5b: {  	_ =	shalt  }
0x5c: {  	_ =	shalt  }
0x5d: {  	_ =	shalt  }
0x5e: {  	_ =	shalt  }
0x5f: {  	_ =	shalt  }
0x60: {  	_ =	shalt  }
0x61: {  	_ =	shalt  }
0x62: {  	_ =	shalt  }
0x63: {  	_ =	shalt  }
0x64: {  	_ =	shalt  }
0x65: {  	_ =	shalt  }
0x66: {  	_ =	shalt  }
0x67: {  	_ =	shalt  }
0x68: {  	_ =	shalt  }
0x69: {  	_ =	shalt  }
0x6a: {  	_ =	shalt  }
0x6b: {  	_ =	shalt  }
0x6c: {  	_ =	shalt  }
0x6d: {  	_ =	shalt  }
0x6e: {  	_ =	shalt  }
0x6f: {  	_ =	shalt  }
0x70: {  	_ =	shalt  }
0x71: {  	_ =	shalt  }
0x72: {  	_ =	shalt  }
0x73: {  	_ =	shalt  }
0x74: {  	_ =	shalt  }
0x75: {  	_ =	shalt  }
0x76: {  	_ =	shalt  }
0x77: {  	_ =	shalt  }
0x78: {  	_ =	shalt  }
0x79: {  	_ =	shalt  }
0x7a: {  	_ =	shalt  }
0x7b: {  	_ =	shalt  }
0x7c: {  	_ =	shalt  }
0x7d: {  	_ =	shalt  }
0x7e: {  	_ =	shalt  }
0x7f: {  	_ =	shalt  }
0x80: {  	_ =	shalt  }
0x81: {  	_ =	shalt  }
0x82: {  	_ =	shalt  }
0x83: {  	_ =	shalt  }
0x84: {  	_ =	shalt  }
0x85: {  	_ =	shalt  }
0x86: {  	_ =	shalt  }
0x87: {  	_ =	shalt  }
.Lfunc_end0:
.L_simem_size_0:
called_computation_lowered:
.L_overlay_start_0:
0x88: {  	s2 =	sld [smem:$0x3FD9]  }
0x89: {  	s3 =	sld [smem:$0x3FFE];
	_ =	sdelay $0x1  }
0x8a: {  	s1 =	srdreg.scid  }
0x8b: {  	s0 =	sand.u32 $0x1, s1  }
0x8c: {  	s17 =	sshll.u32 s0, $0xA;
	s2 =	sadd.s32 s3, s2  }
0x8d: {  	s2 =	sadd.s32 s2, s17  }
0x8e: {  	[smem:$0x3FC6] =	sst s2  }
0x8f: {  	_ = 	snop  }
0x90: {  	s2 =	sld [smem:$0x3FC9]  }
0x91: {  	s18 =	sld [smem:$0x3FD0];
	(tm) =	ssettm $0x1  }
0x92: {  	s4 =	sld [smem:$0x3FFB];
	_ =	sdelay $0x3  }
0x93: {  	_ =	strace s4  }
0x94: {  	s4 =	sld [smem:$0x3FFC];
	_ =	sdelay $0x3  }
0x95: {  	_ =	strace s4  }
0x96: {  	s4 =	sld [smem:$0x3FFD];
	_ =	sdelay $0x3  }
0x97: {  	_ =	strace s4  }
0x98: {  	_ =	strace $0x8FFFFFFF  }
0x99: {  	s19 =	sld [smem:$0x3FDB];
	_ =	sdelay $0x1  }
0x9a: {  	s5 =	simm.s32 $_scs_section_size  }
0x9b: {  	s6 =	simm.s32 $_size__tile_overlayer_lowered;
	s7 =	simm.s32 $_tile_overlayer_lowered  }
0x9c: {  	s22 =	simm.s32 $0x1BFF;
	s21 =	sshll.u32 s7, $0x1;
	s4 =	sadd.s32 s5, s19  }
0x9d: {  	s8 =	simm.s32 $0x0;
	s20 =	sshll.u32 s6, $0x1;
	s6 =	sadd.s32 s21, s4  }
0x9e: {  	[timem:s8], [sflag:s22] =	dma.local [hbm:s6], s20  }
0x9f: {  	_ =	swait.ge [sflag:s22], s20  }
0xa0: {  	s5 =	ssub.s32 $0x0, s20;
	[sflag:s22] =	ssyncset.done $0x0  }
0xa1: {  	[sflag:s22] =	ssyncadd.s32 s5;
	_ =	sdelay $0x1  }
0xa2: {  	s23 =	simm.s32 $0x1B8B  }
0xa3: {  	_ =	swait.ge [sflag:s23], $0x1  }
0xa4: {  	[sflag:s23] =	ssyncset.done $0x0  }
0xa5: {  	s25 =	simm.s32 $0x1B8E;
	s24 =	sld [smem:$0x3FFE];
	[sflag:s23] =	ssyncadd.s32 $0xFFFFFFFF  }
0xa6: {  	s26 =	simm.s32 $execute0_lowered;
	[smem:$0x3FD2] =	sst s25  }
0xa7: {  	s6 =	sshll.u32 s26, $0x1;
	_ =	strace $0x80000046;
	[dreg:$0x1] =	wrdreg $0xFFFFFFFF  }
0xa8: {  	s28 =	simm.s32 $_size_execute0_lowered;
	s4 =	sadd.s32 s4, s6;
	[dreg:$0x0] =	wrdreg $0x0  }
0xa9: {  	s6 =	sshll.u32 s28, $0x1;
	[dreg:$0x2] =	wrdreg s4  }
0xaa: {  	[dreg:$0x3] =	wrdreg s6  }
0xab: {  	[dreg:$0x4] =	wrdreg $0xC0  }
0xac: {  	_ =	task [dreg:s8], $0x5FFFF  }
0xad: {  	[dreg:$0x1] =	wrdreg $0xFFFFFFFF  }
0xae: {  	[dreg:$0x0] =	wrdreg $0x60  }
0xaf: {  	[dreg:$0x2] =	wrdreg s24  }
0xb0: {  	[dreg:$0x3] =	wrdreg s2  }
0xb1: {  	[dreg:$0x4] =	wrdreg s18  }
0xb2: {  	[dreg:$0x5] =	wrdreg $0x9  }
0xb3: {  	_ =	task.clear_ibuf [dreg:s8], $0x6FFFF;
	_ =	strace $0x90000046  }
0xb4: {  	s29 =	simm.s32 $0x9;
	_ =	strace $0x80000048  }
0xb5: {  	_ =	swait.ge [sflag:s29], $0x1  }
0xb6: {  	[sflag:s29] =	ssyncadd.s32 $0xFFFFFFFF  }
0xb7: {  	_ =	strace $0x90000048  }
0xb8: {  	_ =	sfence  }
0xb9: {  	s30 =	sld [smem:$0x0];
	_ =	sdelay $0x2  }
0xba: {  	s31 =	sshll.u32 s1, $0xD;
	s1 =	sshrl.u32 s1, $0x2  }
0xbb: {  	s3 =	sand.u32 $0x4000, s31;
	s1 =	sadd.s32 s1, s30  }
0xbc: {  	s0 =	sor.u32 s3, s0;
	s1 =	sshll.u32 s1, $0x11  }
0xbd: {  	s0 =	sor.u32 s1, s0  }
0xbe: {  	s0 =	sadd.s32 $0x8F2B, s0  }
0xbf: {  	[sflag:s0] =	ssyncadd.remote.s32 $0x1  }
0xc0: {  	_ =	sfence.sel $0xFFFF  }
0xc1: {  	[dreg:$0x0] =	wrdreg $0xFFFFFFFF;
	(pc) =	sbr.abs _section_cstart, $3  }
0xc2: {  	[dreg:$0x1] =	wrdreg $0xFFFFFFFF  }
0xc3: {  	_ =	task.clear_ibuf [dreg:s8], $0x2FFFF;
	_ =	strace $0x9FFFFFFF  }
0xc4: {  	(tm) =	ssettm $0x7FFFFFFF  }
0xc5: {  	_ =	shalt  }
tec
execute0_lowered:
.L_overlay_start_1:
0x0: {  	(tag) =	ssettag $0x1  }
0x1: {  	s3 =	rddreg [dreg:$0x1]  }
0x2: {  	s16 =	rddreg [dreg:$0x2]  }
0x3: {  	s0 =	srdreg.scid;
	s1 =	stileid.u32  }
0x4: {  	s4 =	simm.s32 $0x0;
	s31 =	simm.s32 $0x100;
	s8 =	simm.s32 $0x2  }
0x5: {  	s10 =	simm.s32 $0x3;
	s12 =	simm.s32 $0x4;
	s30 =	simm.s32 $0x6  }
0x6: {  	s9 =	simm.s32 $0x8;
	s5 =	simm.s32 $0x0;
	s0 =	sand.u32 $0x1, s0  }
0x7: {  	s1 =	sshll.u32 s1, $0x11;
	[smem:$0x7FF] =	sst s4;
	s24 =	sadd.s32 $0x20, s16  }
0x8: {  	s26 =	sadd.s32 $0x40, s16;
	s28 =	sadd.s32 $0x840, s16;
	s2 =	sshll.u32 s0, $0x10  }
0x9: {  	_ =	strace $0x80000047;
	[dreg:$0xd] =	wrdreg s24;
	s2 =	sor.u32 s2, s1  }
0xa: {  	s0 =	ssub.s32 $0x2, s0;
	[dreg:$0xf] =	wrdreg s26;
	s22 =	sor.u32 $0x860, s2  }
0xb: {  	s24 =	sadd.s32 $0x820, s16;
	s3 =	sadd.s32 s3, s2;
	[dreg:$0xb] =	wrdreg s22  }
0xc: {  	s14 =	sshrl.u32 s0, $0x1;
	s15 =	sadd.s32 $0x20, s3;
	[dreg:$0x4] =	wrdreg s3  }
0xd: {  	s1 =	simm.s32 $0x7;
	s17 =	sadd.s32 $0x40, s3;
	[dreg:$0x5] =	wrdreg s15  }
0xe: {  	s0 =	ssub.s32 s0, s14;
	s18 =	sadd.s32 $0x60, s3;
	[dreg:$0x6] =	wrdreg s17  }
0xf: {  	s19 =	sadd.s32 $0x800, s3;
	s20 =	sadd.s32 $0x820, s3;
	[dreg:$0x7] =	wrdreg s18  }
0x10: {  	s21 =	sadd.s32 $0x840, s3;
	s23 =	sadd.s32 $0x1000, s3;
	[dreg:$0x8] =	wrdreg s19  }
0x11: {  	s25 =	sadd.s32 $0x1020, s3;
	s22 =	sadd.s32 $0x800, s16;
	[dreg:$0x9] =	wrdreg s20  }
0x12: {  	s0 =	smax.u32 s0, $0x1;
	s26 =	sadd.s32 $0x1820, s3;
	[dreg:$0xa] =	wrdreg s21  }
0x13: {  	s29 =	sadd.s32 $0x1840, s3;
	s18 =	smov.u32 s2;
	[dreg:$0xc] =	wrdreg s23  }
0x14: {  	[dreg:$0xe] =	wrdreg s25;
	s19 =	sadd.s32 $0x1040, s3;
	s20 =	sadd.s32 $0x60, s16  }
0x15: {  	s21 =	sadd.s32 $0x1060, s3;
	s23 =	sadd.s32 $0x1800, s3;
	[dreg:$0x10] =	wrdreg s0  }
0x16: {  	s0 =	simm.s32 $0x400;
	s2 =	simm.s32 $0x1;
	s25 =	simm.s32 $0x5  }
.LBB2_1:
0x17: {  	[dreg:$0x11] =	wrdreg s5  }
0x18: {  	s3 =	rddreg [dreg:$0x0];
	s4 =	simm.s32 $0x0;
	s7 =	simm.s32 $0x11  }
0x19: {  	[tilespmem:s4], [sflag:$0x11] =	stream.linear.gather [hbm4b:s3+s4], $0x380, $0x38;
	[tilespmem:$0x10400] =	vst v63  }
0x1a: {  	_ =	swait.ge [sflag:s7], $0x380  }
0x1b: {  	[sflag:s7] =	ssyncset.done $0x0  }
0x1c: {  	[sflag:s7] =	ssyncadd.s32 $0xFFFFFC80  }
0x1d: {  	v0 =	vld [tilespmem:$0x100]  }
0x1e: {  	s11 =	rddreg [dreg:$0x4];
	v1 =	vld [tilespmem:$0x180]  }
0x1f: {  	v2 =	vld [tilespmem:$0x300];
	[tilespmem:s0], [sflag:$0x1] =	stream.strided.gather [hbm4b:s11+s31], $0x1000, s0, s31, $0x38  }
0x20: {  	s14 =	simm.s32 $0x1400;
	s13 =	rddreg [dreg:$0x5]  }
0x21: {  	[tilespmem:s14], [sflag:$0x2] =	stream.strided.gather [hbm4b:s13+s31], $0x1000, s0, s31, $0x38;
	[tilespmem:$0x10400] =	vst v63  }
0x22: {  	s17 =	simm.s32 $0x2400;
	s15 =	rddreg [dreg:$0x6]  }
0x23: {  	[tilespmem:s17], [sflag:$0x3] =	stream.strided.gather [hbm4b:s15+s31], $0x1000, s0, s31, $0x38;
	[tilespmem:$0x10400] =	vst v63  }
0x24: {  	s6 =	simm.s32 $0x3400;
	s5 =	rddreg [dreg:$0x7]  }
0x25: {  	[tilespmem:s6], [sflag:$0x4] =	stream.strided.gather [hbm4b:s5+s31], $0x1000, s0, s31, $0x38;
	[tilespmem:$0x10400] =	vst v63  }
0x26: {  	s7 =	rddreg [dreg:$0x8];
	s11 =	simm.s32 $0x4400  }
0x27: {  	[tilespmem:s11], [sflag:$0x5] =	stream.strided.gather [hbm4b:s7+s31], $0x1000, s0, s31, $0x38;
	[tilespmem:$0x10400] =	vst v63  }
0x28: {  	s13 =	rddreg [dreg:$0x9];
	s14 =	simm.s32 $0x5400  }
0x29: {  	[tilespmem:s14], [sflag:$0x6] =	stream.strided.gather [hbm4b:s13+s31], $0x1000, s0, s31, $0x38;
	[tilespmem:$0x10400] =	vst v63  }
0x2a: {  	s3 =	simm.s32 $0x0;
	s15 =	rddreg [dreg:$0xa];
	s17 =	simm.s32 $0x6400  }
0x2b: {  	[tilespmem:s17], [sflag:$0x7] =	stream.strided.gather [hbm4b:s15+s31], $0x1000, s0, s31, $0x38;
	[tilespmem:$0x10400] =	vst v63  }
.LBB2_2:
0x2c: {  	_ =	swait.ge [sflag:s2], $0x1000  }
0x2d: {  	[sflag:s2] =	ssyncset.done $0x0  }
0x2e: {  	s11 =	sshll.u32 s3, $0xC;
	s4 =	rddreg [dreg:$0xb];
	[sflag:s2] =	ssyncadd.s32 $0xFFFFF000  }
0x2f: {  	s5 =	sadd.s32 s4, s11;
	s15 =	rddreg [dreg:$0x1]  }
0x30: {  	s6 =	simm.s32 $0x7400;
	p0 =	seq.s32 s3, $0x0;
	s4 =	sadd.s32 s15, s5  }
0x31: {  	[tilespmem:s6], [sflag:$0x8] =	stream.strided.gather [hbm4b:s4+s31], $0x1000, s0, s31, $0x38;
	[tilespmem:$0x10400] =	vst v63  }
0x32: {  	s4 =	simm.s32 @!p0 $0x9  }
0x33: {  	_ =	swait.ge @!p0 [sflag:s4], $0x1000  }
0x34: {  	[sflag:s4] =	ssyncset.done @!p0 $0x0  }
0x35: {  	s17 =	simm.s32 $0x500;
	[sflag:s4] =	ssyncadd.s32 @!p0 $0xFFFFF000  }
0x36: {  	v4 =	vld [tilespmem:s17+$0x70]  }
0x37: {  	v3 =	vld [tilespmem:s17+$0xFFFFFF10]  }
0x38: {  	v19 =	vld [tilespmem:s17+$0xFFFFFF20]  }
0x39: {  	v20 =	vld [tilespmem:s17+$0xFFFFFF30]  }
0x3a: {  	v21 =	vld [tilespmem:s17+$0xFFFFFF40]  }
0x3b: {  	v24 =	vld [tilespmem:s17+$0xFFFFFF70]  }
0x3c: {  	v25 =	vld [tilespmem:s17+$0x0]  }
0x3d: {  	v34 =	vld [tilespmem:s17+$0x10]  }
0x3e: {  	v35 =	vld [tilespmem:s17+$0x20]  }
0x3f: {  	v36 =	vld [tilespmem:s17+$0x30]  }
0x40: {  	v37 =	vld [tilespmem:s17+$0x40]  }
0x41: {  	v38 =	vld [tilespmem:s17+$0x50]  }
0x42: {  	v17 =	vld [tilespmem:s17+$0xFFFFFF00]  }
0x43: {  	v22 =	vld [tilespmem:s17+$0xFFFFFF50];
	v5 =	vand.u32 $0x7FFFFFFF, v4  }
0x44: {  	v23 =	vld [tilespmem:s17+$0xFFFFFF60];
	v6 =	vand.u32 $0x7FFFFFFF, v3;
	v3 =	vand.u32 $0x80000000, v3;
	v4 =	vand.u32 $0x80000000, v4  }
0x45: {  	v8 =	vand.u32 $0x7FFFFFFF, v24;
	v9 =	vand.u32 $0x7FFFFFFF, v25;
	v11 =	vand.u32 $0x7FFFFFFF, v34  }
0x46: {  	v12 =	vand.u32 $0x7FFFFFFF, v35;
	v13 =	vand.u32 $0x7FFFFFFF, v36;
	v14 =	vand.u32 $0x7FFFFFFF, v37  }
0x47: {  	v15 =	vand.u32 $0x7FFFFFFF, v38;
	v18 =	vand.u32 $0x7FFFFFFF, v17;
	v32 =	vand.u32 $0x80000000, v17  }
0x48: {  	v30 =	vand.u32 $0x80000000, v19;
	v29 =	vand.u32 $0x80000000, v20;
	v28 =	vand.u32 $0x80000000, v21  }
0x49: {  	v27 =	vand.u32 $0x80000000, v22;
	v26 =	vand.u32 $0x80000000, v23;
	v24 =	vand.u32 $0x80000000, v24  }
0x4a: {  	v25 =	vand.u32 $0x80000000, v25;
	vm0 =	vgt.f32 v5, v2;
	v5 =	vand.u32 $0x7FFFFFFF, v19  }
0x4b: {  	vm4 =	vgt.f32 v6, v2;
	v6 =	vand.u32 $0x7FFFFFFF, v20;
	vm8 =	vgt.f32 v8, v2  }
0x4c: {  	vm9 =	vgt.f32 v9, v2;
	vm10 =	vgt.f32 v11, v2;
	vm11 =	vgt.f32 v12, v2  }
0x4d: {  	vm12 =	vgt.f32 v13, v2;
	vm13 =	vgt.f32 v14, v2;
	vm14 =	vgt.f32 v15, v2  }
0x4e: {  	vm3 =	vgt.f32 v18, v2;
	v20 =	vand.u32 $0x80000000, v37;
	v19 =	vand.u32 $0x80000000, v38  }
0x4f: {  	v7 =	vsel vm0, v1, v0;
	vm1 =	vgt.f32 v5, v2;
	vm2 =	vgt.f32 v6, v2  }
0x50: {  	v5 =	vand.u32 $0x7FFFFFFF, v21;
	v6 =	vand.u32 $0x7FFFFFFF, v22;
	v11 =	vsel vm8, v1, v0  }
0x51: {  	v9 =	vld [tilespmem:s17+$0x60];
	v12 =	vsel vm9, v1, v0;
	v13 =	vsel vm10, v1, v0;
	v14 =	vsel vm11, v1, v0  }
0x52: {  	v15 =	vsel vm12, v1, v0;
	v18 =	vsel vm13, v1, v0;
	v31 =	vsel vm3, v1, v0  }
0x53: {  	v22 =	vand.u32 $0x80000000, v35;
	v21 =	vand.u32 $0x80000000, v36;
	v33 =	vor.u32 v7, v4  }
0x54: {  	v4 =	vsel vm4, v1, v0;
	vm5 =	vgt.f32 v5, v2;
	v5 =	vsel vm1, v1, v0  }
0x55: {  	vm6 =	vgt.f32 v6, v2;
	v7 =	vand.u32 $0x7FFFFFFF, v23;
	v6 =	vsel vm2, v1, v0  }
0x56: {  	v23 =	vand.u32 $0x80000000, v34;
	vm7 =	vgt.f32 v7, v2;
	v16 =	vand.u32 $0x7FFFFFFF, v9  }
0x57: {  	s14 =	simm.s32 $0x0;
	s7 =	simm.s32 $0x8580;
	s6 =	simm.s32 $0x8500;
	v7 =	vsel vm5, v1, v0;
	v8 =	vsel vm6, v1, v0;
	vm15 =	vgt.f32 v16, v2  }
0x58: {  	s13 =	simm.s32 $0x8500;
	s15 =	simm.s32 $0x700;
	s4 =	simm.s32 $0x580;
	[tilespmem:s6+$0x70] =	vst v33;
	v10 =	vsel vm7, v1, v0;
	v16 =	vsel vm14, v1, v0;
	v17 =	vsel vm15, v1, v0  }
.LBB2_3:
0x59: {  	v33 =	vld [tilespmem:s15+$0x70];
	s14 =	sadd.s32 $0x10, s14;
	v31 =	vor.u32 v31, v32;
	v3 =	vor.u32 v4, v3;
	v4 =	vand.u32 $0x80000000, v9  }
0x5a: {  	v5 =	vor.u32 v5, v30;
	v6 =	vor.u32 v6, v29;
	v7 =	vor.u32 v7, v28;
	v9 =	vld [tilespmem:s15+$0xFFFFFF10];
	p0 =	slt.u32 s14, $0x70;
	[tilespmem:s6+$0xFFFFFF00] =	vst v31  }
0x5b: {  	v8 =	vor.u32 v8, v27;
	v10 =	vor.u32 v10, v26;
	v11 =	vor.u32 v11, v24;
	v28 =	vld [tilespmem:s15+$0xFFFFFF20];
	[tilespmem:s6+$0xFFFFFF10] =	vst v3  }
0x5c: {  	v24 =	vld [tilespmem:s15+$0xFFFFFF30];
	[tilespmem:s6+$0xFFFFFF20] =	vst v5;
	v5 =	vor.u32 v12, v25;
	v12 =	vor.u32 v13, v23;
	v13 =	vor.u32 v14, v22  }
0x5d: {  	v16 =	vor.u32 v16, v19;
	v14 =	vor.u32 v15, v21;
	v15 =	vor.u32 v18, v20;
	v22 =	vld [tilespmem:s15+$0xFFFFFF40];
	[tilespmem:s6+$0xFFFFFF30] =	vst v6  }
0x5e: {  	v17 =	vor.u32 v17, v4;
	v19 =	vld [tilespmem:s15+$0xFFFFFF50];
	v6 =	vand.u32 $0x7FFFFFFF, v33;
	[tilespmem:s6+$0xFFFFFF40] =	vst v7  }
0x5f: {  	v4 =	vand.u32 $0x7FFFFFFF, v9;
	v3 =	vand.u32 $0x80000000, v9;
	v20 =	vld [tilespmem:s15+$0xFFFFFF60];
	vm0 =	vgt.f32 v6, v2;
	[tilespmem:s6+$0xFFFFFF50] =	vst v8  }
0x60: {  	v8 =	vand.u32 $0x80000000, v33;
	v6 =	vand.u32 $0x7FFFFFFF, v28;
	v21 =	vld [tilespmem:s15+$0xFFFFFF70];
	v7 =	vsel vm0, v1, v0;
	[tilespmem:s6+$0xFFFFFF60] =	vst v10  }
0x61: {  	vm0 =	vgt.f32 v4, v2;
	s6 =	sadd.s32 $0x200, s6;
	v4 =	vand.u32 $0x7FFFFFFF, v24;
	v23 =	vld [tilespmem:s15+$0x0];
	v7 =	vor.u32 v7, v8;
	[tilespmem:s13+$0xFFFFFF70] =	vst v11  }
0x62: {  	vm1 =	vgt.f32 v6, v2;
	vm2 =	vgt.f32 v4, v2;
	v6 =	vand.u32 $0x7FFFFFFF, v22;
	v33 =	vld [tilespmem:s15+$0x10];
	[tilespmem:s6+$0x70] =	vst v7  }
0x63: {  	v4 =	vsel vm0, v1, v0;
	vm0 =	vgt.f32 v6, v2;
	v6 =	vand.u32 $0x7FFFFFFF, v19;
	v34 =	vld [tilespmem:s15+$0x20];
	[tilespmem:s13+$0x0] =	vst v5  }
0x64: {  	v5 =	vsel vm1, v1, v0;
	vm1 =	vgt.f32 v6, v2;
	v7 =	vand.u32 $0x7FFFFFFF, v20;
	v35 =	vld [tilespmem:s15+$0x30];
	[tilespmem:s13+$0x10] =	vst v12  }
0x65: {  	v6 =	vsel vm2, v1, v0;
	vm2 =	vgt.f32 v7, v2;
	v8 =	vand.u32 $0x7FFFFFFF, v21;
	v36 =	vld [tilespmem:s15+$0x40];
	[tilespmem:s13+$0x20] =	vst v13  }
0x66: {  	v7 =	vsel vm0, v1, v0;
	vm0 =	vgt.f32 v8, v2;
	v9 =	vand.u32 $0x7FFFFFFF, v23;
	v37 =	vld [tilespmem:s15+$0x50];
	[tilespmem:s13+$0x30] =	vst v14  }
0x67: {  	v8 =	vsel vm1, v1, v0;
	vm1 =	vgt.f32 v9, v2;
	v11 =	vand.u32 $0x7FFFFFFF, v33;
	v9 =	vld [tilespmem:s15+$0x60];
	[tilespmem:s13+$0x40] =	vst v15  }
0x68: {  	v10 =	vsel vm2, v1, v0;
	v25 =	vld [tilespmem:s15+$0xFFFFFF00];
	vm2 =	vgt.f32 v11, v2;
	v12 =	vand.u32 $0x7FFFFFFF, v34;
	[tilespmem:s13+$0x50] =	vst v16  }
0x69: {  	v11 =	vsel vm0, v1, v0;
	vm0 =	vgt.f32 v12, v2;
	v13 =	vand.u32 $0x7FFFFFFF, v35;
	[tilespmem:s13+$0x60] =	vst v17;
	s13 =	smov.u32 s6  }
0x6a: {  	v12 =	vsel vm1, v1, v0;
	vm1 =	vgt.f32 v13, v2;
	v14 =	vand.u32 $0x7FFFFFFF, v36  }
0x6b: {  	v13 =	vsel vm2, v1, v0;
	vm2 =	vgt.f32 v14, v2;
	v15 =	vand.u32 $0x7FFFFFFF, v37  }
0x6c: {  	v14 =	vsel vm0, v1, v0;
	vm0 =	vgt.f32 v15, v2;
	v16 =	vand.u32 $0x7FFFFFFF, v9  }
0x6d: {  	v15 =	vsel vm1, v1, v0;
	v17 =	vand.u32 $0x7FFFFFFF, v25;
	vm1 =	vgt.f32 v16, v2  }
0x6e: {  	v18 =	vsel vm2, v1, v0;
	v16 =	vsel vm0, v1, v0;
	vm3 =	vgt.f32 v17, v2  }
.Ltmp0:
0x6f: {  	v32 =	vand.u32 $0x80000000, v25;
	v17 =	vsel vm1, v1, v0;
	v31 =	vsel vm3, v1, v0;
	(pc) =	sbr.rel @p0 .LBB2_3-.Ltmp0, $4  }
0x70: {  	v30 =	vand.u32 $0x80000000, v28;
	v29 =	vand.u32 $0x80000000, v24;
	v28 =	vand.u32 $0x80000000, v22  }
0x71: {  	v27 =	vand.u32 $0x80000000, v19;
	v26 =	vand.u32 $0x80000000, v20;
	v24 =	vand.u32 $0x80000000, v21  }
0x72: {  	v22 =	vand.u32 $0x80000000, v34;
	v25 =	vand.u32 $0x80000000, v23;
	v23 =	vand.u32 $0x80000000, v33  }
0x73: {  	s15 =	sadd.s32 $0x200, s15;
	v21 =	vand.u32 $0x80000000, v35;
	v20 =	vand.u32 $0x80000000, v36;
	v19 =	vand.u32 $0x80000000, v37  }
0x74: {  	v31 =	vor.u32 v31, v32  }
0x75: {  	v3 =	vor.u32 v4, v3;
	[tilespmem:s6+$0xFFFFFF00] =	vst v31  }
0x76: {  	v4 =	vor.u32 v5, v30;
	[tilespmem:s6+$0xFFFFFF10] =	vst v3  }
0x77: {  	v5 =	vor.u32 v16, v19;
	[tilespmem:s6+$0xFFFFFF20] =	vst v4  }
0x78: {  	v3 =	vor.u32 v6, v29;
	[tilespmem:s13+$0x50] =	vst v5  }
0x79: {  	v4 =	vor.u32 v7, v28;
	[tilespmem:s6+$0xFFFFFF30] =	vst v3  }
0x7a: {  	v3 =	vor.u32 v8, v27;
	[tilespmem:s6+$0xFFFFFF40] =	vst v4  }
0x7b: {  	v4 =	vor.u32 v10, v26;
	[tilespmem:s6+$0xFFFFFF50] =	vst v3  }
0x7c: {  	v3 =	vor.u32 v11, v24;
	[tilespmem:s6+$0xFFFFFF60] =	vst v4  }
0x7d: {  	v4 =	vor.u32 v12, v25;
	[tilespmem:s13+$0xFFFFFF70] =	vst v3  }
0x7e: {  	v3 =	vor.u32 v13, v23;
	[tilespmem:s13+$0x0] =	vst v4  }
0x7f: {  	v4 =	vor.u32 v14, v22;
	[tilespmem:s13+$0x10] =	vst v3  }
0x80: {  	v3 =	vor.u32 v15, v21;
	[tilespmem:s13+$0x20] =	vst v4  }
0x81: {  	v4 =	vor.u32 v18, v20;
	[tilespmem:s13+$0x30] =	vst v3;
	v3 =	vand.u32 $0x80000000, v9  }
0x82: {  	[tilespmem:s13+$0x40] =	vst v4;
	v3 =	vor.u32 v17, v3  }
0x83: {  	[tilespmem:s13+$0x60] =	vst v3  }
0x84: {  	v4 =	vld [tilespmem:s4+$0x70]  }
0x85: {  	v3 =	vld [tilespmem:s4+$0xFFFFFF10]  }
0x86: {  	v19 =	vld [tilespmem:s4+$0xFFFFFF20]  }
0x87: {  	v20 =	vld [tilespmem:s4+$0xFFFFFF30]  }
0x88: {  	v21 =	vld [tilespmem:s4+$0xFFFFFF40]  }
0x89: {  	v24 =	vld [tilespmem:s4+$0xFFFFFF70]  }
0x8a: {  	v33 =	vld [tilespmem:s4+$0x0]  }
0x8b: {  	v35 =	vld [tilespmem:s4+$0x10]  }
0x8c: {  	v36 =	vld [tilespmem:s4+$0x20]  }
0x8d: {  	v37 =	vld [tilespmem:s4+$0x30]  }
0x8e: {  	v38 =	vld [tilespmem:s4+$0x40]  }
0x8f: {  	v39 =	vld [tilespmem:s4+$0x50]  }
0x90: {  	v17 =	vld [tilespmem:s4+$0xFFFFFF00]  }
0x91: {  	v22 =	vld [tilespmem:s4+$0xFFFFFF50];
	v5 =	vand.u32 $0x7FFFFFFF, v4  }
0x92: {  	v23 =	vld [tilespmem:s4+$0xFFFFFF60];
	v6 =	vand.u32 $0x7FFFFFFF, v3;
	v3 =	vand.u32 $0x80000000, v3;
	v4 =	vand.u32 $0x80000000, v4  }
0x93: {  	v8 =	vand.u32 $0x7FFFFFFF, v24;
	v9 =	vand.u32 $0x7FFFFFFF, v33;
	v11 =	vand.u32 $0x7FFFFFFF, v35  }
0x94: {  	v12 =	vand.u32 $0x7FFFFFFF, v36;
	v13 =	vand.u32 $0x7FFFFFFF, v37;
	v14 =	vand.u32 $0x7FFFFFFF, v38  }
0x95: {  	v15 =	vand.u32 $0x7FFFFFFF, v39;
	v18 =	vand.u32 $0x7FFFFFFF, v17;
	v32 =	vand.u32 $0x80000000, v17  }
0x96: {  	v30 =	vand.u32 $0x80000000, v19;
	v29 =	vand.u32 $0x80000000, v20;
	v28 =	vand.u32 $0x80000000, v21  }
0x97: {  	v27 =	vand.u32 $0x80000000, v22;
	v26 =	vand.u32 $0x80000000, v23;
	v25 =	vand.u32 $0x80000000, v24  }
0x98: {  	v24 =	vand.u32 $0x80000000, v33;
	vm0 =	vgt.f32 v5, v2;
	v5 =	vand.u32 $0x7FFFFFFF, v19  }
0x99: {  	vm4 =	vgt.f32 v6, v2;
	v6 =	vand.u32 $0x7FFFFFFF, v20;
	vm8 =	vgt.f32 v8, v2  }
0x9a: {  	vm9 =	vgt.f32 v9, v2;
	vm10 =	vgt.f32 v11, v2;
	vm11 =	vgt.f32 v12, v2  }
0x9b: {  	vm12 =	vgt.f32 v13, v2;
	vm13 =	vgt.f32 v14, v2;
	vm14 =	vgt.f32 v15, v2  }
0x9c: {  	vm3 =	vgt.f32 v18, v2;
	v20 =	vand.u32 $0x80000000, v38;
	v19 =	vand.u32 $0x80000000, v39  }
0x9d: {  	v7 =	vsel vm0, v1, v0;
	vm1 =	vgt.f32 v5, v2;
	vm2 =	vgt.f32 v6, v2  }
0x9e: {  	v5 =	vand.u32 $0x7FFFFFFF, v21;
	v6 =	vand.u32 $0x7FFFFFFF, v22;
	v11 =	vsel vm8, v1, v0  }
0x9f: {  	v9 =	vld [tilespmem:s4+$0x60];
	v12 =	vsel vm9, v1, v0;
	v13 =	vsel vm10, v1, v0;
	v14 =	vsel vm11, v1, v0  }
0xa0: {  	v15 =	vsel vm12, v1, v0;
	v18 =	vsel vm13, v1, v0;
	v31 =	vsel vm3, v1, v0  }
0xa1: {  	v22 =	vand.u32 $0x80000000, v36;
	v21 =	vand.u32 $0x80000000, v37;
	v34 =	vor.u32 v7, v4  }
0xa2: {  	v4 =	vsel vm4, v1, v0;
	vm5 =	vgt.f32 v5, v2;
	v5 =	vsel vm1, v1, v0  }
0xa3: {  	vm6 =	vgt.f32 v6, v2;
	v7 =	vand.u32 $0x7FFFFFFF, v23;
	v6 =	vsel vm2, v1, v0  }
0xa4: {  	v23 =	vand.u32 $0x80000000, v35;
	vm7 =	vgt.f32 v7, v2;
	v16 =	vand.u32 $0x7FFFFFFF, v9  }
0xa5: {  	v7 =	vsel vm5, v1, v0;
	v8 =	vsel vm6, v1, v0;
	vm15 =	vgt.f32 v16, v2  }
0xa6: {  	s6 =	simm.s32 $0x0;
	s13 =	simm.s32 $0x780;
	s4 =	simm.s32 $0x8580;
	[tilespmem:s7+$0x70] =	vst v34;
	v10 =	vsel vm7, v1, v0;
	v16 =	vsel vm14, v1, v0;
	v17 =	vsel vm15, v1, v0  }
.LBB2_5:
0xa7: {  	v33 =	vld [tilespmem:s13+$0x70];
	s6 =	sadd.s32 $0x10, s6;
	v31 =	vor.u32 v31, v32;
	v3 =	vor.u32 v4, v3;
	v4 =	vand.u32 $0x80000000, v9  }
0xa8: {  	v5 =	vor.u32 v5, v30;
	v6 =	vor.u32 v6, v29;
	v7 =	vor.u32 v7, v28;
	v9 =	vld [tilespmem:s13+$0xFFFFFF10];
	p0 =	slt.u32 s6, $0x70;
	[tilespmem:s7+$0xFFFFFF00] =	vst v31  }
0xa9: {  	v8 =	vor.u32 v8, v27;
	v10 =	vor.u32 v10, v26;
	v11 =	vor.u32 v11, v25;
	v28 =	vld [tilespmem:s13+$0xFFFFFF20];
	[tilespmem:s7+$0xFFFFFF10] =	vst v3  }
0xaa: {  	v25 =	vld [tilespmem:s13+$0xFFFFFF30];
	[tilespmem:s7+$0xFFFFFF20] =	vst v5;
	v5 =	vor.u32 v12, v24;
	v12 =	vor.u32 v13, v23;
	v13 =	vor.u32 v14, v22  }
0xab: {  	v16 =	vor.u32 v16, v19;
	v14 =	vor.u32 v15, v21;
	v15 =	vor.u32 v18, v20;
	v22 =	vld [tilespmem:s13+$0xFFFFFF40];
	[tilespmem:s7+$0xFFFFFF30] =	vst v6  }
0xac: {  	v17 =	vor.u32 v17, v4;
	v19 =	vld [tilespmem:s13+$0xFFFFFF50];
	v6 =	vand.u32 $0x7FFFFFFF, v33;
	[tilespmem:s7+$0xFFFFFF40] =	vst v7  }
0xad: {  	v4 =	vand.u32 $0x7FFFFFFF, v9;
	v3 =	vand.u32 $0x80000000, v9;
	v20 =	vld [tilespmem:s13+$0xFFFFFF60];
	vm0 =	vgt.f32 v6, v2;
	[tilespmem:s7+$0xFFFFFF50] =	vst v8  }
0xae: {  	v8 =	vand.u32 $0x80000000, v33;
	v6 =	vand.u32 $0x7FFFFFFF, v28;
	v21 =	vld [tilespmem:s13+$0xFFFFFF70];
	v7 =	vsel vm0, v1, v0;
	[tilespmem:s7+$0xFFFFFF60] =	vst v10  }
0xaf: {  	vm0 =	vgt.f32 v4, v2;
	s7 =	sadd.s32 $0x200, s7;
	v4 =	vand.u32 $0x7FFFFFFF, v25;
	v23 =	vld [tilespmem:s13+$0x0];
	v7 =	vor.u32 v7, v8;
	[tilespmem:s4+$0xFFFFFF70] =	vst v11  }
0xb0: {  	vm1 =	vgt.f32 v6, v2;
	vm2 =	vgt.f32 v4, v2;
	v6 =	vand.u32 $0x7FFFFFFF, v22;
	v33 =	vld [tilespmem:s13+$0x10];
	[tilespmem:s7+$0x70] =	vst v7  }
0xb1: {  	v4 =	vsel vm0, v1, v0;
	vm0 =	vgt.f32 v6, v2;
	v6 =	vand.u32 $0x7FFFFFFF, v19;
	v34 =	vld [tilespmem:s13+$0x20];
	[tilespmem:s4+$0x0] =	vst v5  }
0xb2: {  	v5 =	vsel vm1, v1, v0;
	vm1 =	vgt.f32 v6, v2;
	v7 =	vand.u32 $0x7FFFFFFF, v20;
	v35 =	vld [tilespmem:s13+$0x30];
	[tilespmem:s4+$0x10] =	vst v12  }
0xb3: {  	v6 =	vsel vm2, v1, v0;
	vm2 =	vgt.f32 v7, v2;
	v8 =	vand.u32 $0x7FFFFFFF, v21;
	v36 =	vld [tilespmem:s13+$0x40];
	[tilespmem:s4+$0x20] =	vst v13  }
0xb4: {  	v7 =	vsel vm0, v1, v0;
	vm0 =	vgt.f32 v8, v2;
	v9 =	vand.u32 $0x7FFFFFFF, v23;
	v37 =	vld [tilespmem:s13+$0x50];
	[tilespmem:s4+$0x30] =	vst v14  }
0xb5: {  	v8 =	vsel vm1, v1, v0;
	vm1 =	vgt.f32 v9, v2;
	v11 =	vand.u32 $0x7FFFFFFF, v33;
	v9 =	vld [tilespmem:s13+$0x60];
	[tilespmem:s4+$0x40] =	vst v15  }
0xb6: {  	v10 =	vsel vm2, v1, v0;
	v24 =	vld [tilespmem:s13+$0xFFFFFF00];
	vm2 =	vgt.f32 v11, v2;
	v12 =	vand.u32 $0x7FFFFFFF, v34;
	[tilespmem:s4+$0x50] =	vst v16  }
0xb7: {  	v11 =	vsel vm0, v1, v0;
	vm0 =	vgt.f32 v12, v2;
	v13 =	vand.u32 $0x7FFFFFFF, v35;
	[tilespmem:s4+$0x60] =	vst v17;
	s4 =	smov.u32 s7  }
0xb8: {  	v12 =	vsel vm1, v1, v0;
	vm1 =	vgt.f32 v13, v2;
	v14 =	vand.u32 $0x7FFFFFFF, v36  }
0xb9: {  	v13 =	vsel vm2, v1, v0;
	vm2 =	vgt.f32 v14, v2;
	v15 =	vand.u32 $0x7FFFFFFF, v37  }
0xba: {  	v14 =	vsel vm0, v1, v0;
	vm0 =	vgt.f32 v15, v2;
	v16 =	vand.u32 $0x7FFFFFFF, v9  }
0xbb: {  	v15 =	vsel vm1, v1, v0;
	v17 =	vand.u32 $0x7FFFFFFF, v24;
	vm1 =	vgt.f32 v16, v2  }
0xbc: {  	v18 =	vsel vm2, v1, v0;
	v16 =	vsel vm0, v1, v0;
	vm3 =	vgt.f32 v17, v2  }
.Ltmp1:
0xbd: {  	v32 =	vand.u32 $0x80000000, v24;
	v17 =	vsel vm1, v1, v0;
	v31 =	vsel vm3, v1, v0;
	(pc) =	sbr.rel @p0 .LBB2_5-.Ltmp1, $4  }
0xbe: {  	v30 =	vand.u32 $0x80000000, v28;
	v29 =	vand.u32 $0x80000000, v25;
	v28 =	vand.u32 $0x80000000, v22  }
0xbf: {  	v27 =	vand.u32 $0x80000000, v19;
	v26 =	vand.u32 $0x80000000, v20;
	v25 =	vand.u32 $0x80000000, v21  }
0xc0: {  	v22 =	vand.u32 $0x80000000, v34;
	v24 =	vand.u32 $0x80000000, v23;
	v23 =	vand.u32 $0x80000000, v33  }
0xc1: {  	s13 =	sadd.s32 $0x200, s13;
	v21 =	vand.u32 $0x80000000, v35;
	v20 =	vand.u32 $0x80000000, v36;
	v19 =	vand.u32 $0x80000000, v37  }
0xc2: {  	v31 =	vor.u32 v31, v32  }
0xc3: {  	v3 =	vor.u32 v4, v3;
	[tilespmem:s7+$0xFFFFFF00] =	vst v31  }
0xc4: {  	v4 =	vor.u32 v5, v30;
	[tilespmem:s7+$0xFFFFFF10] =	vst v3  }
0xc5: {  	v5 =	vor.u32 v16, v19;
	[tilespmem:s7+$0xFFFFFF20] =	vst v4  }
0xc6: {  	v3 =	vor.u32 v6, v29;
	[tilespmem:s4+$0x50] =	vst v5  }
0xc7: {  	v4 =	vor.u32 v7, v28;
	[tilespmem:s7+$0xFFFFFF30] =	vst v3  }
0xc8: {  	v3 =	vor.u32 v8, v27;
	[tilespmem:s7+$0xFFFFFF40] =	vst v4  }
0xc9: {  	v4 =	vor.u32 v10, v26;
	[tilespmem:s7+$0xFFFFFF50] =	vst v3  }
0xca: {  	v3 =	vor.u32 v11, v25;
	[tilespmem:s7+$0xFFFFFF60] =	vst v4  }
0xcb: {  	v4 =	vor.u32 v12, v24;
	[tilespmem:s4+$0xFFFFFF70] =	vst v3  }
0xcc: {  	v3 =	vor.u32 v13, v23;
	[tilespmem:s4+$0x0] =	vst v4  }
0xcd: {  	v4 =	vor.u32 v14, v22;
	[tilespmem:s4+$0x10] =	vst v3  }
0xce: {  	v3 =	vor.u32 v15, v21;
	[tilespmem:s4+$0x20] =	vst v4  }
0xcf: {  	v4 =	vor.u32 v18, v20;
	[tilespmem:s4+$0x30] =	vst v3;
	v3 =	vand.u32 $0x80000000, v9  }
0xd0: {  	s13 =	sor.u32 s18, s11;
	p0 =	seq.s32 s3, $0xF;
	[tilespmem:s4+$0x40] =	vst v4;
	v3 =	vor.u32 v17, v3  }
0xd1: {  	s6 =	simm.s32 $0x8400;
	s15 =	sadd.s32 s16, s13;
	p1 =	seq.s32 @!p0 s3, $0x0;
	[tilespmem:s4+$0x60] =	vst v3  }
0xd2: {  	[hbm4b:s15+s31] =	stream.strided.scatter [tilespmem:s6], [sflag:$0x9], $0x1000, s0, s31, $0x38;
	[tilespmem:$0x10400] =	vst v63  }
0xd3: {  	p1 =	por p0, !p1;
	_ =	swait.ge [sflag:s8], $0x1000  }
0xd4: {  	s7 =	simm.s32 @!p0 $0x400;
	[sflag:s8] =	ssyncset.done $0x0;
	s4 =	rddreg [dreg:$0xc]  }
0xd5: {  	s6 =	simm.s32 @!p0 $0x100;
	[sflag:s8] =	ssyncadd.s32 $0xFFFFF000;
	s4 =	sadd.s32 @!p0 s11, s4  }
0xd6: {  	[tilespmem:s7], [sflag:$0x1] =	stream.strided.gather @!p0 [hbm4b:s4+s6], $0x1000, s7, s6, $0x38;
	[tilespmem:$0x10400] =	vst v63  }
0xd7: {  	s4 =	simm.s32 @p1 $0xA  }
0xd8: {  	_ =	swait.ge @p1 [sflag:s4], $0x1000  }
0xd9: {  	[sflag:s4] =	ssyncset.done @p1 $0x0  }
0xda: {  	s17 =	smov.u32 s16;
	s16 =	simm.s32 $0x1570;
	[sflag:s4] =	ssyncadd.s32 @p1 $0xFFFFF000  }
0xdb: {  	v4 =	vld [tilespmem:s16+$0x0]  }
0xdc: {  	v3 =	vld [tilespmem:s16+$0xFFFFFEA0]  }
0xdd: {  	v19 =	vld [tilespmem:s16+$0xFFFFFEB0]  }
0xde: {  	v20 =	vld [tilespmem:s16+$0xFFFFFEC0]  }
0xdf: {  	v21 =	vld [tilespmem:s16+$0xFFFFFED0]  }
0xe0: {  	v24 =	vld [tilespmem:s16+$0xFFFFFF00]  }
0xe1: {  	v25 =	vld [tilespmem:s16+$0xFFFFFF90]  }
0xe2: {  	v34 =	vld [tilespmem:s16+$0xFFFFFFA0]  }
0xe3: {  	v35 =	vld [tilespmem:s16+$0xFFFFFFB0]  }
0xe4: {  	v36 =	vld [tilespmem:s16+$0xFFFFFFC0]  }
0xe5: {  	v37 =	vld [tilespmem:s16+$0xFFFFFFD0]  }
0xe6: {  	v38 =	vld [tilespmem:s16+$0xFFFFFFE0]  }
0xe7: {  	v17 =	vld [tilespmem:s16+$0xFFFFFE90]  }
0xe8: {  	v22 =	vld [tilespmem:s16+$0xFFFFFEE0];
	v5 =	vand.u32 $0x7FFFFFFF, v4  }
0xe9: {  	v23 =	vld [tilespmem:s16+$0xFFFFFEF0];
	v6 =	vand.u32 $0x7FFFFFFF, v3;
	v3 =	vand.u32 $0x80000000, v3;
	v4 =	vand.u32 $0x80000000, v4  }
0xea: {  	v8 =	vand.u32 $0x7FFFFFFF, v24;
	v9 =	vand.u32 $0x7FFFFFFF, v25;
	v11 =	vand.u32 $0x7FFFFFFF, v34  }
0xeb: {  	v12 =	vand.u32 $0x7FFFFFFF, v35;
	v13 =	vand.u32 $0x7FFFFFFF, v36;
	v14 =	vand.u32 $0x7FFFFFFF, v37  }
0xec: {  	v15 =	vand.u32 $0x7FFFFFFF, v38;
	v18 =	vand.u32 $0x7FFFFFFF, v17;
	v32 =	vand.u32 $0x80000000, v17  }
0xed: {  	v30 =	vand.u32 $0x80000000, v19;
	v29 =	vand.u32 $0x80000000, v20;
	v28 =	vand.u32 $0x80000000, v21  }
0xee: {  	v27 =	vand.u32 $0x80000000, v22;
	v26 =	vand.u32 $0x80000000, v23;
	v24 =	vand.u32 $0x80000000, v24  }
0xef: {  	v25 =	vand.u32 $0x80000000, v25;
	vm0 =	vgt.f32 v5, v2;
	v5 =	vand.u32 $0x7FFFFFFF, v19  }
0xf0: {  	vm4 =	vgt.f32 v6, v2;
	v6 =	vand.u32 $0x7FFFFFFF, v20;
	vm8 =	vgt.f32 v8, v2  }
0xf1: {  	vm9 =	vgt.f32 v9, v2;
	vm10 =	vgt.f32 v11, v2;
	vm11 =	vgt.f32 v12, v2  }
0xf2: {  	vm12 =	vgt.f32 v13, v2;
	vm13 =	vgt.f32 v14, v2;
	vm14 =	vgt.f32 v15, v2  }
0xf3: {  	vm3 =	vgt.f32 v18, v2;
	v20 =	vand.u32 $0x80000000, v37;
	v19 =	vand.u32 $0x80000000, v38  }
0xf4: {  	v7 =	vsel vm0, v1, v0;
	vm1 =	vgt.f32 v5, v2;
	vm2 =	vgt.f32 v6, v2  }
0xf5: {  	v5 =	vand.u32 $0x7FFFFFFF, v21;
	v6 =	vand.u32 $0x7FFFFFFF, v22;
	v11 =	vsel vm8, v1, v0  }
0xf6: {  	v9 =	vld [tilespmem:s16+$0xFFFFFFF0];
	v12 =	vsel vm9, v1, v0;
	v13 =	vsel vm10, v1, v0;
	v14 =	vsel vm11, v1, v0  }
0xf7: {  	v15 =	vsel vm12, v1, v0;
	v18 =	vsel vm13, v1, v0;
	v31 =	vsel vm3, v1, v0  }
0xf8: {  	v22 =	vand.u32 $0x80000000, v35;
	v21 =	vand.u32 $0x80000000, v36;
	v33 =	vor.u32 v7, v4  }
0xf9: {  	v4 =	vsel vm4, v1, v0;
	vm5 =	vgt.f32 v5, v2;
	v5 =	vsel vm1, v1, v0  }
0xfa: {  	vm6 =	vgt.f32 v6, v2;
	v7 =	vand.u32 $0x7FFFFFFF, v23;
	v6 =	vsel vm2, v1, v0  }
0xfb: {  	v23 =	vand.u32 $0x80000000, v34;
	vm7 =	vgt.f32 v7, v2;
	v16 =	vand.u32 $0x7FFFFFFF, v9  }
0xfc: {  	s14 =	simm.s32 $0x9570;
	s15 =	simm.s32 $0x0;
	s7 =	simm.s32 $0x95F0;
	v7 =	vsel vm5, v1, v0;
	v8 =	vsel vm6, v1, v0;
	vm15 =	vgt.f32 v16, v2  }
0xfd: {  	s6 =	simm.s32 $0x9570;
	s4 =	simm.s32 $0x15F0;
	s16 =	simm.s32 $0x1770;
	[tilespmem:s14+$0x0] =	vst v33;
	v10 =	vsel vm7, v1, v0;
	v16 =	vsel vm14, v1, v0;
	v17 =	vsel vm15, v1, v0  }
.LBB2_7:
0xfe: {  	v33 =	vld [tilespmem:s16+$0x0];
	s15 =	sadd.s32 $0x10, s15;
	v31 =	vor.u32 v31, v32;
	v3 =	vor.u32 v4, v3;
	v4 =	vand.u32 $0x80000000, v9  }
0xff: {  	v5 =	vor.u32 v5, v30;
	v6 =	vor.u32 v6, v29;
	v7 =	vor.u32 v7, v28;
	v9 =	vld [tilespmem:s16+$0xFFFFFEA0];
	p2 =	slt.u32 s15, $0x70;
	[tilespmem:s14+$0xFFFFFE90] =	vst v31  }
0x100: {  	v8 =	vor.u32 v8, v27;
	v10 =	vor.u32 v10, v26;
	v11 =	vor.u32 v11, v24;
	v28 =	vld [tilespmem:s16+$0xFFFFFEB0];
	[tilespmem:s14+$0xFFFFFEA0] =	vst v3  }
0x101: {  	v24 =	vld [tilespmem:s16+$0xFFFFFEC0];
	[tilespmem:s14+$0xFFFFFEB0] =	vst v5;
	v5 =	vor.u32 v12, v25;
	v12 =	vor.u32 v13, v23;
	v13 =	vor.u32 v14, v22  }
0x102: {  	v16 =	vor.u32 v16, v19;
	v14 =	vor.u32 v15, v21;
	v15 =	vor.u32 v18, v20;
	v22 =	vld [tilespmem:s16+$0xFFFFFED0];
	[tilespmem:s14+$0xFFFFFEC0] =	vst v6  }
0x103: {  	v17 =	vor.u32 v17, v4;
	v19 =	vld [tilespmem:s16+$0xFFFFFEE0];
	v6 =	vand.u32 $0x7FFFFFFF, v33;
	[tilespmem:s14+$0xFFFFFED0] =	vst v7  }
0x104: {  	v4 =	vand.u32 $0x7FFFFFFF, v9;
	v3 =	vand.u32 $0x80000000, v9;
	v20 =	vld [tilespmem:s16+$0xFFFFFEF0];
	vm0 =	vgt.f32 v6, v2;
	[tilespmem:s14+$0xFFFFFEE0] =	vst v8  }
0x105: {  	v8 =	vand.u32 $0x80000000, v33;
	v6 =	vand.u32 $0x7FFFFFFF, v28;
	v21 =	vld [tilespmem:s16+$0xFFFFFF00];
	v7 =	vsel vm0, v1, v0;
	[tilespmem:s14+$0xFFFFFEF0] =	vst v10  }
0x106: {  	vm0 =	vgt.f32 v4, v2;
	s14 =	sadd.s32 $0x200, s14;
	v4 =	vand.u32 $0x7FFFFFFF, v24;
	v23 =	vld [tilespmem:s16+$0xFFFFFF90];
	v7 =	vor.u32 v7, v8;
	[tilespmem:s6+$0xFFFFFF00] =	vst v11  }
0x107: {  	vm1 =	vgt.f32 v6, v2;
	vm2 =	vgt.f32 v4, v2;
	v6 =	vand.u32 $0x7FFFFFFF, v22;
	v33 =	vld [tilespmem:s16+$0xFFFFFFA0];
	[tilespmem:s14+$0x0] =	vst v7  }
0x108: {  	v4 =	vsel vm0, v1, v0;
	vm0 =	vgt.f32 v6, v2;
	v6 =	vand.u32 $0x7FFFFFFF, v19;
	v34 =	vld [tilespmem:s16+$0xFFFFFFB0];
	[tilespmem:s6+$0xFFFFFF90] =	vst v5  }
0x109: {  	v5 =	vsel vm1, v1, v0;
	vm1 =	vgt.f32 v6, v2;
	v7 =	vand.u32 $0x7FFFFFFF, v20;
	v35 =	vld [tilespmem:s16+$0xFFFFFFC0];
	[tilespmem:s6+$0xFFFFFFA0] =	vst v12  }
0x10a: {  	v6 =	vsel vm2, v1, v0;
	vm2 =	vgt.f32 v7, v2;
	v8 =	vand.u32 $0x7FFFFFFF, v21;
	v36 =	vld [tilespmem:s16+$0xFFFFFFD0];
	[tilespmem:s6+$0xFFFFFFB0] =	vst v13  }
0x10b: {  	v7 =	vsel vm0, v1, v0;
	vm0 =	vgt.f32 v8, v2;
	v9 =	vand.u32 $0x7FFFFFFF, v23;
	v37 =	vld [tilespmem:s16+$0xFFFFFFE0];
	[tilespmem:s6+$0xFFFFFFC0] =	vst v14  }
0x10c: {  	v8 =	vsel vm1, v1, v0;
	vm1 =	vgt.f32 v9, v2;
	v11 =	vand.u32 $0x7FFFFFFF, v33;
	v9 =	vld [tilespmem:s16+$0xFFFFFFF0];
	[tilespmem:s6+$0xFFFFFFD0] =	vst v15  }
0x10d: {  	v10 =	vsel vm2, v1, v0;
	v25 =	vld [tilespmem:s16+$0xFFFFFE90];
	vm2 =	vgt.f32 v11, v2;
	v12 =	vand.u32 $0x7FFFFFFF, v34;
	[tilespmem:s6+$0xFFFFFFE0] =	vst v16  }
0x10e: {  	v11 =	vsel vm0, v1, v0;
	vm0 =	vgt.f32 v12, v2;
	v13 =	vand.u32 $0x7FFFFFFF, v35;
	[tilespmem:s6+$0xFFFFFFF0] =	vst v17;
	s6 =	smov.u32 s14  }
0x10f: {  	v12 =	vsel vm1, v1, v0;
	vm1 =	vgt.f32 v13, v2;
	v14 =	vand.u32 $0x7FFFFFFF, v36  }
0x110: {  	v13 =	vsel vm2, v1, v0;
	vm2 =	vgt.f32 v14, v2;
	v15 =	vand.u32 $0x7FFFFFFF, v37  }
0x111: {  	v14 =	vsel vm0, v1, v0;
	vm0 =	vgt.f32 v15, v2;
	v16 =	vand.u32 $0x7FFFFFFF, v9  }
0x112: {  	v15 =	vsel vm1, v1, v0;
	v17 =	vand.u32 $0x7FFFFFFF, v25;
	vm1 =	vgt.f32 v16, v2  }
0x113: {  	v18 =	vsel vm2, v1, v0;
	v16 =	vsel vm0, v1, v0;
	vm3 =	vgt.f32 v17, v2  }
.Ltmp2:
0x114: {  	v32 =	vand.u32 $0x80000000, v25;
	v17 =	vsel vm1, v1, v0;
	v31 =	vsel vm3, v1, v0;
	(pc) =	sbr.rel @p2 .LBB2_7-.Ltmp2, $4  }
0x115: {  	v30 =	vand.u32 $0x80000000, v28;
	v29 =	vand.u32 $0x80000000, v24;
	v28 =	vand.u32 $0x80000000, v22  }
0x116: {  	v27 =	vand.u32 $0x80000000, v19;
	v26 =	vand.u32 $0x80000000, v20;
	v24 =	vand.u32 $0x80000000, v21  }
0x117: {  	v22 =	vand.u32 $0x80000000, v34;
	v25 =	vand.u32 $0x80000000, v23;
	v23 =	vand.u32 $0x80000000, v33  }
0x118: {  	s16 =	sadd.s32 $0x200, s16;
	v21 =	vand.u32 $0x80000000, v35;
	v20 =	vand.u32 $0x80000000, v36;
	v19 =	vand.u32 $0x80000000, v37  }
0x119: {  	v31 =	vor.u32 v31, v32  }
0x11a: {  	v3 =	vor.u32 v4, v3;
	[tilespmem:s14+$0xFFFFFE90] =	vst v31  }
0x11b: {  	v4 =	vor.u32 v5, v30;
	[tilespmem:s14+$0xFFFFFEA0] =	vst v3  }
0x11c: {  	v5 =	vor.u32 v16, v19;
	[tilespmem:s14+$0xFFFFFEB0] =	vst v4  }
0x11d: {  	v3 =	vor.u32 v6, v29;
	[tilespmem:s6+$0xFFFFFFE0] =	vst v5  }
0x11e: {  	v4 =	vor.u32 v7, v28;
	[tilespmem:s14+$0xFFFFFEC0] =	vst v3  }
0x11f: {  	v3 =	vor.u32 v8, v27;
	[tilespmem:s14+$0xFFFFFED0] =	vst v4  }
0x120: {  	v4 =	vor.u32 v10, v26;
	[tilespmem:s14+$0xFFFFFEE0] =	vst v3  }
0x121: {  	v3 =	vor.u32 v11, v24;
	[tilespmem:s14+$0xFFFFFEF0] =	vst v4  }
0x122: {  	v4 =	vor.u32 v12, v25;
	[tilespmem:s6+$0xFFFFFF00] =	vst v3  }
0x123: {  	v3 =	vor.u32 v13, v23;
	[tilespmem:s6+$0xFFFFFF90] =	vst v4  }
0x124: {  	v4 =	vor.u32 v14, v22;
	[tilespmem:s6+$0xFFFFFFA0] =	vst v3  }
0x125: {  	v3 =	vor.u32 v15, v21;
	[tilespmem:s6+$0xFFFFFFB0] =	vst v4  }
0x126: {  	v4 =	vor.u32 v18, v20;
	[tilespmem:s6+$0xFFFFFFC0] =	vst v3;
	v3 =	vand.u32 $0x80000000, v9  }
0x127: {  	[tilespmem:s6+$0xFFFFFFD0] =	vst v4;
	v3 =	vor.u32 v17, v3  }
0x128: {  	[tilespmem:s6+$0xFFFFFFF0] =	vst v3  }
0x129: {  	v4 =	vld [tilespmem:s4+$0x0]  }
0x12a: {  	v3 =	vld [tilespmem:s4+$0xFFFFFEA0]  }
0x12b: {  	v19 =	vld [tilespmem:s4+$0xFFFFFEB0]  }
0x12c: {  	v20 =	vld [tilespmem:s4+$0xFFFFFEC0]  }
0x12d: {  	v21 =	vld [tilespmem:s4+$0xFFFFFED0]  }
0x12e: {  	v24 =	vld [tilespmem:s4+$0xFFFFFF00]  }
0x12f: {  	v33 =	vld [tilespmem:s4+$0xFFFFFF90]  }
0x130: {  	v35 =	vld [tilespmem:s4+$0xFFFFFFA0]  }
0x131: {  	v36 =	vld [tilespmem:s4+$0xFFFFFFB0]  }
0x132: {  	v37 =	vld [tilespmem:s4+$0xFFFFFFC0]  }
0x133: {  	v38 =	vld [tilespmem:s4+$0xFFFFFFD0]  }
0x134: {  	v39 =	vld [tilespmem:s4+$0xFFFFFFE0]  }
0x135: {  	v17 =	vld [tilespmem:s4+$0xFFFFFE90]  }
0x136: {  	v22 =	vld [tilespmem:s4+$0xFFFFFEE0];
	v5 =	vand.u32 $0x7FFFFFFF, v4  }
0x137: {  	v23 =	vld [tilespmem:s4+$0xFFFFFEF0];
	v6 =	vand.u32 $0x7FFFFFFF, v3;
	v3 =	vand.u32 $0x80000000, v3;
	v4 =	vand.u32 $0x80000000, v4  }
0x138: {  	v8 =	vand.u32 $0x7FFFFFFF, v24;
	v9 =	vand.u32 $0x7FFFFFFF, v33;
	v11 =	vand.u32 $0x7FFFFFFF, v35  }
0x139: {  	v12 =	vand.u32 $0x7FFFFFFF, v36;
	v13 =	vand.u32 $0x7FFFFFFF, v37;
	v14 =	vand.u32 $0x7FFFFFFF, v38  }
0x13a: {  	v15 =	vand.u32 $0x7FFFFFFF, v39;
	v18 =	vand.u32 $0x7FFFFFFF, v17;
	v32 =	vand.u32 $0x80000000, v17  }
0x13b: {  	v30 =	vand.u32 $0x80000000, v19;
	v29 =	vand.u32 $0x80000000, v20;
	v28 =	vand.u32 $0x80000000, v21  }
0x13c: {  	v27 =	vand.u32 $0x80000000, v22;
	v26 =	vand.u32 $0x80000000, v23;
	v25 =	vand.u32 $0x80000000, v24  }
0x13d: {  	v24 =	vand.u32 $0x80000000, v33;
	vm0 =	vgt.f32 v5, v2;
	v5 =	vand.u32 $0x7FFFFFFF, v19  }
0x13e: {  	vm4 =	vgt.f32 v6, v2;
	v6 =	vand.u32 $0x7FFFFFFF, v20;
	vm8 =	vgt.f32 v8, v2  }
0x13f: {  	vm9 =	vgt.f32 v9, v2;
	vm10 =	vgt.f32 v11, v2;
	vm11 =	vgt.f32 v12, v2  }
0x140: {  	vm12 =	vgt.f32 v13, v2;
	vm13 =	vgt.f32 v14, v2;
	vm14 =	vgt.f32 v15, v2  }
0x141: {  	vm3 =	vgt.f32 v18, v2;
	v20 =	vand.u32 $0x80000000, v38;
	v19 =	vand.u32 $0x80000000, v39  }
0x142: {  	v7 =	vsel vm0, v1, v0;
	vm1 =	vgt.f32 v5, v2;
	vm2 =	vgt.f32 v6, v2  }
0x143: {  	v5 =	vand.u32 $0x7FFFFFFF, v21;
	v6 =	vand.u32 $0x7FFFFFFF, v22;
	v11 =	vsel vm8, v1, v0  }
0x144: {  	v9 =	vld [tilespmem:s4+$0xFFFFFFF0];
	v12 =	vsel vm9, v1, v0;
	v13 =	vsel vm10, v1, v0;
	v14 =	vsel vm11, v1, v0  }
0x145: {  	v15 =	vsel vm12, v1, v0;
	v18 =	vsel vm13, v1, v0;
	v31 =	vsel vm3, v1, v0  }
0x146: {  	v22 =	vand.u32 $0x80000000, v36;
	v21 =	vand.u32 $0x80000000, v37;
	v34 =	vor.u32 v7, v4  }
0x147: {  	v4 =	vsel vm4, v1, v0;
	vm5 =	vgt.f32 v5, v2;
	v5 =	vsel vm1, v1, v0  }
0x148: {  	vm6 =	vgt.f32 v6, v2;
	v7 =	vand.u32 $0x7FFFFFFF, v23;
	v6 =	vsel vm2, v1, v0  }
0x149: {  	v23 =	vand.u32 $0x80000000, v35;
	vm7 =	vgt.f32 v7, v2;
	v16 =	vand.u32 $0x7FFFFFFF, v9  }
0x14a: {  	v7 =	vsel vm5, v1, v0;
	v8 =	vsel vm6, v1, v0;
	vm15 =	vgt.f32 v16, v2  }
0x14b: {  	s14 =	simm.s32 $0x17F0;
	s6 =	simm.s32 $0x0;
	s4 =	simm.s32 $0x95F0;
	[tilespmem:s7+$0x0] =	vst v34;
	v10 =	vsel vm7, v1, v0;
	v16 =	vsel vm14, v1, v0;
	v17 =	vsel vm15, v1, v0  }
.LBB2_9:
0x14c: {  	v33 =	vld [tilespmem:s14+$0x0];
	s6 =	sadd.s32 $0x10, s6;
	v31 =	vor.u32 v31, v32;
	v3 =	vor.u32 v4, v3;
	v4 =	vand.u32 $0x80000000, v9  }
0x14d: {  	v5 =	vor.u32 v5, v30;
	v6 =	vor.u32 v6, v29;
	v7 =	vor.u32 v7, v28;
	v9 =	vld [tilespmem:s14+$0xFFFFFEA0];
	p2 =	slt.u32 s6, $0x70;
	[tilespmem:s7+$0xFFFFFE90] =	vst v31  }
0x14e: {  	v8 =	vor.u32 v8, v27;
	v10 =	vor.u32 v10, v26;
	v11 =	vor.u32 v11, v25;
	v28 =	vld [tilespmem:s14+$0xFFFFFEB0];
	[tilespmem:s7+$0xFFFFFEA0] =	vst v3  }
0x14f: {  	v25 =	vld [tilespmem:s14+$0xFFFFFEC0];
	[tilespmem:s7+$0xFFFFFEB0] =	vst v5;
	v5 =	vor.u32 v12, v24;
	v12 =	vor.u32 v13, v23;
	v13 =	vor.u32 v14, v22  }
0x150: {  	v16 =	vor.u32 v16, v19;
	v14 =	vor.u32 v15, v21;
	v15 =	vor.u32 v18, v20;
	v22 =	vld [tilespmem:s14+$0xFFFFFED0];
	[tilespmem:s7+$0xFFFFFEC0] =	vst v6  }
0x151: {  	v17 =	vor.u32 v17, v4;
	v19 =	vld [tilespmem:s14+$0xFFFFFEE0];
	v6 =	vand.u32 $0x7FFFFFFF, v33;
	[tilespmem:s7+$0xFFFFFED0] =	vst v7  }
0x152: {  	v4 =	vand.u32 $0x7FFFFFFF, v9;
	v3 =	vand.u32 $0x80000000, v9;
	v20 =	vld [tilespmem:s14+$0xFFFFFEF0];
	vm0 =	vgt.f32 v6, v2;
	[tilespmem:s7+$0xFFFFFEE0] =	vst v8  }
0x153: {  	v8 =	vand.u32 $0x80000000, v33;
	v6 =	vand.u32 $0x7FFFFFFF, v28;
	v21 =	vld [tilespmem:s14+$0xFFFFFF00];
	v7 =	vsel vm0, v1, v0;
	[tilespmem:s7+$0xFFFFFEF0] =	vst v10  }
0x154: {  	vm0 =	vgt.f32 v4, v2;
	s7 =	sadd.s32 $0x200, s7;
	v4 =	vand.u32 $0x7FFFFFFF, v25;
	v23 =	vld [tilespmem:s14+$0xFFFFFF90];
	v7 =	vor.u32 v7, v8;
	[tilespmem:s4+$0xFFFFFF00] =	vst v11  }
0x155: {  	vm1 =	vgt.f32 v6, v2;
	vm2 =	vgt.f32 v4, v2;
	v6 =	vand.u32 $0x7FFFFFFF, v22;
	v33 =	vld [tilespmem:s14+$0xFFFFFFA0];
	[tilespmem:s7+$0x0] =	vst v7  }
0x156: {  	v4 =	vsel vm0, v1, v0;
	vm0 =	vgt.f32 v6, v2;
	v6 =	vand.u32 $0x7FFFFFFF, v19;
	v34 =	vld [tilespmem:s14+$0xFFFFFFB0];
	[tilespmem:s4+$0xFFFFFF90] =	vst v5  }
0x157: {  	v5 =	vsel vm1, v1, v0;
	vm1 =	vgt.f32 v6, v2;
	v7 =	vand.u32 $0x7FFFFFFF, v20;
	v35 =	vld [tilespmem:s14+$0xFFFFFFC0];
	[tilespmem:s4+$0xFFFFFFA0] =	vst v12  }
0x158: {  	v6 =	vsel vm2, v1, v0;
	vm2 =	vgt.f32 v7, v2;
	v8 =	vand.u32 $0x7FFFFFFF, v21;
	v36 =	vld [tilespmem:s14+$0xFFFFFFD0];
	[tilespmem:s4+$0xFFFFFFB0] =	vst v13  }
0x159: {  	v7 =	vsel vm0, v1, v0;
	vm0 =	vgt.f32 v8, v2;
	v9 =	vand.u32 $0x7FFFFFFF, v23;
	v37 =	vld [tilespmem:s14+$0xFFFFFFE0];
	[tilespmem:s4+$0xFFFFFFC0] =	vst v14  }
0x15a: {  	v8 =	vsel vm1, v1, v0;
	vm1 =	vgt.f32 v9, v2;
	v11 =	vand.u32 $0x7FFFFFFF, v33;
	v9 =	vld [tilespmem:s14+$0xFFFFFFF0];
	[tilespmem:s4+$0xFFFFFFD0] =	vst v15  }
0x15b: {  	v10 =	vsel vm2, v1, v0;
	v24 =	vld [tilespmem:s14+$0xFFFFFE90];
	vm2 =	vgt.f32 v11, v2;
	v12 =	vand.u32 $0x7FFFFFFF, v34;
	[tilespmem:s4+$0xFFFFFFE0] =	vst v16  }
0x15c: {  	v11 =	vsel vm0, v1, v0;
	vm0 =	vgt.f32 v12, v2;
	v13 =	vand.u32 $0x7FFFFFFF, v35;
	[tilespmem:s4+$0xFFFFFFF0] =	vst v17;
	s4 =	smov.u32 s7  }
0x15d: {  	v12 =	vsel vm1, v1, v0;
	vm1 =	vgt.f32 v13, v2;
	v14 =	vand.u32 $0x7FFFFFFF, v36  }
0x15e: {  	v13 =	vsel vm2, v1, v0;
	vm2 =	vgt.f32 v14, v2;
	v15 =	vand.u32 $0x7FFFFFFF, v37  }
0x15f: {  	v14 =	vsel vm0, v1, v0;
	vm0 =	vgt.f32 v15, v2;
	v16 =	vand.u32 $0x7FFFFFFF, v9  }
0x160: {  	v15 =	vsel vm1, v1, v0;
	v17 =	vand.u32 $0x7FFFFFFF, v24;
	vm1 =	vgt.f32 v16, v2  }
0x161: {  	v18 =	vsel vm2, v1, v0;
	v16 =	vsel vm0, v1, v0;
	vm3 =	vgt.f32 v17, v2  }
.Ltmp3:
0x162: {  	v32 =	vand.u32 $0x80000000, v24;
	v17 =	vsel vm1, v1, v0;
	v31 =	vsel vm3, v1, v0;
	(pc) =	sbr.rel @p2 .LBB2_9-.Ltmp3, $4  }
0x163: {  	v30 =	vand.u32 $0x80000000, v28;
	v29 =	vand.u32 $0x80000000, v25;
	v28 =	vand.u32 $0x80000000, v22  }
0x164: {  	v27 =	vand.u32 $0x80000000, v19;
	v26 =	vand.u32 $0x80000000, v20;
	v25 =	vand.u32 $0x80000000, v21  }
0x165: {  	v22 =	vand.u32 $0x80000000, v34;
	v24 =	vand.u32 $0x80000000, v23;
	v23 =	vand.u32 $0x80000000, v33  }
0x166: {  	s14 =	sadd.s32 $0x200, s14;
	v21 =	vand.u32 $0x80000000, v35;
	v20 =	vand.u32 $0x80000000, v36;
	v19 =	vand.u32 $0x80000000, v37  }
0x167: {  	v31 =	vor.u32 v31, v32  }
0x168: {  	v3 =	vor.u32 v4, v3;
	[tilespmem:s7+$0xFFFFFE90] =	vst v31  }
0x169: {  	v4 =	vor.u32 v5, v30;
	[tilespmem:s7+$0xFFFFFEA0] =	vst v3  }
0x16a: {  	v5 =	vor.u32 v16, v19;
	[tilespmem:s7+$0xFFFFFEB0] =	vst v4  }
0x16b: {  	v3 =	vor.u32 v6, v29;
	[tilespmem:s4+$0xFFFFFFE0] =	vst v5  }
0x16c: {  	v4 =	vor.u32 v7, v28;
	[tilespmem:s7+$0xFFFFFEC0] =	vst v3  }
0x16d: {  	v3 =	vor.u32 v8, v27;
	[tilespmem:s7+$0xFFFFFED0] =	vst v4  }
0x16e: {  	v4 =	vor.u32 v10, v26;
	[tilespmem:s7+$0xFFFFFEE0] =	vst v3  }
0x16f: {  	v3 =	vor.u32 v11, v25;
	[tilespmem:s7+$0xFFFFFEF0] =	vst v4  }
0x170: {  	v4 =	vor.u32 v12, v24;
	[tilespmem:s4+$0xFFFFFF00] =	vst v3  }
0x171: {  	v3 =	vor.u32 v13, v23;
	[tilespmem:s4+$0xFFFFFF90] =	vst v4  }
0x172: {  	v4 =	vor.u32 v14, v22;
	[tilespmem:s4+$0xFFFFFFA0] =	vst v3  }
0x173: {  	v3 =	vor.u32 v15, v21;
	[tilespmem:s4+$0xFFFFFFB0] =	vst v4  }
0x174: {  	v4 =	vor.u32 v18, v20;
	[tilespmem:s4+$0xFFFFFFC0] =	vst v3;
	v3 =	vand.u32 $0x80000000, v9  }
0x175: {  	[tilespmem:s4+$0xFFFFFFD0] =	vst v4;
	v3 =	vor.u32 v17, v3  }
0x176: {  	[tilespmem:s4+$0xFFFFFFF0] =	vst v3  }
0x177: {  	s4 =	rddreg [dreg:$0xd]  }
0x178: {  	s6 =	simm.s32 $0x9400;
	s4 =	sadd.s32 s13, s4  }
0x179: {  	[hbm4b:s4+s31] =	stream.strided.scatter [tilespmem:s6], [sflag:$0xA], $0x1000, s0, s31, $0x38;
	[tilespmem:$0x10400] =	vst v63  }
0x17a: {  	s14 =	simm.s32 @!p0 $0x1400;
	_ =	swait.ge [sflag:s10], $0x1000  }
0x17b: {  	s7 =	simm.s32 @!p0 $0x400;
	[sflag:s10] =	ssyncset.done $0x0;
	s4 =	rddreg [dreg:$0xe]  }
0x17c: {  	s6 =	simm.s32 @!p0 $0x100;
	[sflag:s10] =	ssyncadd.s32 $0xFFFFF000;
	s4 =	sadd.s32 @!p0 s11, s4  }
0x17d: {  	[tilespmem:s14], [sflag:$0x2] =	stream.strided.gather @!p0 [hbm4b:s4+s6], $0x1000, s7, s6, $0x38;
	[tilespmem:$0x10400] =	vst v63  }
0x17e: {  	s4 =	simm.s32 @p1 $0xB  }
0x17f: {  	_ =	swait.ge @p1 [sflag:s4], $0x1000  }
0x180: {  	[sflag:s4] =	ssyncset.done @p1 $0x0  }
0x181: {  	s16 =	simm.s32 $0x2570;
	[sflag:s4] =	ssyncadd.s32 @p1 $0xFFFFF000  }
0x182: {  	v4 =	vld [tilespmem:s16+$0x0]  }
0x183: {  	v3 =	vld [tilespmem:s16+$0xFFFFFEA0]  }
0x184: {  	v19 =	vld [tilespmem:s16+$0xFFFFFEB0]  }
0x185: {  	v20 =	vld [tilespmem:s16+$0xFFFFFEC0]  }
0x186: {  	v21 =	vld [tilespmem:s16+$0xFFFFFED0]  }
0x187: {  	v24 =	vld [tilespmem:s16+$0xFFFFFF00]  }
0x188: {  	v25 =	vld [tilespmem:s16+$0xFFFFFF90]  }
0x189: {  	v34 =	vld [tilespmem:s16+$0xFFFFFFA0]  }
0x18a: {  	v35 =	vld [tilespmem:s16+$0xFFFFFFB0]  }
0x18b: {  	v36 =	vld [tilespmem:s16+$0xFFFFFFC0]  }
0x18c: {  	v37 =	vld [tilespmem:s16+$0xFFFFFFD0]  }
0x18d: {  	v38 =	vld [tilespmem:s16+$0xFFFFFFE0]  }
0x18e: {  	v17 =	vld [tilespmem:s16+$0xFFFFFE90]  }
0x18f: {  	v22 =	vld [tilespmem:s16+$0xFFFFFEE0];
	v5 =	vand.u32 $0x7FFFFFFF, v4  }
0x190: {  	v23 =	vld [tilespmem:s16+$0xFFFFFEF0];
	v6 =	vand.u32 $0x7FFFFFFF, v3;
	v3 =	vand.u32 $0x80000000, v3;
	v4 =	vand.u32 $0x80000000, v4  }
0x191: {  	v8 =	vand.u32 $0x7FFFFFFF, v24;
	v9 =	vand.u32 $0x7FFFFFFF, v25;
	v11 =	vand.u32 $0x7FFFFFFF, v34  }
0x192: {  	v12 =	vand.u32 $0x7FFFFFFF, v35;
	v13 =	vand.u32 $0x7FFFFFFF, v36;
	v14 =	vand.u32 $0x7FFFFFFF, v37  }
0x193: {  	v15 =	vand.u32 $0x7FFFFFFF, v38;
	v18 =	vand.u32 $0x7FFFFFFF, v17;
	v32 =	vand.u32 $0x80000000, v17  }
0x194: {  	v30 =	vand.u32 $0x80000000, v19;
	v29 =	vand.u32 $0x80000000, v20;
	v28 =	vand.u32 $0x80000000, v21  }
0x195: {  	v27 =	vand.u32 $0x80000000, v22;
	v26 =	vand.u32 $0x80000000, v23;
	v24 =	vand.u32 $0x80000000, v24  }
0x196: {  	v25 =	vand.u32 $0x80000000, v25;
	vm0 =	vgt.f32 v5, v2;
	v5 =	vand.u32 $0x7FFFFFFF, v19  }
0x197: {  	vm4 =	vgt.f32 v6, v2;
	v6 =	vand.u32 $0x7FFFFFFF, v20;
	vm8 =	vgt.f32 v8, v2  }
0x198: {  	vm9 =	vgt.f32 v9, v2;
	vm10 =	vgt.f32 v11, v2;
	vm11 =	vgt.f32 v12, v2  }
0x199: {  	vm12 =	vgt.f32 v13, v2;
	vm13 =	vgt.f32 v14, v2;
	vm14 =	vgt.f32 v15, v2  }
0x19a: {  	vm3 =	vgt.f32 v18, v2;
	v20 =	vand.u32 $0x80000000, v37;
	v19 =	vand.u32 $0x80000000, v38  }
0x19b: {  	v7 =	vsel vm0, v1, v0;
	vm1 =	vgt.f32 v5, v2;
	vm2 =	vgt.f32 v6, v2  }
0x19c: {  	v5 =	vand.u32 $0x7FFFFFFF, v21;
	v6 =	vand.u32 $0x7FFFFFFF, v22;
	v11 =	vsel vm8, v1, v0  }
0x19d: {  	v9 =	vld [tilespmem:s16+$0xFFFFFFF0];
	v12 =	vsel vm9, v1, v0;
	v13 =	vsel vm10, v1, v0;
	v14 =	vsel vm11, v1, v0  }
0x19e: {  	v15 =	vsel vm12, v1, v0;
	v18 =	vsel vm13, v1, v0;
	v31 =	vsel vm3, v1, v0  }
0x19f: {  	v22 =	vand.u32 $0x80000000, v35;
	v21 =	vand.u32 $0x80000000, v36;
	v33 =	vor.u32 v7, v4  }
0x1a0: {  	v4 =	vsel vm4, v1, v0;
	vm5 =	vgt.f32 v5, v2;
	v5 =	vsel vm1, v1, v0  }
0x1a1: {  	vm6 =	vgt.f32 v6, v2;
	v7 =	vand.u32 $0x7FFFFFFF, v23;
	v6 =	vsel vm2, v1, v0  }
0x1a2: {  	v23 =	vand.u32 $0x80000000, v34;
	vm7 =	vgt.f32 v7, v2;
	v16 =	vand.u32 $0x7FFFFFFF, v9  }
0x1a3: {  	s15 =	simm.s32 $0x0;
	s14 =	simm.s32 $0xA570;
	s7 =	simm.s32 $0xA5F0;
	v7 =	vsel vm5, v1, v0;
	v8 =	vsel vm6, v1, v0;
	vm15 =	vgt.f32 v16, v2  }
0x1a4: {  	s6 =	simm.s32 $0xA570;
	s4 =	simm.s32 $0x25F0;
	s16 =	simm.s32 $0x2770;
	[tilespmem:s14+$0x0] =	vst v33;
	v10 =	vsel vm7, v1, v0;
	v16 =	vsel vm14, v1, v0;
	v17 =	vsel vm15, v1, v0  }
.LBB2_11:
0x1a5: {  	v33 =	vld [tilespmem:s16+$0x0];
	s15 =	sadd.s32 $0x10, s15;
	v31 =	vor.u32 v31, v32;
	v3 =	vor.u32 v4, v3;
	v4 =	vand.u32 $0x80000000, v9  }
0x1a6: {  	v5 =	vor.u32 v5, v30;
	v6 =	vor.u32 v6, v29;
	v7 =	vor.u32 v7, v28;
	v9 =	vld [tilespmem:s16+$0xFFFFFEA0];
	p2 =	slt.u32 s15, $0x70;
	[tilespmem:s14+$0xFFFFFE90] =	vst v31  }
0x1a7: {  	v8 =	vor.u32 v8, v27;
	v10 =	vor.u32 v10, v26;
	v11 =	vor.u32 v11, v24;
	v28 =	vld [tilespmem:s16+$0xFFFFFEB0];
	[tilespmem:s14+$0xFFFFFEA0] =	vst v3  }
0x1a8: {  	v24 =	vld [tilespmem:s16+$0xFFFFFEC0];
	[tilespmem:s14+$0xFFFFFEB0] =	vst v5;
	v5 =	vor.u32 v12, v25;
	v12 =	vor.u32 v13, v23;
	v13 =	vor.u32 v14, v22  }
0x1a9: {  	v16 =	vor.u32 v16, v19;
	v14 =	vor.u32 v15, v21;
	v15 =	vor.u32 v18, v20;
	v22 =	vld [tilespmem:s16+$0xFFFFFED0];
	[tilespmem:s14+$0xFFFFFEC0] =	vst v6  }
0x1aa: {  	v17 =	vor.u32 v17, v4;
	v19 =	vld [tilespmem:s16+$0xFFFFFEE0];
	v6 =	vand.u32 $0x7FFFFFFF, v33;
	[tilespmem:s14+$0xFFFFFED0] =	vst v7  }
0x1ab: {  	v4 =	vand.u32 $0x7FFFFFFF, v9;
	v3 =	vand.u32 $0x80000000, v9;
	v20 =	vld [tilespmem:s16+$0xFFFFFEF0];
	vm0 =	vgt.f32 v6, v2;
	[tilespmem:s14+$0xFFFFFEE0] =	vst v8  }
0x1ac: {  	v8 =	vand.u32 $0x80000000, v33;
	v6 =	vand.u32 $0x7FFFFFFF, v28;
	v21 =	vld [tilespmem:s16+$0xFFFFFF00];
	v7 =	vsel vm0, v1, v0;
	[tilespmem:s14+$0xFFFFFEF0] =	vst v10  }
0x1ad: {  	vm0 =	vgt.f32 v4, v2;
	s14 =	sadd.s32 $0x200, s14;
	v4 =	vand.u32 $0x7FFFFFFF, v24;
	v23 =	vld [tilespmem:s16+$0xFFFFFF90];
	v7 =	vor.u32 v7, v8;
	[tilespmem:s6+$0xFFFFFF00] =	vst v11  }
0x1ae: {  	vm1 =	vgt.f32 v6, v2;
	vm2 =	vgt.f32 v4, v2;
	v6 =	vand.u32 $0x7FFFFFFF, v22;
	v33 =	vld [tilespmem:s16+$0xFFFFFFA0];
	[tilespmem:s14+$0x0] =	vst v7  }
0x1af: {  	v4 =	vsel vm0, v1, v0;
	vm0 =	vgt.f32 v6, v2;
	v6 =	vand.u32 $0x7FFFFFFF, v19;
	v34 =	vld [tilespmem:s16+$0xFFFFFFB0];
	[tilespmem:s6+$0xFFFFFF90] =	vst v5  }
0x1b0: {  	v5 =	vsel vm1, v1, v0;
	vm1 =	vgt.f32 v6, v2;
	v7 =	vand.u32 $0x7FFFFFFF, v20;
	v35 =	vld [tilespmem:s16+$0xFFFFFFC0];
	[tilespmem:s6+$0xFFFFFFA0] =	vst v12  }
0x1b1: {  	v6 =	vsel vm2, v1, v0;
	vm2 =	vgt.f32 v7, v2;
	v8 =	vand.u32 $0x7FFFFFFF, v21;
	v36 =	vld [tilespmem:s16+$0xFFFFFFD0];
	[tilespmem:s6+$0xFFFFFFB0] =	vst v13  }
0x1b2: {  	v7 =	vsel vm0, v1, v0;
	vm0 =	vgt.f32 v8, v2;
	v9 =	vand.u32 $0x7FFFFFFF, v23;
	v37 =	vld [tilespmem:s16+$0xFFFFFFE0];
	[tilespmem:s6+$0xFFFFFFC0] =	vst v14  }
0x1b3: {  	v8 =	vsel vm1, v1, v0;
	vm1 =	vgt.f32 v9, v2;
	v11 =	vand.u32 $0x7FFFFFFF, v33;
	v9 =	vld [tilespmem:s16+$0xFFFFFFF0];
	[tilespmem:s6+$0xFFFFFFD0] =	vst v15  }
0x1b4: {  	v10 =	vsel vm2, v1, v0;
	v25 =	vld [tilespmem:s16+$0xFFFFFE90];
	vm2 =	vgt.f32 v11, v2;
	v12 =	vand.u32 $0x7FFFFFFF, v34;
	[tilespmem:s6+$0xFFFFFFE0] =	vst v16  }
0x1b5: {  	v11 =	vsel vm0, v1, v0;
	vm0 =	vgt.f32 v12, v2;
	v13 =	vand.u32 $0x7FFFFFFF, v35;
	[tilespmem:s6+$0xFFFFFFF0] =	vst v17;
	s6 =	smov.u32 s14  }
0x1b6: {  	v12 =	vsel vm1, v1, v0;
	vm1 =	vgt.f32 v13, v2;
	v14 =	vand.u32 $0x7FFFFFFF, v36  }
0x1b7: {  	v13 =	vsel vm2, v1, v0;
	vm2 =	vgt.f32 v14, v2;
	v15 =	vand.u32 $0x7FFFFFFF, v37  }
0x1b8: {  	v14 =	vsel vm0, v1, v0;
	vm0 =	vgt.f32 v15, v2;
	v16 =	vand.u32 $0x7FFFFFFF, v9  }
0x1b9: {  	v15 =	vsel vm1, v1, v0;
	v17 =	vand.u32 $0x7FFFFFFF, v25;
	vm1 =	vgt.f32 v16, v2  }
0x1ba: {  	v18 =	vsel vm2, v1, v0;
	v16 =	vsel vm0, v1, v0;
	vm3 =	vgt.f32 v17, v2  }
.Ltmp4:
0x1bb: {  	v32 =	vand.u32 $0x80000000, v25;
	v17 =	vsel vm1, v1, v0;
	v31 =	vsel vm3, v1, v0;
	(pc) =	sbr.rel @p2 .LBB2_11-.Ltmp4, $4  }
0x1bc: {  	v30 =	vand.u32 $0x80000000, v28;
	v29 =	vand.u32 $0x80000000, v24;
	v28 =	vand.u32 $0x80000000, v22  }
0x1bd: {  	v27 =	vand.u32 $0x80000000, v19;
	v26 =	vand.u32 $0x80000000, v20;
	v24 =	vand.u32 $0x80000000, v21  }
0x1be: {  	v22 =	vand.u32 $0x80000000, v34;
	v25 =	vand.u32 $0x80000000, v23;
	v23 =	vand.u32 $0x80000000, v33  }
0x1bf: {  	s16 =	sadd.s32 $0x200, s16;
	v21 =	vand.u32 $0x80000000, v35;
	v20 =	vand.u32 $0x80000000, v36;
	v19 =	vand.u32 $0x80000000, v37  }
0x1c0: {  	v31 =	vor.u32 v31, v32  }
0x1c1: {  	v3 =	vor.u32 v4, v3;
	[tilespmem:s14+$0xFFFFFE90] =	vst v31  }
0x1c2: {  	v4 =	vor.u32 v5, v30;
	[tilespmem:s14+$0xFFFFFEA0] =	vst v3  }
0x1c3: {  	v5 =	vor.u32 v16, v19;
	[tilespmem:s14+$0xFFFFFEB0] =	vst v4  }
0x1c4: {  	v3 =	vor.u32 v6, v29;
	[tilespmem:s6+$0xFFFFFFE0] =	vst v5  }
0x1c5: {  	v4 =	vor.u32 v7, v28;
	[tilespmem:s14+$0xFFFFFEC0] =	vst v3  }
0x1c6: {  	v3 =	vor.u32 v8, v27;
	[tilespmem:s14+$0xFFFFFED0] =	vst v4  }
0x1c7: {  	v4 =	vor.u32 v10, v26;
	[tilespmem:s14+$0xFFFFFEE0] =	vst v3  }
0x1c8: {  	v3 =	vor.u32 v11, v24;
	[tilespmem:s14+$0xFFFFFEF0] =	vst v4  }
0x1c9: {  	v4 =	vor.u32 v12, v25;
	[tilespmem:s6+$0xFFFFFF00] =	vst v3  }
0x1ca: {  	v3 =	vor.u32 v13, v23;
	[tilespmem:s6+$0xFFFFFF90] =	vst v4  }
0x1cb: {  	v4 =	vor.u32 v14, v22;
	[tilespmem:s6+$0xFFFFFFA0] =	vst v3  }
0x1cc: {  	v3 =	vor.u32 v15, v21;
	[tilespmem:s6+$0xFFFFFFB0] =	vst v4  }
0x1cd: {  	v4 =	vor.u32 v18, v20;
	[tilespmem:s6+$0xFFFFFFC0] =	vst v3;
	v3 =	vand.u32 $0x80000000, v9  }
0x1ce: {  	[tilespmem:s6+$0xFFFFFFD0] =	vst v4;
	v3 =	vor.u32 v17, v3  }
0x1cf: {  	[tilespmem:s6+$0xFFFFFFF0] =	vst v3  }
0x1d0: {  	v4 =	vld [tilespmem:s4+$0x0]  }
0x1d1: {  	v3 =	vld [tilespmem:s4+$0xFFFFFEA0]  }
0x1d2: {  	v19 =	vld [tilespmem:s4+$0xFFFFFEB0]  }
0x1d3: {  	v20 =	vld [tilespmem:s4+$0xFFFFFEC0]  }
0x1d4: {  	v21 =	vld [tilespmem:s4+$0xFFFFFED0]  }
0x1d5: {  	v24 =	vld [tilespmem:s4+$0xFFFFFF00]  }
0x1d6: {  	v33 =	vld [tilespmem:s4+$0xFFFFFF90]  }
0x1d7: {  	v35 =	vld [tilespmem:s4+$0xFFFFFFA0]  }
0x1d8: {  	v36 =	vld [tilespmem:s4+$0xFFFFFFB0]  }
0x1d9: {  	v37 =	vld [tilespmem:s4+$0xFFFFFFC0]  }
0x1da: {  	v38 =	vld [tilespmem:s4+$0xFFFFFFD0]  }
0x1db: {  	v39 =	vld [tilespmem:s4+$0xFFFFFFE0]  }
0x1dc: {  	v17 =	vld [tilespmem:s4+$0xFFFFFE90]  }
0x1dd: {  	v22 =	vld [tilespmem:s4+$0xFFFFFEE0];
	v5 =	vand.u32 $0x7FFFFFFF, v4  }
0x1de: {  	v23 =	vld [tilespmem:s4+$0xFFFFFEF0];
	v6 =	vand.u32 $0x7FFFFFFF, v3;
	v3 =	vand.u32 $0x80000000, v3;
	v4 =	vand.u32 $0x80000000, v4  }
0x1df: {  	v8 =	vand.u32 $0x7FFFFFFF, v24;
	v9 =	vand.u32 $0x7FFFFFFF, v33;
	v11 =	vand.u32 $0x7FFFFFFF, v35  }
0x1e0: {  	v12 =	vand.u32 $0x7FFFFFFF, v36;
	v13 =	vand.u32 $0x7FFFFFFF, v37;
	v14 =	vand.u32 $0x7FFFFFFF, v38  }
0x1e1: {  	v15 =	vand.u32 $0x7FFFFFFF, v39;
	v18 =	vand.u32 $0x7FFFFFFF, v17;
	v32 =	vand.u32 $0x80000000, v17  }
0x1e2: {  	v30 =	vand.u32 $0x80000000, v19;
	v29 =	vand.u32 $0x80000000, v20;
	v28 =	vand.u32 $0x80000000, v21  }
0x1e3: {  	v27 =	vand.u32 $0x80000000, v22;
	v26 =	vand.u32 $0x80000000, v23;
	v25 =	vand.u32 $0x80000000, v24  }
0x1e4: {  	v24 =	vand.u32 $0x80000000, v33;
	vm0 =	vgt.f32 v5, v2;
	v5 =	vand.u32 $0x7FFFFFFF, v19  }
0x1e5: {  	vm4 =	vgt.f32 v6, v2;
	v6 =	vand.u32 $0x7FFFFFFF, v20;
	vm8 =	vgt.f32 v8, v2  }
0x1e6: {  	vm9 =	vgt.f32 v9, v2;
	vm10 =	vgt.f32 v11, v2;
	vm11 =	vgt.f32 v12, v2  }
0x1e7: {  	vm12 =	vgt.f32 v13, v2;
	vm13 =	vgt.f32 v14, v2;
	vm14 =	vgt.f32 v15, v2  }
0x1e8: {  	vm3 =	vgt.f32 v18, v2;
	v20 =	vand.u32 $0x80000000, v38;
	v19 =	vand.u32 $0x80000000, v39  }
0x1e9: {  	v7 =	vsel vm0, v1, v0;
	vm1 =	vgt.f32 v5, v2;
	vm2 =	vgt.f32 v6, v2  }
0x1ea: {  	v5 =	vand.u32 $0x7FFFFFFF, v21;
	v6 =	vand.u32 $0x7FFFFFFF, v22;
	v11 =	vsel vm8, v1, v0  }
0x1eb: {  	v9 =	vld [tilespmem:s4+$0xFFFFFFF0];
	v12 =	vsel vm9, v1, v0;
	v13 =	vsel vm10, v1, v0;
	v14 =	vsel vm11, v1, v0  }
0x1ec: {  	v15 =	vsel vm12, v1, v0;
	v18 =	vsel vm13, v1, v0;
	v31 =	vsel vm3, v1, v0  }
0x1ed: {  	v22 =	vand.u32 $0x80000000, v36;
	v21 =	vand.u32 $0x80000000, v37;
	v34 =	vor.u32 v7, v4  }
0x1ee: {  	v4 =	vsel vm4, v1, v0;
	vm5 =	vgt.f32 v5, v2;
	v5 =	vsel vm1, v1, v0  }
0x1ef: {  	vm6 =	vgt.f32 v6, v2;
	v7 =	vand.u32 $0x7FFFFFFF, v23;
	v6 =	vsel vm2, v1, v0  }
0x1f0: {  	v23 =	vand.u32 $0x80000000, v35;
	vm7 =	vgt.f32 v7, v2;
	v16 =	vand.u32 $0x7FFFFFFF, v9  }
0x1f1: {  	v7 =	vsel vm5, v1, v0;
	v8 =	vsel vm6, v1, v0;
	vm15 =	vgt.f32 v16, v2  }
0x1f2: {  	s14 =	simm.s32 $0x27F0;
	s6 =	simm.s32 $0x0;
	s4 =	simm.s32 $0xA5F0;
	[tilespmem:s7+$0x0] =	vst v34;
	v10 =	vsel vm7, v1, v0;
	v16 =	vsel vm14, v1, v0;
	v17 =	vsel vm15, v1, v0  }
.LBB2_13:
0x1f3: {  	v33 =	vld [tilespmem:s14+$0x0];
	s6 =	sadd.s32 $0x10, s6;
	v31 =	vor.u32 v31, v32;
	v3 =	vor.u32 v4, v3;
	v4 =	vand.u32 $0x80000000, v9  }
0x1f4: {  	v5 =	vor.u32 v5, v30;
	v6 =	vor.u32 v6, v29;
	v7 =	vor.u32 v7, v28;
	v9 =	vld [tilespmem:s14+$0xFFFFFEA0];
	p2 =	slt.u32 s6, $0x70;
	[tilespmem:s7+$0xFFFFFE90] =	vst v31  }
0x1f5: {  	v8 =	vor.u32 v8, v27;
	v10 =	vor.u32 v10, v26;
	v11 =	vor.u32 v11, v25;
	v28 =	vld [tilespmem:s14+$0xFFFFFEB0];
	[tilespmem:s7+$0xFFFFFEA0] =	vst v3  }
0x1f6: {  	v25 =	vld [tilespmem:s14+$0xFFFFFEC0];
	[tilespmem:s7+$0xFFFFFEB0] =	vst v5;
	v5 =	vor.u32 v12, v24;
	v12 =	vor.u32 v13, v23;
	v13 =	vor.u32 v14, v22  }
0x1f7: {  	v16 =	vor.u32 v16, v19;
	v14 =	vor.u32 v15, v21;
	v15 =	vor.u32 v18, v20;
	v22 =	vld [tilespmem:s14+$0xFFFFFED0];
	[tilespmem:s7+$0xFFFFFEC0] =	vst v6  }
0x1f8: {  	v17 =	vor.u32 v17, v4;
	v19 =	vld [tilespmem:s14+$0xFFFFFEE0];
	v6 =	vand.u32 $0x7FFFFFFF, v33;
	[tilespmem:s7+$0xFFFFFED0] =	vst v7  }
0x1f9: {  	v4 =	vand.u32 $0x7FFFFFFF, v9;
	v3 =	vand.u32 $0x80000000, v9;
	v20 =	vld [tilespmem:s14+$0xFFFFFEF0];
	vm0 =	vgt.f32 v6, v2;
	[tilespmem:s7+$0xFFFFFEE0] =	vst v8  }
0x1fa: {  	v8 =	vand.u32 $0x80000000, v33;
	v6 =	vand.u32 $0x7FFFFFFF, v28;
	v21 =	vld [tilespmem:s14+$0xFFFFFF00];
	v7 =	vsel vm0, v1, v0;
	[tilespmem:s7+$0xFFFFFEF0] =	vst v10  }
0x1fb: {  	vm0 =	vgt.f32 v4, v2;
	s7 =	sadd.s32 $0x200, s7;
	v4 =	vand.u32 $0x7FFFFFFF, v25;
	v23 =	vld [tilespmem:s14+$0xFFFFFF90];
	v7 =	vor.u32 v7, v8;
	[tilespmem:s4+$0xFFFFFF00] =	vst v11  }
0x1fc: {  	vm1 =	vgt.f32 v6, v2;
	vm2 =	vgt.f32 v4, v2;
	v6 =	vand.u32 $0x7FFFFFFF, v22;
	v33 =	vld [tilespmem:s14+$0xFFFFFFA0];
	[tilespmem:s7+$0x0] =	vst v7  }
0x1fd: {  	v4 =	vsel vm0, v1, v0;
	vm0 =	vgt.f32 v6, v2;
	v6 =	vand.u32 $0x7FFFFFFF, v19;
	v34 =	vld [tilespmem:s14+$0xFFFFFFB0];
	[tilespmem:s4+$0xFFFFFF90] =	vst v5  }
0x1fe: {  	v5 =	vsel vm1, v1, v0;
	vm1 =	vgt.f32 v6, v2;
	v7 =	vand.u32 $0x7FFFFFFF, v20;
	v35 =	vld [tilespmem:s14+$0xFFFFFFC0];
	[tilespmem:s4+$0xFFFFFFA0] =	vst v12  }
0x1ff: {  	v6 =	vsel vm2, v1, v0;
	vm2 =	vgt.f32 v7, v2;
	v8 =	vand.u32 $0x7FFFFFFF, v21;
	v36 =	vld [tilespmem:s14+$0xFFFFFFD0];
	[tilespmem:s4+$0xFFFFFFB0] =	vst v13  }
0x200: {  	v7 =	vsel vm0, v1, v0;
	vm0 =	vgt.f32 v8, v2;
	v9 =	vand.u32 $0x7FFFFFFF, v23;
	v37 =	vld [tilespmem:s14+$0xFFFFFFE0];
	[tilespmem:s4+$0xFFFFFFC0] =	vst v14  }
0x201: {  	v8 =	vsel vm1, v1, v0;
	vm1 =	vgt.f32 v9, v2;
	v11 =	vand.u32 $0x7FFFFFFF, v33;
	v9 =	vld [tilespmem:s14+$0xFFFFFFF0];
	[tilespmem:s4+$0xFFFFFFD0] =	vst v15  }
0x202: {  	v10 =	vsel vm2, v1, v0;
	v24 =	vld [tilespmem:s14+$0xFFFFFE90];
	vm2 =	vgt.f32 v11, v2;
	v12 =	vand.u32 $0x7FFFFFFF, v34;
	[tilespmem:s4+$0xFFFFFFE0] =	vst v16  }
0x203: {  	v11 =	vsel vm0, v1, v0;
	vm0 =	vgt.f32 v12, v2;
	v13 =	vand.u32 $0x7FFFFFFF, v35;
	[tilespmem:s4+$0xFFFFFFF0] =	vst v17;
	s4 =	smov.u32 s7  }
0x204: {  	v12 =	vsel vm1, v1, v0;
	vm1 =	vgt.f32 v13, v2;
	v14 =	vand.u32 $0x7FFFFFFF, v36  }
0x205: {  	v13 =	vsel vm2, v1, v0;
	vm2 =	vgt.f32 v14, v2;
	v15 =	vand.u32 $0x7FFFFFFF, v37  }
0x206: {  	v14 =	vsel vm0, v1, v0;
	vm0 =	vgt.f32 v15, v2;
	v16 =	vand.u32 $0x7FFFFFFF, v9  }
0x207: {  	v15 =	vsel vm1, v1, v0;
	v17 =	vand.u32 $0x7FFFFFFF, v24;
	vm1 =	vgt.f32 v16, v2  }
0x208: {  	v18 =	vsel vm2, v1, v0;
	v16 =	vsel vm0, v1, v0;
	vm3 =	vgt.f32 v17, v2  }
.Ltmp5:
0x209: {  	v32 =	vand.u32 $0x80000000, v24;
	v17 =	vsel vm1, v1, v0;
	v31 =	vsel vm3, v1, v0;
	(pc) =	sbr.rel @p2 .LBB2_13-.Ltmp5, $4  }
0x20a: {  	v30 =	vand.u32 $0x80000000, v28;
	v29 =	vand.u32 $0x80000000, v25;
	v28 =	vand.u32 $0x80000000, v22  }
0x20b: {  	v27 =	vand.u32 $0x80000000, v19;
	v26 =	vand.u32 $0x80000000, v20;
	v25 =	vand.u32 $0x80000000, v21  }
0x20c: {  	v22 =	vand.u32 $0x80000000, v34;
	v24 =	vand.u32 $0x80000000, v23;
	v23 =	vand.u32 $0x80000000, v33  }
0x20d: {  	s14 =	sadd.s32 $0x200, s14;
	v21 =	vand.u32 $0x80000000, v35;
	v20 =	vand.u32 $0x80000000, v36;
	v19 =	vand.u32 $0x80000000, v37  }
0x20e: {  	v31 =	vor.u32 v31, v32  }
0x20f: {  	v3 =	vor.u32 v4, v3;
	[tilespmem:s7+$0xFFFFFE90] =	vst v31  }
0x210: {  	v4 =	vor.u32 v5, v30;
	[tilespmem:s7+$0xFFFFFEA0] =	vst v3  }
0x211: {  	v5 =	vor.u32 v16, v19;
	[tilespmem:s7+$0xFFFFFEB0] =	vst v4  }
0x212: {  	v3 =	vor.u32 v6, v29;
	[tilespmem:s4+$0xFFFFFFE0] =	vst v5  }
0x213: {  	v4 =	vor.u32 v7, v28;
	[tilespmem:s7+$0xFFFFFEC0] =	vst v3  }
0x214: {  	v3 =	vor.u32 v8, v27;
	[tilespmem:s7+$0xFFFFFED0] =	vst v4  }
0x215: {  	v4 =	vor.u32 v10, v26;
	[tilespmem:s7+$0xFFFFFEE0] =	vst v3  }
0x216: {  	v3 =	vor.u32 v11, v25;
	[tilespmem:s7+$0xFFFFFEF0] =	vst v4  }
0x217: {  	v4 =	vor.u32 v12, v24;
	[tilespmem:s4+$0xFFFFFF00] =	vst v3  }
0x218: {  	v3 =	vor.u32 v13, v23;
	[tilespmem:s4+$0xFFFFFF90] =	vst v4  }
0x219: {  	v4 =	vor.u32 v14, v22;
	[tilespmem:s4+$0xFFFFFFA0] =	vst v3  }
0x21a: {  	v3 =	vor.u32 v15, v21;
	[tilespmem:s4+$0xFFFFFFB0] =	vst v4  }
0x21b: {  	v4 =	vor.u32 v18, v20;
	[tilespmem:s4+$0xFFFFFFC0] =	vst v3;
	v3 =	vand.u32 $0x80000000, v9  }
0x21c: {  	[tilespmem:s4+$0xFFFFFFD0] =	vst v4;
	v3 =	vor.u32 v17, v3  }
0x21d: {  	[tilespmem:s4+$0xFFFFFFF0] =	vst v3  }
0x21e: {  	s4 =	rddreg [dreg:$0xf]  }
0x21f: {  	s6 =	simm.s32 $0xA400;
	s4 =	sadd.s32 s13, s4  }
0x220: {  	[hbm4b:s4+s31] =	stream.strided.scatter [tilespmem:s6], [sflag:$0xB], $0x1000, s0, s31, $0x38;
	[tilespmem:$0x10400] =	vst v63  }
0x221: {  	_ =	swait.ge [sflag:s12], $0x1000  }
0x222: {  	s14 =	simm.s32 @!p0 $0x2400;
	s7 =	simm.s32 @!p0 $0x400;
	[sflag:s12] =	ssyncset.done $0x0  }
0x223: {  	s4 =	sadd.s32 @!p0 s11, s19;
	s6 =	simm.s32 @!p0 $0x100;
	[sflag:s12] =	ssyncadd.s32 $0xFFFFF000  }
0x224: {  	[tilespmem:s14], [sflag:$0x3] =	stream.strided.gather @!p0 [hbm4b:s4+s6], $0x1000, s7, s6, $0x38;
	[tilespmem:$0x10400] =	vst v63  }
0x225: {  	s4 =	simm.s32 @p1 $0xC  }
0x226: {  	_ =	swait.ge @p1 [sflag:s4], $0x1000  }
0x227: {  	[sflag:s4] =	ssyncset.done @p1 $0x0  }
0x228: {  	s16 =	simm.s32 $0x3570;
	[sflag:s4] =	ssyncadd.s32 @p1 $0xFFFFF000  }
0x229: {  	v4 =	vld [tilespmem:s16+$0x0]  }
0x22a: {  	v3 =	vld [tilespmem:s16+$0xFFFFFEA0]  }
0x22b: {  	v19 =	vld [tilespmem:s16+$0xFFFFFEB0]  }
0x22c: {  	v20 =	vld [tilespmem:s16+$0xFFFFFEC0]  }
0x22d: {  	v21 =	vld [tilespmem:s16+$0xFFFFFED0]  }
0x22e: {  	v24 =	vld [tilespmem:s16+$0xFFFFFF00]  }
0x22f: {  	v25 =	vld [tilespmem:s16+$0xFFFFFF90]  }
0x230: {  	v34 =	vld [tilespmem:s16+$0xFFFFFFA0]  }
0x231: {  	v35 =	vld [tilespmem:s16+$0xFFFFFFB0]  }
0x232: {  	v36 =	vld [tilespmem:s16+$0xFFFFFFC0]  }
0x233: {  	v37 =	vld [tilespmem:s16+$0xFFFFFFD0]  }
0x234: {  	v38 =	vld [tilespmem:s16+$0xFFFFFFE0]  }
0x235: {  	v17 =	vld [tilespmem:s16+$0xFFFFFE90]  }
0x236: {  	v22 =	vld [tilespmem:s16+$0xFFFFFEE0];
	v5 =	vand.u32 $0x7FFFFFFF, v4  }
0x237: {  	v23 =	vld [tilespmem:s16+$0xFFFFFEF0];
	v6 =	vand.u32 $0x7FFFFFFF, v3;
	v3 =	vand.u32 $0x80000000, v3;
	v4 =	vand.u32 $0x80000000, v4  }
0x238: {  	v8 =	vand.u32 $0x7FFFFFFF, v24;
	v9 =	vand.u32 $0x7FFFFFFF, v25;
	v11 =	vand.u32 $0x7FFFFFFF, v34  }
0x239: {  	v12 =	vand.u32 $0x7FFFFFFF, v35;
	v13 =	vand.u32 $0x7FFFFFFF, v36;
	v14 =	vand.u32 $0x7FFFFFFF, v37  }
0x23a: {  	v15 =	vand.u32 $0x7FFFFFFF, v38;
	v18 =	vand.u32 $0x7FFFFFFF, v17;
	v32 =	vand.u32 $0x80000000, v17  }
0x23b: {  	v30 =	vand.u32 $0x80000000, v19;
	v29 =	vand.u32 $0x80000000, v20;
	v28 =	vand.u32 $0x80000000, v21  }
0x23c: {  	v27 =	vand.u32 $0x80000000, v22;
	v26 =	vand.u32 $0x80000000, v23;
	v24 =	vand.u32 $0x80000000, v24  }
0x23d: {  	v25 =	vand.u32 $0x80000000, v25;
	vm0 =	vgt.f32 v5, v2;
	v5 =	vand.u32 $0x7FFFFFFF, v19  }
0x23e: {  	vm4 =	vgt.f32 v6, v2;
	v6 =	vand.u32 $0x7FFFFFFF, v20;
	vm8 =	vgt.f32 v8, v2  }
0x23f: {  	vm9 =	vgt.f32 v9, v2;
	vm10 =	vgt.f32 v11, v2;
	vm11 =	vgt.f32 v12, v2  }
0x240: {  	vm12 =	vgt.f32 v13, v2;
	vm13 =	vgt.f32 v14, v2;
	vm14 =	vgt.f32 v15, v2  }
0x241: {  	vm3 =	vgt.f32 v18, v2;
	v20 =	vand.u32 $0x80000000, v37;
	v19 =	vand.u32 $0x80000000, v38  }
0x242: {  	v7 =	vsel vm0, v1, v0;
	vm1 =	vgt.f32 v5, v2;
	vm2 =	vgt.f32 v6, v2  }
0x243: {  	v5 =	vand.u32 $0x7FFFFFFF, v21;
	v6 =	vand.u32 $0x7FFFFFFF, v22;
	v11 =	vsel vm8, v1, v0  }
0x244: {  	v9 =	vld [tilespmem:s16+$0xFFFFFFF0];
	v12 =	vsel vm9, v1, v0;
	v13 =	vsel vm10, v1, v0;
	v14 =	vsel vm11, v1, v0  }
0x245: {  	v15 =	vsel vm12, v1, v0;
	v18 =	vsel vm13, v1, v0;
	v31 =	vsel vm3, v1, v0  }
0x246: {  	v22 =	vand.u32 $0x80000000, v35;
	v21 =	vand.u32 $0x80000000, v36;
	v33 =	vor.u32 v7, v4  }
0x247: {  	v4 =	vsel vm4, v1, v0;
	vm5 =	vgt.f32 v5, v2;
	v5 =	vsel vm1, v1, v0  }
0x248: {  	vm6 =	vgt.f32 v6, v2;
	v7 =	vand.u32 $0x7FFFFFFF, v23;
	v6 =	vsel vm2, v1, v0  }
0x249: {  	v23 =	vand.u32 $0x80000000, v34;
	vm7 =	vgt.f32 v7, v2;
	v16 =	vand.u32 $0x7FFFFFFF, v9  }
0x24a: {  	s15 =	simm.s32 $0x0;
	s14 =	simm.s32 $0xB570;
	s7 =	simm.s32 $0xB5F0;
	v7 =	vsel vm5, v1, v0;
	v8 =	vsel vm6, v1, v0;
	vm15 =	vgt.f32 v16, v2  }
0x24b: {  	s6 =	simm.s32 $0xB570;
	s4 =	simm.s32 $0x35F0;
	s16 =	simm.s32 $0x3770;
	[tilespmem:s14+$0x0] =	vst v33;
	v10 =	vsel vm7, v1, v0;
	v16 =	vsel vm14, v1, v0;
	v17 =	vsel vm15, v1, v0  }
.LBB2_15:
0x24c: {  	v33 =	vld [tilespmem:s16+$0x0];
	s15 =	sadd.s32 $0x10, s15;
	v31 =	vor.u32 v31, v32;
	v3 =	vor.u32 v4, v3;
	v4 =	vand.u32 $0x80000000, v9  }
0x24d: {  	v5 =	vor.u32 v5, v30;
	v6 =	vor.u32 v6, v29;
	v7 =	vor.u32 v7, v28;
	v9 =	vld [tilespmem:s16+$0xFFFFFEA0];
	p2 =	slt.u32 s15, $0x70;
	[tilespmem:s14+$0xFFFFFE90] =	vst v31  }
0x24e: {  	v8 =	vor.u32 v8, v27;
	v10 =	vor.u32 v10, v26;
	v11 =	vor.u32 v11, v24;
	v28 =	vld [tilespmem:s16+$0xFFFFFEB0];
	[tilespmem:s14+$0xFFFFFEA0] =	vst v3  }
0x24f: {  	v24 =	vld [tilespmem:s16+$0xFFFFFEC0];
	[tilespmem:s14+$0xFFFFFEB0] =	vst v5;
	v5 =	vor.u32 v12, v25;
	v12 =	vor.u32 v13, v23;
	v13 =	vor.u32 v14, v22  }
0x250: {  	v16 =	vor.u32 v16, v19;
	v14 =	vor.u32 v15, v21;
	v15 =	vor.u32 v18, v20;
	v22 =	vld [tilespmem:s16+$0xFFFFFED0];
	[tilespmem:s14+$0xFFFFFEC0] =	vst v6  }
0x251: {  	v17 =	vor.u32 v17, v4;
	v19 =	vld [tilespmem:s16+$0xFFFFFEE0];
	v6 =	vand.u32 $0x7FFFFFFF, v33;
	[tilespmem:s14+$0xFFFFFED0] =	vst v7  }
0x252: {  	v4 =	vand.u32 $0x7FFFFFFF, v9;
	v3 =	vand.u32 $0x80000000, v9;
	v20 =	vld [tilespmem:s16+$0xFFFFFEF0];
	vm0 =	vgt.f32 v6, v2;
	[tilespmem:s14+$0xFFFFFEE0] =	vst v8  }
0x253: {  	v8 =	vand.u32 $0x80000000, v33;
	v6 =	vand.u32 $0x7FFFFFFF, v28;
	v21 =	vld [tilespmem:s16+$0xFFFFFF00];
	v7 =	vsel vm0, v1, v0;
	[tilespmem:s14+$0xFFFFFEF0] =	vst v10  }
0x254: {  	vm0 =	vgt.f32 v4, v2;
	s14 =	sadd.s32 $0x200, s14;
	v4 =	vand.u32 $0x7FFFFFFF, v24;
	v23 =	vld [tilespmem:s16+$0xFFFFFF90];
	v7 =	vor.u32 v7, v8;
	[tilespmem:s6+$0xFFFFFF00] =	vst v11  }
0x255: {  	vm1 =	vgt.f32 v6, v2;
	vm2 =	vgt.f32 v4, v2;
	v6 =	vand.u32 $0x7FFFFFFF, v22;
	v33 =	vld [tilespmem:s16+$0xFFFFFFA0];
	[tilespmem:s14+$0x0] =	vst v7  }
0x256: {  	v4 =	vsel vm0, v1, v0;
	vm0 =	vgt.f32 v6, v2;
	v6 =	vand.u32 $0x7FFFFFFF, v19;
	v34 =	vld [tilespmem:s16+$0xFFFFFFB0];
	[tilespmem:s6+$0xFFFFFF90] =	vst v5  }
0x257: {  	v5 =	vsel vm1, v1, v0;
	vm1 =	vgt.f32 v6, v2;
	v7 =	vand.u32 $0x7FFFFFFF, v20;
	v35 =	vld [tilespmem:s16+$0xFFFFFFC0];
	[tilespmem:s6+$0xFFFFFFA0] =	vst v12  }
0x258: {  	v6 =	vsel vm2, v1, v0;
	vm2 =	vgt.f32 v7, v2;
	v8 =	vand.u32 $0x7FFFFFFF, v21;
	v36 =	vld [tilespmem:s16+$0xFFFFFFD0];
	[tilespmem:s6+$0xFFFFFFB0] =	vst v13  }
0x259: {  	v7 =	vsel vm0, v1, v0;
	vm0 =	vgt.f32 v8, v2;
	v9 =	vand.u32 $0x7FFFFFFF, v23;
	v37 =	vld [tilespmem:s16+$0xFFFFFFE0];
	[tilespmem:s6+$0xFFFFFFC0] =	vst v14  }
0x25a: {  	v8 =	vsel vm1, v1, v0;
	vm1 =	vgt.f32 v9, v2;
	v11 =	vand.u32 $0x7FFFFFFF, v33;
	v9 =	vld [tilespmem:s16+$0xFFFFFFF0];
	[tilespmem:s6+$0xFFFFFFD0] =	vst v15  }
0x25b: {  	v10 =	vsel vm2, v1, v0;
	v25 =	vld [tilespmem:s16+$0xFFFFFE90];
	vm2 =	vgt.f32 v11, v2;
	v12 =	vand.u32 $0x7FFFFFFF, v34;
	[tilespmem:s6+$0xFFFFFFE0] =	vst v16  }
0x25c: {  	v11 =	vsel vm0, v1, v0;
	vm0 =	vgt.f32 v12, v2;
	v13 =	vand.u32 $0x7FFFFFFF, v35;
	[tilespmem:s6+$0xFFFFFFF0] =	vst v17;
	s6 =	smov.u32 s14  }
0x25d: {  	v12 =	vsel vm1, v1, v0;
	vm1 =	vgt.f32 v13, v2;
	v14 =	vand.u32 $0x7FFFFFFF, v36  }
0x25e: {  	v13 =	vsel vm2, v1, v0;
	vm2 =	vgt.f32 v14, v2;
	v15 =	vand.u32 $0x7FFFFFFF, v37  }
0x25f: {  	v14 =	vsel vm0, v1, v0;
	vm0 =	vgt.f32 v15, v2;
	v16 =	vand.u32 $0x7FFFFFFF, v9  }
0x260: {  	v15 =	vsel vm1, v1, v0;
	v17 =	vand.u32 $0x7FFFFFFF, v25;
	vm1 =	vgt.f32 v16, v2  }
0x261: {  	v18 =	vsel vm2, v1, v0;
	v16 =	vsel vm0, v1, v0;
	vm3 =	vgt.f32 v17, v2  }
.Ltmp6:
0x262: {  	v32 =	vand.u32 $0x80000000, v25;
	v17 =	vsel vm1, v1, v0;
	v31 =	vsel vm3, v1, v0;
	(pc) =	sbr.rel @p2 .LBB2_15-.Ltmp6, $4  }
0x263: {  	v30 =	vand.u32 $0x80000000, v28;
	v29 =	vand.u32 $0x80000000, v24;
	v28 =	vand.u32 $0x80000000, v22  }
0x264: {  	v27 =	vand.u32 $0x80000000, v19;
	v26 =	vand.u32 $0x80000000, v20;
	v24 =	vand.u32 $0x80000000, v21  }
0x265: {  	v22 =	vand.u32 $0x80000000, v34;
	v25 =	vand.u32 $0x80000000, v23;
	v23 =	vand.u32 $0x80000000, v33  }
0x266: {  	s16 =	sadd.s32 $0x200, s16;
	v21 =	vand.u32 $0x80000000, v35;
	v20 =	vand.u32 $0x80000000, v36;
	v19 =	vand.u32 $0x80000000, v37  }
0x267: {  	v31 =	vor.u32 v31, v32  }
0x268: {  	v3 =	vor.u32 v4, v3;
	[tilespmem:s14+$0xFFFFFE90] =	vst v31  }
0x269: {  	v4 =	vor.u32 v5, v30;
	[tilespmem:s14+$0xFFFFFEA0] =	vst v3  }
0x26a: {  	v5 =	vor.u32 v16, v19;
	[tilespmem:s14+$0xFFFFFEB0] =	vst v4  }
0x26b: {  	v3 =	vor.u32 v6, v29;
	[tilespmem:s6+$0xFFFFFFE0] =	vst v5  }
0x26c: {  	v4 =	vor.u32 v7, v28;
	[tilespmem:s14+$0xFFFFFEC0] =	vst v3  }
0x26d: {  	v3 =	vor.u32 v8, v27;
	[tilespmem:s14+$0xFFFFFED0] =	vst v4  }
0x26e: {  	v4 =	vor.u32 v10, v26;
	[tilespmem:s14+$0xFFFFFEE0] =	vst v3  }
0x26f: {  	v3 =	vor.u32 v11, v24;
	[tilespmem:s14+$0xFFFFFEF0] =	vst v4  }
0x270: {  	v4 =	vor.u32 v12, v25;
	[tilespmem:s6+$0xFFFFFF00] =	vst v3  }
0x271: {  	v3 =	vor.u32 v13, v23;
	[tilespmem:s6+$0xFFFFFF90] =	vst v4  }
0x272: {  	v4 =	vor.u32 v14, v22;
	[tilespmem:s6+$0xFFFFFFA0] =	vst v3  }
0x273: {  	v3 =	vor.u32 v15, v21;
	[tilespmem:s6+$0xFFFFFFB0] =	vst v4  }
0x274: {  	v4 =	vor.u32 v18, v20;
	[tilespmem:s6+$0xFFFFFFC0] =	vst v3;
	v3 =	vand.u32 $0x80000000, v9  }
0x275: {  	[tilespmem:s6+$0xFFFFFFD0] =	vst v4;
	v3 =	vor.u32 v17, v3  }
0x276: {  	[tilespmem:s6+$0xFFFFFFF0] =	vst v3  }
0x277: {  	v4 =	vld [tilespmem:s4+$0x0]  }
0x278: {  	v3 =	vld [tilespmem:s4+$0xFFFFFEA0]  }
0x279: {  	v19 =	vld [tilespmem:s4+$0xFFFFFEB0]  }
0x27a: {  	v20 =	vld [tilespmem:s4+$0xFFFFFEC0]  }
0x27b: {  	v21 =	vld [tilespmem:s4+$0xFFFFFED0]  }
0x27c: {  	v24 =	vld [tilespmem:s4+$0xFFFFFF00]  }
0x27d: {  	v33 =	vld [tilespmem:s4+$0xFFFFFF90]  }
0x27e: {  	v35 =	vld [tilespmem:s4+$0xFFFFFFA0]  }
0x27f: {  	v36 =	vld [tilespmem:s4+$0xFFFFFFB0]  }
0x280: {  	v37 =	vld [tilespmem:s4+$0xFFFFFFC0]  }
0x281: {  	v38 =	vld [tilespmem:s4+$0xFFFFFFD0]  }
0x282: {  	v39 =	vld [tilespmem:s4+$0xFFFFFFE0]  }
0x283: {  	v17 =	vld [tilespmem:s4+$0xFFFFFE90]  }
0x284: {  	v22 =	vld [tilespmem:s4+$0xFFFFFEE0];
	v5 =	vand.u32 $0x7FFFFFFF, v4  }
0x285: {  	v23 =	vld [tilespmem:s4+$0xFFFFFEF0];
	v6 =	vand.u32 $0x7FFFFFFF, v3;
	v3 =	vand.u32 $0x80000000, v3;
	v4 =	vand.u32 $0x80000000, v4  }
0x286: {  	v8 =	vand.u32 $0x7FFFFFFF, v24;
	v9 =	vand.u32 $0x7FFFFFFF, v33;
	v11 =	vand.u32 $0x7FFFFFFF, v35  }
0x287: {  	v12 =	vand.u32 $0x7FFFFFFF, v36;
	v13 =	vand.u32 $0x7FFFFFFF, v37;
	v14 =	vand.u32 $0x7FFFFFFF, v38  }
0x288: {  	v15 =	vand.u32 $0x7FFFFFFF, v39;
	v18 =	vand.u32 $0x7FFFFFFF, v17;
	v32 =	vand.u32 $0x80000000, v17  }
0x289: {  	v30 =	vand.u32 $0x80000000, v19;
	v29 =	vand.u32 $0x80000000, v20;
	v28 =	vand.u32 $0x80000000, v21  }
0x28a: {  	v27 =	vand.u32 $0x80000000, v22;
	v26 =	vand.u32 $0x80000000, v23;
	v25 =	vand.u32 $0x80000000, v24  }
0x28b: {  	v24 =	vand.u32 $0x80000000, v33;
	vm0 =	vgt.f32 v5, v2;
	v5 =	vand.u32 $0x7FFFFFFF, v19  }
0x28c: {  	vm4 =	vgt.f32 v6, v2;
	v6 =	vand.u32 $0x7FFFFFFF, v20;
	vm8 =	vgt.f32 v8, v2  }
0x28d: {  	vm9 =	vgt.f32 v9, v2;
	vm10 =	vgt.f32 v11, v2;
	vm11 =	vgt.f32 v12, v2  }
0x28e: {  	vm12 =	vgt.f32 v13, v2;
	vm13 =	vgt.f32 v14, v2;
	vm14 =	vgt.f32 v15, v2  }
0x28f: {  	vm3 =	vgt.f32 v18, v2;
	v20 =	vand.u32 $0x80000000, v38;
	v19 =	vand.u32 $0x80000000, v39  }
0x290: {  	v7 =	vsel vm0, v1, v0;
	vm1 =	vgt.f32 v5, v2;
	vm2 =	vgt.f32 v6, v2  }
0x291: {  	v5 =	vand.u32 $0x7FFFFFFF, v21;
	v6 =	vand.u32 $0x7FFFFFFF, v22;
	v11 =	vsel vm8, v1, v0  }
0x292: {  	v9 =	vld [tilespmem:s4+$0xFFFFFFF0];
	v12 =	vsel vm9, v1, v0;
	v13 =	vsel vm10, v1, v0;
	v14 =	vsel vm11, v1, v0  }
0x293: {  	v15 =	vsel vm12, v1, v0;
	v18 =	vsel vm13, v1, v0;
	v31 =	vsel vm3, v1, v0  }
0x294: {  	v22 =	vand.u32 $0x80000000, v36;
	v21 =	vand.u32 $0x80000000, v37;
	v34 =	vor.u32 v7, v4  }
0x295: {  	v4 =	vsel vm4, v1, v0;
	vm5 =	vgt.f32 v5, v2;
	v5 =	vsel vm1, v1, v0  }
0x296: {  	vm6 =	vgt.f32 v6, v2;
	v7 =	vand.u32 $0x7FFFFFFF, v23;
	v6 =	vsel vm2, v1, v0  }
0x297: {  	v23 =	vand.u32 $0x80000000, v35;
	vm7 =	vgt.f32 v7, v2;
	v16 =	vand.u32 $0x7FFFFFFF, v9  }
0x298: {  	v7 =	vsel vm5, v1, v0;
	v8 =	vsel vm6, v1, v0;
	vm15 =	vgt.f32 v16, v2  }
0x299: {  	s14 =	simm.s32 $0x37F0;
	s6 =	simm.s32 $0x0;
	s4 =	simm.s32 $0xB5F0;
	[tilespmem:s7+$0x0] =	vst v34;
	v10 =	vsel vm7, v1, v0;
	v16 =	vsel vm14, v1, v0;
	v17 =	vsel vm15, v1, v0  }
.LBB2_17:
0x29a: {  	v33 =	vld [tilespmem:s14+$0x0];
	s6 =	sadd.s32 $0x10, s6;
	v31 =	vor.u32 v31, v32;
	v3 =	vor.u32 v4, v3;
	v4 =	vand.u32 $0x80000000, v9  }
0x29b: {  	v5 =	vor.u32 v5, v30;
	v6 =	vor.u32 v6, v29;
	v7 =	vor.u32 v7, v28;
	v9 =	vld [tilespmem:s14+$0xFFFFFEA0];
	p2 =	slt.u32 s6, $0x70;
	[tilespmem:s7+$0xFFFFFE90] =	vst v31  }
0x29c: {  	v8 =	vor.u32 v8, v27;
	v10 =	vor.u32 v10, v26;
	v11 =	vor.u32 v11, v25;
	v28 =	vld [tilespmem:s14+$0xFFFFFEB0];
	[tilespmem:s7+$0xFFFFFEA0] =	vst v3  }
0x29d: {  	v25 =	vld [tilespmem:s14+$0xFFFFFEC0];
	[tilespmem:s7+$0xFFFFFEB0] =	vst v5;
	v5 =	vor.u32 v12, v24;
	v12 =	vor.u32 v13, v23;
	v13 =	vor.u32 v14, v22  }
0x29e: {  	v16 =	vor.u32 v16, v19;
	v14 =	vor.u32 v15, v21;
	v15 =	vor.u32 v18, v20;
	v22 =	vld [tilespmem:s14+$0xFFFFFED0];
	[tilespmem:s7+$0xFFFFFEC0] =	vst v6  }
0x29f: {  	v17 =	vor.u32 v17, v4;
	v19 =	vld [tilespmem:s14+$0xFFFFFEE0];
	v6 =	vand.u32 $0x7FFFFFFF, v33;
	[tilespmem:s7+$0xFFFFFED0] =	vst v7  }
0x2a0: {  	v4 =	vand.u32 $0x7FFFFFFF, v9;
	v3 =	vand.u32 $0x80000000, v9;
	v20 =	vld [tilespmem:s14+$0xFFFFFEF0];
	vm0 =	vgt.f32 v6, v2;
	[tilespmem:s7+$0xFFFFFEE0] =	vst v8  }
0x2a1: {  	v8 =	vand.u32 $0x80000000, v33;
	v6 =	vand.u32 $0x7FFFFFFF, v28;
	v21 =	vld [tilespmem:s14+$0xFFFFFF00];
	v7 =	vsel vm0, v1, v0;
	[tilespmem:s7+$0xFFFFFEF0] =	vst v10  }
0x2a2: {  	vm0 =	vgt.f32 v4, v2;
	s7 =	sadd.s32 $0x200, s7;
	v4 =	vand.u32 $0x7FFFFFFF, v25;
	v23 =	vld [tilespmem:s14+$0xFFFFFF90];
	v7 =	vor.u32 v7, v8;
	[tilespmem:s4+$0xFFFFFF00] =	vst v11  }
0x2a3: {  	vm1 =	vgt.f32 v6, v2;
	vm2 =	vgt.f32 v4, v2;
	v6 =	vand.u32 $0x7FFFFFFF, v22;
	v33 =	vld [tilespmem:s14+$0xFFFFFFA0];
	[tilespmem:s7+$0x0] =	vst v7  }
0x2a4: {  	v4 =	vsel vm0, v1, v0;
	vm0 =	vgt.f32 v6, v2;
	v6 =	vand.u32 $0x7FFFFFFF, v19;
	v34 =	vld [tilespmem:s14+$0xFFFFFFB0];
	[tilespmem:s4+$0xFFFFFF90] =	vst v5  }
0x2a5: {  	v5 =	vsel vm1, v1, v0;
	vm1 =	vgt.f32 v6, v2;
	v7 =	vand.u32 $0x7FFFFFFF, v20;
	v35 =	vld [tilespmem:s14+$0xFFFFFFC0];
	[tilespmem:s4+$0xFFFFFFA0] =	vst v12  }
0x2a6: {  	v6 =	vsel vm2, v1, v0;
	vm2 =	vgt.f32 v7, v2;
	v8 =	vand.u32 $0x7FFFFFFF, v21;
	v36 =	vld [tilespmem:s14+$0xFFFFFFD0];
	[tilespmem:s4+$0xFFFFFFB0] =	vst v13  }
0x2a7: {  	v7 =	vsel vm0, v1, v0;
	vm0 =	vgt.f32 v8, v2;
	v9 =	vand.u32 $0x7FFFFFFF, v23;
	v37 =	vld [tilespmem:s14+$0xFFFFFFE0];
	[tilespmem:s4+$0xFFFFFFC0] =	vst v14  }
0x2a8: {  	v8 =	vsel vm1, v1, v0;
	vm1 =	vgt.f32 v9, v2;
	v11 =	vand.u32 $0x7FFFFFFF, v33;
	v9 =	vld [tilespmem:s14+$0xFFFFFFF0];
	[tilespmem:s4+$0xFFFFFFD0] =	vst v15  }
0x2a9: {  	v10 =	vsel vm2, v1, v0;
	v24 =	vld [tilespmem:s14+$0xFFFFFE90];
	vm2 =	vgt.f32 v11, v2;
	v12 =	vand.u32 $0x7FFFFFFF, v34;
	[tilespmem:s4+$0xFFFFFFE0] =	vst v16  }
0x2aa: {  	v11 =	vsel vm0, v1, v0;
	vm0 =	vgt.f32 v12, v2;
	v13 =	vand.u32 $0x7FFFFFFF, v35;
	[tilespmem:s4+$0xFFFFFFF0] =	vst v17;
	s4 =	smov.u32 s7  }
0x2ab: {  	v12 =	vsel vm1, v1, v0;
	vm1 =	vgt.f32 v13, v2;
	v14 =	vand.u32 $0x7FFFFFFF, v36  }
0x2ac: {  	v13 =	vsel vm2, v1, v0;
	vm2 =	vgt.f32 v14, v2;
	v15 =	vand.u32 $0x7FFFFFFF, v37  }
0x2ad: {  	v14 =	vsel vm0, v1, v0;
	vm0 =	vgt.f32 v15, v2;
	v16 =	vand.u32 $0x7FFFFFFF, v9  }
0x2ae: {  	v15 =	vsel vm1, v1, v0;
	v17 =	vand.u32 $0x7FFFFFFF, v24;
	vm1 =	vgt.f32 v16, v2  }
0x2af: {  	v18 =	vsel vm2, v1, v0;
	v16 =	vsel vm0, v1, v0;
	vm3 =	vgt.f32 v17, v2  }
.Ltmp7:
0x2b0: {  	v32 =	vand.u32 $0x80000000, v24;
	v17 =	vsel vm1, v1, v0;
	v31 =	vsel vm3, v1, v0;
	(pc) =	sbr.rel @p2 .LBB2_17-.Ltmp7, $4  }
0x2b1: {  	v30 =	vand.u32 $0x80000000, v28;
	v29 =	vand.u32 $0x80000000, v25;
	v28 =	vand.u32 $0x80000000, v22  }
0x2b2: {  	v27 =	vand.u32 $0x80000000, v19;
	v26 =	vand.u32 $0x80000000, v20;
	v25 =	vand.u32 $0x80000000, v21  }
0x2b3: {  	v22 =	vand.u32 $0x80000000, v34;
	v24 =	vand.u32 $0x80000000, v23;
	v23 =	vand.u32 $0x80000000, v33  }
0x2b4: {  	s14 =	sadd.s32 $0x200, s14;
	v21 =	vand.u32 $0x80000000, v35;
	v20 =	vand.u32 $0x80000000, v36;
	v19 =	vand.u32 $0x80000000, v37  }
0x2b5: {  	v31 =	vor.u32 v31, v32  }
0x2b6: {  	v3 =	vor.u32 v4, v3;
	[tilespmem:s7+$0xFFFFFE90] =	vst v31  }
0x2b7: {  	v4 =	vor.u32 v5, v30;
	[tilespmem:s7+$0xFFFFFEA0] =	vst v3  }
0x2b8: {  	v5 =	vor.u32 v16, v19;
	[tilespmem:s7+$0xFFFFFEB0] =	vst v4  }
0x2b9: {  	v3 =	vor.u32 v6, v29;
	[tilespmem:s4+$0xFFFFFFE0] =	vst v5  }
0x2ba: {  	v4 =	vor.u32 v7, v28;
	[tilespmem:s7+$0xFFFFFEC0] =	vst v3  }
0x2bb: {  	v3 =	vor.u32 v8, v27;
	[tilespmem:s7+$0xFFFFFED0] =	vst v4  }
0x2bc: {  	v4 =	vor.u32 v10, v26;
	[tilespmem:s7+$0xFFFFFEE0] =	vst v3  }
0x2bd: {  	v3 =	vor.u32 v11, v25;
	[tilespmem:s7+$0xFFFFFEF0] =	vst v4  }
0x2be: {  	v4 =	vor.u32 v12, v24;
	[tilespmem:s4+$0xFFFFFF00] =	vst v3  }
0x2bf: {  	v3 =	vor.u32 v13, v23;
	[tilespmem:s4+$0xFFFFFF90] =	vst v4  }
0x2c0: {  	v4 =	vor.u32 v14, v22;
	[tilespmem:s4+$0xFFFFFFA0] =	vst v3  }
0x2c1: {  	v3 =	vor.u32 v15, v21;
	[tilespmem:s4+$0xFFFFFFB0] =	vst v4  }
0x2c2: {  	v4 =	vor.u32 v18, v20;
	[tilespmem:s4+$0xFFFFFFC0] =	vst v3;
	v3 =	vand.u32 $0x80000000, v9  }
0x2c3: {  	[tilespmem:s4+$0xFFFFFFD0] =	vst v4;
	v3 =	vor.u32 v17, v3  }
0x2c4: {  	s16 =	sadd.s32 s13, s20;
	s6 =	simm.s32 $0xB400;
	[tilespmem:s4+$0xFFFFFFF0] =	vst v3  }
0x2c5: {  	[hbm4b:s16+s31] =	stream.strided.scatter [tilespmem:s6], [sflag:$0xC], $0x1000, s0, s31, $0x38;
	[tilespmem:$0x10400] =	vst v63  }
0x2c6: {  	_ =	swait.ge [sflag:s25], $0x1000  }
0x2c7: {  	s14 =	simm.s32 @!p0 $0x3400;
	s7 =	simm.s32 @!p0 $0x400;
	[sflag:s25] =	ssyncset.done $0x0  }
0x2c8: {  	s4 =	sadd.s32 @!p0 s11, s21;
	s6 =	simm.s32 @!p0 $0x100;
	[sflag:s25] =	ssyncadd.s32 $0xFFFFF000  }
0x2c9: {  	[tilespmem:s14], [sflag:$0x4] =	stream.strided.gather @!p0 [hbm4b:s4+s6], $0x1000, s7, s6, $0x38;
	[tilespmem:$0x10400] =	vst v63  }
0x2ca: {  	s4 =	simm.s32 @p1 $0xD  }
0x2cb: {  	_ =	swait.ge @p1 [sflag:s4], $0x1000  }
0x2cc: {  	[sflag:s4] =	ssyncset.done @p1 $0x0  }
0x2cd: {  	s7 =	simm.s32 $0x0;
	[sflag:s4] =	ssyncadd.s32 @p1 $0xFFFFF000  }
0x2ce: {  	v4 =	vld [tilespmem:s7+$0x4570]  }
0x2cf: {  	v3 =	vld [tilespmem:s7+$0x4400]  }
0x2d0: {  	v17 =	vld [tilespmem:s7+$0x4410]  }
0x2d1: {  	v23 =	vld [tilespmem:s7+$0x4420]  }
0x2d2: {  	v24 =	vld [tilespmem:s7+$0x4430]  }
0x2d3: {  	v27 =	vld [tilespmem:s7+$0x4460]  }
0x2d4: {  	v33 =	vld [tilespmem:s7+$0x4470]  }
0x2d5: {  	v35 =	vld [tilespmem:s7+$0x4500]  }
0x2d6: {  	v36 =	vld [tilespmem:s7+$0x4510]  }
0x2d7: {  	v37 =	vld [tilespmem:s7+$0x4520]  }
0x2d8: {  	v25 =	vld [tilespmem:s7+$0x4440]  }
0x2d9: {  	v26 =	vld [tilespmem:s7+$0x4450];
	v5 =	vand.u32 $0x7FFFFFFF, v4  }
0x2da: {  	v6 =	vand.u32 $0x7FFFFFFF, v3;
	v3 =	vand.u32 $0x80000000, v3;
	v4 =	vand.u32 $0x80000000, v4  }
0x2db: {  	v9 =	vand.u32 $0x7FFFFFFF, v27;
	v10 =	vand.u32 $0x7FFFFFFF, v33;
	v12 =	vand.u32 $0x7FFFFFFF, v35  }
0x2dc: {  	v15 =	vand.u32 $0x7FFFFFFF, v36;
	v16 =	vand.u32 $0x7FFFFFFF, v37;
	v31 =	vand.u32 $0x80000000, v17  }
0x2dd: {  	v32 =	vand.u32 $0x80000000, v23;
	v30 =	vand.u32 $0x80000000, v24;
	v29 =	vand.u32 $0x80000000, v25  }
0x2de: {  	v28 =	vand.u32 $0x80000000, v26;
	v27 =	vand.u32 $0x80000000, v27;
	vm0 =	vgt.f32 v5, v2  }
0x2df: {  	v5 =	vand.u32 $0x7FFFFFFF, v17;
	vm15 =	vgt.f32 v6, v2;
	v6 =	vand.u32 $0x7FFFFFFF, v23  }
0x2e0: {  	vm7 =	vgt.f32 v9, v2;
	vm8 =	vgt.f32 v10, v2;
	vm9 =	vgt.f32 v12, v2  }
0x2e1: {  	vm10 =	vgt.f32 v15, v2;
	vm11 =	vgt.f32 v16, v2;
	v23 =	vand.u32 $0x80000000, v37  }
0x2e2: {  	v7 =	vsel vm0, v1, v0;
	vm1 =	vgt.f32 v5, v2;
	vm2 =	vgt.f32 v6, v2  }
0x2e3: {  	v9 =	vld [tilespmem:s7+$0x4540];
	v5 =	vand.u32 $0x7FFFFFFF, v24;
	v6 =	vand.u32 $0x7FFFFFFF, v25;
	v14 =	vsel vm7, v1, v0  }
0x2e4: {  	v10 =	vld [tilespmem:s7+$0x4550];
	v15 =	vsel vm8, v1, v0;
	v16 =	vsel vm9, v1, v0;
	v20 =	vsel vm11, v1, v0  }
0x2e5: {  	v12 =	vld [tilespmem:s7+$0x4560];
	v25 =	vand.u32 $0x80000000, v35;
	v34 =	vor.u32 v7, v4;
	v7 =	vand.u32 $0x7FFFFFFF, v26  }
0x2e6: {  	v24 =	vand.u32 $0x80000000, v36;
	v4 =	vsel vm15, v1, v0;
	vm6 =	vgt.f32 v7, v2;
	v7 =	vld [tilespmem:s7+$0x4530]  }
0x2e7: {  	vm4 =	vgt.f32 v5, v2;
	v5 =	vsel vm1, v1, v0;
	vm5 =	vgt.f32 v6, v2  }
0x2e8: {  	v6 =	vsel vm2, v1, v0;
	v26 =	vand.u32 $0x80000000, v33;
	v8 =	vsel vm4, v1, v0  }
0x2e9: {  	v11 =	vsel vm5, v1, v0;
	v13 =	vsel vm6, v1, v0;
	v19 =	vand.u32 $0x7FFFFFFF, v9  }
0x2ea: {  	v22 =	vand.u32 $0x7FFFFFFF, v12;
	vm13 =	vgt.f32 v19, v2;
	v19 =	vand.u32 $0x7FFFFFFF, v10  }
0x2eb: {  	vm15 =	vgt.f32 v22, v2;
	vm14 =	vgt.f32 v19, v2;
	v18 =	vand.u32 $0x7FFFFFFF, v7  }
0x2ec: {  	s16 =	smov.u32 s17;
	v19 =	vsel vm13, v1, v0;
	v17 =	vsel vm15, v1, v0;
	vm12 =	vgt.f32 v18, v2  }
0x2ed: {  	s6 =	simm.s32 $0x0;
	s14 =	simm.s32 $0x800;
	s4 =	simm.s32 $0x0;
	[tilespmem:s7+$0xC570] =	vst v34;
	v22 =	vsel vm14, v1, v0;
	v18 =	vsel vm10, v1, v0;
	v21 =	vsel vm12, v1, v0  }
.LBB2_19:
0x2ee: {  	s15 =	sshra.s32 s14, $0x2;
	s6 =	sadd.s32 $0x10, s6;
	v7 =	vand.u32 $0x80000000, v7;
	v9 =	vand.u32 $0x80000000, v9;
	v10 =	vand.u32 $0x80000000, v10  }
0x2ef: {  	v3 =	vor.u32 v4, v3;
	v4 =	vor.u32 v5, v31;
	v5 =	vand.u32 $0x80000000, v12;
	v33 =	vld [tilespmem:s15+$0x4570];
	p2 =	slt.u32 s6, $0x70  }
0x2f0: {  	v12 =	vld [tilespmem:s15+$0x4400];
	[tilespmem:s4+$0xC400] =	vst v3;
	v3 =	vor.u32 v6, v32;
	v6 =	vor.u32 v8, v30;
	v8 =	vor.u32 v11, v29  }
0x2f1: {  	v11 =	vor.u32 v14, v27;
	v29 =	vld [tilespmem:s15+$0x4410];
	[tilespmem:s4+$0xC410] =	vst v4;
	v4 =	vor.u32 v13, v28;
	v13 =	vor.u32 v15, v26  }
0x2f2: {  	v14 =	vor.u32 v16, v25;
	v16 =	vor.u32 v20, v23;
	v15 =	vor.u32 v18, v24;
	v26 =	vld [tilespmem:s15+$0x4420];
	[tilespmem:s4+$0xC420] =	vst v3  }
0x2f3: {  	v19 =	vor.u32 v19, v9;
	v20 =	vor.u32 v22, v10;
	v18 =	vor.u32 v21, v7;
	v23 =	vld [tilespmem:s15+$0x4430];
	[tilespmem:s4+$0xC430] =	vst v6  }
0x2f4: {  	v17 =	vor.u32 v17, v5;
	v24 =	vld [tilespmem:s15+$0x4440];
	v6 =	vand.u32 $0x7FFFFFFF, v33;
	[tilespmem:s4+$0xC440] =	vst v8  }
0x2f5: {  	v5 =	vand.u32 $0x7FFFFFFF, v12;
	v3 =	vand.u32 $0x80000000, v12;
	v25 =	vld [tilespmem:s15+$0x4450];
	vm0 =	vgt.f32 v6, v2;
	[tilespmem:s4+$0xC450] =	vst v4  }
0x2f6: {  	v7 =	vand.u32 $0x80000000, v33;
	v4 =	vand.u32 $0x7FFFFFFF, v29;
	v27 =	vld [tilespmem:s15+$0x4460];
	v6 =	vsel vm0, v1, v0;
	[tilespmem:s4+$0xC460] =	vst v11  }
0x2f7: {  	vm0 =	vgt.f32 v5, v2;
	v5 =	vand.u32 $0x7FFFFFFF, v26;
	v33 =	vld [tilespmem:s15+$0x4470];
	v6 =	vor.u32 v6, v7;
	[tilespmem:s4+$0xC470] =	vst v13  }
0x2f8: {  	vm1 =	vgt.f32 v4, v2;
	vm2 =	vgt.f32 v5, v2;
	v5 =	vand.u32 $0x7FFFFFFF, v23;
	v34 =	vld [tilespmem:s15+$0x4500];
	[tilespmem:s15+$0xC570] =	vst v6  }
0x2f9: {  	v4 =	vsel vm0, v1, v0;
	vm0 =	vgt.f32 v5, v2;
	v6 =	vand.u32 $0x7FFFFFFF, v24;
	v35 =	vld [tilespmem:s15+$0x4510];
	[tilespmem:s4+$0xC500] =	vst v14  }
0x2fa: {  	v5 =	vsel vm1, v1, v0;
	vm1 =	vgt.f32 v6, v2;
	v7 =	vand.u32 $0x7FFFFFFF, v25;
	v36 =	vld [tilespmem:s15+$0x4520];
	[tilespmem:s4+$0xC510] =	vst v15  }
0x2fb: {  	v6 =	vsel vm2, v1, v0;
	vm2 =	vgt.f32 v7, v2;
	v9 =	vand.u32 $0x7FFFFFFF, v27;
	v7 =	vld [tilespmem:s15+$0x4530];
	[tilespmem:s4+$0xC520] =	vst v16  }
0x2fc: {  	v8 =	vsel vm0, v1, v0;
	vm0 =	vgt.f32 v9, v2;
	v10 =	vand.u32 $0x7FFFFFFF, v33;
	v9 =	vld [tilespmem:s15+$0x4540];
	[tilespmem:s4+$0xC530] =	vst v18  }
0x2fd: {  	v11 =	vsel vm1, v1, v0;
	vm1 =	vgt.f32 v10, v2;
	v12 =	vand.u32 $0x7FFFFFFF, v34;
	v10 =	vld [tilespmem:s15+$0x4550];
	[tilespmem:s4+$0xC540] =	vst v19  }
0x2fe: {  	v13 =	vsel vm2, v1, v0;
	vm2 =	vgt.f32 v12, v2;
	v15 =	vand.u32 $0x7FFFFFFF, v35;
	v12 =	vld [tilespmem:s15+$0x4560];
	[tilespmem:s4+$0xC550] =	vst v20  }
0x2ff: {  	v14 =	vsel vm0, v1, v0;
	vm0 =	vgt.f32 v15, v2;
	v16 =	vand.u32 $0x7FFFFFFF, v36;
	[tilespmem:s4+$0xC560] =	vst v17;
	s4 =	smov.u32 s15  }
0x300: {  	v15 =	vsel vm1, v1, v0;
	vm1 =	vgt.f32 v16, v2;
	v17 =	vand.u32 $0x7FFFFFFF, v7  }
0x301: {  	v16 =	vsel vm2, v1, v0;
	vm2 =	vgt.f32 v17, v2;
	v17 =	vand.u32 $0x7FFFFFFF, v9  }
0x302: {  	v18 =	vsel vm0, v1, v0;
	vm0 =	vgt.f32 v17, v2;
	v17 =	vand.u32 $0x7FFFFFFF, v10  }
0x303: {  	v20 =	vsel vm1, v1, v0;
	vm1 =	vgt.f32 v17, v2;
	v17 =	vand.u32 $0x7FFFFFFF, v12  }
.Ltmp8:
0x304: {  	v21 =	vsel vm2, v1, v0;
	v19 =	vsel vm0, v1, v0;
	vm0 =	vgt.f32 v17, v2;
	(pc) =	sbr.rel @p2 .LBB2_19-.Ltmp8, $4  }
0x305: {  	v31 =	vand.u32 $0x80000000, v29;
	v22 =	vsel vm1, v1, v0;
	v17 =	vsel vm0, v1, v0  }
0x306: {  	v32 =	vand.u32 $0x80000000, v26;
	v30 =	vand.u32 $0x80000000, v23;
	v29 =	vand.u32 $0x80000000, v24  }
0x307: {  	v28 =	vand.u32 $0x80000000, v25;
	v27 =	vand.u32 $0x80000000, v27;
	v26 =	vand.u32 $0x80000000, v33  }
0x308: {  	s14 =	sadd.s32 $0x800, s14;
	v25 =	vand.u32 $0x80000000, v34;
	v24 =	vand.u32 $0x80000000, v35;
	v23 =	vand.u32 $0x80000000, v36  }
0x309: {  	v3 =	vor.u32 v4, v3  }
0x30a: {  	v4 =	vor.u32 v5, v31;
	[tilespmem:s4+$0xC400] =	vst v3  }
0x30b: {  	v5 =	vor.u32 v20, v23;
	[tilespmem:s4+$0xC410] =	vst v4  }
0x30c: {  	v3 =	vor.u32 v6, v32;
	[tilespmem:s4+$0xC520] =	vst v5  }
0x30d: {  	v4 =	vor.u32 v8, v30;
	[tilespmem:s4+$0xC420] =	vst v3  }
0x30e: {  	v3 =	vor.u32 v11, v29;
	[tilespmem:s4+$0xC430] =	vst v4  }
0x30f: {  	v5 =	vand.u32 $0x80000000, v10;
	v4 =	vor.u32 v13, v28;
	[tilespmem:s4+$0xC440] =	vst v3  }
0x310: {  	v5 =	vor.u32 v22, v5;
	[tilespmem:s4+$0xC450] =	vst v4  }
0x311: {  	v3 =	vor.u32 v14, v27;
	[tilespmem:s4+$0xC550] =	vst v5  }
0x312: {  	v4 =	vor.u32 v15, v26;
	[tilespmem:s4+$0xC460] =	vst v3  }
0x313: {  	v3 =	vor.u32 v16, v25;
	[tilespmem:s4+$0xC470] =	vst v4  }
0x314: {  	v4 =	vor.u32 v18, v24;
	[tilespmem:s4+$0xC500] =	vst v3;
	v3 =	vand.u32 $0x80000000, v7  }
0x315: {  	[tilespmem:s4+$0xC510] =	vst v4;
	v4 =	vand.u32 $0x80000000, v9;
	v3 =	vor.u32 v21, v3  }
0x316: {  	v4 =	vor.u32 v19, v4;
	[tilespmem:s4+$0xC530] =	vst v3;
	v3 =	vand.u32 $0x80000000, v12  }
0x317: {  	[tilespmem:s4+$0xC540] =	vst v4;
	v3 =	vor.u32 v17, v3  }
0x318: {  	[tilespmem:s4+$0xC560] =	vst v3  }
0x319: {  	v4 =	vld [tilespmem:s7+$0x45F0]  }
0x31a: {  	v3 =	vld [tilespmem:s7+$0x4480]  }
0x31b: {  	v17 =	vld [tilespmem:s7+$0x4490]  }
0x31c: {  	v23 =	vld [tilespmem:s7+$0x44A0]  }
0x31d: {  	v24 =	vld [tilespmem:s7+$0x44B0]  }
0x31e: {  	v27 =	vld [tilespmem:s7+$0x44E0]  }
0x31f: {  	v33 =	vld [tilespmem:s7+$0x44F0]  }
0x320: {  	v35 =	vld [tilespmem:s7+$0x4580]  }
0x321: {  	v36 =	vld [tilespmem:s7+$0x4590]  }
0x322: {  	v37 =	vld [tilespmem:s7+$0x45A0]  }
0x323: {  	v25 =	vld [tilespmem:s7+$0x44C0]  }
0x324: {  	v26 =	vld [tilespmem:s7+$0x44D0];
	v5 =	vand.u32 $0x7FFFFFFF, v4  }
0x325: {  	v6 =	vand.u32 $0x7FFFFFFF, v3;
	v3 =	vand.u32 $0x80000000, v3;
	v4 =	vand.u32 $0x80000000, v4  }
0x326: {  	v9 =	vand.u32 $0x7FFFFFFF, v27;
	v10 =	vand.u32 $0x7FFFFFFF, v33;
	v12 =	vand.u32 $0x7FFFFFFF, v35  }
0x327: {  	v15 =	vand.u32 $0x7FFFFFFF, v36;
	v16 =	vand.u32 $0x7FFFFFFF, v37;
	v31 =	vand.u32 $0x80000000, v17  }
0x328: {  	v32 =	vand.u32 $0x80000000, v23;
	v30 =	vand.u32 $0x80000000, v24;
	v29 =	vand.u32 $0x80000000, v25  }
0x329: {  	v28 =	vand.u32 $0x80000000, v26;
	v27 =	vand.u32 $0x80000000, v27;
	vm0 =	vgt.f32 v5, v2  }
0x32a: {  	v5 =	vand.u32 $0x7FFFFFFF, v17;
	vm15 =	vgt.f32 v6, v2;
	v6 =	vand.u32 $0x7FFFFFFF, v23  }
0x32b: {  	vm7 =	vgt.f32 v9, v2;
	vm8 =	vgt.f32 v10, v2;
	vm9 =	vgt.f32 v12, v2  }
0x32c: {  	vm10 =	vgt.f32 v15, v2;
	vm11 =	vgt.f32 v16, v2;
	v23 =	vand.u32 $0x80000000, v37  }
0x32d: {  	v7 =	vsel vm0, v1, v0;
	vm1 =	vgt.f32 v5, v2;
	vm2 =	vgt.f32 v6, v2  }
0x32e: {  	v9 =	vld [tilespmem:s7+$0x45C0];
	v5 =	vand.u32 $0x7FFFFFFF, v24;
	v6 =	vand.u32 $0x7FFFFFFF, v25;
	v14 =	vsel vm7, v1, v0  }
0x32f: {  	v10 =	vld [tilespmem:s7+$0x45D0];
	v15 =	vsel vm8, v1, v0;
	v16 =	vsel vm9, v1, v0;
	v20 =	vsel vm11, v1, v0  }
0x330: {  	v12 =	vld [tilespmem:s7+$0x45E0];
	v25 =	vand.u32 $0x80000000, v35;
	v34 =	vor.u32 v7, v4;
	v7 =	vand.u32 $0x7FFFFFFF, v26  }
0x331: {  	v24 =	vand.u32 $0x80000000, v36;
	v4 =	vsel vm15, v1, v0;
	vm6 =	vgt.f32 v7, v2;
	v7 =	vld [tilespmem:s7+$0x45B0]  }
0x332: {  	vm4 =	vgt.f32 v5, v2;
	v5 =	vsel vm1, v1, v0;
	vm5 =	vgt.f32 v6, v2  }
0x333: {  	v6 =	vsel vm2, v1, v0;
	v26 =	vand.u32 $0x80000000, v33;
	v8 =	vsel vm4, v1, v0  }
0x334: {  	v11 =	vsel vm5, v1, v0;
	v13 =	vsel vm6, v1, v0;
	v19 =	vand.u32 $0x7FFFFFFF, v9  }
0x335: {  	v22 =	vand.u32 $0x7FFFFFFF, v12;
	vm13 =	vgt.f32 v19, v2;
	v19 =	vand.u32 $0x7FFFFFFF, v10  }
0x336: {  	vm15 =	vgt.f32 v22, v2;
	vm14 =	vgt.f32 v19, v2;
	v18 =	vand.u32 $0x7FFFFFFF, v7  }
0x337: {  	v19 =	vsel vm13, v1, v0;
	v17 =	vsel vm15, v1, v0;
	vm12 =	vgt.f32 v18, v2  }
0x338: {  	s6 =	simm.s32 $0x800;
	s4 =	simm.s32 $0x0;
	[tilespmem:s7+$0xC5F0] =	vst v34;
	v22 =	vsel vm14, v1, v0;
	v18 =	vsel vm10, v1, v0;
	v21 =	vsel vm12, v1, v0  }
.LBB2_21:
0x339: {  	s14 =	sshra.s32 s6, $0x2;
	s4 =	sadd.s32 $0x10, s4;
	v7 =	vand.u32 $0x80000000, v7;
	v9 =	vand.u32 $0x80000000, v9;
	v10 =	vand.u32 $0x80000000, v10  }
0x33a: {  	v3 =	vor.u32 v4, v3;
	v4 =	vor.u32 v5, v31;
	v5 =	vand.u32 $0x80000000, v12;
	v33 =	vld [tilespmem:s14+$0x45F0];
	p2 =	slt.u32 s4, $0x70  }
0x33b: {  	v12 =	vld [tilespmem:s14+$0x4480];
	[tilespmem:s7+$0xC480] =	vst v3;
	v3 =	vor.u32 v6, v32;
	v6 =	vor.u32 v8, v30;
	v8 =	vor.u32 v11, v29  }
0x33c: {  	v11 =	vor.u32 v14, v27;
	v29 =	vld [tilespmem:s14+$0x4490];
	[tilespmem:s7+$0xC490] =	vst v4;
	v4 =	vor.u32 v13, v28;
	v13 =	vor.u32 v15, v26  }
0x33d: {  	v14 =	vor.u32 v16, v25;
	v16 =	vor.u32 v20, v23;
	v15 =	vor.u32 v18, v24;
	v26 =	vld [tilespmem:s14+$0x44A0];
	[tilespmem:s7+$0xC4A0] =	vst v3  }
0x33e: {  	v19 =	vor.u32 v19, v9;
	v20 =	vor.u32 v22, v10;
	v18 =	vor.u32 v21, v7;
	v23 =	vld [tilespmem:s14+$0x44B0];
	[tilespmem:s7+$0xC4B0] =	vst v6  }
0x33f: {  	v17 =	vor.u32 v17, v5;
	v24 =	vld [tilespmem:s14+$0x44C0];
	v6 =	vand.u32 $0x7FFFFFFF, v33;
	[tilespmem:s7+$0xC4C0] =	vst v8  }
0x340: {  	v5 =	vand.u32 $0x7FFFFFFF, v12;
	v3 =	vand.u32 $0x80000000, v12;
	v25 =	vld [tilespmem:s14+$0x44D0];
	vm0 =	vgt.f32 v6, v2;
	[tilespmem:s7+$0xC4D0] =	vst v4  }
0x341: {  	v7 =	vand.u32 $0x80000000, v33;
	v4 =	vand.u32 $0x7FFFFFFF, v29;
	v27 =	vld [tilespmem:s14+$0x44E0];
	v6 =	vsel vm0, v1, v0;
	[tilespmem:s7+$0xC4E0] =	vst v11  }
0x342: {  	vm0 =	vgt.f32 v5, v2;
	v5 =	vand.u32 $0x7FFFFFFF, v26;
	v33 =	vld [tilespmem:s14+$0x44F0];
	v6 =	vor.u32 v6, v7;
	[tilespmem:s7+$0xC4F0] =	vst v13  }
0x343: {  	vm1 =	vgt.f32 v4, v2;
	vm2 =	vgt.f32 v5, v2;
	v5 =	vand.u32 $0x7FFFFFFF, v23;
	v34 =	vld [tilespmem:s14+$0x4580];
	[tilespmem:s14+$0xC5F0] =	vst v6  }
0x344: {  	v4 =	vsel vm0, v1, v0;
	vm0 =	vgt.f32 v5, v2;
	v6 =	vand.u32 $0x7FFFFFFF, v24;
	v35 =	vld [tilespmem:s14+$0x4590];
	[tilespmem:s7+$0xC580] =	vst v14  }
0x345: {  	v5 =	vsel vm1, v1, v0;
	vm1 =	vgt.f32 v6, v2;
	v7 =	vand.u32 $0x7FFFFFFF, v25;
	v36 =	vld [tilespmem:s14+$0x45A0];
	[tilespmem:s7+$0xC590] =	vst v15  }
0x346: {  	v6 =	vsel vm2, v1, v0;
	vm2 =	vgt.f32 v7, v2;
	v9 =	vand.u32 $0x7FFFFFFF, v27;
	v7 =	vld [tilespmem:s14+$0x45B0];
	[tilespmem:s7+$0xC5A0] =	vst v16  }
0x347: {  	v8 =	vsel vm0, v1, v0;
	vm0 =	vgt.f32 v9, v2;
	v10 =	vand.u32 $0x7FFFFFFF, v33;
	v9 =	vld [tilespmem:s14+$0x45C0];
	[tilespmem:s7+$0xC5B0] =	vst v18  }
0x348: {  	v11 =	vsel vm1, v1, v0;
	vm1 =	vgt.f32 v10, v2;
	v12 =	vand.u32 $0x7FFFFFFF, v34;
	v10 =	vld [tilespmem:s14+$0x45D0];
	[tilespmem:s7+$0xC5C0] =	vst v19  }
0x349: {  	v13 =	vsel vm2, v1, v0;
	vm2 =	vgt.f32 v12, v2;
	v15 =	vand.u32 $0x7FFFFFFF, v35;
	v12 =	vld [tilespmem:s14+$0x45E0];
	[tilespmem:s7+$0xC5D0] =	vst v20  }
0x34a: {  	v14 =	vsel vm0, v1, v0;
	vm0 =	vgt.f32 v15, v2;
	v16 =	vand.u32 $0x7FFFFFFF, v36;
	[tilespmem:s7+$0xC5E0] =	vst v17;
	s7 =	smov.u32 s14  }
0x34b: {  	v15 =	vsel vm1, v1, v0;
	vm1 =	vgt.f32 v16, v2;
	v17 =	vand.u32 $0x7FFFFFFF, v7  }
0x34c: {  	v16 =	vsel vm2, v1, v0;
	vm2 =	vgt.f32 v17, v2;
	v17 =	vand.u32 $0x7FFFFFFF, v9  }
0x34d: {  	v18 =	vsel vm0, v1, v0;
	vm0 =	vgt.f32 v17, v2;
	v17 =	vand.u32 $0x7FFFFFFF, v10  }
0x34e: {  	v20 =	vsel vm1, v1, v0;
	vm1 =	vgt.f32 v17, v2;
	v17 =	vand.u32 $0x7FFFFFFF, v12  }
.Ltmp9:
0x34f: {  	v21 =	vsel vm2, v1, v0;
	v19 =	vsel vm0, v1, v0;
	vm0 =	vgt.f32 v17, v2;
	(pc) =	sbr.rel @p2 .LBB2_21-.Ltmp9, $4  }
0x350: {  	v31 =	vand.u32 $0x80000000, v29;
	v22 =	vsel vm1, v1, v0;
	v17 =	vsel vm0, v1, v0  }
0x351: {  	v32 =	vand.u32 $0x80000000, v26;
	v30 =	vand.u32 $0x80000000, v23;
	v29 =	vand.u32 $0x80000000, v24  }
0x352: {  	v28 =	vand.u32 $0x80000000, v25;
	v27 =	vand.u32 $0x80000000, v27;
	v26 =	vand.u32 $0x80000000, v33  }
0x353: {  	s6 =	sadd.s32 $0x800, s6;
	v25 =	vand.u32 $0x80000000, v34;
	v24 =	vand.u32 $0x80000000, v35;
	v23 =	vand.u32 $0x80000000, v36  }
0x354: {  	v3 =	vor.u32 v4, v3  }
0x355: {  	v4 =	vor.u32 v5, v31;
	[tilespmem:s7+$0xC480] =	vst v3  }
0x356: {  	v5 =	vor.u32 v20, v23;
	[tilespmem:s7+$0xC490] =	vst v4  }
0x357: {  	v3 =	vor.u32 v6, v32;
	[tilespmem:s7+$0xC5A0] =	vst v5  }
0x358: {  	v4 =	vor.u32 v8, v30;
	[tilespmem:s7+$0xC4A0] =	vst v3  }
0x359: {  	v3 =	vor.u32 v11, v29;
	[tilespmem:s7+$0xC4B0] =	vst v4  }
0x35a: {  	v5 =	vand.u32 $0x80000000, v10;
	v4 =	vor.u32 v13, v28;
	[tilespmem:s7+$0xC4C0] =	vst v3  }
0x35b: {  	v5 =	vor.u32 v22, v5;
	[tilespmem:s7+$0xC4D0] =	vst v4  }
0x35c: {  	v3 =	vor.u32 v14, v27;
	[tilespmem:s7+$0xC5D0] =	vst v5  }
0x35d: {  	v4 =	vor.u32 v15, v26;
	[tilespmem:s7+$0xC4E0] =	vst v3  }
0x35e: {  	v3 =	vor.u32 v16, v25;
	[tilespmem:s7+$0xC4F0] =	vst v4  }
0x35f: {  	v4 =	vor.u32 v18, v24;
	[tilespmem:s7+$0xC580] =	vst v3;
	v3 =	vand.u32 $0x80000000, v7  }
0x360: {  	[tilespmem:s7+$0xC590] =	vst v4;
	v4 =	vand.u32 $0x80000000, v9;
	v3 =	vor.u32 v21, v3  }
0x361: {  	v4 =	vor.u32 v19, v4;
	[tilespmem:s7+$0xC5B0] =	vst v3;
	v3 =	vand.u32 $0x80000000, v12  }
0x362: {  	[tilespmem:s7+$0xC5C0] =	vst v4;
	v3 =	vor.u32 v17, v3  }
0x363: {  	s4 =	sadd.s32 s13, s22;
	s6 =	simm.s32 $0xC400;
	[tilespmem:s7+$0xC5E0] =	vst v3  }
0x364: {  	[hbm4b:s4+s31] =	stream.strided.scatter [tilespmem:s6], [sflag:$0xD], $0x1000, s0, s31, $0x38;
	[tilespmem:$0x10400] =	vst v63  }
0x365: {  	_ =	swait.ge [sflag:s30], $0x1000  }
0x366: {  	s14 =	simm.s32 @!p0 $0x4400;
	s7 =	simm.s32 @!p0 $0x400;
	[sflag:s30] =	ssyncset.done $0x0  }
0x367: {  	s4 =	sadd.s32 @!p0 s11, s23;
	s6 =	simm.s32 @!p0 $0x100;
	[sflag:s30] =	ssyncadd.s32 $0xFFFFF000  }
0x368: {  	[tilespmem:s14], [sflag:$0x5] =	stream.strided.gather @!p0 [hbm4b:s4+s6], $0x1000, s7, s6, $0x38;
	[tilespmem:$0x10400] =	vst v63  }
0x369: {  	s4 =	simm.s32 @p1 $0xE  }
0x36a: {  	_ =	swait.ge @p1 [sflag:s4], $0x1000  }
0x36b: {  	[sflag:s4] =	ssyncset.done @p1 $0x0  }
0x36c: {  	s7 =	simm.s32 $0x0;
	[sflag:s4] =	ssyncadd.s32 @p1 $0xFFFFF000  }
0x36d: {  	v4 =	vld [tilespmem:s7+$0x5570]  }
0x36e: {  	v3 =	vld [tilespmem:s7+$0x5400]  }
0x36f: {  	v17 =	vld [tilespmem:s7+$0x5410]  }
0x370: {  	v23 =	vld [tilespmem:s7+$0x5420]  }
0x371: {  	v24 =	vld [tilespmem:s7+$0x5430]  }
0x372: {  	v27 =	vld [tilespmem:s7+$0x5460]  }
0x373: {  	v33 =	vld [tilespmem:s7+$0x5470]  }
0x374: {  	v35 =	vld [tilespmem:s7+$0x5500]  }
0x375: {  	v36 =	vld [tilespmem:s7+$0x5510]  }
0x376: {  	v37 =	vld [tilespmem:s7+$0x5520]  }
0x377: {  	v25 =	vld [tilespmem:s7+$0x5440]  }
0x378: {  	v26 =	vld [tilespmem:s7+$0x5450];
	v5 =	vand.u32 $0x7FFFFFFF, v4  }
0x379: {  	v6 =	vand.u32 $0x7FFFFFFF, v3;
	v3 =	vand.u32 $0x80000000, v3;
	v4 =	vand.u32 $0x80000000, v4  }
0x37a: {  	v9 =	vand.u32 $0x7FFFFFFF, v27;
	v10 =	vand.u32 $0x7FFFFFFF, v33;
	v12 =	vand.u32 $0x7FFFFFFF, v35  }
0x37b: {  	v15 =	vand.u32 $0x7FFFFFFF, v36;
	v16 =	vand.u32 $0x7FFFFFFF, v37;
	v31 =	vand.u32 $0x80000000, v17  }
0x37c: {  	v32 =	vand.u32 $0x80000000, v23;
	v30 =	vand.u32 $0x80000000, v24;
	v29 =	vand.u32 $0x80000000, v25  }
0x37d: {  	v28 =	vand.u32 $0x80000000, v26;
	v27 =	vand.u32 $0x80000000, v27;
	vm0 =	vgt.f32 v5, v2  }
0x37e: {  	v5 =	vand.u32 $0x7FFFFFFF, v17;
	vm15 =	vgt.f32 v6, v2;
	v6 =	vand.u32 $0x7FFFFFFF, v23  }
0x37f: {  	vm7 =	vgt.f32 v9, v2;
	vm8 =	vgt.f32 v10, v2;
	vm9 =	vgt.f32 v12, v2  }
0x380: {  	vm10 =	vgt.f32 v15, v2;
	vm11 =	vgt.f32 v16, v2;
	v23 =	vand.u32 $0x80000000, v37  }
0x381: {  	v7 =	vsel vm0, v1, v0;
	vm1 =	vgt.f32 v5, v2;
	vm2 =	vgt.f32 v6, v2  }
0x382: {  	v9 =	vld [tilespmem:s7+$0x5540];
	v5 =	vand.u32 $0x7FFFFFFF, v24;
	v6 =	vand.u32 $0x7FFFFFFF, v25;
	v14 =	vsel vm7, v1, v0  }
0x383: {  	v10 =	vld [tilespmem:s7+$0x5550];
	v15 =	vsel vm8, v1, v0;
	v16 =	vsel vm9, v1, v0;
	v20 =	vsel vm11, v1, v0  }
0x384: {  	v12 =	vld [tilespmem:s7+$0x5560];
	v25 =	vand.u32 $0x80000000, v35;
	v34 =	vor.u32 v7, v4;
	v7 =	vand.u32 $0x7FFFFFFF, v26  }
0x385: {  	v24 =	vand.u32 $0x80000000, v36;
	v4 =	vsel vm15, v1, v0;
	vm6 =	vgt.f32 v7, v2;
	v7 =	vld [tilespmem:s7+$0x5530]  }
0x386: {  	vm4 =	vgt.f32 v5, v2;
	v5 =	vsel vm1, v1, v0;
	vm5 =	vgt.f32 v6, v2  }
0x387: {  	v6 =	vsel vm2, v1, v0;
	v26 =	vand.u32 $0x80000000, v33;
	v8 =	vsel vm4, v1, v0  }
0x388: {  	v11 =	vsel vm5, v1, v0;
	v13 =	vsel vm6, v1, v0;
	v19 =	vand.u32 $0x7FFFFFFF, v9  }
0x389: {  	v22 =	vand.u32 $0x7FFFFFFF, v12;
	vm13 =	vgt.f32 v19, v2;
	v19 =	vand.u32 $0x7FFFFFFF, v10  }
0x38a: {  	vm15 =	vgt.f32 v22, v2;
	vm14 =	vgt.f32 v19, v2;
	v18 =	vand.u32 $0x7FFFFFFF, v7  }
0x38b: {  	v19 =	vsel vm13, v1, v0;
	v17 =	vsel vm15, v1, v0;
	vm12 =	vgt.f32 v18, v2  }
0x38c: {  	s6 =	simm.s32 $0x0;
	s14 =	simm.s32 $0x800;
	s4 =	simm.s32 $0x0;
	[tilespmem:s7+$0xD570] =	vst v34;
	v22 =	vsel vm14, v1, v0;
	v18 =	vsel vm10, v1, v0;
	v21 =	vsel vm12, v1, v0  }
.LBB2_23:
0x38d: {  	s15 =	sshra.s32 s14, $0x2;
	s6 =	sadd.s32 $0x10, s6;
	v7 =	vand.u32 $0x80000000, v7;
	v9 =	vand.u32 $0x80000000, v9;
	v10 =	vand.u32 $0x80000000, v10  }
0x38e: {  	v3 =	vor.u32 v4, v3;
	v4 =	vor.u32 v5, v31;
	v5 =	vand.u32 $0x80000000, v12;
	v33 =	vld [tilespmem:s15+$0x5570];
	p2 =	slt.u32 s6, $0x70  }
0x38f: {  	v12 =	vld [tilespmem:s15+$0x5400];
	[tilespmem:s4+$0xD400] =	vst v3;
	v3 =	vor.u32 v6, v32;
	v6 =	vor.u32 v8, v30;
	v8 =	vor.u32 v11, v29  }
0x390: {  	v11 =	vor.u32 v14, v27;
	v29 =	vld [tilespmem:s15+$0x5410];
	[tilespmem:s4+$0xD410] =	vst v4;
	v4 =	vor.u32 v13, v28;
	v13 =	vor.u32 v15, v26  }
0x391: {  	v14 =	vor.u32 v16, v25;
	v16 =	vor.u32 v20, v23;
	v15 =	vor.u32 v18, v24;
	v26 =	vld [tilespmem:s15+$0x5420];
	[tilespmem:s4+$0xD420] =	vst v3  }
0x392: {  	v19 =	vor.u32 v19, v9;
	v20 =	vor.u32 v22, v10;
	v18 =	vor.u32 v21, v7;
	v23 =	vld [tilespmem:s15+$0x5430];
	[tilespmem:s4+$0xD430] =	vst v6  }
0x393: {  	v17 =	vor.u32 v17, v5;
	v24 =	vld [tilespmem:s15+$0x5440];
	v6 =	vand.u32 $0x7FFFFFFF, v33;
	[tilespmem:s4+$0xD440] =	vst v8  }
0x394: {  	v5 =	vand.u32 $0x7FFFFFFF, v12;
	v3 =	vand.u32 $0x80000000, v12;
	v25 =	vld [tilespmem:s15+$0x5450];
	vm0 =	vgt.f32 v6, v2;
	[tilespmem:s4+$0xD450] =	vst v4  }
0x395: {  	v7 =	vand.u32 $0x80000000, v33;
	v4 =	vand.u32 $0x7FFFFFFF, v29;
	v27 =	vld [tilespmem:s15+$0x5460];
	v6 =	vsel vm0, v1, v0;
	[tilespmem:s4+$0xD460] =	vst v11  }
0x396: {  	vm0 =	vgt.f32 v5, v2;
	v5 =	vand.u32 $0x7FFFFFFF, v26;
	v33 =	vld [tilespmem:s15+$0x5470];
	v6 =	vor.u32 v6, v7;
	[tilespmem:s4+$0xD470] =	vst v13  }
0x397: {  	vm1 =	vgt.f32 v4, v2;
	vm2 =	vgt.f32 v5, v2;
	v5 =	vand.u32 $0x7FFFFFFF, v23;
	v34 =	vld [tilespmem:s15+$0x5500];
	[tilespmem:s15+$0xD570] =	vst v6  }
0x398: {  	v4 =	vsel vm0, v1, v0;
	vm0 =	vgt.f32 v5, v2;
	v6 =	vand.u32 $0x7FFFFFFF, v24;
	v35 =	vld [tilespmem:s15+$0x5510];
	[tilespmem:s4+$0xD500] =	vst v14  }
0x399: {  	v5 =	vsel vm1, v1, v0;
	vm1 =	vgt.f32 v6, v2;
	v7 =	vand.u32 $0x7FFFFFFF, v25;
	v36 =	vld [tilespmem:s15+$0x5520];
	[tilespmem:s4+$0xD510] =	vst v15  }
0x39a: {  	v6 =	vsel vm2, v1, v0;
	vm2 =	vgt.f32 v7, v2;
	v9 =	vand.u32 $0x7FFFFFFF, v27;
	v7 =	vld [tilespmem:s15+$0x5530];
	[tilespmem:s4+$0xD520] =	vst v16  }
0x39b: {  	v8 =	vsel vm0, v1, v0;
	vm0 =	vgt.f32 v9, v2;
	v10 =	vand.u32 $0x7FFFFFFF, v33;
	v9 =	vld [tilespmem:s15+$0x5540];
	[tilespmem:s4+$0xD530] =	vst v18  }
0x39c: {  	v11 =	vsel vm1, v1, v0;
	vm1 =	vgt.f32 v10, v2;
	v12 =	vand.u32 $0x7FFFFFFF, v34;
	v10 =	vld [tilespmem:s15+$0x5550];
	[tilespmem:s4+$0xD540] =	vst v19  }
0x39d: {  	v13 =	vsel vm2, v1, v0;
	vm2 =	vgt.f32 v12, v2;
	v15 =	vand.u32 $0x7FFFFFFF, v35;
	v12 =	vld [tilespmem:s15+$0x5560];
	[tilespmem:s4+$0xD550] =	vst v20  }
0x39e: {  	v14 =	vsel vm0, v1, v0;
	vm0 =	vgt.f32 v15, v2;
	v16 =	vand.u32 $0x7FFFFFFF, v36;
	[tilespmem:s4+$0xD560] =	vst v17;
	s4 =	smov.u32 s15  }
0x39f: {  	v15 =	vsel vm1, v1, v0;
	vm1 =	vgt.f32 v16, v2;
	v17 =	vand.u32 $0x7FFFFFFF, v7  }
0x3a0: {  	v16 =	vsel vm2, v1, v0;
	vm2 =	vgt.f32 v17, v2;
	v17 =	vand.u32 $0x7FFFFFFF, v9  }
0x3a1: {  	v18 =	vsel vm0, v1, v0;
	vm0 =	vgt.f32 v17, v2;
	v17 =	vand.u32 $0x7FFFFFFF, v10  }
0x3a2: {  	v20 =	vsel vm1, v1, v0;
	vm1 =	vgt.f32 v17, v2;
	v17 =	vand.u32 $0x7FFFFFFF, v12  }
.Ltmp10:
0x3a3: {  	v21 =	vsel vm2, v1, v0;
	v19 =	vsel vm0, v1, v0;
	vm0 =	vgt.f32 v17, v2;
	(pc) =	sbr.rel @p2 .LBB2_23-.Ltmp10, $4  }
0x3a4: {  	v31 =	vand.u32 $0x80000000, v29;
	v22 =	vsel vm1, v1, v0;
	v17 =	vsel vm0, v1, v0  }
0x3a5: {  	v32 =	vand.u32 $0x80000000, v26;
	v30 =	vand.u32 $0x80000000, v23;
	v29 =	vand.u32 $0x80000000, v24  }
0x3a6: {  	v28 =	vand.u32 $0x80000000, v25;
	v27 =	vand.u32 $0x80000000, v27;
	v26 =	vand.u32 $0x80000000, v33  }
0x3a7: {  	s14 =	sadd.s32 $0x800, s14;
	v25 =	vand.u32 $0x80000000, v34;
	v24 =	vand.u32 $0x80000000, v35;
	v23 =	vand.u32 $0x80000000, v36  }
0x3a8: {  	v3 =	vor.u32 v4, v3  }
0x3a9: {  	v4 =	vor.u32 v5, v31;
	[tilespmem:s4+$0xD400] =	vst v3  }
0x3aa: {  	v5 =	vor.u32 v20, v23;
	[tilespmem:s4+$0xD410] =	vst v4  }
0x3ab: {  	v3 =	vor.u32 v6, v32;
	[tilespmem:s4+$0xD520] =	vst v5  }
0x3ac: {  	v4 =	vor.u32 v8, v30;
	[tilespmem:s4+$0xD420] =	vst v3  }
0x3ad: {  	v3 =	vor.u32 v11, v29;
	[tilespmem:s4+$0xD430] =	vst v4  }
0x3ae: {  	v5 =	vand.u32 $0x80000000, v10;
	v4 =	vor.u32 v13, v28;
	[tilespmem:s4+$0xD440] =	vst v3  }
0x3af: {  	v5 =	vor.u32 v22, v5;
	[tilespmem:s4+$0xD450] =	vst v4  }
0x3b0: {  	v3 =	vor.u32 v14, v27;
	[tilespmem:s4+$0xD550] =	vst v5  }
0x3b1: {  	v4 =	vor.u32 v15, v26;
	[tilespmem:s4+$0xD460] =	vst v3  }
0x3b2: {  	v3 =	vor.u32 v16, v25;
	[tilespmem:s4+$0xD470] =	vst v4  }
0x3b3: {  	v4 =	vor.u32 v18, v24;
	[tilespmem:s4+$0xD500] =	vst v3;
	v3 =	vand.u32 $0x80000000, v7  }
0x3b4: {  	[tilespmem:s4+$0xD510] =	vst v4;
	v4 =	vand.u32 $0x80000000, v9;
	v3 =	vor.u32 v21, v3  }
0x3b5: {  	v4 =	vor.u32 v19, v4;
	[tilespmem:s4+$0xD530] =	vst v3;
	v3 =	vand.u32 $0x80000000, v12  }
0x3b6: {  	[tilespmem:s4+$0xD540] =	vst v4;
	v3 =	vor.u32 v17, v3  }
0x3b7: {  	[tilespmem:s4+$0xD560] =	vst v3  }
0x3b8: {  	v4 =	vld [tilespmem:s7+$0x55F0]  }
0x3b9: {  	v3 =	vld [tilespmem:s7+$0x5480]  }
0x3ba: {  	v17 =	vld [tilespmem:s7+$0x5490]  }
0x3bb: {  	v23 =	vld [tilespmem:s7+$0x54A0]  }
0x3bc: {  	v24 =	vld [tilespmem:s7+$0x54B0]  }
0x3bd: {  	v27 =	vld [tilespmem:s7+$0x54E0]  }
0x3be: {  	v33 =	vld [tilespmem:s7+$0x54F0]  }
0x3bf: {  	v35 =	vld [tilespmem:s7+$0x5580]  }
0x3c0: {  	v36 =	vld [tilespmem:s7+$0x5590]  }
0x3c1: {  	v37 =	vld [tilespmem:s7+$0x55A0]  }
0x3c2: {  	v25 =	vld [tilespmem:s7+$0x54C0]  }
0x3c3: {  	v26 =	vld [tilespmem:s7+$0x54D0];
	v5 =	vand.u32 $0x7FFFFFFF, v4  }
0x3c4: {  	v6 =	vand.u32 $0x7FFFFFFF, v3;
	v3 =	vand.u32 $0x80000000, v3;
	v4 =	vand.u32 $0x80000000, v4  }
0x3c5: {  	v9 =	vand.u32 $0x7FFFFFFF, v27;
	v10 =	vand.u32 $0x7FFFFFFF, v33;
	v12 =	vand.u32 $0x7FFFFFFF, v35  }
0x3c6: {  	v15 =	vand.u32 $0x7FFFFFFF, v36;
	v16 =	vand.u32 $0x7FFFFFFF, v37;
	v31 =	vand.u32 $0x80000000, v17  }
0x3c7: {  	v32 =	vand.u32 $0x80000000, v23;
	v30 =	vand.u32 $0x80000000, v24;
	v29 =	vand.u32 $0x80000000, v25  }
0x3c8: {  	v28 =	vand.u32 $0x80000000, v26;
	v27 =	vand.u32 $0x80000000, v27;
	vm0 =	vgt.f32 v5, v2  }
0x3c9: {  	v5 =	vand.u32 $0x7FFFFFFF, v17;
	vm15 =	vgt.f32 v6, v2;
	v6 =	vand.u32 $0x7FFFFFFF, v23  }
0x3ca: {  	vm7 =	vgt.f32 v9, v2;
	vm8 =	vgt.f32 v10, v2;
	vm9 =	vgt.f32 v12, v2  }
0x3cb: {  	vm10 =	vgt.f32 v15, v2;
	vm11 =	vgt.f32 v16, v2;
	v23 =	vand.u32 $0x80000000, v37  }
0x3cc: {  	v7 =	vsel vm0, v1, v0;
	vm1 =	vgt.f32 v5, v2;
	vm2 =	vgt.f32 v6, v2  }
0x3cd: {  	v9 =	vld [tilespmem:s7+$0x55C0];
	v5 =	vand.u32 $0x7FFFFFFF, v24;
	v6 =	vand.u32 $0x7FFFFFFF, v25;
	v14 =	vsel vm7, v1, v0  }
0x3ce: {  	v10 =	vld [tilespmem:s7+$0x55D0];
	v15 =	vsel vm8, v1, v0;
	v16 =	vsel vm9, v1, v0;
	v20 =	vsel vm11, v1, v0  }
0x3cf: {  	v12 =	vld [tilespmem:s7+$0x55E0];
	v25 =	vand.u32 $0x80000000, v35;
	v34 =	vor.u32 v7, v4;
	v7 =	vand.u32 $0x7FFFFFFF, v26  }
0x3d0: {  	v24 =	vand.u32 $0x80000000, v36;
	v4 =	vsel vm15, v1, v0;
	vm6 =	vgt.f32 v7, v2;
	v7 =	vld [tilespmem:s7+$0x55B0]  }
0x3d1: {  	vm4 =	vgt.f32 v5, v2;
	v5 =	vsel vm1, v1, v0;
	vm5 =	vgt.f32 v6, v2  }
0x3d2: {  	v6 =	vsel vm2, v1, v0;
	v26 =	vand.u32 $0x80000000, v33;
	v8 =	vsel vm4, v1, v0  }
0x3d3: {  	v11 =	vsel vm5, v1, v0;
	v13 =	vsel vm6, v1, v0;
	v19 =	vand.u32 $0x7FFFFFFF, v9  }
0x3d4: {  	v22 =	vand.u32 $0x7FFFFFFF, v12;
	vm13 =	vgt.f32 v19, v2;
	v19 =	vand.u32 $0x7FFFFFFF, v10  }
0x3d5: {  	vm15 =	vgt.f32 v22, v2;
	vm14 =	vgt.f32 v19, v2;
	v18 =	vand.u32 $0x7FFFFFFF, v7  }
0x3d6: {  	v19 =	vsel vm13, v1, v0;
	v17 =	vsel vm15, v1, v0;
	vm12 =	vgt.f32 v18, v2  }
0x3d7: {  	s6 =	simm.s32 $0x800;
	s4 =	simm.s32 $0x0;
	[tilespmem:s7+$0xD5F0] =	vst v34;
	v22 =	vsel vm14, v1, v0;
	v18 =	vsel vm10, v1, v0;
	v21 =	vsel vm12, v1, v0  }
.LBB2_25:
0x3d8: {  	s14 =	sshra.s32 s6, $0x2;
	s4 =	sadd.s32 $0x10, s4;
	v7 =	vand.u32 $0x80000000, v7;
	v9 =	vand.u32 $0x80000000, v9;
	v10 =	vand.u32 $0x80000000, v10  }
0x3d9: {  	v3 =	vor.u32 v4, v3;
	v4 =	vor.u32 v5, v31;
	v5 =	vand.u32 $0x80000000, v12;
	v33 =	vld [tilespmem:s14+$0x55F0];
	p2 =	slt.u32 s4, $0x70  }
0x3da: {  	v12 =	vld [tilespmem:s14+$0x5480];
	[tilespmem:s7+$0xD480] =	vst v3;
	v3 =	vor.u32 v6, v32;
	v6 =	vor.u32 v8, v30;
	v8 =	vor.u32 v11, v29  }
0x3db: {  	v11 =	vor.u32 v14, v27;
	v29 =	vld [tilespmem:s14+$0x5490];
	[tilespmem:s7+$0xD490] =	vst v4;
	v4 =	vor.u32 v13, v28;
	v13 =	vor.u32 v15, v26  }
0x3dc: {  	v14 =	vor.u32 v16, v25;
	v16 =	vor.u32 v20, v23;
	v15 =	vor.u32 v18, v24;
	v26 =	vld [tilespmem:s14+$0x54A0];
	[tilespmem:s7+$0xD4A0] =	vst v3  }
0x3dd: {  	v19 =	vor.u32 v19, v9;
	v20 =	vor.u32 v22, v10;
	v18 =	vor.u32 v21, v7;
	v23 =	vld [tilespmem:s14+$0x54B0];
	[tilespmem:s7+$0xD4B0] =	vst v6  }
0x3de: {  	v17 =	vor.u32 v17, v5;
	v24 =	vld [tilespmem:s14+$0x54C0];
	v6 =	vand.u32 $0x7FFFFFFF, v33;
	[tilespmem:s7+$0xD4C0] =	vst v8  }
0x3df: {  	v5 =	vand.u32 $0x7FFFFFFF, v12;
	v3 =	vand.u32 $0x80000000, v12;
	v25 =	vld [tilespmem:s14+$0x54D0];
	vm0 =	vgt.f32 v6, v2;
	[tilespmem:s7+$0xD4D0] =	vst v4  }
0x3e0: {  	v7 =	vand.u32 $0x80000000, v33;
	v4 =	vand.u32 $0x7FFFFFFF, v29;
	v27 =	vld [tilespmem:s14+$0x54E0];
	v6 =	vsel vm0, v1, v0;
	[tilespmem:s7+$0xD4E0] =	vst v11  }
0x3e1: {  	vm0 =	vgt.f32 v5, v2;
	v5 =	vand.u32 $0x7FFFFFFF, v26;
	v33 =	vld [tilespmem:s14+$0x54F0];
	v6 =	vor.u32 v6, v7;
	[tilespmem:s7+$0xD4F0] =	vst v13  }
0x3e2: {  	vm1 =	vgt.f32 v4, v2;
	vm2 =	vgt.f32 v5, v2;
	v5 =	vand.u32 $0x7FFFFFFF, v23;
	v34 =	vld [tilespmem:s14+$0x5580];
	[tilespmem:s14+$0xD5F0] =	vst v6  }
0x3e3: {  	v4 =	vsel vm0, v1, v0;
	vm0 =	vgt.f32 v5, v2;
	v6 =	vand.u32 $0x7FFFFFFF, v24;
	v35 =	vld [tilespmem:s14+$0x5590];
	[tilespmem:s7+$0xD580] =	vst v14  }
0x3e4: {  	v5 =	vsel vm1, v1, v0;
	vm1 =	vgt.f32 v6, v2;
	v7 =	vand.u32 $0x7FFFFFFF, v25;
	v36 =	vld [tilespmem:s14+$0x55A0];
	[tilespmem:s7+$0xD590] =	vst v15  }
0x3e5: {  	v6 =	vsel vm2, v1, v0;
	vm2 =	vgt.f32 v7, v2;
	v9 =	vand.u32 $0x7FFFFFFF, v27;
	v7 =	vld [tilespmem:s14+$0x55B0];
	[tilespmem:s7+$0xD5A0] =	vst v16  }
0x3e6: {  	v8 =	vsel vm0, v1, v0;
	vm0 =	vgt.f32 v9, v2;
	v10 =	vand.u32 $0x7FFFFFFF, v33;
	v9 =	vld [tilespmem:s14+$0x55C0];
	[tilespmem:s7+$0xD5B0] =	vst v18  }
0x3e7: {  	v11 =	vsel vm1, v1, v0;
	vm1 =	vgt.f32 v10, v2;
	v12 =	vand.u32 $0x7FFFFFFF, v34;
	v10 =	vld [tilespmem:s14+$0x55D0];
	[tilespmem:s7+$0xD5C0] =	vst v19  }
0x3e8: {  	v13 =	vsel vm2, v1, v0;
	vm2 =	vgt.f32 v12, v2;
	v15 =	vand.u32 $0x7FFFFFFF, v35;
	v12 =	vld [tilespmem:s14+$0x55E0];
	[tilespmem:s7+$0xD5D0] =	vst v20  }
0x3e9: {  	v14 =	vsel vm0, v1, v0;
	vm0 =	vgt.f32 v15, v2;
	v16 =	vand.u32 $0x7FFFFFFF, v36;
	[tilespmem:s7+$0xD5E0] =	vst v17;
	s7 =	smov.u32 s14  }
0x3ea: {  	v15 =	vsel vm1, v1, v0;
	vm1 =	vgt.f32 v16, v2;
	v17 =	vand.u32 $0x7FFFFFFF, v7  }
0x3eb: {  	v16 =	vsel vm2, v1, v0;
	vm2 =	vgt.f32 v17, v2;
	v17 =	vand.u32 $0x7FFFFFFF, v9  }
0x3ec: {  	v18 =	vsel vm0, v1, v0;
	vm0 =	vgt.f32 v17, v2;
	v17 =	vand.u32 $0x7FFFFFFF, v10  }
0x3ed: {  	v20 =	vsel vm1, v1, v0;
	vm1 =	vgt.f32 v17, v2;
	v17 =	vand.u32 $0x7FFFFFFF, v12  }
.Ltmp11:
0x3ee: {  	v21 =	vsel vm2, v1, v0;
	v19 =	vsel vm0, v1, v0;
	vm0 =	vgt.f32 v17, v2;
	(pc) =	sbr.rel @p2 .LBB2_25-.Ltmp11, $4  }
0x3ef: {  	v31 =	vand.u32 $0x80000000, v29;
	v22 =	vsel vm1, v1, v0;
	v17 =	vsel vm0, v1, v0  }
0x3f0: {  	v32 =	vand.u32 $0x80000000, v26;
	v30 =	vand.u32 $0x80000000, v23;
	v29 =	vand.u32 $0x80000000, v24  }
0x3f1: {  	v28 =	vand.u32 $0x80000000, v25;
	v27 =	vand.u32 $0x80000000, v27;
	v26 =	vand.u32 $0x80000000, v33  }
0x3f2: {  	s6 =	sadd.s32 $0x800, s6;
	v25 =	vand.u32 $0x80000000, v34;
	v24 =	vand.u32 $0x80000000, v35;
	v23 =	vand.u32 $0x80000000, v36  }
0x3f3: {  	v3 =	vor.u32 v4, v3  }
0x3f4: {  	v4 =	vor.u32 v5, v31;
	[tilespmem:s7+$0xD480] =	vst v3  }
0x3f5: {  	v5 =	vor.u32 v20, v23;
	[tilespmem:s7+$0xD490] =	vst v4  }
0x3f6: {  	v3 =	vor.u32 v6, v32;
	[tilespmem:s7+$0xD5A0] =	vst v5  }
0x3f7: {  	v4 =	vor.u32 v8, v30;
	[tilespmem:s7+$0xD4A0] =	vst v3  }
0x3f8: {  	v3 =	vor.u32 v11, v29;
	[tilespmem:s7+$0xD4B0] =	vst v4  }
0x3f9: {  	v5 =	vand.u32 $0x80000000, v10;
	v4 =	vor.u32 v13, v28;
	[tilespmem:s7+$0xD4C0] =	vst v3  }
0x3fa: {  	v5 =	vor.u32 v22, v5;
	[tilespmem:s7+$0xD4D0] =	vst v4  }
0x3fb: {  	v3 =	vor.u32 v14, v27;
	[tilespmem:s7+$0xD5D0] =	vst v5  }
0x3fc: {  	v4 =	vor.u32 v15, v26;
	[tilespmem:s7+$0xD4E0] =	vst v3  }
0x3fd: {  	v3 =	vor.u32 v16, v25;
	[tilespmem:s7+$0xD4F0] =	vst v4  }
0x3fe: {  	v4 =	vor.u32 v18, v24;
	[tilespmem:s7+$0xD580] =	vst v3;
	v3 =	vand.u32 $0x80000000, v7  }
0x3ff: {  	[tilespmem:s7+$0xD590] =	vst v4;
	v4 =	vand.u32 $0x80000000, v9;
	v3 =	vor.u32 v21, v3  }
0x400: {  	v4 =	vor.u32 v19, v4;
	[tilespmem:s7+$0xD5B0] =	vst v3;
	v3 =	vand.u32 $0x80000000, v12  }
0x401: {  	[tilespmem:s7+$0xD5C0] =	vst v4;
	v3 =	vor.u32 v17, v3  }
0x402: {  	s4 =	sadd.s32 s13, s24;
	s6 =	simm.s32 $0xD400;
	[tilespmem:s7+$0xD5E0] =	vst v3  }
0x403: {  	[hbm4b:s4+s31] =	stream.strided.scatter [tilespmem:s6], [sflag:$0xE], $0x1000, s0, s31, $0x38;
	[tilespmem:$0x10400] =	vst v63  }
0x404: {  	_ =	swait.ge [sflag:s1], $0x1000  }
0x405: {  	s14 =	simm.s32 @!p0 $0x5400;
	s7 =	simm.s32 @!p0 $0x400;
	[sflag:s1] =	ssyncset.done $0x0  }
0x406: {  	s4 =	sadd.s32 @!p0 s11, s26;
	s6 =	simm.s32 @!p0 $0x100;
	[sflag:s1] =	ssyncadd.s32 $0xFFFFF000  }
0x407: {  	[tilespmem:s14], [sflag:$0x6] =	stream.strided.gather @!p0 [hbm4b:s4+s6], $0x1000, s7, s6, $0x38;
	[tilespmem:$0x10400] =	vst v63  }
0x408: {  	s4 =	simm.s32 @p1 $0xF  }
0x409: {  	_ =	swait.ge @p1 [sflag:s4], $0x1000  }
0x40a: {  	[sflag:s4] =	ssyncset.done @p1 $0x0  }
0x40b: {  	s7 =	simm.s32 $0x0;
	[sflag:s4] =	ssyncadd.s32 @p1 $0xFFFFF000  }
0x40c: {  	v4 =	vld [tilespmem:s7+$0x6570]  }
0x40d: {  	v3 =	vld [tilespmem:s7+$0x6400]  }
0x40e: {  	v17 =	vld [tilespmem:s7+$0x6410]  }
0x40f: {  	v23 =	vld [tilespmem:s7+$0x6420]  }
0x410: {  	v24 =	vld [tilespmem:s7+$0x6430]  }
0x411: {  	v27 =	vld [tilespmem:s7+$0x6460]  }
0x412: {  	v33 =	vld [tilespmem:s7+$0x6470]  }
0x413: {  	v35 =	vld [tilespmem:s7+$0x6500]  }
0x414: {  	v36 =	vld [tilespmem:s7+$0x6510]  }
0x415: {  	v37 =	vld [tilespmem:s7+$0x6520]  }
0x416: {  	v25 =	vld [tilespmem:s7+$0x6440]  }
0x417: {  	v26 =	vld [tilespmem:s7+$0x6450];
	v5 =	vand.u32 $0x7FFFFFFF, v4  }
0x418: {  	v6 =	vand.u32 $0x7FFFFFFF, v3;
	v3 =	vand.u32 $0x80000000, v3;
	v4 =	vand.u32 $0x80000000, v4  }
0x419: {  	v9 =	vand.u32 $0x7FFFFFFF, v27;
	v10 =	vand.u32 $0x7FFFFFFF, v33;
	v12 =	vand.u32 $0x7FFFFFFF, v35  }
0x41a: {  	v15 =	vand.u32 $0x7FFFFFFF, v36;
	v16 =	vand.u32 $0x7FFFFFFF, v37;
	v31 =	vand.u32 $0x80000000, v17  }
0x41b: {  	v32 =	vand.u32 $0x80000000, v23;
	v30 =	vand.u32 $0x80000000, v24;
	v29 =	vand.u32 $0x80000000, v25  }
0x41c: {  	v28 =	vand.u32 $0x80000000, v26;
	v27 =	vand.u32 $0x80000000, v27;
	vm0 =	vgt.f32 v5, v2  }
0x41d: {  	v5 =	vand.u32 $0x7FFFFFFF, v17;
	vm15 =	vgt.f32 v6, v2;
	v6 =	vand.u32 $0x7FFFFFFF, v23  }
0x41e: {  	vm7 =	vgt.f32 v9, v2;
	vm8 =	vgt.f32 v10, v2;
	vm9 =	vgt.f32 v12, v2  }
0x41f: {  	vm10 =	vgt.f32 v15, v2;
	vm11 =	vgt.f32 v16, v2;
	v23 =	vand.u32 $0x80000000, v37  }
0x420: {  	v7 =	vsel vm0, v1, v0;
	vm1 =	vgt.f32 v5, v2;
	vm2 =	vgt.f32 v6, v2  }
0x421: {  	v9 =	vld [tilespmem:s7+$0x6540];
	v5 =	vand.u32 $0x7FFFFFFF, v24;
	v6 =	vand.u32 $0x7FFFFFFF, v25;
	v14 =	vsel vm7, v1, v0  }
0x422: {  	v10 =	vld [tilespmem:s7+$0x6550];
	v15 =	vsel vm8, v1, v0;
	v16 =	vsel vm9, v1, v0;
	v20 =	vsel vm11, v1, v0  }
0x423: {  	v12 =	vld [tilespmem:s7+$0x6560];
	v25 =	vand.u32 $0x80000000, v35;
	v34 =	vor.u32 v7, v4;
	v7 =	vand.u32 $0x7FFFFFFF, v26  }
0x424: {  	v24 =	vand.u32 $0x80000000, v36;
	v4 =	vsel vm15, v1, v0;
	vm6 =	vgt.f32 v7, v2;
	v7 =	vld [tilespmem:s7+$0x6530]  }
0x425: {  	vm4 =	vgt.f32 v5, v2;
	v5 =	vsel vm1, v1, v0;
	vm5 =	vgt.f32 v6, v2  }
0x426: {  	v6 =	vsel vm2, v1, v0;
	v26 =	vand.u32 $0x80000000, v33;
	v8 =	vsel vm4, v1, v0  }
0x427: {  	v11 =	vsel vm5, v1, v0;
	v13 =	vsel vm6, v1, v0;
	v19 =	vand.u32 $0x7FFFFFFF, v9  }
0x428: {  	v22 =	vand.u32 $0x7FFFFFFF, v12;
	vm13 =	vgt.f32 v19, v2;
	v19 =	vand.u32 $0x7FFFFFFF, v10  }
0x429: {  	vm15 =	vgt.f32 v22, v2;
	vm14 =	vgt.f32 v19, v2;
	v18 =	vand.u32 $0x7FFFFFFF, v7  }
0x42a: {  	v19 =	vsel vm13, v1, v0;
	v17 =	vsel vm15, v1, v0;
	vm12 =	vgt.f32 v18, v2  }
0x42b: {  	s6 =	simm.s32 $0x0;
	s14 =	simm.s32 $0x800;
	s4 =	simm.s32 $0x0;
	[tilespmem:s7+$0xE570] =	vst v34;
	v22 =	vsel vm14, v1, v0;
	v18 =	vsel vm10, v1, v0;
	v21 =	vsel vm12, v1, v0  }
.LBB2_27:
0x42c: {  	s15 =	sshra.s32 s14, $0x2;
	s6 =	sadd.s32 $0x10, s6;
	v7 =	vand.u32 $0x80000000, v7;
	v9 =	vand.u32 $0x80000000, v9;
	v10 =	vand.u32 $0x80000000, v10  }
0x42d: {  	v3 =	vor.u32 v4, v3;
	v4 =	vor.u32 v5, v31;
	v5 =	vand.u32 $0x80000000, v12;
	v33 =	vld [tilespmem:s15+$0x6570];
	p2 =	slt.u32 s6, $0x70  }
0x42e: {  	v12 =	vld [tilespmem:s15+$0x6400];
	[tilespmem:s4+$0xE400] =	vst v3;
	v3 =	vor.u32 v6, v32;
	v6 =	vor.u32 v8, v30;
	v8 =	vor.u32 v11, v29  }
0x42f: {  	v11 =	vor.u32 v14, v27;
	v29 =	vld [tilespmem:s15+$0x6410];
	[tilespmem:s4+$0xE410] =	vst v4;
	v4 =	vor.u32 v13, v28;
	v13 =	vor.u32 v15, v26  }
0x430: {  	v14 =	vor.u32 v16, v25;
	v16 =	vor.u32 v20, v23;
	v15 =	vor.u32 v18, v24;
	v26 =	vld [tilespmem:s15+$0x6420];
	[tilespmem:s4+$0xE420] =	vst v3  }
0x431: {  	v19 =	vor.u32 v19, v9;
	v20 =	vor.u32 v22, v10;
	v18 =	vor.u32 v21, v7;
	v23 =	vld [tilespmem:s15+$0x6430];
	[tilespmem:s4+$0xE430] =	vst v6  }
0x432: {  	v17 =	vor.u32 v17, v5;
	v24 =	vld [tilespmem:s15+$0x6440];
	v6 =	vand.u32 $0x7FFFFFFF, v33;
	[tilespmem:s4+$0xE440] =	vst v8  }
0x433: {  	v5 =	vand.u32 $0x7FFFFFFF, v12;
	v3 =	vand.u32 $0x80000000, v12;
	v25 =	vld [tilespmem:s15+$0x6450];
	vm0 =	vgt.f32 v6, v2;
	[tilespmem:s4+$0xE450] =	vst v4  }
0x434: {  	v7 =	vand.u32 $0x80000000, v33;
	v4 =	vand.u32 $0x7FFFFFFF, v29;
	v27 =	vld [tilespmem:s15+$0x6460];
	v6 =	vsel vm0, v1, v0;
	[tilespmem:s4+$0xE460] =	vst v11  }
0x435: {  	vm0 =	vgt.f32 v5, v2;
	v5 =	vand.u32 $0x7FFFFFFF, v26;
	v33 =	vld [tilespmem:s15+$0x6470];
	v6 =	vor.u32 v6, v7;
	[tilespmem:s4+$0xE470] =	vst v13  }
0x436: {  	vm1 =	vgt.f32 v4, v2;
	vm2 =	vgt.f32 v5, v2;
	v5 =	vand.u32 $0x7FFFFFFF, v23;
	v34 =	vld [tilespmem:s15+$0x6500];
	[tilespmem:s15+$0xE570] =	vst v6  }
0x437: {  	v4 =	vsel vm0, v1, v0;
	vm0 =	vgt.f32 v5, v2;
	v6 =	vand.u32 $0x7FFFFFFF, v24;
	v35 =	vld [tilespmem:s15+$0x6510];
	[tilespmem:s4+$0xE500] =	vst v14  }
0x438: {  	v5 =	vsel vm1, v1, v0;
	vm1 =	vgt.f32 v6, v2;
	v7 =	vand.u32 $0x7FFFFFFF, v25;
	v36 =	vld [tilespmem:s15+$0x6520];
	[tilespmem:s4+$0xE510] =	vst v15  }
0x439: {  	v6 =	vsel vm2, v1, v0;
	vm2 =	vgt.f32 v7, v2;
	v9 =	vand.u32 $0x7FFFFFFF, v27;
	v7 =	vld [tilespmem:s15+$0x6530];
	[tilespmem:s4+$0xE520] =	vst v16  }
0x43a: {  	v8 =	vsel vm0, v1, v0;
	vm0 =	vgt.f32 v9, v2;
	v10 =	vand.u32 $0x7FFFFFFF, v33;
	v9 =	vld [tilespmem:s15+$0x6540];
	[tilespmem:s4+$0xE530] =	vst v18  }
0x43b: {  	v11 =	vsel vm1, v1, v0;
	vm1 =	vgt.f32 v10, v2;
	v12 =	vand.u32 $0x7FFFFFFF, v34;
	v10 =	vld [tilespmem:s15+$0x6550];
	[tilespmem:s4+$0xE540] =	vst v19  }
0x43c: {  	v13 =	vsel vm2, v1, v0;
	vm2 =	vgt.f32 v12, v2;
	v15 =	vand.u32 $0x7FFFFFFF, v35;
	v12 =	vld [tilespmem:s15+$0x6560];
	[tilespmem:s4+$0xE550] =	vst v20  }
0x43d: {  	v14 =	vsel vm0, v1, v0;
	vm0 =	vgt.f32 v15, v2;
	v16 =	vand.u32 $0x7FFFFFFF, v36;
	[tilespmem:s4+$0xE560] =	vst v17;
	s4 =	smov.u32 s15  }
0x43e: {  	v15 =	vsel vm1, v1, v0;
	vm1 =	vgt.f32 v16, v2;
	v17 =	vand.u32 $0x7FFFFFFF, v7  }
0x43f: {  	v16 =	vsel vm2, v1, v0;
	vm2 =	vgt.f32 v17, v2;
	v17 =	vand.u32 $0x7FFFFFFF, v9  }
0x440: {  	v18 =	vsel vm0, v1, v0;
	vm0 =	vgt.f32 v17, v2;
	v17 =	vand.u32 $0x7FFFFFFF, v10  }
0x441: {  	v20 =	vsel vm1, v1, v0;
	vm1 =	vgt.f32 v17, v2;
	v17 =	vand.u32 $0x7FFFFFFF, v12  }
.Ltmp12:
0x442: {  	v21 =	vsel vm2, v1, v0;
	v19 =	vsel vm0, v1, v0;
	vm0 =	vgt.f32 v17, v2;
	(pc) =	sbr.rel @p2 .LBB2_27-.Ltmp12, $4  }
0x443: {  	v31 =	vand.u32 $0x80000000, v29;
	v22 =	vsel vm1, v1, v0;
	v17 =	vsel vm0, v1, v0  }
0x444: {  	v32 =	vand.u32 $0x80000000, v26;
	v30 =	vand.u32 $0x80000000, v23;
	v29 =	vand.u32 $0x80000000, v24  }
0x445: {  	v28 =	vand.u32 $0x80000000, v25;
	v27 =	vand.u32 $0x80000000, v27;
	v26 =	vand.u32 $0x80000000, v33  }
0x446: {  	s14 =	sadd.s32 $0x800, s14;
	v25 =	vand.u32 $0x80000000, v34;
	v24 =	vand.u32 $0x80000000, v35;
	v23 =	vand.u32 $0x80000000, v36  }
0x447: {  	v3 =	vor.u32 v4, v3  }
0x448: {  	v4 =	vor.u32 v5, v31;
	[tilespmem:s4+$0xE400] =	vst v3  }
0x449: {  	v5 =	vor.u32 v20, v23;
	[tilespmem:s4+$0xE410] =	vst v4  }
0x44a: {  	v3 =	vor.u32 v6, v32;
	[tilespmem:s4+$0xE520] =	vst v5  }
0x44b: {  	v4 =	vor.u32 v8, v30;
	[tilespmem:s4+$0xE420] =	vst v3  }
0x44c: {  	v3 =	vor.u32 v11, v29;
	[tilespmem:s4+$0xE430] =	vst v4  }
0x44d: {  	v5 =	vand.u32 $0x80000000, v10;
	v4 =	vor.u32 v13, v28;
	[tilespmem:s4+$0xE440] =	vst v3  }
0x44e: {  	v5 =	vor.u32 v22, v5;
	[tilespmem:s4+$0xE450] =	vst v4  }
0x44f: {  	v3 =	vor.u32 v14, v27;
	[tilespmem:s4+$0xE550] =	vst v5  }
0x450: {  	v4 =	vor.u32 v15, v26;
	[tilespmem:s4+$0xE460] =	vst v3  }
0x451: {  	v3 =	vor.u32 v16, v25;
	[tilespmem:s4+$0xE470] =	vst v4  }
0x452: {  	v4 =	vor.u32 v18, v24;
	[tilespmem:s4+$0xE500] =	vst v3;
	v3 =	vand.u32 $0x80000000, v7  }
0x453: {  	[tilespmem:s4+$0xE510] =	vst v4;
	v4 =	vand.u32 $0x80000000, v9;
	v3 =	vor.u32 v21, v3  }
0x454: {  	v4 =	vor.u32 v19, v4;
	[tilespmem:s4+$0xE530] =	vst v3;
	v3 =	vand.u32 $0x80000000, v12  }
0x455: {  	[tilespmem:s4+$0xE540] =	vst v4;
	v3 =	vor.u32 v17, v3  }
0x456: {  	[tilespmem:s4+$0xE560] =	vst v3  }
0x457: {  	v4 =	vld [tilespmem:s7+$0x65F0]  }
0x458: {  	v3 =	vld [tilespmem:s7+$0x6480]  }
0x459: {  	v17 =	vld [tilespmem:s7+$0x6490]  }
0x45a: {  	v23 =	vld [tilespmem:s7+$0x64A0]  }
0x45b: {  	v24 =	vld [tilespmem:s7+$0x64B0]  }
0x45c: {  	v27 =	vld [tilespmem:s7+$0x64E0]  }
0x45d: {  	v33 =	vld [tilespmem:s7+$0x64F0]  }
0x45e: {  	v35 =	vld [tilespmem:s7+$0x6580]  }
0x45f: {  	v36 =	vld [tilespmem:s7+$0x6590]  }
0x460: {  	v37 =	vld [tilespmem:s7+$0x65A0]  }
0x461: {  	v25 =	vld [tilespmem:s7+$0x64C0]  }
0x462: {  	v26 =	vld [tilespmem:s7+$0x64D0];
	v5 =	vand.u32 $0x7FFFFFFF, v4  }
0x463: {  	v6 =	vand.u32 $0x7FFFFFFF, v3;
	v3 =	vand.u32 $0x80000000, v3;
	v4 =	vand.u32 $0x80000000, v4  }
0x464: {  	v9 =	vand.u32 $0x7FFFFFFF, v27;
	v10 =	vand.u32 $0x7FFFFFFF, v33;
	v12 =	vand.u32 $0x7FFFFFFF, v35  }
0x465: {  	v15 =	vand.u32 $0x7FFFFFFF, v36;
	v16 =	vand.u32 $0x7FFFFFFF, v37;
	v31 =	vand.u32 $0x80000000, v17  }
0x466: {  	v32 =	vand.u32 $0x80000000, v23;
	v30 =	vand.u32 $0x80000000, v24;
	v29 =	vand.u32 $0x80000000, v25  }
0x467: {  	v28 =	vand.u32 $0x80000000, v26;
	v27 =	vand.u32 $0x80000000, v27;
	vm0 =	vgt.f32 v5, v2  }
0x468: {  	v5 =	vand.u32 $0x7FFFFFFF, v17;
	vm15 =	vgt.f32 v6, v2;
	v6 =	vand.u32 $0x7FFFFFFF, v23  }
0x469: {  	vm7 =	vgt.f32 v9, v2;
	vm8 =	vgt.f32 v10, v2;
	vm9 =	vgt.f32 v12, v2  }
0x46a: {  	vm10 =	vgt.f32 v15, v2;
	vm11 =	vgt.f32 v16, v2;
	v23 =	vand.u32 $0x80000000, v37  }
0x46b: {  	v7 =	vsel vm0, v1, v0;
	vm1 =	vgt.f32 v5, v2;
	vm2 =	vgt.f32 v6, v2  }
0x46c: {  	v9 =	vld [tilespmem:s7+$0x65C0];
	v5 =	vand.u32 $0x7FFFFFFF, v24;
	v6 =	vand.u32 $0x7FFFFFFF, v25;
	v14 =	vsel vm7, v1, v0  }
0x46d: {  	v10 =	vld [tilespmem:s7+$0x65D0];
	v15 =	vsel vm8, v1, v0;
	v16 =	vsel vm9, v1, v0;
	v20 =	vsel vm11, v1, v0  }
0x46e: {  	v12 =	vld [tilespmem:s7+$0x65E0];
	v25 =	vand.u32 $0x80000000, v35;
	v34 =	vor.u32 v7, v4;
	v7 =	vand.u32 $0x7FFFFFFF, v26  }
0x46f: {  	v24 =	vand.u32 $0x80000000, v36;
	v4 =	vsel vm15, v1, v0;
	vm6 =	vgt.f32 v7, v2;
	v7 =	vld [tilespmem:s7+$0x65B0]  }
0x470: {  	vm4 =	vgt.f32 v5, v2;
	v5 =	vsel vm1, v1, v0;
	vm5 =	vgt.f32 v6, v2  }
0x471: {  	v6 =	vsel vm2, v1, v0;
	v26 =	vand.u32 $0x80000000, v33;
	v8 =	vsel vm4, v1, v0  }
0x472: {  	v11 =	vsel vm5, v1, v0;
	v13 =	vsel vm6, v1, v0;
	v19 =	vand.u32 $0x7FFFFFFF, v9  }
0x473: {  	v22 =	vand.u32 $0x7FFFFFFF, v12;
	vm13 =	vgt.f32 v19, v2;
	v19 =	vand.u32 $0x7FFFFFFF, v10  }
0x474: {  	vm15 =	vgt.f32 v22, v2;
	vm14 =	vgt.f32 v19, v2;
	v18 =	vand.u32 $0x7FFFFFFF, v7  }
0x475: {  	v19 =	vsel vm13, v1, v0;
	v17 =	vsel vm15, v1, v0;
	vm12 =	vgt.f32 v18, v2  }
0x476: {  	s6 =	simm.s32 $0x800;
	s4 =	simm.s32 $0x0;
	[tilespmem:s7+$0xE5F0] =	vst v34;
	v22 =	vsel vm14, v1, v0;
	v18 =	vsel vm10, v1, v0;
	v21 =	vsel vm12, v1, v0  }
.LBB2_29:
0x477: {  	s14 =	sshra.s32 s6, $0x2;
	s4 =	sadd.s32 $0x10, s4;
	v7 =	vand.u32 $0x80000000, v7;
	v9 =	vand.u32 $0x80000000, v9;
	v10 =	vand.u32 $0x80000000, v10  }
0x478: {  	v3 =	vor.u32 v4, v3;
	v4 =	vor.u32 v5, v31;
	v5 =	vand.u32 $0x80000000, v12;
	v33 =	vld [tilespmem:s14+$0x65F0];
	p2 =	slt.u32 s4, $0x70  }
0x479: {  	v12 =	vld [tilespmem:s14+$0x6480];
	[tilespmem:s7+$0xE480] =	vst v3;
	v3 =	vor.u32 v6, v32;
	v6 =	vor.u32 v8, v30;
	v8 =	vor.u32 v11, v29  }
0x47a: {  	v11 =	vor.u32 v14, v27;
	v29 =	vld [tilespmem:s14+$0x6490];
	[tilespmem:s7+$0xE490] =	vst v4;
	v4 =	vor.u32 v13, v28;
	v13 =	vor.u32 v15, v26  }
0x47b: {  	v14 =	vor.u32 v16, v25;
	v16 =	vor.u32 v20, v23;
	v15 =	vor.u32 v18, v24;
	v26 =	vld [tilespmem:s14+$0x64A0];
	[tilespmem:s7+$0xE4A0] =	vst v3  }
0x47c: {  	v19 =	vor.u32 v19, v9;
	v20 =	vor.u32 v22, v10;
	v18 =	vor.u32 v21, v7;
	v23 =	vld [tilespmem:s14+$0x64B0];
	[tilespmem:s7+$0xE4B0] =	vst v6  }
0x47d: {  	v17 =	vor.u32 v17, v5;
	v24 =	vld [tilespmem:s14+$0x64C0];
	v6 =	vand.u32 $0x7FFFFFFF, v33;
	[tilespmem:s7+$0xE4C0] =	vst v8  }
0x47e: {  	v5 =	vand.u32 $0x7FFFFFFF, v12;
	v3 =	vand.u32 $0x80000000, v12;
	v25 =	vld [tilespmem:s14+$0x64D0];
	vm0 =	vgt.f32 v6, v2;
	[tilespmem:s7+$0xE4D0] =	vst v4  }
0x47f: {  	v7 =	vand.u32 $0x80000000, v33;
	v4 =	vand.u32 $0x7FFFFFFF, v29;
	v27 =	vld [tilespmem:s14+$0x64E0];
	v6 =	vsel vm0, v1, v0;
	[tilespmem:s7+$0xE4E0] =	vst v11  }
0x480: {  	vm0 =	vgt.f32 v5, v2;
	v5 =	vand.u32 $0x7FFFFFFF, v26;
	v33 =	vld [tilespmem:s14+$0x64F0];
	v6 =	vor.u32 v6, v7;
	[tilespmem:s7+$0xE4F0] =	vst v13  }
0x481: {  	vm1 =	vgt.f32 v4, v2;
	vm2 =	vgt.f32 v5, v2;
	v5 =	vand.u32 $0x7FFFFFFF, v23;
	v34 =	vld [tilespmem:s14+$0x6580];
	[tilespmem:s14+$0xE5F0] =	vst v6  }
0x482: {  	v4 =	vsel vm0, v1, v0;
	vm0 =	vgt.f32 v5, v2;
	v6 =	vand.u32 $0x7FFFFFFF, v24;
	v35 =	vld [tilespmem:s14+$0x6590];
	[tilespmem:s7+$0xE580] =	vst v14  }
0x483: {  	v5 =	vsel vm1, v1, v0;
	vm1 =	vgt.f32 v6, v2;
	v7 =	vand.u32 $0x7FFFFFFF, v25;
	v36 =	vld [tilespmem:s14+$0x65A0];
	[tilespmem:s7+$0xE590] =	vst v15  }
0x484: {  	v6 =	vsel vm2, v1, v0;
	vm2 =	vgt.f32 v7, v2;
	v9 =	vand.u32 $0x7FFFFFFF, v27;
	v7 =	vld [tilespmem:s14+$0x65B0];
	[tilespmem:s7+$0xE5A0] =	vst v16  }
0x485: {  	v8 =	vsel vm0, v1, v0;
	vm0 =	vgt.f32 v9, v2;
	v10 =	vand.u32 $0x7FFFFFFF, v33;
	v9 =	vld [tilespmem:s14+$0x65C0];
	[tilespmem:s7+$0xE5B0] =	vst v18  }
0x486: {  	v11 =	vsel vm1, v1, v0;
	vm1 =	vgt.f32 v10, v2;
	v12 =	vand.u32 $0x7FFFFFFF, v34;
	v10 =	vld [tilespmem:s14+$0x65D0];
	[tilespmem:s7+$0xE5C0] =	vst v19  }
0x487: {  	v13 =	vsel vm2, v1, v0;
	vm2 =	vgt.f32 v12, v2;
	v15 =	vand.u32 $0x7FFFFFFF, v35;
	v12 =	vld [tilespmem:s14+$0x65E0];
	[tilespmem:s7+$0xE5D0] =	vst v20  }
0x488: {  	v14 =	vsel vm0, v1, v0;
	vm0 =	vgt.f32 v15, v2;
	v16 =	vand.u32 $0x7FFFFFFF, v36;
	[tilespmem:s7+$0xE5E0] =	vst v17;
	s7 =	smov.u32 s14  }
0x489: {  	v15 =	vsel vm1, v1, v0;
	vm1 =	vgt.f32 v16, v2;
	v17 =	vand.u32 $0x7FFFFFFF, v7  }
0x48a: {  	v16 =	vsel vm2, v1, v0;
	vm2 =	vgt.f32 v17, v2;
	v17 =	vand.u32 $0x7FFFFFFF, v9  }
0x48b: {  	v18 =	vsel vm0, v1, v0;
	vm0 =	vgt.f32 v17, v2;
	v17 =	vand.u32 $0x7FFFFFFF, v10  }
0x48c: {  	v20 =	vsel vm1, v1, v0;
	vm1 =	vgt.f32 v17, v2;
	v17 =	vand.u32 $0x7FFFFFFF, v12  }
.Ltmp13:
0x48d: {  	v21 =	vsel vm2, v1, v0;
	v19 =	vsel vm0, v1, v0;
	vm0 =	vgt.f32 v17, v2;
	(pc) =	sbr.rel @p2 .LBB2_29-.Ltmp13, $4  }
0x48e: {  	v31 =	vand.u32 $0x80000000, v29;
	v22 =	vsel vm1, v1, v0;
	v17 =	vsel vm0, v1, v0  }
0x48f: {  	v32 =	vand.u32 $0x80000000, v26;
	v30 =	vand.u32 $0x80000000, v23;
	v29 =	vand.u32 $0x80000000, v24  }
0x490: {  	v28 =	vand.u32 $0x80000000, v25;
	v27 =	vand.u32 $0x80000000, v27;
	v26 =	vand.u32 $0x80000000, v33  }
0x491: {  	s6 =	sadd.s32 $0x800, s6;
	v25 =	vand.u32 $0x80000000, v34;
	v24 =	vand.u32 $0x80000000, v35;
	v23 =	vand.u32 $0x80000000, v36  }
0x492: {  	v3 =	vor.u32 v4, v3  }
0x493: {  	v4 =	vor.u32 v5, v31;
	[tilespmem:s7+$0xE480] =	vst v3  }
0x494: {  	v5 =	vor.u32 v20, v23;
	[tilespmem:s7+$0xE490] =	vst v4  }
0x495: {  	v3 =	vor.u32 v6, v32;
	[tilespmem:s7+$0xE5A0] =	vst v5  }
0x496: {  	v4 =	vor.u32 v8, v30;
	[tilespmem:s7+$0xE4A0] =	vst v3  }
0x497: {  	v3 =	vor.u32 v11, v29;
	[tilespmem:s7+$0xE4B0] =	vst v4  }
0x498: {  	v5 =	vand.u32 $0x80000000, v10;
	v4 =	vor.u32 v13, v28;
	[tilespmem:s7+$0xE4C0] =	vst v3  }
0x499: {  	v5 =	vor.u32 v22, v5;
	[tilespmem:s7+$0xE4D0] =	vst v4  }
0x49a: {  	v3 =	vor.u32 v14, v27;
	[tilespmem:s7+$0xE5D0] =	vst v5  }
0x49b: {  	v4 =	vor.u32 v15, v26;
	[tilespmem:s7+$0xE4E0] =	vst v3  }
0x49c: {  	v3 =	vor.u32 v16, v25;
	[tilespmem:s7+$0xE4F0] =	vst v4  }
0x49d: {  	v4 =	vor.u32 v18, v24;
	[tilespmem:s7+$0xE580] =	vst v3;
	v3 =	vand.u32 $0x80000000, v7  }
0x49e: {  	[tilespmem:s7+$0xE590] =	vst v4;
	v4 =	vand.u32 $0x80000000, v9;
	v3 =	vor.u32 v21, v3  }
0x49f: {  	v4 =	vor.u32 v19, v4;
	[tilespmem:s7+$0xE5B0] =	vst v3;
	v3 =	vand.u32 $0x80000000, v12  }
0x4a0: {  	[tilespmem:s7+$0xE5C0] =	vst v4;
	v3 =	vor.u32 v17, v3  }
0x4a1: {  	s4 =	sadd.s32 s13, s28;
	s6 =	simm.s32 $0xE400;
	[tilespmem:s7+$0xE5E0] =	vst v3  }
0x4a2: {  	[hbm4b:s4+s31] =	stream.strided.scatter [tilespmem:s6], [sflag:$0xF], $0x1000, s0, s31, $0x38;
	[tilespmem:$0x10400] =	vst v63  }
0x4a3: {  	_ =	swait.ge [sflag:s9], $0x1000  }
0x4a4: {  	s7 =	simm.s32 @!p0 $0x400;
	s4 =	sadd.s32 @!p0 s11, s29;
	[sflag:s9] =	ssyncset.done $0x0  }
0x4a5: {  	s6 =	simm.s32 @!p0 $0x100;
	s11 =	simm.s32 @!p0 $0x6400;
	[sflag:s9] =	ssyncadd.s32 $0xFFFFF000  }
0x4a6: {  	[tilespmem:s11], [sflag:$0x7] =	stream.strided.gather @!p0 [hbm4b:s4+s6], $0x1000, s7, s6, $0x38;
	[tilespmem:$0x10400] =	vst v63  }
0x4a7: {  	s4 =	simm.s32 @p1 $0x10  }
0x4a8: {  	_ =	swait.ge @p1 [sflag:s4], $0x1000  }
0x4a9: {  	[sflag:s4] =	ssyncset.done @p1 $0x0  }
0x4aa: {  	s7 =	simm.s32 $0x0;
	[sflag:s4] =	ssyncadd.s32 @p1 $0xFFFFF000  }
0x4ab: {  	v4 =	vld [tilespmem:s7+$0x7570]  }
0x4ac: {  	v3 =	vld [tilespmem:s7+$0x7400]  }
0x4ad: {  	v17 =	vld [tilespmem:s7+$0x7410]  }
0x4ae: {  	v23 =	vld [tilespmem:s7+$0x7420]  }
0x4af: {  	v24 =	vld [tilespmem:s7+$0x7430]  }
0x4b0: {  	v27 =	vld [tilespmem:s7+$0x7460]  }
0x4b1: {  	v33 =	vld [tilespmem:s7+$0x7470]  }
0x4b2: {  	v35 =	vld [tilespmem:s7+$0x7500]  }
0x4b3: {  	v36 =	vld [tilespmem:s7+$0x7510]  }
0x4b4: {  	v37 =	vld [tilespmem:s7+$0x7520]  }
0x4b5: {  	v25 =	vld [tilespmem:s7+$0x7440]  }
0x4b6: {  	v26 =	vld [tilespmem:s7+$0x7450];
	v5 =	vand.u32 $0x7FFFFFFF, v4  }
0x4b7: {  	v6 =	vand.u32 $0x7FFFFFFF, v3;
	v3 =	vand.u32 $0x80000000, v3;
	v4 =	vand.u32 $0x80000000, v4  }
0x4b8: {  	v9 =	vand.u32 $0x7FFFFFFF, v27;
	v10 =	vand.u32 $0x7FFFFFFF, v33;
	v12 =	vand.u32 $0x7FFFFFFF, v35  }
0x4b9: {  	v15 =	vand.u32 $0x7FFFFFFF, v36;
	v16 =	vand.u32 $0x7FFFFFFF, v37;
	v31 =	vand.u32 $0x80000000, v17  }
0x4ba: {  	v32 =	vand.u32 $0x80000000, v23;
	v30 =	vand.u32 $0x80000000, v24;
	v29 =	vand.u32 $0x80000000, v25  }
0x4bb: {  	v28 =	vand.u32 $0x80000000, v26;
	v27 =	vand.u32 $0x80000000, v27;
	vm0 =	vgt.f32 v5, v2  }
0x4bc: {  	v5 =	vand.u32 $0x7FFFFFFF, v17;
	vm15 =	vgt.f32 v6, v2;
	v6 =	vand.u32 $0x7FFFFFFF, v23  }
0x4bd: {  	vm7 =	vgt.f32 v9, v2;
	vm8 =	vgt.f32 v10, v2;
	vm9 =	vgt.f32 v12, v2  }
0x4be: {  	vm10 =	vgt.f32 v15, v2;
	vm11 =	vgt.f32 v16, v2;
	v23 =	vand.u32 $0x80000000, v37  }
0x4bf: {  	v7 =	vsel vm0, v1, v0;
	vm1 =	vgt.f32 v5, v2;
	vm2 =	vgt.f32 v6, v2  }
0x4c0: {  	v9 =	vld [tilespmem:s7+$0x7540];
	v5 =	vand.u32 $0x7FFFFFFF, v24;
	v6 =	vand.u32 $0x7FFFFFFF, v25;
	v14 =	vsel vm7, v1, v0  }
0x4c1: {  	v10 =	vld [tilespmem:s7+$0x7550];
	v15 =	vsel vm8, v1, v0;
	v16 =	vsel vm9, v1, v0;
	v20 =	vsel vm11, v1, v0  }
0x4c2: {  	v12 =	vld [tilespmem:s7+$0x7560];
	v25 =	vand.u32 $0x80000000, v35;
	v34 =	vor.u32 v7, v4;
	v7 =	vand.u32 $0x7FFFFFFF, v26  }
0x4c3: {  	v24 =	vand.u32 $0x80000000, v36;
	v4 =	vsel vm15, v1, v0;
	vm6 =	vgt.f32 v7, v2;
	v7 =	vld [tilespmem:s7+$0x7530]  }
0x4c4: {  	vm4 =	vgt.f32 v5, v2;
	v5 =	vsel vm1, v1, v0;
	vm5 =	vgt.f32 v6, v2  }
0x4c5: {  	v6 =	vsel vm2, v1, v0;
	v26 =	vand.u32 $0x80000000, v33;
	v8 =	vsel vm4, v1, v0  }
0x4c6: {  	v11 =	vsel vm5, v1, v0;
	v13 =	vsel vm6, v1, v0;
	v19 =	vand.u32 $0x7FFFFFFF, v9  }
0x4c7: {  	v22 =	vand.u32 $0x7FFFFFFF, v12;
	vm13 =	vgt.f32 v19, v2;
	v19 =	vand.u32 $0x7FFFFFFF, v10  }
0x4c8: {  	vm15 =	vgt.f32 v22, v2;
	vm14 =	vgt.f32 v19, v2;
	v18 =	vand.u32 $0x7FFFFFFF, v7  }
0x4c9: {  	v19 =	vsel vm13, v1, v0;
	v17 =	vsel vm15, v1, v0;
	vm12 =	vgt.f32 v18, v2  }
0x4ca: {  	s6 =	simm.s32 $0x0;
	s11 =	simm.s32 $0x800;
	s4 =	simm.s32 $0x0;
	[tilespmem:s7+$0xF570] =	vst v34;
	v22 =	vsel vm14, v1, v0;
	v18 =	vsel vm10, v1, v0;
	v21 =	vsel vm12, v1, v0  }
.LBB2_31:
0x4cb: {  	s13 =	sshra.s32 s11, $0x2;
	s6 =	sadd.s32 $0x10, s6;
	v7 =	vand.u32 $0x80000000, v7;
	v9 =	vand.u32 $0x80000000, v9;
	v10 =	vand.u32 $0x80000000, v10  }
0x4cc: {  	v3 =	vor.u32 v4, v3;
	v4 =	vor.u32 v5, v31;
	v5 =	vand.u32 $0x80000000, v12;
	v33 =	vld [tilespmem:s13+$0x7570];
	p0 =	slt.u32 s6, $0x70  }
0x4cd: {  	v12 =	vld [tilespmem:s13+$0x7400];
	[tilespmem:s4+$0xF400] =	vst v3;
	v3 =	vor.u32 v6, v32;
	v6 =	vor.u32 v8, v30;
	v8 =	vor.u32 v11, v29  }
0x4ce: {  	v11 =	vor.u32 v14, v27;
	v29 =	vld [tilespmem:s13+$0x7410];
	[tilespmem:s4+$0xF410] =	vst v4;
	v4 =	vor.u32 v13, v28;
	v13 =	vor.u32 v15, v26  }
0x4cf: {  	v14 =	vor.u32 v16, v25;
	v16 =	vor.u32 v20, v23;
	v15 =	vor.u32 v18, v24;
	v26 =	vld [tilespmem:s13+$0x7420];
	[tilespmem:s4+$0xF420] =	vst v3  }
0x4d0: {  	v19 =	vor.u32 v19, v9;
	v20 =	vor.u32 v22, v10;
	v18 =	vor.u32 v21, v7;
	v23 =	vld [tilespmem:s13+$0x7430];
	[tilespmem:s4+$0xF430] =	vst v6  }
0x4d1: {  	v17 =	vor.u32 v17, v5;
	v24 =	vld [tilespmem:s13+$0x7440];
	v6 =	vand.u32 $0x7FFFFFFF, v33;
	[tilespmem:s4+$0xF440] =	vst v8  }
0x4d2: {  	v5 =	vand.u32 $0x7FFFFFFF, v12;
	v3 =	vand.u32 $0x80000000, v12;
	v25 =	vld [tilespmem:s13+$0x7450];
	vm0 =	vgt.f32 v6, v2;
	[tilespmem:s4+$0xF450] =	vst v4  }
0x4d3: {  	v7 =	vand.u32 $0x80000000, v33;
	v4 =	vand.u32 $0x7FFFFFFF, v29;
	v27 =	vld [tilespmem:s13+$0x7460];
	v6 =	vsel vm0, v1, v0;
	[tilespmem:s4+$0xF460] =	vst v11  }
0x4d4: {  	vm0 =	vgt.f32 v5, v2;
	v5 =	vand.u32 $0x7FFFFFFF, v26;
	v33 =	vld [tilespmem:s13+$0x7470];
	v6 =	vor.u32 v6, v7;
	[tilespmem:s4+$0xF470] =	vst v13  }
0x4d5: {  	vm1 =	vgt.f32 v4, v2;
	vm2 =	vgt.f32 v5, v2;
	v5 =	vand.u32 $0x7FFFFFFF, v23;
	v34 =	vld [tilespmem:s13+$0x7500];
	[tilespmem:s13+$0xF570] =	vst v6  }
0x4d6: {  	v4 =	vsel vm0, v1, v0;
	vm0 =	vgt.f32 v5, v2;
	v6 =	vand.u32 $0x7FFFFFFF, v24;
	v35 =	vld [tilespmem:s13+$0x7510];
	[tilespmem:s4+$0xF500] =	vst v14  }
0x4d7: {  	v5 =	vsel vm1, v1, v0;
	vm1 =	vgt.f32 v6, v2;
	v7 =	vand.u32 $0x7FFFFFFF, v25;
	v36 =	vld [tilespmem:s13+$0x7520];
	[tilespmem:s4+$0xF510] =	vst v15  }
0x4d8: {  	v6 =	vsel vm2, v1, v0;
	vm2 =	vgt.f32 v7, v2;
	v9 =	vand.u32 $0x7FFFFFFF, v27;
	v7 =	vld [tilespmem:s13+$0x7530];
	[tilespmem:s4+$0xF520] =	vst v16  }
0x4d9: {  	v8 =	vsel vm0, v1, v0;
	vm0 =	vgt.f32 v9, v2;
	v10 =	vand.u32 $0x7FFFFFFF, v33;
	v9 =	vld [tilespmem:s13+$0x7540];
	[tilespmem:s4+$0xF530] =	vst v18  }
0x4da: {  	v11 =	vsel vm1, v1, v0;
	vm1 =	vgt.f32 v10, v2;
	v12 =	vand.u32 $0x7FFFFFFF, v34;
	v10 =	vld [tilespmem:s13+$0x7550];
	[tilespmem:s4+$0xF540] =	vst v19  }
0x4db: {  	v13 =	vsel vm2, v1, v0;
	vm2 =	vgt.f32 v12, v2;
	v15 =	vand.u32 $0x7FFFFFFF, v35;
	v12 =	vld [tilespmem:s13+$0x7560];
	[tilespmem:s4+$0xF550] =	vst v20  }
0x4dc: {  	v14 =	vsel vm0, v1, v0;
	vm0 =	vgt.f32 v15, v2;
	v16 =	vand.u32 $0x7FFFFFFF, v36;
	[tilespmem:s4+$0xF560] =	vst v17;
	s4 =	smov.u32 s13  }
0x4dd: {  	v15 =	vsel vm1, v1, v0;
	vm1 =	vgt.f32 v16, v2;
	v17 =	vand.u32 $0x7FFFFFFF, v7  }
0x4de: {  	v16 =	vsel vm2, v1, v0;
	vm2 =	vgt.f32 v17, v2;
	v17 =	vand.u32 $0x7FFFFFFF, v9  }
0x4df: {  	v18 =	vsel vm0, v1, v0;
	vm0 =	vgt.f32 v17, v2;
	v17 =	vand.u32 $0x7FFFFFFF, v10  }
0x4e0: {  	v20 =	vsel vm1, v1, v0;
	vm1 =	vgt.f32 v17, v2;
	v17 =	vand.u32 $0x7FFFFFFF, v12  }
.Ltmp14:
0x4e1: {  	v21 =	vsel vm2, v1, v0;
	v19 =	vsel vm0, v1, v0;
	vm0 =	vgt.f32 v17, v2;
	(pc) =	sbr.rel @p0 .LBB2_31-.Ltmp14, $4  }
0x4e2: {  	v31 =	vand.u32 $0x80000000, v29;
	v22 =	vsel vm1, v1, v0;
	v17 =	vsel vm0, v1, v0  }
0x4e3: {  	v32 =	vand.u32 $0x80000000, v26;
	v30 =	vand.u32 $0x80000000, v23;
	v29 =	vand.u32 $0x80000000, v24  }
0x4e4: {  	v28 =	vand.u32 $0x80000000, v25;
	v27 =	vand.u32 $0x80000000, v27;
	v26 =	vand.u32 $0x80000000, v33  }
0x4e5: {  	s11 =	sadd.s32 $0x800, s11;
	v25 =	vand.u32 $0x80000000, v34;
	v24 =	vand.u32 $0x80000000, v35;
	v23 =	vand.u32 $0x80000000, v36  }
0x4e6: {  	v3 =	vor.u32 v4, v3  }
0x4e7: {  	v4 =	vor.u32 v5, v31;
	[tilespmem:s4+$0xF400] =	vst v3  }
0x4e8: {  	v5 =	vor.u32 v20, v23;
	[tilespmem:s4+$0xF410] =	vst v4  }
0x4e9: {  	v3 =	vor.u32 v6, v32;
	[tilespmem:s4+$0xF520] =	vst v5  }
0x4ea: {  	v4 =	vor.u32 v8, v30;
	[tilespmem:s4+$0xF420] =	vst v3  }
0x4eb: {  	v3 =	vor.u32 v11, v29;
	[tilespmem:s4+$0xF430] =	vst v4  }
0x4ec: {  	v5 =	vand.u32 $0x80000000, v10;
	v4 =	vor.u32 v13, v28;
	[tilespmem:s4+$0xF440] =	vst v3  }
0x4ed: {  	v5 =	vor.u32 v22, v5;
	[tilespmem:s4+$0xF450] =	vst v4  }
0x4ee: {  	v3 =	vor.u32 v14, v27;
	[tilespmem:s4+$0xF550] =	vst v5  }
0x4ef: {  	v4 =	vor.u32 v15, v26;
	[tilespmem:s4+$0xF460] =	vst v3  }
0x4f0: {  	v3 =	vor.u32 v16, v25;
	[tilespmem:s4+$0xF470] =	vst v4  }
0x4f1: {  	v4 =	vor.u32 v18, v24;
	[tilespmem:s4+$0xF500] =	vst v3;
	v3 =	vand.u32 $0x80000000, v7  }
0x4f2: {  	[tilespmem:s4+$0xF510] =	vst v4;
	v4 =	vand.u32 $0x80000000, v9;
	v3 =	vor.u32 v21, v3  }
0x4f3: {  	v4 =	vor.u32 v19, v4;
	[tilespmem:s4+$0xF530] =	vst v3;
	v3 =	vand.u32 $0x80000000, v12  }
0x4f4: {  	[tilespmem:s4+$0xF540] =	vst v4;
	v3 =	vor.u32 v17, v3  }
0x4f5: {  	[tilespmem:s4+$0xF560] =	vst v3  }
0x4f6: {  	v4 =	vld [tilespmem:s7+$0x75F0]  }
0x4f7: {  	v3 =	vld [tilespmem:s7+$0x7480]  }
0x4f8: {  	v17 =	vld [tilespmem:s7+$0x7490]  }
0x4f9: {  	v23 =	vld [tilespmem:s7+$0x74A0]  }
0x4fa: {  	v24 =	vld [tilespmem:s7+$0x74B0]  }
0x4fb: {  	v27 =	vld [tilespmem:s7+$0x74E0]  }
0x4fc: {  	v33 =	vld [tilespmem:s7+$0x74F0]  }
0x4fd: {  	v35 =	vld [tilespmem:s7+$0x7580]  }
0x4fe: {  	v36 =	vld [tilespmem:s7+$0x7590]  }
0x4ff: {  	v37 =	vld [tilespmem:s7+$0x75A0]  }
0x500: {  	v25 =	vld [tilespmem:s7+$0x74C0]  }
0x501: {  	v26 =	vld [tilespmem:s7+$0x74D0];
	v5 =	vand.u32 $0x7FFFFFFF, v4  }
0x502: {  	v6 =	vand.u32 $0x7FFFFFFF, v3;
	v3 =	vand.u32 $0x80000000, v3;
	v4 =	vand.u32 $0x80000000, v4  }
0x503: {  	v9 =	vand.u32 $0x7FFFFFFF, v27;
	v10 =	vand.u32 $0x7FFFFFFF, v33;
	v12 =	vand.u32 $0x7FFFFFFF, v35  }
0x504: {  	v15 =	vand.u32 $0x7FFFFFFF, v36;
	v16 =	vand.u32 $0x7FFFFFFF, v37;
	v31 =	vand.u32 $0x80000000, v17  }
0x505: {  	v32 =	vand.u32 $0x80000000, v23;
	v30 =	vand.u32 $0x80000000, v24;
	v29 =	vand.u32 $0x80000000, v25  }
0x506: {  	v28 =	vand.u32 $0x80000000, v26;
	v27 =	vand.u32 $0x80000000, v27;
	vm0 =	vgt.f32 v5, v2  }
0x507: {  	v5 =	vand.u32 $0x7FFFFFFF, v17;
	vm15 =	vgt.f32 v6, v2;
	v6 =	vand.u32 $0x7FFFFFFF, v23  }
0x508: {  	vm7 =	vgt.f32 v9, v2;
	vm8 =	vgt.f32 v10, v2;
	vm9 =	vgt.f32 v12, v2  }
0x509: {  	vm10 =	vgt.f32 v15, v2;
	vm11 =	vgt.f32 v16, v2;
	v23 =	vand.u32 $0x80000000, v37  }
0x50a: {  	v7 =	vsel vm0, v1, v0;
	vm1 =	vgt.f32 v5, v2;
	vm2 =	vgt.f32 v6, v2  }
0x50b: {  	v9 =	vld [tilespmem:s7+$0x75C0];
	v5 =	vand.u32 $0x7FFFFFFF, v24;
	v6 =	vand.u32 $0x7FFFFFFF, v25;
	v14 =	vsel vm7, v1, v0  }
0x50c: {  	v10 =	vld [tilespmem:s7+$0x75D0];
	v15 =	vsel vm8, v1, v0;
	v16 =	vsel vm9, v1, v0;
	v20 =	vsel vm11, v1, v0  }
0x50d: {  	v12 =	vld [tilespmem:s7+$0x75E0];
	v25 =	vand.u32 $0x80000000, v35;
	v34 =	vor.u32 v7, v4;
	v7 =	vand.u32 $0x7FFFFFFF, v26  }
0x50e: {  	v24 =	vand.u32 $0x80000000, v36;
	v4 =	vsel vm15, v1, v0;
	vm6 =	vgt.f32 v7, v2;
	v7 =	vld [tilespmem:s7+$0x75B0]  }
0x50f: {  	vm4 =	vgt.f32 v5, v2;
	v5 =	vsel vm1, v1, v0;
	vm5 =	vgt.f32 v6, v2  }
0x510: {  	v6 =	vsel vm2, v1, v0;
	v26 =	vand.u32 $0x80000000, v33;
	v8 =	vsel vm4, v1, v0  }
0x511: {  	v11 =	vsel vm5, v1, v0;
	v13 =	vsel vm6, v1, v0;
	v19 =	vand.u32 $0x7FFFFFFF, v9  }
0x512: {  	v22 =	vand.u32 $0x7FFFFFFF, v12;
	vm13 =	vgt.f32 v19, v2;
	v19 =	vand.u32 $0x7FFFFFFF, v10  }
0x513: {  	vm15 =	vgt.f32 v22, v2;
	vm14 =	vgt.f32 v19, v2;
	v18 =	vand.u32 $0x7FFFFFFF, v7  }
0x514: {  	v19 =	vsel vm13, v1, v0;
	v17 =	vsel vm15, v1, v0;
	vm12 =	vgt.f32 v18, v2  }
0x515: {  	s6 =	simm.s32 $0x800;
	s4 =	simm.s32 $0x0;
	[tilespmem:s7+$0xF5F0] =	vst v34;
	v22 =	vsel vm14, v1, v0;
	v18 =	vsel vm10, v1, v0;
	v21 =	vsel vm12, v1, v0  }
.LBB2_33:
0x516: {  	s11 =	sshra.s32 s6, $0x2;
	s4 =	sadd.s32 $0x10, s4;
	v7 =	vand.u32 $0x80000000, v7;
	v9 =	vand.u32 $0x80000000, v9;
	v10 =	vand.u32 $0x80000000, v10  }
0x517: {  	v3 =	vor.u32 v4, v3;
	v4 =	vor.u32 v5, v31;
	v5 =	vand.u32 $0x80000000, v12;
	v33 =	vld [tilespmem:s11+$0x75F0];
	p0 =	slt.u32 s4, $0x70  }
0x518: {  	v12 =	vld [tilespmem:s11+$0x7480];
	[tilespmem:s7+$0xF480] =	vst v3;
	v3 =	vor.u32 v6, v32;
	v6 =	vor.u32 v8, v30;
	v8 =	vor.u32 v11, v29  }
0x519: {  	v11 =	vor.u32 v14, v27;
	v29 =	vld [tilespmem:s11+$0x7490];
	[tilespmem:s7+$0xF490] =	vst v4;
	v4 =	vor.u32 v13, v28;
	v13 =	vor.u32 v15, v26  }
0x51a: {  	v14 =	vor.u32 v16, v25;
	v16 =	vor.u32 v20, v23;
	v15 =	vor.u32 v18, v24;
	v26 =	vld [tilespmem:s11+$0x74A0];
	[tilespmem:s7+$0xF4A0] =	vst v3  }
0x51b: {  	v19 =	vor.u32 v19, v9;
	v20 =	vor.u32 v22, v10;
	v18 =	vor.u32 v21, v7;
	v23 =	vld [tilespmem:s11+$0x74B0];
	[tilespmem:s7+$0xF4B0] =	vst v6  }
0x51c: {  	v17 =	vor.u32 v17, v5;
	v24 =	vld [tilespmem:s11+$0x74C0];
	v6 =	vand.u32 $0x7FFFFFFF, v33;
	[tilespmem:s7+$0xF4C0] =	vst v8  }
0x51d: {  	v5 =	vand.u32 $0x7FFFFFFF, v12;
	v3 =	vand.u32 $0x80000000, v12;
	v25 =	vld [tilespmem:s11+$0x74D0];
	vm0 =	vgt.f32 v6, v2;
	[tilespmem:s7+$0xF4D0] =	vst v4  }
0x51e: {  	v7 =	vand.u32 $0x80000000, v33;
	v4 =	vand.u32 $0x7FFFFFFF, v29;
	v27 =	vld [tilespmem:s11+$0x74E0];
	v6 =	vsel vm0, v1, v0;
	[tilespmem:s7+$0xF4E0] =	vst v11  }
0x51f: {  	vm0 =	vgt.f32 v5, v2;
	v5 =	vand.u32 $0x7FFFFFFF, v26;
	v33 =	vld [tilespmem:s11+$0x74F0];
	v6 =	vor.u32 v6, v7;
	[tilespmem:s7+$0xF4F0] =	vst v13  }
0x520: {  	vm1 =	vgt.f32 v4, v2;
	vm2 =	vgt.f32 v5, v2;
	v5 =	vand.u32 $0x7FFFFFFF, v23;
	v34 =	vld [tilespmem:s11+$0x7580];
	[tilespmem:s11+$0xF5F0] =	vst v6  }
0x521: {  	v4 =	vsel vm0, v1, v0;
	vm0 =	vgt.f32 v5, v2;
	v6 =	vand.u32 $0x7FFFFFFF, v24;
	v35 =	vld [tilespmem:s11+$0x7590];
	[tilespmem:s7+$0xF580] =	vst v14  }
0x522: {  	v5 =	vsel vm1, v1, v0;
	vm1 =	vgt.f32 v6, v2;
	v7 =	vand.u32 $0x7FFFFFFF, v25;
	v36 =	vld [tilespmem:s11+$0x75A0];
	[tilespmem:s7+$0xF590] =	vst v15  }
0x523: {  	v6 =	vsel vm2, v1, v0;
	vm2 =	vgt.f32 v7, v2;
	v9 =	vand.u32 $0x7FFFFFFF, v27;
	v7 =	vld [tilespmem:s11+$0x75B0];
	[tilespmem:s7+$0xF5A0] =	vst v16  }
0x524: {  	v8 =	vsel vm0, v1, v0;
	vm0 =	vgt.f32 v9, v2;
	v10 =	vand.u32 $0x7FFFFFFF, v33;
	v9 =	vld [tilespmem:s11+$0x75C0];
	[tilespmem:s7+$0xF5B0] =	vst v18  }
0x525: {  	v11 =	vsel vm1, v1, v0;
	vm1 =	vgt.f32 v10, v2;
	v12 =	vand.u32 $0x7FFFFFFF, v34;
	v10 =	vld [tilespmem:s11+$0x75D0];
	[tilespmem:s7+$0xF5C0] =	vst v19  }
0x526: {  	v13 =	vsel vm2, v1, v0;
	vm2 =	vgt.f32 v12, v2;
	v15 =	vand.u32 $0x7FFFFFFF, v35;
	v12 =	vld [tilespmem:s11+$0x75E0];
	[tilespmem:s7+$0xF5D0] =	vst v20  }
0x527: {  	v14 =	vsel vm0, v1, v0;
	vm0 =	vgt.f32 v15, v2;
	v16 =	vand.u32 $0x7FFFFFFF, v36;
	[tilespmem:s7+$0xF5E0] =	vst v17;
	s7 =	smov.u32 s11  }
0x528: {  	v15 =	vsel vm1, v1, v0;
	vm1 =	vgt.f32 v16, v2;
	v17 =	vand.u32 $0x7FFFFFFF, v7  }
0x529: {  	v16 =	vsel vm2, v1, v0;
	vm2 =	vgt.f32 v17, v2;
	v17 =	vand.u32 $0x7FFFFFFF, v9  }
0x52a: {  	v18 =	vsel vm0, v1, v0;
	vm0 =	vgt.f32 v17, v2;
	v17 =	vand.u32 $0x7FFFFFFF, v10  }
0x52b: {  	v20 =	vsel vm1, v1, v0;
	vm1 =	vgt.f32 v17, v2;
	v17 =	vand.u32 $0x7FFFFFFF, v12  }
.Ltmp15:
0x52c: {  	v21 =	vsel vm2, v1, v0;
	v19 =	vsel vm0, v1, v0;
	vm0 =	vgt.f32 v17, v2;
	(pc) =	sbr.rel @p0 .LBB2_33-.Ltmp15, $4  }
0x52d: {  	v31 =	vand.u32 $0x80000000, v29;
	v22 =	vsel vm1, v1, v0;
	v17 =	vsel vm0, v1, v0  }
0x52e: {  	v32 =	vand.u32 $0x80000000, v26;
	v30 =	vand.u32 $0x80000000, v23;
	v29 =	vand.u32 $0x80000000, v24  }
0x52f: {  	v28 =	vand.u32 $0x80000000, v25;
	v27 =	vand.u32 $0x80000000, v27;
	v26 =	vand.u32 $0x80000000, v33  }
0x530: {  	s6 =	sadd.s32 $0x800, s6;
	v25 =	vand.u32 $0x80000000, v34;
	v24 =	vand.u32 $0x80000000, v35;
	v23 =	vand.u32 $0x80000000, v36  }
0x531: {  	v3 =	vor.u32 v4, v3  }
0x532: {  	v56 =	vor.u32 v5, v31;
	[tilespmem:s7+$0xF480] =	vst v3  }
0x533: {  	v57 =	vor.u32 v8, v30;
	[tilespmem:s7+$0xF490] =	vst v56  }
0x534: {  	v58 =	vor.u32 v13, v28;
	[tilespmem:s7+$0xF4B0] =	vst v57  }
0x535: {  	v59 =	vor.u32 v15, v26;
	[tilespmem:s7+$0xF4D0] =	vst v58  }
0x536: {  	v60 =	vor.u32 v18, v24;
	[tilespmem:s7+$0xF4F0] =	vst v59  }
0x537: {  	v61 =	vor.u32 v20, v23;
	[tilespmem:s7+$0xF590] =	vst v60  }
0x538: {  	v3 =	vor.u32 v6, v32;
	[tilespmem:s7+$0xF5A0] =	vst v61  }
0x539: {  	[tilespmem:s7+$0xF4A0] =	vst v3;
	v3 =	vor.u32 v11, v29  }
0x53a: {  	[tilespmem:s7+$0xF4C0] =	vst v3;
	v3 =	vor.u32 v14, v27  }
0x53b: {  	v62 =	vand.u32 $0x80000000, v9;
	s3 =	sadd.s32 $0x1, s3;
	[tilespmem:s7+$0xF4E0] =	vst v3;
	v3 =	vor.u32 v16, v25  }
0x53c: {  	v4 =	vor.u32 v19, v62;
	p0 =	sne.s32 s3, $0x10;
	[tilespmem:s7+$0xF580] =	vst v3;
	v3 =	vand.u32 $0x80000000, v7  }
.Ltmp16:
0x53d: {  	v63 =	vand.u32 $0x80000000, v10;
	[tilespmem:s7+$0xF5C0] =	vst v4;
	v3 =	vor.u32 v21, v3;
	(pc) =	sbr.rel @p0 .LBB2_2-.Ltmp16, $4  }
0x53e: {  	v5 =	vor.u32 v22, v63;
	[tilespmem:s7+$0xF5B0] =	vst v3;
	v3 =	vand.u32 $0x80000000, v12  }
0x53f: {  	[tilespmem:s7+$0xF5D0] =	vst v5;
	v3 =	vor.u32 v17, v3  }
0x540: {  	s4 =	sadd.s32 s16, s5;
	s17 =	simm.s32 $0xF400;
	[tilespmem:s7+$0xF5E0] =	vst v3  }
0x541: {  	[hbm4b:s4+s31] =	stream.strided.scatter [tilespmem:s17], [sflag:$0x10], $0x1000, s0, s31, $0x38;
	[tilespmem:$0x10400] =	vst v63  }
0x542: {  	s3 =	simm.s32 $0x9  }
0x543: {  	_ =	swait.ge [sflag:s3], $0x1000  }
0x544: {  	[sflag:s3] =	ssyncset.done $0x0  }
0x545: {  	s6 =	simm.s32 $0xA;
	[sflag:s3] =	ssyncadd.s32 $0xFFFFF000  }
0x546: {  	_ =	swait.ge [sflag:s6], $0x1000  }
0x547: {  	[sflag:s6] =	ssyncset.done $0x0  }
0x548: {  	s7 =	simm.s32 $0xB;
	[sflag:s6] =	ssyncadd.s32 $0xFFFFF000  }
0x549: {  	_ =	swait.ge [sflag:s7], $0x1000  }
0x54a: {  	[sflag:s7] =	ssyncset.done $0x0  }
0x54b: {  	s11 =	simm.s32 $0xC;
	[sflag:s7] =	ssyncadd.s32 $0xFFFFF000  }
0x54c: {  	_ =	swait.ge [sflag:s11], $0x1000  }
0x54d: {  	[sflag:s11] =	ssyncset.done $0x0  }
0x54e: {  	s13 =	simm.s32 $0xD;
	[sflag:s11] =	ssyncadd.s32 $0xFFFFF000  }
0x54f: {  	_ =	swait.ge [sflag:s13], $0x1000  }
0x550: {  	[sflag:s13] =	ssyncset.done $0x0  }
0x551: {  	s14 =	simm.s32 $0xE;
	[sflag:s13] =	ssyncadd.s32 $0xFFFFF000  }
0x552: {  	_ =	swait.ge [sflag:s14], $0x1000  }
0x553: {  	[sflag:s14] =	ssyncset.done $0x0  }
0x554: {  	s15 =	simm.s32 $0xF;
	[sflag:s14] =	ssyncadd.s32 $0xFFFFF000  }
0x555: {  	_ =	swait.ge [sflag:s15], $0x1000  }
0x556: {  	[sflag:s15] =	ssyncset.done $0x0  }
0x557: {  	s4 =	simm.s32 $0x10;
	[sflag:s15] =	ssyncadd.s32 $0xFFFFF000  }
0x558: {  	_ =	swait.ge [sflag:s4], $0x1000  }
0x559: {  	s5 =	rddreg [dreg:$0x11]  }
0x55a: {  	s17 =	rddreg [dreg:$0x10];
	s5 =	sadd.s32 $0x1, s5  }
0x55b: {  	p0 =	sne.s32 s5, s17  }
.Ltmp17:
0x55c: {  	_ = 	snop;
	(pc) =	sbr.rel @p0 .LBB2_1-.Ltmp17, $3  }
0x55d: {  	_ =	sdelay $0x1  }
0x55e: {  	[sflag:s4] =	ssyncset.done $0x0  }
0x55f: {  	[sflag:s4] =	ssyncadd.s32 $0xFFFFF000  }
0x560: {  	_ =	sfence.sel $0x180000  }
0x561: {  	[bflag:$0x0] =	sbarrier.arrive $0xFFFF  }
0x562: {  	_ =	strace $0x90000047  }
0x563: {  	s0 =	stileid.u32;
	[bflag:$0x2] =	sbarrier.arrive $0xFFFF  }
0x564: {  	p0 =	sne.s32 s0, $0x0;
	s0 =	rddreg [dreg:$0x3]  }
0x565: {  	s0 =	sadd.s32 @!p0 $0x100000, s0  }
0x566: {  	[sflag:s0] =	ssyncadd.tile.s32 @!p0 $0x1;
	_ =	shalt  }
.Lfunc_end2:
_tile_overlayer_lowered:
.L_overlay_start_2:
0x567: {  	(tag) =	ssettag $0x2  }
0x568: {  	s0 =	rddreg [dreg:$0x0];
	s2 =	stileid.u32  }
0x569: {  	s1 =	rddreg [dreg:$0x1];
	p0 =	sne.s32 s2, $0x0  }
0x56a: {  	s3 =	rddreg [dreg:$0x2];
	[bflag:$0x3] =	sbarrier.arrive $0xFFFF;
	s2 =	simm.s32 @!p0 $0x1C11  }
0x56b: {  	[timem:s3], [sflag:s2] =	dma.local @!p0 [hbm:s0], s1  }
0x56c: {  	s0 =	simm.s32 @!p0 $0x11  }
0x56d: {  	_ =	swait.ge @!p0 [sflag:s0], s1  }
0x56e: {  	s1 =	ssub.s32 @!p0 $0x0, s1;
	[sflag:s0] =	ssyncset.done @!p0 $0x0  }
0x56f: {  	[sflag:s0] =	ssyncadd.s32 @!p0 s1  }
0x570: {  	[bflag:$0x3] =	sbarrier.arrive $0xFFFF  }
0x571: {  	_ =	shalt  }

</sc_bundles>
